<compile_context>
chip_gen: v7x
topology: tpu7x:2x2x1
jax: 0.10.2.dev20260603
libtpu: 0.0.44.dev20260713+nightly
codegen_flags: <defaults>
</compile_context>

<pallas_src>
import functools

import jax
import jax.numpy as jnp
from jax import lax
from jax.experimental import pallas as pl
from jax.experimental.pallas import tpu as pltpu
from jax.experimental.pallas import tpu_sc as plsc

NW = 32
SB = 512
TB = 128
NH = SB // TB
NS = 4


def _build(S, D, Bc):
    Sp = S + (-S) % 8
    NT = S * NH
    mesh = plsc.VectorSubcoreMesh(core_axis_name="c", subcore_axis_name="s")

    @functools.partial(
        pl.kernel,
        mesh=mesh,
        out_type=jax.ShapeDtypeStruct((S, D, Bc), jnp.float32),
        compiler_params=pltpu.CompilerParams(
            use_tc_tiling_on_sc=True, needs_layout_passes=False
        ),
        scratch_types=[
            pltpu.VMEM((Sp, SB), jnp.int32),
            pltpu.VMEM((NS, TB), jnp.int32),
            pltpu.VMEM((NS * TB,), jnp.int32),
            pltpu.VMEM((NS * TB, 128), jnp.float32),
            pltpu.VMEM((NS * D, TB), jnp.float32),
        ] + [pltpu.SemaphoreType.DMA] * (2 * NS),
    )
    def body(idx_hbm, w4_hbm, out_hbm, idx_v, idx4_v, off_v, gbuf, tbuf,
             *sems):
        gsem = sems[:NS]
        wsem = sems[NS:]
        wid = lax.axis_index("s") * 2 + lax.axis_index("c")
        b0w = wid * SB

        pltpu.sync_copy(idx_hbm.at[:, pl.ds(b0w, SB)], idx_v)

        iota = lax.iota(jnp.int32, 16)

        def prep_fire(c, slot):
            s_ = c // NH
            boff = (c % NH) * TB
            for g in range(TB // 16):
                v = idx_v[s_, pl.ds(boff + g * 16, 16)]
                idx4_v[slot, pl.ds(g * 16, 16)] = v >> 2
                off_v[pl.ds(slot * TB + g * 16, 16)] = (v & 3) << 5
            pltpu.async_copy(
                w4_hbm.at[idx4_v.at[slot]],
                gbuf.at[pl.ds(slot * TB, TB)],
                gsem[slot],
            )

        def drain_gather(slot):
            pltpu.make_async_copy(
                w4_hbm.at[pl.ds(0, TB)],
                gbuf.at[pl.ds(slot * TB, TB)],
                gsem[slot],
            ).wait()

        def transpose(slot):
            gv = gbuf.at[pl.ds(slot * TB, TB)]
            vjs = [g * 16 + iota for g in range(TB // 16)]
            vcols = [off_v[pl.ds(slot * TB + g * 16, 16)]
                     for g in range(TB // 16)]

            def dbody(i, carry):
                d0 = i * 4
                vs = [
                    plsc.load_gather(gv, [vjs[g], vcols[g] + d0 + dd])
                    for dd in range(4)
                    for g in range(TB // 16)
                ]
                k = 0
                for dd in range(4):
                    for g in range(TB // 16):
                        tbuf[slot * D + d0 + dd, pl.ds(g * 16, 16)] = vs[k]
                        k += 1
                return carry

            lax.fori_loop(0, D // 4, dbody, 0)

        def writeback(c, slot):
            s_ = c // NH
            boff = (c % NH) * TB
            pltpu.async_copy(
                tbuf.at[pl.ds(slot * D, D)],
                out_hbm.at[s_, :, pl.ds(b0w + boff, TB)],
                wsem[slot],
            )

        def drain_wb(slot):
            pltpu.make_async_copy(
                tbuf.at[pl.ds(slot * D, D)],
                out_hbm.at[0, :, pl.ds(0, TB)],
                wsem[slot],
            ).wait()

        for p in range(NS - 1):
            prep_fire(p, p)

        def outer(c, carry):
            for slot in range(NS):
                cc = c + slot
                nxt = cc + NS - 1

                @pl.when(nxt < NT)
                def _():
                    prep_fire(nxt, (slot - 1) % NS)

                drain_gather(slot)

                @pl.when(cc >= NS)
                def _():
                    drain_wb(slot)

                transpose(slot)
                writeback(cc, slot)
            return carry

        lax.fori_loop(0, NT // NS, lambda i, cr: outer(i * NS, cr), 0)
        for p in range(NS):
            drain_wb(p)

    return body


def kernel(token_ids, weights):
    B0, S = token_ids.shape
    V, D = weights.shape
    idxp = jnp.pad(token_ids.T.astype(jnp.int32), ((0, (-S) % 8), (0, 0)))
    w4 = weights.reshape(V * D // 128, 128)
    oT = _build(S, D, B0)(idxp, w4)
    return oT.transpose(2, 0, 1)

# --- scband reference (transcript-rebuilt; emitter-appended) ---
"""Pipeline reference for scband-embedding-2413771620706 (READ-ONLY COPY).

The authoritative reference and input builder live on the scoring server;
editing this copy changes nothing except your own understanding.
"""

import jax, jax.numpy as jnp
import numpy as np

NUM_EMBEDDINGS = 1000000
EMBEDDING_DIM = 32

def setup_inputs(seed: int = 0) -> dict:
    key = jax.random.key(seed)
    k1, k2 = jax.random.split(key)
    token_ids = jax.random.randint(k1, (16384, 50), 0, NUM_EMBEDDINGS, dtype=jnp.int64 if jax.config.jax_enable_x64 else jnp.int32)
    # trunc_normal_(mean=0, std=1, a=-3, b=3)
    weights = jax.random.truncated_normal(k2, -3.0, 3.0, (NUM_EMBEDDINGS, EMBEDDING_DIM), dtype=jnp.float32)
    return {"token_ids": token_ids, "weights": weights}

def reference(token_ids, weights):
    # embedding_weight = self.weights[token_ids]
    embedding_weight = jnp.take(weights, token_ids, axis=0)
    return embedding_weight

if __name__ == "__main__":
    import jax
    _d = setup_inputs()
    print(jax.jit(kernel)(*tuple(_d.values())))

</pallas_src>

<mosaic_0001>
#map = affine_map<(d0, d1) -> (0, 0)>
#map1 = affine_map<(d0, d1) -> (0, 0, 0)>
module attributes {stable_mosaic.version = 14 : i64} {
  func.func @body(%arg0: i32, %arg1: i32, %arg2: memref<56x16384xi32, #tpu.memory_space<hbm>>, %arg3: memref<250000x128xf32, #tpu.memory_space<hbm>>, %arg4: memref<50x32x16384xf32, #tpu.memory_space<hbm>>, %arg5: memref<56x512xi32, #tpu.memory_space<vmem>>, %arg6: memref<4x128xi32, #tpu.memory_space<vmem>>, %arg7: memref<512xi32, #tpu.memory_space<vmem>>, %arg8: memref<512x128xf32, #tpu.memory_space<vmem>>, %arg9: memref<128x128xf32, #tpu.memory_space<vmem>>, %arg10: memref<!tpu.dma_semaphore, #tpu.memory_space<semaphore_mem>>, %arg11: memref<!tpu.dma_semaphore, #tpu.memory_space<semaphore_mem>>, %arg12: memref<!tpu.dma_semaphore, #tpu.memory_space<semaphore_mem>>, %arg13: memref<!tpu.dma_semaphore, #tpu.memory_space<semaphore_mem>>, %arg14: memref<!tpu.dma_semaphore, #tpu.memory_space<semaphore_mem>>, %arg15: memref<!tpu.dma_semaphore, #tpu.memory_space<semaphore_mem>>, %arg16: memref<!tpu.dma_semaphore, #tpu.memory_space<semaphore_mem>>, %arg17: memref<!tpu.dma_semaphore, #tpu.memory_space<semaphore_mem>>) attributes {dimension_semantics = [#tpu.dimension_semantics<core_parallel>, #tpu.dimension_semantics<subcore_parallel>], iteration_bounds = array<i64: 2, 16>, scalar_prefetch = 0 : i64, scratch_operands = 13 : i64, tpu.core_type = #tpu.core_type<sc_vector_subcore>, window_params = [{transform_indices = #map}, {transform_indices = #map}, {transform_indices = #map1}]} {
    %mul3A = arith.constant 2 : i32
    %mul3A_0 = arith.muli %arg1, %mul3A : i32
    %add3A = arith.addi %mul3A_0, %arg0 : i32
    %mul3A_1 = arith.constant 512 : i32
    %mul3A_2 = arith.muli %add3A, %mul3A_1 : i32
    "tpu.region"() ({
      %run_scoped3A = tpu.sem_alloc : memref<!tpu.dma_semaphore, #tpu.memory_space<semaphore_mem>>
      %dma_start3A_547 = arith.constant 0 : i32
      %dma_start3A_548 = tpu.memref_slice %arg2[%dma_start3A_547, %mul3A_2] : memref<56x16384xi32, #tpu.memory_space<hbm>> -> memref<56x512xi32, #tpu.memory_space<hbm>>
      %dma_start3A_549 = arith.constant 0 : i32
      %dma_start3A_550 = tpu.memref_slice %arg2[%dma_start3A_549, %mul3A_2] : memref<56x16384xi32, #tpu.memory_space<hbm>> -> memref<56x512xi32, #tpu.memory_space<hbm>>
      tpu.enqueue_dma source(%dma_start3A_550 : memref<56x512xi32, #tpu.memory_space<hbm>>) target(%arg5 : memref<56x512xi32, #tpu.memory_space<vmem>>) target_semaphore(%run_scoped3A : memref<!tpu.dma_semaphore, #tpu.memory_space<semaphore_mem>>)
      %dma_wait3A_551 = arith.constant 0 : i32
      %dma_wait3A_552 = tpu.memref_slice %arg2[%dma_wait3A_551, %mul3A_2] : memref<56x16384xi32, #tpu.memory_space<hbm>> -> memref<56x512xi32, #tpu.memory_space<hbm>>
      %dma_wait3A_553 = arith.constant 0 : i32
      %dma_wait3A_554 = tpu.memref_slice %arg2[%dma_wait3A_553, %mul3A_2] : memref<56x16384xi32, #tpu.memory_space<hbm>> -> memref<56x512xi32, #tpu.memory_space<hbm>>
      tpu.wait_dma2 semaphore(%run_scoped3A : memref<!tpu.dma_semaphore, #tpu.memory_space<semaphore_mem>>) src(%dma_wait3A_554 : memref<56x512xi32, #tpu.memory_space<hbm>>) dst(%arg5 : memref<56x512xi32, #tpu.memory_space<vmem>>)
      tpu.yield
    }) : () -> ()
    %iota3A = tpu.iota {dimensions = array<i32: 0>} : vector<16xi32>
    %get3A = arith.constant 0 : i32
    %get3A_3 = arith.index_cast %get3A : i32 to index
    %get3A_4 = arith.constant 0 : index
    %get3A_5 = tpu.vector_load %arg5[%get3A_3, %get3A_4] {strides = array<i32>} : memref<56x512xi32, #tpu.memory_space<vmem>>, vector<16xi32>,
    %shift_right_arithmetic3A = arith.constant 2 : i32
    %shift_right_arithmetic3A_6 = vector.broadcast %shift_right_arithmetic3A : i32 to vector<16xi32>
    %shift_right_arithmetic3A_7 = arith.shrsi %get3A_5, %shift_right_arithmetic3A_6 : vector<16xi32>
    %swap3A = arith.constant 0 : i32
    %swap3A_8 = arith.index_cast %swap3A : i32 to index
    %swap3A_9 = arith.constant 0 : index
    %swap3A_10 = tpu.vector_load %arg6[%swap3A_8, %swap3A_9] {strides = array<i32>} : memref<4x128xi32, #tpu.memory_space<vmem>>, vector<16xi32>,
    tpu.vector_store %arg6[%swap3A_8, %swap3A_9], %shift_right_arithmetic3A_7 {strides = array<i32>} : memref<4x128xi32, #tpu.memory_space<vmem>>, vector<16xi32>,
    %and3A = arith.constant 3 : i32
    %and3A_11 = vector.broadcast %and3A : i32 to vector<16xi32>
    %and3A_12 = arith.andi %get3A_5, %and3A_11 : vector<16xi32>
    %shift_left3A = arith.constant 5 : i32
    %shift_left3A_13 = vector.broadcast %shift_left3A : i32 to vector<16xi32>
    %shift_left3A_14 = arith.shli %and3A_12, %shift_left3A_13 : vector<16xi32>
    %swap3A_15 = arith.constant 0 : index
    %swap3A_16 = tpu.vector_load %arg7[%swap3A_15] {strides = array<i32>} : memref<512xi32, #tpu.memory_space<vmem>>, vector<16xi32>,
    tpu.vector_store %arg7[%swap3A_15], %shift_left3A_14 {strides = array<i32>} : memref<512xi32, #tpu.memory_space<vmem>>, vector<16xi32>,
    %get3A_17 = arith.constant 0 : i32
    %get3A_18 = arith.index_cast %get3A_17 : i32 to index
    %get3A_19 = arith.constant 16 : index
    %get3A_20 = tpu.vector_load %arg5[%get3A_18, %get3A_19] {strides = array<i32>} : memref<56x512xi32, #tpu.memory_space<vmem>>, vector<16xi32>,
    %shift_right_arithmetic3A_21 = arith.constant 2 : i32
    %shift_right_arithmetic3A_22 = vector.broadcast %shift_right_arithmetic3A_21 : i32 to vector<16xi32>
    %shift_right_arithmetic3A_23 = arith.shrsi %get3A_20, %shift_right_arithmetic3A_22 : vector<16xi32>
    %swap3A_24 = arith.constant 0 : i32
    %swap3A_25 = arith.index_cast %swap3A_24 : i32 to index
    %swap3A_26 = arith.constant 16 : index
    %swap3A_27 = tpu.vector_load %arg6[%swap3A_25, %swap3A_26] {strides = array<i32>} : memref<4x128xi32, #tpu.memory_space<vmem>>, vector<16xi32>,
    tpu.vector_store %arg6[%swap3A_25, %swap3A_26], %shift_right_arithmetic3A_23 {strides = array<i32>} : memref<4x128xi32, #tpu.memory_space<vmem>>, vector<16xi32>,
    %and3A_28 = arith.constant 3 : i32
    %and3A_29 = vector.broadcast %and3A_28 : i32 to vector<16xi32>
    %and3A_30 = arith.andi %get3A_20, %and3A_29 : vector<16xi32>
    %shift_left3A_31 = arith.constant 5 : i32
    %shift_left3A_32 = vector.broadcast %shift_left3A_31 : i32 to vector<16xi32>
    %shift_left3A_33 = arith.shli %and3A_30, %shift_left3A_32 : vector<16xi32>
    %swap3A_34 = arith.constant 16 : index
    %swap3A_35 = tpu.vector_load %arg7[%swap3A_34] {strides = array<i32>} : memref<512xi32, #tpu.memory_space<vmem>>, vector<16xi32>,
    tpu.vector_store %arg7[%swap3A_34], %shift_left3A_33 {strides = array<i32>} : memref<512xi32, #tpu.memory_space<vmem>>, vector<16xi32>,
    %get3A_36 = arith.constant 0 : i32
    %get3A_37 = arith.index_cast %get3A_36 : i32 to index
    %get3A_38 = arith.constant 32 : index
    %get3A_39 = tpu.vector_load %arg5[%get3A_37, %get3A_38] {strides = array<i32>} : memref<56x512xi32, #tpu.memory_space<vmem>>, vector<16xi32>,
    %shift_right_arithmetic3A_40 = arith.constant 2 : i32
    %shift_right_arithmetic3A_41 = vector.broadcast %shift_right_arithmetic3A_40 : i32 to vector<16xi32>
    %shift_right_arithmetic3A_42 = arith.shrsi %get3A_39, %shift_right_arithmetic3A_41 : vector<16xi32>
    %swap3A_43 = arith.constant 0 : i32
    %swap3A_44 = arith.index_cast %swap3A_43 : i32 to index
    %swap3A_45 = arith.constant 32 : index
    %swap3A_46 = tpu.vector_load %arg6[%swap3A_44, %swap3A_45] {strides = array<i32>} : memref<4x128xi32, #tpu.memory_space<vmem>>, vector<16xi32>,
    tpu.vector_store %arg6[%swap3A_44, %swap3A_45], %shift_right_arithmetic3A_42 {strides = array<i32>} : memref<4x128xi32, #tpu.memory_space<vmem>>, vector<16xi32>,
    %and3A_47 = arith.constant 3 : i32
    %and3A_48 = vector.broadcast %and3A_47 : i32 to vector<16xi32>
    %and3A_49 = arith.andi %get3A_39, %and3A_48 : vector<16xi32>
    %shift_left3A_50 = arith.constant 5 : i32
    %shift_left3A_51 = vector.broadcast %shift_left3A_50 : i32 to vector<16xi32>
    %shift_left3A_52 = arith.shli %and3A_49, %shift_left3A_51 : vector<16xi32>
    %swap3A_53 = arith.constant 32 : index
    %swap3A_54 = tpu.vector_load %arg7[%swap3A_53] {strides = array<i32>} : memref<512xi32, #tpu.memory_space<vmem>>, vector<16xi32>,
    tpu.vector_store %arg7[%swap3A_53], %shift_left3A_52 {strides = array<i32>} : memref<512xi32, #tpu.memory_space<vmem>>, vector<16xi32>,
    %get3A_55 = arith.constant 0 : i32
    %get3A_56 = arith.index_cast %get3A_55 : i32 to index
    %get3A_57 = arith.constant 48 : index
    %get3A_58 = tpu.vector_load %arg5[%get3A_56, %get3A_57] {strides = array<i32>} : memref<56x512xi32, #tpu.memory_space<vmem>>, vector<16xi32>,
    %shift_right_arithmetic3A_59 = arith.constant 2 : i32
    %shift_right_arithmetic3A_60 = vector.broadcast %shift_right_arithmetic3A_59 : i32 to vector<16xi32>
    %shift_right_arithmetic3A_61 = arith.shrsi %get3A_58, %shift_right_arithmetic3A_60 : vector<16xi32>
    %swap3A_62 = arith.constant 0 : i32
    %swap3A_63 = arith.index_cast %swap3A_62 : i32 to index
    %swap3A_64 = arith.constant 48 : index
    %swap3A_65 = tpu.vector_load %arg6[%swap3A_63, %swap3A_64] {strides = array<i32>} : memref<4x128xi32, #tpu.memory_space<vmem>>, vector<16xi32>,
    tpu.vector_store %arg6[%swap3A_63, %swap3A_64], %shift_right_arithmetic3A_61 {strides = array<i32>} : memref<4x128xi32, #tpu.memory_space<vmem>>, vector<16xi32>,
    %and3A_66 = arith.constant 3 : i32
    %and3A_67 = vector.broadcast %and3A_66 : i32 to vector<16xi32>
    %and3A_68 = arith.andi %get3A_58, %and3A_67 : vector<16xi32>
    %shift_left3A_69 = arith.constant 5 : i32
    %shift_left3A_70 = vector.broadcast %shift_left3A_69 : i32 to vector<16xi32>
    %shift_left3A_71 = arith.shli %and3A_68, %shift_left3A_70 : vector<16xi32>
    %swap3A_72 = arith.constant 48 : index
    %swap3A_73 = tpu.vector_load %arg7[%swap3A_72] {strides = array<i32>} : memref<512xi32, #tpu.memory_space<vmem>>, vector<16xi32>,
    tpu.vector_store %arg7[%swap3A_72], %shift_left3A_71 {strides = array<i32>} : memref<512xi32, #tpu.memory_space<vmem>>, vector<16xi32>,
    %get3A_74 = arith.constant 0 : i32
    %get3A_75 = arith.index_cast %get3A_74 : i32 to index
    %get3A_76 = arith.constant 64 : index
    %get3A_77 = tpu.vector_load %arg5[%get3A_75, %get3A_76] {strides = array<i32>} : memref<56x512xi32, #tpu.memory_space<vmem>>, vector<16xi32>,
    %shift_right_arithmetic3A_78 = arith.constant 2 : i32
    %shift_right_arithmetic3A_79 = vector.broadcast %shift_right_arithmetic3A_78 : i32 to vector<16xi32>
    %shift_right_arithmetic3A_80 = arith.shrsi %get3A_77, %shift_right_arithmetic3A_79 : vector<16xi32>
    %swap3A_81 = arith.constant 0 : i32
    %swap3A_82 = arith.index_cast %swap3A_81 : i32 to index
    %swap3A_83 = arith.constant 64 : index
    %swap3A_84 = tpu.vector_load %arg6[%swap3A_82, %swap3A_83] {strides = array<i32>} : memref<4x128xi32, #tpu.memory_space<vmem>>, vector<16xi32>,
    tpu.vector_store %arg6[%swap3A_82, %swap3A_83], %shift_right_arithmetic3A_80 {strides = array<i32>} : memref<4x128xi32, #tpu.memory_space<vmem>>, vector<16xi32>,
    %and3A_85 = arith.constant 3 : i32
    %and3A_86 = vector.broadcast %and3A_85 : i32 to vector<16xi32>
    %and3A_87 = arith.andi %get3A_77, %and3A_86 : vector<16xi32>
    %shift_left3A_88 = arith.constant 5 : i32
    %shift_left3A_89 = vector.broadcast %shift_left3A_88 : i32 to vector<16xi32>
    %shift_left3A_90 = arith.shli %and3A_87, %shift_left3A_89 : vector<16xi32>
    %swap3A_91 = arith.constant 64 : index
    %swap3A_92 = tpu.vector_load %arg7[%swap3A_91] {strides = array<i32>} : memref<512xi32, #tpu.memory_space<vmem>>, vector<16xi32>,
    tpu.vector_store %arg7[%swap3A_91], %shift_left3A_90 {strides = array<i32>} : memref<512xi32, #tpu.memory_space<vmem>>, vector<16xi32>,
    %get3A_93 = arith.constant 0 : i32
    %get3A_94 = arith.index_cast %get3A_93 : i32 to index
    %get3A_95 = arith.constant 80 : index
    %get3A_96 = tpu.vector_load %arg5[%get3A_94, %get3A_95] {strides = array<i32>} : memref<56x512xi32, #tpu.memory_space<vmem>>, vector<16xi32>,
    %shift_right_arithmetic3A_97 = arith.constant 2 : i32
    %shift_right_arithmetic3A_98 = vector.broadcast %shift_right_arithmetic3A_97 : i32 to vector<16xi32>
    %shift_right_arithmetic3A_99 = arith.shrsi %get3A_96, %shift_right_arithmetic3A_98 : vector<16xi32>
    %swap3A_100 = arith.constant 0 : i32
    %swap3A_101 = arith.index_cast %swap3A_100 : i32 to index
    %swap3A_102 = arith.constant 80 : index
    %swap3A_103 = tpu.vector_load %arg6[%swap3A_101, %swap3A_102] {strides = array<i32>} : memref<4x128xi32, #tpu.memory_space<vmem>>, vector<16xi32>,
    tpu.vector_store %arg6[%swap3A_101, %swap3A_102], %shift_right_arithmetic3A_99 {strides = array<i32>} : memref<4x128xi32, #tpu.memory_space<vmem>>, vector<16xi32>,
    %and3A_104 = arith.constant 3 : i32
    %and3A_105 = vector.broadcast %and3A_104 : i32 to vector<16xi32>
    %and3A_106 = arith.andi %get3A_96, %and3A_105 : vector<16xi32>
    %shift_left3A_107 = arith.constant 5 : i32
    %shift_left3A_108 = vector.broadcast %shift_left3A_107 : i32 to vector<16xi32>
    %shift_left3A_109 = arith.shli %and3A_106, %shift_left3A_108 : vector<16xi32>
    %swap3A_110 = arith.constant 80 : index
    %swap3A_111 = tpu.vector_load %arg7[%swap3A_110] {strides = array<i32>} : memref<512xi32, #tpu.memory_space<vmem>>, vector<16xi32>,
    tpu.vector_store %arg7[%swap3A_110], %shift_left3A_109 {strides = array<i32>} : memref<512xi32, #tpu.memory_space<vmem>>, vector<16xi32>,
    %get3A_112 = arith.constant 0 : i32
    %get3A_113 = arith.index_cast %get3A_112 : i32 to index
    %get3A_114 = arith.constant 96 : index
    %get3A_115 = tpu.vector_load %arg5[%get3A_113, %get3A_114] {strides = array<i32>} : memref<56x512xi32, #tpu.memory_space<vmem>>, vector<16xi32>,
    %shift_right_arithmetic3A_116 = arith.constant 2 : i32
    %shift_right_arithmetic3A_117 = vector.broadcast %shift_right_arithmetic3A_116 : i32 to vector<16xi32>
    %shift_right_arithmetic3A_118 = arith.shrsi %get3A_115, %shift_right_arithmetic3A_117 : vector<16xi32>
    %swap3A_119 = arith.constant 0 : i32
    %swap3A_120 = arith.index_cast %swap3A_119 : i32 to index
    %swap3A_121 = arith.constant 96 : index
    %swap3A_122 = tpu.vector_load %arg6[%swap3A_120, %swap3A_121] {strides = array<i32>} : memref<4x128xi32, #tpu.memory_space<vmem>>, vector<16xi32>,
    tpu.vector_store %arg6[%swap3A_120, %swap3A_121], %shift_right_arithmetic3A_118 {strides = array<i32>} : memref<4x128xi32, #tpu.memory_space<vmem>>, vector<16xi32>,
    %and3A_123 = arith.constant 3 : i32
    %and3A_124 = vector.broadcast %and3A_123 : i32 to vector<16xi32>
    %and3A_125 = arith.andi %get3A_115, %and3A_124 : vector<16xi32>
    %shift_left3A_126 = arith.constant 5 : i32
    %shift_left3A_127 = vector.broadcast %shift_left3A_126 : i32 to vector<16xi32>
    %shift_left3A_128 = arith.shli %and3A_125, %shift_left3A_127 : vector<16xi32>
    %swap3A_129 = arith.constant 96 : index
    %swap3A_130 = tpu.vector_load %arg7[%swap3A_129] {strides = array<i32>} : memref<512xi32, #tpu.memory_space<vmem>>, vector<16xi32>,
    tpu.vector_store %arg7[%swap3A_129], %shift_left3A_128 {strides = array<i32>} : memref<512xi32, #tpu.memory_space<vmem>>, vector<16xi32>,
    %get3A_131 = arith.constant 0 : i32
    %get3A_132 = arith.index_cast %get3A_131 : i32 to index
    %get3A_133 = arith.constant 112 : index
    %get3A_134 = tpu.vector_load %arg5[%get3A_132, %get3A_133] {strides = array<i32>} : memref<56x512xi32, #tpu.memory_space<vmem>>, vector<16xi32>,
    %shift_right_arithmetic3A_135 = arith.constant 2 : i32
    %shift_right_arithmetic3A_136 = vector.broadcast %shift_right_arithmetic3A_135 : i32 to vector<16xi32>
    %shift_right_arithmetic3A_137 = arith.shrsi %get3A_134, %shift_right_arithmetic3A_136 : vector<16xi32>
    %swap3A_138 = arith.constant 0 : i32
    %swap3A_139 = arith.index_cast %swap3A_138 : i32 to index
    %swap3A_140 = arith.constant 112 : index
    %swap3A_141 = tpu.vector_load %arg6[%swap3A_139, %swap3A_140] {strides = array<i32>} : memref<4x128xi32, #tpu.memory_space<vmem>>, vector<16xi32>,
    tpu.vector_store %arg6[%swap3A_139, %swap3A_140], %shift_right_arithmetic3A_137 {strides = array<i32>} : memref<4x128xi32, #tpu.memory_space<vmem>>, vector<16xi32>,
    %and3A_142 = arith.constant 3 : i32
    %and3A_143 = vector.broadcast %and3A_142 : i32 to vector<16xi32>
    %and3A_144 = arith.andi %get3A_134, %and3A_143 : vector<16xi32>
    %shift_left3A_145 = arith.constant 5 : i32
    %shift_left3A_146 = vector.broadcast %shift_left3A_145 : i32 to vector<16xi32>
    %shift_left3A_147 = arith.shli %and3A_144, %shift_left3A_146 : vector<16xi32>
    %swap3A_148 = arith.constant 112 : index
    %swap3A_149 = tpu.vector_load %arg7[%swap3A_148] {strides = array<i32>} : memref<512xi32, #tpu.memory_space<vmem>>, vector<16xi32>,
    tpu.vector_store %arg7[%swap3A_148], %shift_left3A_147 {strides = array<i32>} : memref<512xi32, #tpu.memory_space<vmem>>, vector<16xi32>,
    %dma_start3A = arith.constant 0 : i32
    %dma_start3A_150 = arith.constant 0 : i32
    %dma_start3A_151 = arith.constant 0 : i32
    %dma_start3A_152 = tpu.memref_slice %arg8[%dma_start3A_150, %dma_start3A_151] : memref<512x128xf32, #tpu.memory_space<vmem>> -> memref<128x128xf32, #tpu.memory_space<vmem>>
    %dma_start3A_153 = arith.constant 0 : i32
    %dma_start3A_154 = tpu.memref_slice %arg6[%dma_start3A, %dma_start3A_153] : memref<4x128xi32, #tpu.memory_space<vmem>> -> memref<1x128xi32, #tpu.memory_space<vmem>>
    %dma_start3A_155 = tpu.memref_squeeze %dma_start3A_154 : memref<1x128xi32, #tpu.memory_space<vmem>> -> memref<128xi32, #tpu.memory_space<vmem>>
    %dma_start3A_156 = arith.constant 0 : i32
    %dma_start3A_157 = arith.constant 0 : i32
    %dma_start3A_158 = tpu.memref_slice %arg3[%dma_start3A_156, %dma_start3A_157] : memref<250000x128xf32, #tpu.memory_space<hbm>> -> memref<250000x128xf32, #tpu.memory_space<hbm>>
    tpu.enqueue_indirect_dma source(%dma_start3A_158 : memref<250000x128xf32, #tpu.memory_space<hbm>>) target(%dma_start3A_152 : memref<128x128xf32, #tpu.memory_space<vmem>>) offsets(%dma_start3A_155 : memref<128xi32, #tpu.memory_space<vmem>>) semaphore(%arg10 : memref<!tpu.dma_semaphore, #tpu.memory_space<semaphore_mem>>)
    %get3A_159 = arith.constant 0 : i32
    %get3A_160 = arith.index_cast %get3A_159 : i32 to index
    %get3A_161 = arith.constant 128 : index
    %get3A_162 = tpu.vector_load %arg5[%get3A_160, %get3A_161] {strides = array<i32>} : memref<56x512xi32, #tpu.memory_space<vmem>>, vector<16xi32>,
    %shift_right_arithmetic3A_163 = arith.constant 2 : i32
    %shift_right_arithmetic3A_164 = vector.broadcast %shift_right_arithmetic3A_163 : i32 to vector<16xi32>
    %shift_right_arithmetic3A_165 = arith.shrsi %get3A_162, %shift_right_arithmetic3A_164 : vector<16xi32>
    %swap3A_166 = arith.constant 1 : i32
    %swap3A_167 = arith.index_cast %swap3A_166 : i32 to index
    %swap3A_168 = arith.constant 0 : index
    %swap3A_169 = tpu.vector_load %arg6[%swap3A_167, %swap3A_168] {strides = array<i32>} : memref<4x128xi32, #tpu.memory_space<vmem>>, vector<16xi32>,
    tpu.vector_store %arg6[%swap3A_167, %swap3A_168], %shift_right_arithmetic3A_165 {strides = array<i32>} : memref<4x128xi32, #tpu.memory_space<vmem>>, vector<16xi32>,
    %and3A_170 = arith.constant 3 : i32
    %and3A_171 = vector.broadcast %and3A_170 : i32 to vector<16xi32>
    %and3A_172 = arith.andi %get3A_162, %and3A_171 : vector<16xi32>
    %shift_left3A_173 = arith.constant 5 : i32
    %shift_left3A_174 = vector.broadcast %shift_left3A_173 : i32 to vector<16xi32>
    %shift_left3A_175 = arith.shli %and3A_172, %shift_left3A_174 : vector<16xi32>
    %swap3A_176 = arith.constant 128 : index
    %swap3A_177 = tpu.vector_load %arg7[%swap3A_176] {strides = array<i32>} : memref<512xi32, #tpu.memory_space<vmem>>, vector<16xi32>,
    tpu.vector_store %arg7[%swap3A_176], %shift_left3A_175 {strides = array<i32>} : memref<512xi32, #tpu.memory_space<vmem>>, vector<16xi32>,
    %get3A_178 = arith.constant 0 : i32
    %get3A_179 = arith.index_cast %get3A_178 : i32 to index
    %get3A_180 = arith.constant 144 : index
    %get3A_181 = tpu.vector_load %arg5[%get3A_179, %get3A_180] {strides = array<i32>} : memref<56x512xi32, #tpu.memory_space<vmem>>, vector<16xi32>,
    %shift_right_arithmetic3A_182 = arith.constant 2 : i32
    %shift_right_arithmetic3A_183 = vector.broadcast %shift_right_arithmetic3A_182 : i32 to vector<16xi32>
    %shift_right_arithmetic3A_184 = arith.shrsi %get3A_181, %shift_right_arithmetic3A_183 : vector<16xi32>
    %swap3A_185 = arith.constant 1 : i32
    %swap3A_186 = arith.index_cast %swap3A_185 : i32 to index
    %swap3A_187 = arith.constant 16 : index
    %swap3A_188 = tpu.vector_load %arg6[%swap3A_186, %swap3A_187] {strides = array<i32>} : memref<4x128xi32, #tpu.memory_space<vmem>>, vector<16xi32>,
    tpu.vector_store %arg6[%swap3A_186, %swap3A_187], %shift_right_arithmetic3A_184 {strides = array<i32>} : memref<4x128xi32, #tpu.memory_space<vmem>>, vector<16xi32>,
    %and3A_189 = arith.constant 3 : i32
    %and3A_190 = vector.broadcast %and3A_189 : i32 to vector<16xi32>
    %and3A_191 = arith.andi %get3A_181, %and3A_190 : vector<16xi32>
    %shift_left3A_192 = arith.constant 5 : i32
    %shift_left3A_193 = vector.broadcast %shift_left3A_192 : i32 to vector<16xi32>
    %shift_left3A_194 = arith.shli %and3A_191, %shift_left3A_193 : vector<16xi32>
    %swap3A_195 = arith.constant 144 : index
    %swap3A_196 = tpu.vector_load %arg7[%swap3A_195] {strides = array<i32>} : memref<512xi32, #tpu.memory_space<vmem>>, vector<16xi32>,
    tpu.vector_store %arg7[%swap3A_195], %shift_left3A_194 {strides = array<i32>} : memref<512xi32, #tpu.memory_space<vmem>>, vector<16xi32>,
    %get3A_197 = arith.constant 0 : i32
    %get3A_198 = arith.index_cast %get3A_197 : i32 to index
    %get3A_199 = arith.constant 160 : index
    %get3A_200 = tpu.vector_load %arg5[%get3A_198, %get3A_199] {strides = array<i32>} : memref<56x512xi32, #tpu.memory_space<vmem>>, vector<16xi32>,
    %shift_right_arithmetic3A_201 = arith.constant 2 : i32
    %shift_right_arithmetic3A_202 = vector.broadcast %shift_right_arithmetic3A_201 : i32 to vector<16xi32>
    %shift_right_arithmetic3A_203 = arith.shrsi %get3A_200, %shift_right_arithmetic3A_202 : vector<16xi32>
    %swap3A_204 = arith.constant 1 : i32
    %swap3A_205 = arith.index_cast %swap3A_204 : i32 to index
    %swap3A_206 = arith.constant 32 : index
    %swap3A_207 = tpu.vector_load %arg6[%swap3A_205, %swap3A_206] {strides = array<i32>} : memref<4x128xi32, #tpu.memory_space<vmem>>, vector<16xi32>,
    tpu.vector_store %arg6[%swap3A_205, %swap3A_206], %shift_right_arithmetic3A_203 {strides = array<i32>} : memref<4x128xi32, #tpu.memory_space<vmem>>, vector<16xi32>,
    %and3A_208 = arith.constant 3 : i32
    %and3A_209 = vector.broadcast %and3A_208 : i32 to vector<16xi32>
    %and3A_210 = arith.andi %get3A_200, %and3A_209 : vector<16xi32>
    %shift_left3A_211 = arith.constant 5 : i32
    %shift_left3A_212 = vector.broadcast %shift_left3A_211 : i32 to vector<16xi32>
    %shift_left3A_213 = arith.shli %and3A_210, %shift_left3A_212 : vector<16xi32>
    %swap3A_214 = arith.constant 160 : index
    %swap3A_215 = tpu.vector_load %arg7[%swap3A_214] {strides = array<i32>} : memref<512xi32, #tpu.memory_space<vmem>>, vector<16xi32>,
    tpu.vector_store %arg7[%swap3A_214], %shift_left3A_213 {strides = array<i32>} : memref<512xi32, #tpu.memory_space<vmem>>, vector<16xi32>,
    %get3A_216 = arith.constant 0 : i32
    %get3A_217 = arith.index_cast %get3A_216 : i32 to index
    %get3A_218 = arith.constant 176 : index
    %get3A_219 = tpu.vector_load %arg5[%get3A_217, %get3A_218] {strides = array<i32>} : memref<56x512xi32, #tpu.memory_space<vmem>>, vector<16xi32>,
    %shift_right_arithmetic3A_220 = arith.constant 2 : i32
    %shift_right_arithmetic3A_221 = vector.broadcast %shift_right_arithmetic3A_220 : i32 to vector<16xi32>
    %shift_right_arithmetic3A_222 = arith.shrsi %get3A_219, %shift_right_arithmetic3A_221 : vector<16xi32>
    %swap3A_223 = arith.constant 1 : i32
    %swap3A_224 = arith.index_cast %swap3A_223 : i32 to index
    %swap3A_225 = arith.constant 48 : index
    %swap3A_226 = tpu.vector_load %arg6[%swap3A_224, %swap3A_225] {strides = array<i32>} : memref<4x128xi32, #tpu.memory_space<vmem>>, vector<16xi32>,
    tpu.vector_store %arg6[%swap3A_224, %swap3A_225], %shift_right_arithmetic3A_222 {strides = array<i32>} : memref<4x128xi32, #tpu.memory_space<vmem>>, vector<16xi32>,
    %and3A_227 = arith.constant 3 : i32
    %and3A_228 = vector.broadcast %and3A_227 : i32 to vector<16xi32>
    %and3A_229 = arith.andi %get3A_219, %and3A_228 : vector<16xi32>
    %shift_left3A_230 = arith.constant 5 : i32
    %shift_left3A_231 = vector.broadcast %shift_left3A_230 : i32 to vector<16xi32>
    %shift_left3A_232 = arith.shli %and3A_229, %shift_left3A_231 : vector<16xi32>
    %swap3A_233 = arith.constant 176 : index
    %swap3A_234 = tpu.vector_load %arg7[%swap3A_233] {strides = array<i32>} : memref<512xi32, #tpu.memory_space<vmem>>, vector<16xi32>,
    tpu.vector_store %arg7[%swap3A_233], %shift_left3A_232 {strides = array<i32>} : memref<512xi32, #tpu.memory_space<vmem>>, vector<16xi32>,
    %get3A_235 = arith.constant 0 : i32
    %get3A_236 = arith.index_cast %get3A_235 : i32 to index
    %get3A_237 = arith.constant 192 : index
    %get3A_238 = tpu.vector_load %arg5[%get3A_236, %get3A_237] {strides = array<i32>} : memref<56x512xi32, #tpu.memory_space<vmem>>, vector<16xi32>,
    %shift_right_arithmetic3A_239 = arith.constant 2 : i32
    %shift_right_arithmetic3A_240 = vector.broadcast %shift_right_arithmetic3A_239 : i32 to vector<16xi32>
    %shift_right_arithmetic3A_241 = arith.shrsi %get3A_238, %shift_right_arithmetic3A_240 : vector<16xi32>
    %swap3A_242 = arith.constant 1 : i32
    %swap3A_243 = arith.index_cast %swap3A_242 : i32 to index
    %swap3A_244 = arith.constant 64 : index
    %swap3A_245 = tpu.vector_load %arg6[%swap3A_243, %swap3A_244] {strides = array<i32>} : memref<4x128xi32, #tpu.memory_space<vmem>>, vector<16xi32>,
    tpu.vector_store %arg6[%swap3A_243, %swap3A_244], %shift_right_arithmetic3A_241 {strides = array<i32>} : memref<4x128xi32, #tpu.memory_space<vmem>>, vector<16xi32>,
    %and3A_246 = arith.constant 3 : i32
    %and3A_247 = vector.broadcast %and3A_246 : i32 to vector<16xi32>
    %and3A_248 = arith.andi %get3A_238, %and3A_247 : vector<16xi32>
    %shift_left3A_249 = arith.constant 5 : i32
    %shift_left3A_250 = vector.broadcast %shift_left3A_249 : i32 to vector<16xi32>
    %shift_left3A_251 = arith.shli %and3A_248, %shift_left3A_250 : vector<16xi32>
    %swap3A_252 = arith.constant 192 : index
    %swap3A_253 = tpu.vector_load %arg7[%swap3A_252] {strides = array<i32>} : memref<512xi32, #tpu.memory_space<vmem>>, vector<16xi32>,
    tpu.vector_store %arg7[%swap3A_252], %shift_left3A_251 {strides = array<i32>} : memref<512xi32, #tpu.memory_space<vmem>>, vector<16xi32>,
    %get3A_254 = arith.constant 0 : i32
    %get3A_255 = arith.index_cast %get3A_254 : i32 to index
    %get3A_256 = arith.constant 208 : index
    %get3A_257 = tpu.vector_load %arg5[%get3A_255, %get3A_256] {strides = array<i32>} : memref<56x512xi32, #tpu.memory_space<vmem>>, vector<16xi32>,
    %shift_right_arithmetic3A_258 = arith.constant 2 : i32
    %shift_right_arithmetic3A_259 = vector.broadcast %shift_right_arithmetic3A_258 : i32 to vector<16xi32>
    %shift_right_arithmetic3A_260 = arith.shrsi %get3A_257, %shift_right_arithmetic3A_259 : vector<16xi32>
    %swap3A_261 = arith.constant 1 : i32
    %swap3A_262 = arith.index_cast %swap3A_261 : i32 to index
    %swap3A_263 = arith.constant 80 : index
    %swap3A_264 = tpu.vector_load %arg6[%swap3A_262, %swap3A_263] {strides = array<i32>} : memref<4x128xi32, #tpu.memory_space<vmem>>, vector<16xi32>,
    tpu.vector_store %arg6[%swap3A_262, %swap3A_263], %shift_right_arithmetic3A_260 {strides = array<i32>} : memref<4x128xi32, #tpu.memory_space<vmem>>, vector<16xi32>,
    %and3A_265 = arith.constant 3 : i32
    %and3A_266 = vector.broadcast %and3A_265 : i32 to vector<16xi32>
    %and3A_267 = arith.andi %get3A_257, %and3A_266 : vector<16xi32>
    %shift_left3A_268 = arith.constant 5 : i32
    %shift_left3A_269 = vector.broadcast %shift_left3A_268 : i32 to vector<16xi32>
    %shift_left3A_270 = arith.shli %and3A_267, %shift_left3A_269 : vector<16xi32>
    %swap3A_271 = arith.constant 208 : index
    %swap3A_272 = tpu.vector_load %arg7[%swap3A_271] {strides = array<i32>} : memref<512xi32, #tpu.memory_space<vmem>>, vector<16xi32>,
    tpu.vector_store %arg7[%swap3A_271], %shift_left3A_270 {strides = array<i32>} : memref<512xi32, #tpu.memory_space<vmem>>, vector<16xi32>,
    %get3A_273 = arith.constant 0 : i32
    %get3A_274 = arith.index_cast %get3A_273 : i32 to index
    %get3A_275 = arith.constant 224 : index
    %get3A_276 = tpu.vector_load %arg5[%get3A_274, %get3A_275] {strides = array<i32>} : memref<56x512xi32, #tpu.memory_space<vmem>>, vector<16xi32>,
    %shift_right_arithmetic3A_277 = arith.constant 2 : i32
    %shift_right_arithmetic3A_278 = vector.broadcast %shift_right_arithmetic3A_277 : i32 to vector<16xi32>
    %shift_right_arithmetic3A_279 = arith.shrsi %get3A_276, %shift_right_arithmetic3A_278 : vector<16xi32>
    %swap3A_280 = arith.constant 1 : i32
    %swap3A_281 = arith.index_cast %swap3A_280 : i32 to index
    %swap3A_282 = arith.constant 96 : index
    %swap3A_283 = tpu.vector_load %arg6[%swap3A_281, %swap3A_282] {strides = array<i32>} : memref<4x128xi32, #tpu.memory_space<vmem>>, vector<16xi32>,
    tpu.vector_store %arg6[%swap3A_281, %swap3A_282], %shift_right_arithmetic3A_279 {strides = array<i32>} : memref<4x128xi32, #tpu.memory_space<vmem>>, vector<16xi32>,
    %and3A_284 = arith.constant 3 : i32
    %and3A_285 = vector.broadcast %and3A_284 : i32 to vector<16xi32>
    %and3A_286 = arith.andi %get3A_276, %and3A_285 : vector<16xi32>
    %shift_left3A_287 = arith.constant 5 : i32
    %shift_left3A_288 = vector.broadcast %shift_left3A_287 : i32 to vector<16xi32>
    %shift_left3A_289 = arith.shli %and3A_286, %shift_left3A_288 : vector<16xi32>
    %swap3A_290 = arith.constant 224 : index
    %swap3A_291 = tpu.vector_load %arg7[%swap3A_290] {strides = array<i32>} : memref<512xi32, #tpu.memory_space<vmem>>, vector<16xi32>,
    tpu.vector_store %arg7[%swap3A_290], %shift_left3A_289 {strides = array<i32>} : memref<512xi32, #tpu.memory_space<vmem>>, vector<16xi32>,
    %get3A_292 = arith.constant 0 : i32
    %get3A_293 = arith.index_cast %get3A_292 : i32 to index
    %get3A_294 = arith.constant 240 : index
    %get3A_295 = tpu.vector_load %arg5[%get3A_293, %get3A_294] {strides = array<i32>} : memref<56x512xi32, #tpu.memory_space<vmem>>, vector<16xi32>,
    %shift_right_arithmetic3A_296 = arith.constant 2 : i32
    %shift_right_arithmetic3A_297 = vector.broadcast %shift_right_arithmetic3A_296 : i32 to vector<16xi32>
    %shift_right_arithmetic3A_298 = arith.shrsi %get3A_295, %shift_right_arithmetic3A_297 : vector<16xi32>
    %swap3A_299 = arith.constant 1 : i32
    %swap3A_300 = arith.index_cast %swap3A_299 : i32 to index
    %swap3A_301 = arith.constant 112 : index
    %swap3A_302 = tpu.vector_load %arg6[%swap3A_300, %swap3A_301] {strides = array<i32>} : memref<4x128xi32, #tpu.memory_space<vmem>>, vector<16xi32>,
    tpu.vector_store %arg6[%swap3A_300, %swap3A_301], %shift_right_arithmetic3A_298 {strides = array<i32>} : memref<4x128xi32, #tpu.memory_space<vmem>>, vector<16xi32>,
    %and3A_303 = arith.constant 3 : i32
    %and3A_304 = vector.broadcast %and3A_303 : i32 to vector<16xi32>
    %and3A_305 = arith.andi %get3A_295, %and3A_304 : vector<16xi32>
    %shift_left3A_306 = arith.constant 5 : i32
    %shift_left3A_307 = vector.broadcast %shift_left3A_306 : i32 to vector<16xi32>
    %shift_left3A_308 = arith.shli %and3A_305, %shift_left3A_307 : vector<16xi32>
    %swap3A_309 = arith.constant 240 : index
    %swap3A_310 = tpu.vector_load %arg7[%swap3A_309] {strides = array<i32>} : memref<512xi32, #tpu.memory_space<vmem>>, vector<16xi32>,
    tpu.vector_store %arg7[%swap3A_309], %shift_left3A_308 {strides = array<i32>} : memref<512xi32, #tpu.memory_space<vmem>>, vector<16xi32>,
    %dma_start3A_311 = arith.constant 1 : i32
    %dma_start3A_312 = arith.constant 128 : i32
    %dma_start3A_313 = arith.constant 0 : i32
    %dma_start3A_314 = tpu.memref_slice %arg8[%dma_start3A_312, %dma_start3A_313] : memref<512x128xf32, #tpu.memory_space<vmem>> -> memref<128x128xf32, #tpu.memory_space<vmem>>
    %dma_start3A_315 = arith.constant 0 : i32
    %dma_start3A_316 = tpu.memref_slice %arg6[%dma_start3A_311, %dma_start3A_315] : memref<4x128xi32, #tpu.memory_space<vmem>> -> memref<1x128xi32, #tpu.memory_space<vmem>>
    %dma_start3A_317 = tpu.memref_squeeze %dma_start3A_316 : memref<1x128xi32, #tpu.memory_space<vmem>> -> memref<128xi32, #tpu.memory_space<vmem>>
    %dma_start3A_318 = arith.constant 0 : i32
    %dma_start3A_319 = arith.constant 0 : i32
    %dma_start3A_320 = tpu.memref_slice %arg3[%dma_start3A_318, %dma_start3A_319] : memref<250000x128xf32, #tpu.memory_space<hbm>> -> memref<250000x128xf32, #tpu.memory_space<hbm>>
    tpu.enqueue_indirect_dma source(%dma_start3A_320 : memref<250000x128xf32, #tpu.memory_space<hbm>>) target(%dma_start3A_314 : memref<128x128xf32, #tpu.memory_space<vmem>>) offsets(%dma_start3A_317 : memref<128xi32, #tpu.memory_space<vmem>>) semaphore(%arg11 : memref<!tpu.dma_semaphore, #tpu.memory_space<semaphore_mem>>)
    %get3A_321 = arith.constant 0 : i32
    %get3A_322 = arith.index_cast %get3A_321 : i32 to index
    %get3A_323 = arith.constant 256 : index
    %get3A_324 = tpu.vector_load %arg5[%get3A_322, %get3A_323] {strides = array<i32>} : memref<56x512xi32, #tpu.memory_space<vmem>>, vector<16xi32>,
    %shift_right_arithmetic3A_325 = arith.constant 2 : i32
    %shift_right_arithmetic3A_326 = vector.broadcast %shift_right_arithmetic3A_325 : i32 to vector<16xi32>
    %shift_right_arithmetic3A_327 = arith.shrsi %get3A_324, %shift_right_arithmetic3A_326 : vector<16xi32>
    %swap3A_328 = arith.constant 2 : i32
    %swap3A_329 = arith.index_cast %swap3A_328 : i32 to index
    %swap3A_330 = arith.constant 0 : index
    %swap3A_331 = tpu.vector_load %arg6[%swap3A_329, %swap3A_330] {strides = array<i32>} : memref<4x128xi32, #tpu.memory_space<vmem>>, vector<16xi32>,
    tpu.vector_store %arg6[%swap3A_329, %swap3A_330], %shift_right_arithmetic3A_327 {strides = array<i32>} : memref<4x128xi32, #tpu.memory_space<vmem>>, vector<16xi32>,
    %and3A_332 = arith.constant 3 : i32
    %and3A_333 = vector.broadcast %and3A_332 : i32 to vector<16xi32>
    %and3A_334 = arith.andi %get3A_324, %and3A_333 : vector<16xi32>
    %shift_left3A_335 = arith.constant 5 : i32
    %shift_left3A_336 = vector.broadcast %shift_left3A_335 : i32 to vector<16xi32>
    %shift_left3A_337 = arith.shli %and3A_334, %shift_left3A_336 : vector<16xi32>
    %swap3A_338 = arith.constant 256 : index
    %swap3A_339 = tpu.vector_load %arg7[%swap3A_338] {strides = array<i32>} : memref<512xi32, #tpu.memory_space<vmem>>, vector<16xi32>,
    tpu.vector_store %arg7[%swap3A_338], %shift_left3A_337 {strides = array<i32>} : memref<512xi32, #tpu.memory_space<vmem>>, vector<16xi32>,
    %get3A_340 = arith.constant 0 : i32
    %get3A_341 = arith.index_cast %get3A_340 : i32 to index
    %get3A_342 = arith.constant 272 : index
    %get3A_343 = tpu.vector_load %arg5[%get3A_341, %get3A_342] {strides = array<i32>} : memref<56x512xi32, #tpu.memory_space<vmem>>, vector<16xi32>,
    %shift_right_arithmetic3A_344 = arith.constant 2 : i32
    %shift_right_arithmetic3A_345 = vector.broadcast %shift_right_arithmetic3A_344 : i32 to vector<16xi32>
    %shift_right_arithmetic3A_346 = arith.shrsi %get3A_343, %shift_right_arithmetic3A_345 : vector<16xi32>
    %swap3A_347 = arith.constant 2 : i32
    %swap3A_348 = arith.index_cast %swap3A_347 : i32 to index
    %swap3A_349 = arith.constant 16 : index
    %swap3A_350 = tpu.vector_load %arg6[%swap3A_348, %swap3A_349] {strides = array<i32>} : memref<4x128xi32, #tpu.memory_space<vmem>>, vector<16xi32>,
    tpu.vector_store %arg6[%swap3A_348, %swap3A_349], %shift_right_arithmetic3A_346 {strides = array<i32>} : memref<4x128xi32, #tpu.memory_space<vmem>>, vector<16xi32>,
    %and3A_351 = arith.constant 3 : i32
    %and3A_352 = vector.broadcast %and3A_351 : i32 to vector<16xi32>
    %and3A_353 = arith.andi %get3A_343, %and3A_352 : vector<16xi32>
    %shift_left3A_354 = arith.constant 5 : i32
    %shift_left3A_355 = vector.broadcast %shift_left3A_354 : i32 to vector<16xi32>
    %shift_left3A_356 = arith.shli %and3A_353, %shift_left3A_355 : vector<16xi32>
    %swap3A_357 = arith.constant 272 : index
    %swap3A_358 = tpu.vector_load %arg7[%swap3A_357] {strides = array<i32>} : memref<512xi32, #tpu.memory_space<vmem>>, vector<16xi32>,
    tpu.vector_store %arg7[%swap3A_357], %shift_left3A_356 {strides = array<i32>} : memref<512xi32, #tpu.memory_space<vmem>>, vector<16xi32>,
    %get3A_359 = arith.constant 0 : i32
    %get3A_360 = arith.index_cast %get3A_359 : i32 to index
    %get3A_361 = arith.constant 288 : index
    %get3A_362 = tpu.vector_load %arg5[%get3A_360, %get3A_361] {strides = array<i32>} : memref<56x512xi32, #tpu.memory_space<vmem>>, vector<16xi32>,
    %shift_right_arithmetic3A_363 = arith.constant 2 : i32
    %shift_right_arithmetic3A_364 = vector.broadcast %shift_right_arithmetic3A_363 : i32 to vector<16xi32>
    %shift_right_arithmetic3A_365 = arith.shrsi %get3A_362, %shift_right_arithmetic3A_364 : vector<16xi32>
    %swap3A_366 = arith.constant 2 : i32
    %swap3A_367 = arith.index_cast %swap3A_366 : i32 to index
    %swap3A_368 = arith.constant 32 : index
    %swap3A_369 = tpu.vector_load %arg6[%swap3A_367, %swap3A_368] {strides = array<i32>} : memref<4x128xi32, #tpu.memory_space<vmem>>, vector<16xi32>,
    tpu.vector_store %arg6[%swap3A_367, %swap3A_368], %shift_right_arithmetic3A_365 {strides = array<i32>} : memref<4x128xi32, #tpu.memory_space<vmem>>, vector<16xi32>,
    %and3A_370 = arith.constant 3 : i32
    %and3A_371 = vector.broadcast %and3A_370 : i32 to vector<16xi32>
    %and3A_372 = arith.andi %get3A_362, %and3A_371 : vector<16xi32>
    %shift_left3A_373 = arith.constant 5 : i32
    %shift_left3A_374 = vector.broadcast %shift_left3A_373 : i32 to vector<16xi32>
    %shift_left3A_375 = arith.shli %and3A_372, %shift_left3A_374 : vector<16xi32>
    %swap3A_376 = arith.constant 288 : index
    %swap3A_377 = tpu.vector_load %arg7[%swap3A_376] {strides = array<i32>} : memref<512xi32, #tpu.memory_space<vmem>>, vector<16xi32>,
    tpu.vector_store %arg7[%swap3A_376], %shift_left3A_375 {strides = array<i32>} : memref<512xi32, #tpu.memory_space<vmem>>, vector<16xi32>,
    %get3A_378 = arith.constant 0 : i32
    %get3A_379 = arith.index_cast %get3A_378 : i32 to index
    %get3A_380 = arith.constant 304 : index
    %get3A_381 = tpu.vector_load %arg5[%get3A_379, %get3A_380] {strides = array<i32>} : memref<56x512xi32, #tpu.memory_space<vmem>>, vector<16xi32>,
    %shift_right_arithmetic3A_382 = arith.constant 2 : i32
    %shift_right_arithmetic3A_383 = vector.broadcast %shift_right_arithmetic3A_382 : i32 to vector<16xi32>
    %shift_right_arithmetic3A_384 = arith.shrsi %get3A_381, %shift_right_arithmetic3A_383 : vector<16xi32>
    %swap3A_385 = arith.constant 2 : i32
    %swap3A_386 = arith.index_cast %swap3A_385 : i32 to index
    %swap3A_387 = arith.constant 48 : index
    %swap3A_388 = tpu.vector_load %arg6[%swap3A_386, %swap3A_387] {strides = array<i32>} : memref<4x128xi32, #tpu.memory_space<vmem>>, vector<16xi32>,
    tpu.vector_store %arg6[%swap3A_386, %swap3A_387], %shift_right_arithmetic3A_384 {strides = array<i32>} : memref<4x128xi32, #tpu.memory_space<vmem>>, vector<16xi32>,
    %and3A_389 = arith.constant 3 : i32
    %and3A_390 = vector.broadcast %and3A_389 : i32 to vector<16xi32>
    %and3A_391 = arith.andi %get3A_381, %and3A_390 : vector<16xi32>
    %shift_left3A_392 = arith.constant 5 : i32
    %shift_left3A_393 = vector.broadcast %shift_left3A_392 : i32 to vector<16xi32>
    %shift_left3A_394 = arith.shli %and3A_391, %shift_left3A_393 : vector<16xi32>
    %swap3A_395 = arith.constant 304 : index
    %swap3A_396 = tpu.vector_load %arg7[%swap3A_395] {strides = array<i32>} : memref<512xi32, #tpu.memory_space<vmem>>, vector<16xi32>,
    tpu.vector_store %arg7[%swap3A_395], %shift_left3A_394 {strides = array<i32>} : memref<512xi32, #tpu.memory_space<vmem>>, vector<16xi32>,
    %get3A_397 = arith.constant 0 : i32
    %get3A_398 = arith.index_cast %get3A_397 : i32 to index
    %get3A_399 = arith.constant 320 : index
    %get3A_400 = tpu.vector_load %arg5[%get3A_398, %get3A_399] {strides = array<i32>} : memref<56x512xi32, #tpu.memory_space<vmem>>, vector<16xi32>,
    %shift_right_arithmetic3A_401 = arith.constant 2 : i32
    %shift_right_arithmetic3A_402 = vector.broadcast %shift_right_arithmetic3A_401 : i32 to vector<16xi32>
    %shift_right_arithmetic3A_403 = arith.shrsi %get3A_400, %shift_right_arithmetic3A_402 : vector<16xi32>
    %swap3A_404 = arith.constant 2 : i32
    %swap3A_405 = arith.index_cast %swap3A_404 : i32 to index
    %swap3A_406 = arith.constant 64 : index
    %swap3A_407 = tpu.vector_load %arg6[%swap3A_405, %swap3A_406] {strides = array<i32>} : memref<4x128xi32, #tpu.memory_space<vmem>>, vector<16xi32>,
    tpu.vector_store %arg6[%swap3A_405, %swap3A_406], %shift_right_arithmetic3A_403 {strides = array<i32>} : memref<4x128xi32, #tpu.memory_space<vmem>>, vector<16xi32>,
    %and3A_408 = arith.constant 3 : i32
    %and3A_409 = vector.broadcast %and3A_408 : i32 to vector<16xi32>
    %and3A_410 = arith.andi %get3A_400, %and3A_409 : vector<16xi32>
    %shift_left3A_411 = arith.constant 5 : i32
    %shift_left3A_412 = vector.broadcast %shift_left3A_411 : i32 to vector<16xi32>
    %shift_left3A_413 = arith.shli %and3A_410, %shift_left3A_412 : vector<16xi32>
    %swap3A_414 = arith.constant 320 : index
    %swap3A_415 = tpu.vector_load %arg7[%swap3A_414] {strides = array<i32>} : memref<512xi32, #tpu.memory_space<vmem>>, vector<16xi32>,
    tpu.vector_store %arg7[%swap3A_414], %shift_left3A_413 {strides = array<i32>} : memref<512xi32, #tpu.memory_space<vmem>>, vector<16xi32>,
    %get3A_416 = arith.constant 0 : i32
    %get3A_417 = arith.index_cast %get3A_416 : i32 to index
    %get3A_418 = arith.constant 336 : index
    %get3A_419 = tpu.vector_load %arg5[%get3A_417, %get3A_418] {strides = array<i32>} : memref<56x512xi32, #tpu.memory_space<vmem>>, vector<16xi32>,
    %shift_right_arithmetic3A_420 = arith.constant 2 : i32
    %shift_right_arithmetic3A_421 = vector.broadcast %shift_right_arithmetic3A_420 : i32 to vector<16xi32>
    %shift_right_arithmetic3A_422 = arith.shrsi %get3A_419, %shift_right_arithmetic3A_421 : vector<16xi32>
    %swap3A_423 = arith.constant 2 : i32
    %swap3A_424 = arith.index_cast %swap3A_423 : i32 to index
    %swap3A_425 = arith.constant 80 : index
    %swap3A_426 = tpu.vector_load %arg6[%swap3A_424, %swap3A_425] {strides = array<i32>} : memref<4x128xi32, #tpu.memory_space<vmem>>, vector<16xi32>,
    tpu.vector_store %arg6[%swap3A_424, %swap3A_425], %shift_right_arithmetic3A_422 {strides = array<i32>} : memref<4x128xi32, #tpu.memory_space<vmem>>, vector<16xi32>,
    %and3A_427 = arith.constant 3 : i32
    %and3A_428 = vector.broadcast %and3A_427 : i32 to vector<16xi32>
    %and3A_429 = arith.andi %get3A_419, %and3A_428 : vector<16xi32>
    %shift_left3A_430 = arith.constant 5 : i32
    %shift_left3A_431 = vector.broadcast %shift_left3A_430 : i32 to vector<16xi32>
    %shift_left3A_432 = arith.shli %and3A_429, %shift_left3A_431 : vector<16xi32>
    %swap3A_433 = arith.constant 336 : index
    %swap3A_434 = tpu.vector_load %arg7[%swap3A_433] {strides = array<i32>} : memref<512xi32, #tpu.memory_space<vmem>>, vector<16xi32>,
    tpu.vector_store %arg7[%swap3A_433], %shift_left3A_432 {strides = array<i32>} : memref<512xi32, #tpu.memory_space<vmem>>, vector<16xi32>,
    %get3A_435 = arith.constant 0 : i32
    %get3A_436 = arith.index_cast %get3A_435 : i32 to index
    %get3A_437 = arith.constant 352 : index
    %get3A_438 = tpu.vector_load %arg5[%get3A_436, %get3A_437] {strides = array<i32>} : memref<56x512xi32, #tpu.memory_space<vmem>>, vector<16xi32>,
    %shift_right_arithmetic3A_439 = arith.constant 2 : i32
    %shift_right_arithmetic3A_440 = vector.broadcast %shift_right_arithmetic3A_439 : i32 to vector<16xi32>
    %shift_right_arithmetic3A_441 = arith.shrsi %get3A_438, %shift_right_arithmetic3A_440 : vector<16xi32>
    %swap3A_442 = arith.constant 2 : i32
    %swap3A_443 = arith.index_cast %swap3A_442 : i32 to index
    %swap3A_444 = arith.constant 96 : index
    %swap3A_445 = tpu.vector_load %arg6[%swap3A_443, %swap3A_444] {strides = array<i32>} : memref<4x128xi32, #tpu.memory_space<vmem>>, vector<16xi32>,
    tpu.vector_store %arg6[%swap3A_443, %swap3A_444], %shift_right_arithmetic3A_441 {strides = array<i32>} : memref<4x128xi32, #tpu.memory_space<vmem>>, vector<16xi32>,
    %and3A_446 = arith.constant 3 : i32
    %and3A_447 = vector.broadcast %and3A_446 : i32 to vector<16xi32>
    %and3A_448 = arith.andi %get3A_438, %and3A_447 : vector<16xi32>
    %shift_left3A_449 = arith.constant 5 : i32
    %shift_left3A_450 = vector.broadcast %shift_left3A_449 : i32 to vector<16xi32>
    %shift_left3A_451 = arith.shli %and3A_448, %shift_left3A_450 : vector<16xi32>
    %swap3A_452 = arith.constant 352 : index
    %swap3A_453 = tpu.vector_load %arg7[%swap3A_452] {strides = array<i32>} : memref<512xi32, #tpu.memory_space<vmem>>, vector<16xi32>,
    tpu.vector_store %arg7[%swap3A_452], %shift_left3A_451 {strides = array<i32>} : memref<512xi32, #tpu.memory_space<vmem>>, vector<16xi32>,
    %get3A_454 = arith.constant 0 : i32
    %get3A_455 = arith.index_cast %get3A_454 : i32 to index
    %get3A_456 = arith.constant 368 : index
    %get3A_457 = tpu.vector_load %arg5[%get3A_455, %get3A_456] {strides = array<i32>} : memref<56x512xi32, #tpu.memory_space<vmem>>, vector<16xi32>,
    %shift_right_arithmetic3A_458 = arith.constant 2 : i32
    %shift_right_arithmetic3A_459 = vector.broadcast %shift_right_arithmetic3A_458 : i32 to vector<16xi32>
    %shift_right_arithmetic3A_460 = arith.shrsi %get3A_457, %shift_right_arithmetic3A_459 : vector<16xi32>
    %swap3A_461 = arith.constant 2 : i32
    %swap3A_462 = arith.index_cast %swap3A_461 : i32 to index
    %swap3A_463 = arith.constant 112 : index
    %swap3A_464 = tpu.vector_load %arg6[%swap3A_462, %swap3A_463] {strides = array<i32>} : memref<4x128xi32, #tpu.memory_space<vmem>>, vector<16xi32>,
    tpu.vector_store %arg6[%swap3A_462, %swap3A_463], %shift_right_arithmetic3A_460 {strides = array<i32>} : memref<4x128xi32, #tpu.memory_space<vmem>>, vector<16xi32>,
    %and3A_465 = arith.constant 3 : i32
    %and3A_466 = vector.broadcast %and3A_465 : i32 to vector<16xi32>
    %and3A_467 = arith.andi %get3A_457, %and3A_466 : vector<16xi32>
    %shift_left3A_468 = arith.constant 5 : i32
    %shift_left3A_469 = vector.broadcast %shift_left3A_468 : i32 to vector<16xi32>
    %shift_left3A_470 = arith.shli %and3A_467, %shift_left3A_469 : vector<16xi32>
    %swap3A_471 = arith.constant 368 : index
    %swap3A_472 = tpu.vector_load %arg7[%swap3A_471] {strides = array<i32>} : memref<512xi32, #tpu.memory_space<vmem>>, vector<16xi32>,
    tpu.vector_store %arg7[%swap3A_471], %shift_left3A_470 {strides = array<i32>} : memref<512xi32, #tpu.memory_space<vmem>>, vector<16xi32>,
    %dma_start3A_473 = arith.constant 2 : i32
    %dma_start3A_474 = arith.constant 256 : i32
    %dma_start3A_475 = arith.constant 0 : i32
    %dma_start3A_476 = tpu.memref_slice %arg8[%dma_start3A_474, %dma_start3A_475] : memref<512x128xf32, #tpu.memory_space<vmem>> -> memref<128x128xf32, #tpu.memory_space<vmem>>
    %dma_start3A_477 = arith.constant 0 : i32
    %dma_start3A_478 = tpu.memref_slice %arg6[%dma_start3A_473, %dma_start3A_477] : memref<4x128xi32, #tpu.memory_space<vmem>> -> memref<1x128xi32, #tpu.memory_space<vmem>>
    %dma_start3A_479 = tpu.memref_squeeze %dma_start3A_478 : memref<1x128xi32, #tpu.memory_space<vmem>> -> memref<128xi32, #tpu.memory_space<vmem>>
    %dma_start3A_480 = arith.constant 0 : i32
    %dma_start3A_481 = arith.constant 0 : i32
    %dma_start3A_482 = tpu.memref_slice %arg3[%dma_start3A_480, %dma_start3A_481] : memref<250000x128xf32, #tpu.memory_space<hbm>> -> memref<250000x128xf32, #tpu.memory_space<hbm>>
    tpu.enqueue_indirect_dma source(%dma_start3A_482 : memref<250000x128xf32, #tpu.memory_space<hbm>>) target(%dma_start3A_476 : memref<128x128xf32, #tpu.memory_space<vmem>>) offsets(%dma_start3A_479 : memref<128xi32, #tpu.memory_space<vmem>>) semaphore(%arg12 : memref<!tpu.dma_semaphore, #tpu.memory_space<semaphore_mem>>)
    %scan3A = arith.constant 0 : i32
    %scan3A_483 = arith.constant 0 : i32
    %scan3A_484 = arith.constant 50 : i32
    %scan3A_485 = arith.addi %scan3A_483, %scan3A_484 : i32
    %scan3A_486 = arith.constant 1 : i32
    scf.for %scan3A_547 = %scan3A_483 to %scan3A_485 step %scan3A_486  : i32 {
      %mul3A_548 = arith.constant 4 : i32
      %mul3A_549 = arith.muli %scan3A_547, %mul3A_548 : i32
      %add3A_550 = arith.constant 0 : i32
      %add3A_551 = arith.addi %mul3A_549, %add3A_550 : i32
      %add3A_552 = arith.constant 4 : i32
      %add3A_553 = arith.addi %add3A_551, %add3A_552 : i32
      %sub3A = arith.constant 1 : i32
      %sub3A_554 = arith.subi %add3A_553, %sub3A : i32
      %lt3A = arith.constant 200 : i32
      %lt3A_555 = arith.cmpi slt, %sub3A_554, %lt3A : i32
      %convert_element_type3A = arith.extui %lt3A_555 : i1 to i32
      %cond3A = arith.constant 0 : i32
      %cond3A_556 = arith.cmpi ne, %convert_element_type3A, %cond3A : i32
      scf.if %cond3A_556 {
        %jit3A_1054 = arith.constant 4 : i32
        %div3A_1055 = arith.divsi %sub3A_554, %jit3A_1054 : i32
        %sign3A_1056 = arith.constant 0 : i32
        %sign3A_1057 = arith.cmpi sgt, %sub3A_554, %sign3A_1056 : i32
        %sign3A_1058 = arith.extui %sign3A_1057 : i1 to i32
        %sign3A_1059 = arith.constant 0 : i32
        %sign3A_1060 = arith.cmpi slt, %sub3A_554, %sign3A_1059 : i32
        %sign3A_1061 = arith.extui %sign3A_1060 : i1 to i32
        %sign3A_1062 = arith.subi %sign3A_1058, %sign3A_1061 : i32
        %sign3A_1063 = arith.constant 0 : i32
        %sign3A_1064 = arith.cmpi sgt, %jit3A_1054, %sign3A_1063 : i32
        %sign3A_1065 = arith.extui %sign3A_1064 : i1 to i32
        %sign3A_1066 = arith.constant 0 : i32
        %sign3A_1067 = arith.cmpi slt, %jit3A_1054, %sign3A_1066 : i32
        %sign3A_1068 = arith.extui %sign3A_1067 : i1 to i32
        %sign3A_1069 = arith.subi %sign3A_1065, %sign3A_1068 : i32
        %ne3A_1070 = arith.cmpi ne, %sign3A_1062, %sign3A_1069 : i32
        %rem3A_1071 = arith.remsi %sub3A_554, %jit3A_1054 : i32
        %ne3A_1072 = arith.constant 0 : i32
        %ne3A_1073 = arith.cmpi ne, %rem3A_1071, %ne3A_1072 : i32
        %and3A_1074 = arith.andi %ne3A_1070, %ne3A_1073 : i1
        %sub3A_1075 = arith.constant 1 : i32
        %sub3A_1076 = arith.subi %div3A_1055, %sub3A_1075 : i32
        %select_n3A_1077 = arith.select %and3A_1074, %sub3A_1076, %div3A_1055 : i32
        %jit3A_1078 = arith.constant 4 : i32
        %eq3A_1079 = arith.constant 0 : i32
        %eq3A_1080 = arith.cmpi eq, %jit3A_1078, %eq3A_1079 : i32
        %jit3A_1081 = arith.constant 1 : i32
        %select_n3A_1082 = arith.select %eq3A_1080, %jit3A_1081, %jit3A_1078 : i32
        %rem3A_1083 = arith.remsi %sub3A_554, %select_n3A_1082 : i32
        %ne3A_1084 = arith.constant 0 : i32
        %ne3A_1085 = arith.cmpi ne, %rem3A_1083, %ne3A_1084 : i32
        %lt3A_1086 = arith.constant 0 : i32
        %lt3A_1087 = arith.cmpi slt, %rem3A_1083, %lt3A_1086 : i32
        %lt3A_1088 = arith.constant 0 : i32
        %lt3A_1089 = arith.cmpi slt, %select_n3A_1082, %lt3A_1088 : i32
        %ne3A_1090 = arith.xori %lt3A_1087, %lt3A_1089 : i1
        %and3A_1091 = arith.andi %ne3A_1090, %ne3A_1085 : i1
        %add3A_1092 = arith.addi %rem3A_1083, %select_n3A_1082 : i32
        %select_n3A_1093 = arith.select %and3A_1091, %add3A_1092, %rem3A_1083 : i32
        %mul3A_1094 = arith.constant 128 : i32
        %mul3A_1095 = arith.muli %select_n3A_1093, %mul3A_1094 : i32
        %add3A_1096 = arith.constant 0 : i32
        %add3A_1097 = arith.addi %mul3A_1095, %add3A_1096 : i32
        %get3A_1098 = arith.index_cast %select_n3A_1077 : i32 to index
        %get3A_1099 = arith.index_cast %add3A_1097 : i32 to index
        %get3A_1100 = tpu.vector_load %arg5[%get3A_1098, %get3A_1099] {strides = array<i32>} : memref<56x512xi32, #tpu.memory_space<vmem>>, vector<16xi32>,
        %shift_right_arithmetic3A_1101 = arith.constant 2 : i32
        %shift_right_arithmetic3A_1102 = vector.broadcast %shift_right_arithmetic3A_1101 : i32 to vector<16xi32>
        %shift_right_arithmetic3A_1103 = arith.shrsi %get3A_1100, %shift_right_arithmetic3A_1102 : vector<16xi32>
        %swap3A_1104 = arith.constant 3 : i32
        %swap3A_1105 = arith.index_cast %swap3A_1104 : i32 to index
        %swap3A_1106 = arith.constant 0 : index
        %swap3A_1107 = tpu.vector_load %arg6[%swap3A_1105, %swap3A_1106] {strides = array<i32>} : memref<4x128xi32, #tpu.memory_space<vmem>>, vector<16xi32>,
        tpu.vector_store %arg6[%swap3A_1105, %swap3A_1106], %shift_right_arithmetic3A_1103 {strides = array<i32>} : memref<4x128xi32, #tpu.memory_space<vmem>>, vector<16xi32>,
        %and3A_1108 = arith.constant 3 : i32
        %and3A_1109 = vector.broadcast %and3A_1108 : i32 to vector<16xi32>
        %and3A_1110 = arith.andi %get3A_1100, %and3A_1109 : vector<16xi32>
        %shift_left3A_1111 = arith.constant 5 : i32
        %shift_left3A_1112 = vector.broadcast %shift_left3A_1111 : i32 to vector<16xi32>
        %shift_left3A_1113 = arith.shli %and3A_1110, %shift_left3A_1112 : vector<16xi32>
        %swap3A_1114 = arith.constant 384 : index
        %swap3A_1115 = tpu.vector_load %arg7[%swap3A_1114] {strides = array<i32>} : memref<512xi32, #tpu.memory_space<vmem>>, vector<16xi32>,
        tpu.vector_store %arg7[%swap3A_1114], %shift_left3A_1113 {strides = array<i32>} : memref<512xi32, #tpu.memory_space<vmem>>, vector<16xi32>,
        %add3A_1116 = arith.constant 16 : i32
        %add3A_1117 = arith.addi %mul3A_1095, %add3A_1116 : i32
        %get3A_1118 = arith.index_cast %select_n3A_1077 : i32 to index
        %get3A_1119 = arith.index_cast %add3A_1117 : i32 to index
        %get3A_1120 = tpu.vector_load %arg5[%get3A_1118, %get3A_1119] {strides = array<i32>} : memref<56x512xi32, #tpu.memory_space<vmem>>, vector<16xi32>,
        %shift_right_arithmetic3A_1121 = arith.constant 2 : i32
        %shift_right_arithmetic3A_1122 = vector.broadcast %shift_right_arithmetic3A_1121 : i32 to vector<16xi32>
        %shift_right_arithmetic3A_1123 = arith.shrsi %get3A_1120, %shift_right_arithmetic3A_1122 : vector<16xi32>
        %swap3A_1124 = arith.constant 3 : i32
        %swap3A_1125 = arith.index_cast %swap3A_1124 : i32 to index
        %swap3A_1126 = arith.constant 16 : index
        %swap3A_1127 = tpu.vector_load %arg6[%swap3A_1125, %swap3A_1126] {strides = array<i32>} : memref<4x128xi32, #tpu.memory_space<vmem>>, vector<16xi32>,
        tpu.vector_store %arg6[%swap3A_1125, %swap3A_1126], %shift_right_arithmetic3A_1123 {strides = array<i32>} : memref<4x128xi32, #tpu.memory_space<vmem>>, vector<16xi32>,
        %and3A_1128 = arith.constant 3 : i32
        %and3A_1129 = vector.broadcast %and3A_1128 : i32 to vector<16xi32>
        %and3A_1130 = arith.andi %get3A_1120, %and3A_1129 : vector<16xi32>
        %shift_left3A_1131 = arith.constant 5 : i32
        %shift_left3A_1132 = vector.broadcast %shift_left3A_1131 : i32 to vector<16xi32>
        %shift_left3A_1133 = arith.shli %and3A_1130, %shift_left3A_1132 : vector<16xi32>
        %swap3A_1134 = arith.constant 400 : index
        %swap3A_1135 = tpu.vector_load %arg7[%swap3A_1134] {strides = array<i32>} : memref<512xi32, #tpu.memory_space<vmem>>, vector<16xi32>,
        tpu.vector_store %arg7[%swap3A_1134], %shift_left3A_1133 {strides = array<i32>} : memref<512xi32, #tpu.memory_space<vmem>>, vector<16xi32>,
        %add3A_1136 = arith.constant 32 : i32
        %add3A_1137 = arith.addi %mul3A_1095, %add3A_1136 : i32
        %get3A_1138 = arith.index_cast %select_n3A_1077 : i32 to index
        %get3A_1139 = arith.index_cast %add3A_1137 : i32 to index
        %get3A_1140 = tpu.vector_load %arg5[%get3A_1138, %get3A_1139] {strides = array<i32>} : memref<56x512xi32, #tpu.memory_space<vmem>>, vector<16xi32>,
        %shift_right_arithmetic3A_1141 = arith.constant 2 : i32
        %shift_right_arithmetic3A_1142 = vector.broadcast %shift_right_arithmetic3A_1141 : i32 to vector<16xi32>
        %shift_right_arithmetic3A_1143 = arith.shrsi %get3A_1140, %shift_right_arithmetic3A_1142 : vector<16xi32>
        %swap3A_1144 = arith.constant 3 : i32
        %swap3A_1145 = arith.index_cast %swap3A_1144 : i32 to index
        %swap3A_1146 = arith.constant 32 : index
        %swap3A_1147 = tpu.vector_load %arg6[%swap3A_1145, %swap3A_1146] {strides = array<i32>} : memref<4x128xi32, #tpu.memory_space<vmem>>, vector<16xi32>,
        tpu.vector_store %arg6[%swap3A_1145, %swap3A_1146], %shift_right_arithmetic3A_1143 {strides = array<i32>} : memref<4x128xi32, #tpu.memory_space<vmem>>, vector<16xi32>,
        %and3A_1148 = arith.constant 3 : i32
        %and3A_1149 = vector.broadcast %and3A_1148 : i32 to vector<16xi32>
        %and3A_1150 = arith.andi %get3A_1140, %and3A_1149 : vector<16xi32>
        %shift_left3A_1151 = arith.constant 5 : i32
        %shift_left3A_1152 = vector.broadcast %shift_left3A_1151 : i32 to vector<16xi32>
        %shift_left3A_1153 = arith.shli %and3A_1150, %shift_left3A_1152 : vector<16xi32>
        %swap3A_1154 = arith.constant 416 : index
        %swap3A_1155 = tpu.vector_load %arg7[%swap3A_1154] {strides = array<i32>} : memref<512xi32, #tpu.memory_space<vmem>>, vector<16xi32>,
        tpu.vector_store %arg7[%swap3A_1154], %shift_left3A_1153 {strides = array<i32>} : memref<512xi32, #tpu.memory_space<vmem>>, vector<16xi32>,
        %add3A_1156 = arith.constant 48 : i32
        %add3A_1157 = arith.addi %mul3A_1095, %add3A_1156 : i32
        %get3A_1158 = arith.index_cast %select_n3A_1077 : i32 to index
        %get3A_1159 = arith.index_cast %add3A_1157 : i32 to index
        %get3A_1160 = tpu.vector_load %arg5[%get3A_1158, %get3A_1159] {strides = array<i32>} : memref<56x512xi32, #tpu.memory_space<vmem>>, vector<16xi32>,
        %shift_right_arithmetic3A_1161 = arith.constant 2 : i32
        %shift_right_arithmetic3A_1162 = vector.broadcast %shift_right_arithmetic3A_1161 : i32 to vector<16xi32>
        %shift_right_arithmetic3A_1163 = arith.shrsi %get3A_1160, %shift_right_arithmetic3A_1162 : vector<16xi32>
        %swap3A_1164 = arith.constant 3 : i32
        %swap3A_1165 = arith.index_cast %swap3A_1164 : i32 to index
        %swap3A_1166 = arith.constant 48 : index
        %swap3A_1167 = tpu.vector_load %arg6[%swap3A_1165, %swap3A_1166] {strides = array<i32>} : memref<4x128xi32, #tpu.memory_space<vmem>>, vector<16xi32>,
        tpu.vector_store %arg6[%swap3A_1165, %swap3A_1166], %shift_right_arithmetic3A_1163 {strides = array<i32>} : memref<4x128xi32, #tpu.memory_space<vmem>>, vector<16xi32>,
        %and3A_1168 = arith.constant 3 : i32
        %and3A_1169 = vector.broadcast %and3A_1168 : i32 to vector<16xi32>
        %and3A_1170 = arith.andi %get3A_1160, %and3A_1169 : vector<16xi32>
        %shift_left3A_1171 = arith.constant 5 : i32
        %shift_left3A_1172 = vector.broadcast %shift_left3A_1171 : i32 to vector<16xi32>
        %shift_left3A_1173 = arith.shli %and3A_1170, %shift_left3A_1172 : vector<16xi32>
        %swap3A_1174 = arith.constant 432 : index
        %swap3A_1175 = tpu.vector_load %arg7[%swap3A_1174] {strides = array<i32>} : memref<512xi32, #tpu.memory_space<vmem>>, vector<16xi32>,
        tpu.vector_store %arg7[%swap3A_1174], %shift_left3A_1173 {strides = array<i32>} : memref<512xi32, #tpu.memory_space<vmem>>, vector<16xi32>,
        %add3A_1176 = arith.constant 64 : i32
        %add3A_1177 = arith.addi %mul3A_1095, %add3A_1176 : i32
        %get3A_1178 = arith.index_cast %select_n3A_1077 : i32 to index
        %get3A_1179 = arith.index_cast %add3A_1177 : i32 to index
        %get3A_1180 = tpu.vector_load %arg5[%get3A_1178, %get3A_1179] {strides = array<i32>} : memref<56x512xi32, #tpu.memory_space<vmem>>, vector<16xi32>,
        %shift_right_arithmetic3A_1181 = arith.constant 2 : i32
        %shift_right_arithmetic3A_1182 = vector.broadcast %shift_right_arithmetic3A_1181 : i32 to vector<16xi32>
        %shift_right_arithmetic3A_1183 = arith.shrsi %get3A_1180, %shift_right_arithmetic3A_1182 : vector<16xi32>
        %swap3A_1184 = arith.constant 3 : i32
        %swap3A_1185 = arith.index_cast %swap3A_1184 : i32 to index
        %swap3A_1186 = arith.constant 64 : index
        %swap3A_1187 = tpu.vector_load %arg6[%swap3A_1185, %swap3A_1186] {strides = array<i32>} : memref<4x128xi32, #tpu.memory_space<vmem>>, vector<16xi32>,
        tpu.vector_store %arg6[%swap3A_1185, %swap3A_1186], %shift_right_arithmetic3A_1183 {strides = array<i32>} : memref<4x128xi32, #tpu.memory_space<vmem>>, vector<16xi32>,
        %and3A_1188 = arith.constant 3 : i32
        %and3A_1189 = vector.broadcast %and3A_1188 : i32 to vector<16xi32>
        %and3A_1190 = arith.andi %get3A_1180, %and3A_1189 : vector<16xi32>
        %shift_left3A_1191 = arith.constant 5 : i32
        %shift_left3A_1192 = vector.broadcast %shift_left3A_1191 : i32 to vector<16xi32>
        %shift_left3A_1193 = arith.shli %and3A_1190, %shift_left3A_1192 : vector<16xi32>
        %swap3A_1194 = arith.constant 448 : index
        %swap3A_1195 = tpu.vector_load %arg7[%swap3A_1194] {strides = array<i32>} : memref<512xi32, #tpu.memory_space<vmem>>, vector<16xi32>,
        tpu.vector_store %arg7[%swap3A_1194], %shift_left3A_1193 {strides = array<i32>} : memref<512xi32, #tpu.memory_space<vmem>>, vector<16xi32>,
        %add3A_1196 = arith.constant 80 : i32
        %add3A_1197 = arith.addi %mul3A_1095, %add3A_1196 : i32
        %get3A_1198 = arith.index_cast %select_n3A_1077 : i32 to index
        %get3A_1199 = arith.index_cast %add3A_1197 : i32 to index
        %get3A_1200 = tpu.vector_load %arg5[%get3A_1198, %get3A_1199] {strides = array<i32>} : memref<56x512xi32, #tpu.memory_space<vmem>>, vector<16xi32>,
        %shift_right_arithmetic3A_1201 = arith.constant 2 : i32
        %shift_right_arithmetic3A_1202 = vector.broadcast %shift_right_arithmetic3A_1201 : i32 to vector<16xi32>
        %shift_right_arithmetic3A_1203 = arith.shrsi %get3A_1200, %shift_right_arithmetic3A_1202 : vector<16xi32>
        %swap3A_1204 = arith.constant 3 : i32
        %swap3A_1205 = arith.index_cast %swap3A_1204 : i32 to index
        %swap3A_1206 = arith.constant 80 : index
        %swap3A_1207 = tpu.vector_load %arg6[%swap3A_1205, %swap3A_1206] {strides = array<i32>} : memref<4x128xi32, #tpu.memory_space<vmem>>, vector<16xi32>,
        tpu.vector_store %arg6[%swap3A_1205, %swap3A_1206], %shift_right_arithmetic3A_1203 {strides = array<i32>} : memref<4x128xi32, #tpu.memory_space<vmem>>, vector<16xi32>,
        %and3A_1208 = arith.constant 3 : i32
        %and3A_1209 = vector.broadcast %and3A_1208 : i32 to vector<16xi32>
        %and3A_1210 = arith.andi %get3A_1200, %and3A_1209 : vector<16xi32>
        %shift_left3A_1211 = arith.constant 5 : i32
        %shift_left3A_1212 = vector.broadcast %shift_left3A_1211 : i32 to vector<16xi32>
        %shift_left3A_1213 = arith.shli %and3A_1210, %shift_left3A_1212 : vector<16xi32>
        %swap3A_1214 = arith.constant 464 : index
        %swap3A_1215 = tpu.vector_load %arg7[%swap3A_1214] {strides = array<i32>} : memref<512xi32, #tpu.memory_space<vmem>>, vector<16xi32>,
        tpu.vector_store %arg7[%swap3A_1214], %shift_left3A_1213 {strides = array<i32>} : memref<512xi32, #tpu.memory_space<vmem>>, vector<16xi32>,
        %add3A_1216 = arith.constant 96 : i32
        %add3A_1217 = arith.addi %mul3A_1095, %add3A_1216 : i32
        %get3A_1218 = arith.index_cast %select_n3A_1077 : i32 to index
        %get3A_1219 = arith.index_cast %add3A_1217 : i32 to index
        %get3A_1220 = tpu.vector_load %arg5[%get3A_1218, %get3A_1219] {strides = array<i32>} : memref<56x512xi32, #tpu.memory_space<vmem>>, vector<16xi32>,
        %shift_right_arithmetic3A_1221 = arith.constant 2 : i32
        %shift_right_arithmetic3A_1222 = vector.broadcast %shift_right_arithmetic3A_1221 : i32 to vector<16xi32>
        %shift_right_arithmetic3A_1223 = arith.shrsi %get3A_1220, %shift_right_arithmetic3A_1222 : vector<16xi32>
        %swap3A_1224 = arith.constant 3 : i32
        %swap3A_1225 = arith.index_cast %swap3A_1224 : i32 to index
        %swap3A_1226 = arith.constant 96 : index
        %swap3A_1227 = tpu.vector_load %arg6[%swap3A_1225, %swap3A_1226] {strides = array<i32>} : memref<4x128xi32, #tpu.memory_space<vmem>>, vector<16xi32>,
        tpu.vector_store %arg6[%swap3A_1225, %swap3A_1226], %shift_right_arithmetic3A_1223 {strides = array<i32>} : memref<4x128xi32, #tpu.memory_space<vmem>>, vector<16xi32>,
        %and3A_1228 = arith.constant 3 : i32
        %and3A_1229 = vector.broadcast %and3A_1228 : i32 to vector<16xi32>
        %and3A_1230 = arith.andi %get3A_1220, %and3A_1229 : vector<16xi32>
        %shift_left3A_1231 = arith.constant 5 : i32
        %shift_left3A_1232 = vector.broadcast %shift_left3A_1231 : i32 to vector<16xi32>
        %shift_left3A_1233 = arith.shli %and3A_1230, %shift_left3A_1232 : vector<16xi32>
        %swap3A_1234 = arith.constant 480 : index
        %swap3A_1235 = tpu.vector_load %arg7[%swap3A_1234] {strides = array<i32>} : memref<512xi32, #tpu.memory_space<vmem>>, vector<16xi32>,
        tpu.vector_store %arg7[%swap3A_1234], %shift_left3A_1233 {strides = array<i32>} : memref<512xi32, #tpu.memory_space<vmem>>, vector<16xi32>,
        %add3A_1236 = arith.constant 112 : i32
        %add3A_1237 = arith.addi %mul3A_1095, %add3A_1236 : i32
        %get3A_1238 = arith.index_cast %select_n3A_1077 : i32 to index
        %get3A_1239 = arith.index_cast %add3A_1237 : i32 to index
        %get3A_1240 = tpu.vector_load %arg5[%get3A_1238, %get3A_1239] {strides = array<i32>} : memref<56x512xi32, #tpu.memory_space<vmem>>, vector<16xi32>,
        %shift_right_arithmetic3A_1241 = arith.constant 2 : i32
        %shift_right_arithmetic3A_1242 = vector.broadcast %shift_right_arithmetic3A_1241 : i32 to vector<16xi32>
        %shift_right_arithmetic3A_1243 = arith.shrsi %get3A_1240, %shift_right_arithmetic3A_1242 : vector<16xi32>
        %swap3A_1244 = arith.constant 3 : i32
        %swap3A_1245 = arith.index_cast %swap3A_1244 : i32 to index
        %swap3A_1246 = arith.constant 112 : index
        %swap3A_1247 = tpu.vector_load %arg6[%swap3A_1245, %swap3A_1246] {strides = array<i32>} : memref<4x128xi32, #tpu.memory_space<vmem>>, vector<16xi32>,
        tpu.vector_store %arg6[%swap3A_1245, %swap3A_1246], %shift_right_arithmetic3A_1243 {strides = array<i32>} : memref<4x128xi32, #tpu.memory_space<vmem>>, vector<16xi32>,
        %and3A_1248 = arith.constant 3 : i32
        %and3A_1249 = vector.broadcast %and3A_1248 : i32 to vector<16xi32>
        %and3A_1250 = arith.andi %get3A_1240, %and3A_1249 : vector<16xi32>
        %shift_left3A_1251 = arith.constant 5 : i32
        %shift_left3A_1252 = vector.broadcast %shift_left3A_1251 : i32 to vector<16xi32>
        %shift_left3A_1253 = arith.shli %and3A_1250, %shift_left3A_1252 : vector<16xi32>
        %swap3A_1254 = arith.constant 496 : index
        %swap3A_1255 = tpu.vector_load %arg7[%swap3A_1254] {strides = array<i32>} : memref<512xi32, #tpu.memory_space<vmem>>, vector<16xi32>,
        tpu.vector_store %arg7[%swap3A_1254], %shift_left3A_1253 {strides = array<i32>} : memref<512xi32, #tpu.memory_space<vmem>>, vector<16xi32>,
        %dma_start3A_1256 = arith.constant 3 : i32
        %dma_start3A_1257 = arith.constant 384 : i32
        %dma_start3A_1258 = arith.constant 0 : i32
        %dma_start3A_1259 = tpu.memref_slice %arg8[%dma_start3A_1257, %dma_start3A_1258] : memref<512x128xf32, #tpu.memory_space<vmem>> -> memref<128x128xf32, #tpu.memory_space<vmem>>
        %dma_start3A_1260 = arith.constant 0 : i32
        %dma_start3A_1261 = tpu.memref_slice %arg6[%dma_start3A_1256, %dma_start3A_1260] : memref<4x128xi32, #tpu.memory_space<vmem>> -> memref<1x128xi32, #tpu.memory_space<vmem>>
        %dma_start3A_1262 = tpu.memref_squeeze %dma_start3A_1261 : memref<1x128xi32, #tpu.memory_space<vmem>> -> memref<128xi32, #tpu.memory_space<vmem>>
        %dma_start3A_1263 = arith.constant 0 : i32
        %dma_start3A_1264 = arith.constant 0 : i32
        %dma_start3A_1265 = tpu.memref_slice %arg3[%dma_start3A_1263, %dma_start3A_1264] : memref<250000x128xf32, #tpu.memory_space<hbm>> -> memref<250000x128xf32, #tpu.memory_space<hbm>>
        tpu.enqueue_indirect_dma source(%dma_start3A_1265 : memref<250000x128xf32, #tpu.memory_space<hbm>>) target(%dma_start3A_1259 : memref<128x128xf32, #tpu.memory_space<vmem>>) offsets(%dma_start3A_1262 : memref<128xi32, #tpu.memory_space<vmem>>) semaphore(%arg13 : memref<!tpu.dma_semaphore, #tpu.memory_space<semaphore_mem>>)
      } else {
      }
      %dma_wait3A_557 = arith.constant 0 : i32
      %dma_wait3A_558 = arith.constant 0 : i32
      %dma_wait3A_559 = tpu.memref_slice %arg8[%dma_wait3A_557, %dma_wait3A_558] : memref<512x128xf32, #tpu.memory_space<vmem>> -> memref<128x128xf32, #tpu.memory_space<vmem>>
      %dma_wait3A_560 = arith.constant 0 : i32
      %dma_wait3A_561 = arith.constant 0 : i32
      %dma_wait3A_562 = tpu.memref_slice %arg3[%dma_wait3A_560, %dma_wait3A_561] : memref<250000x128xf32, #tpu.memory_space<hbm>> -> memref<128x128xf32, #tpu.memory_space<hbm>>
      %dma_wait3A_563 = arith.constant 0 : i32
      %dma_wait3A_564 = arith.constant 0 : i32
      %dma_wait3A_565 = tpu.memref_slice %arg8[%dma_wait3A_563, %dma_wait3A_564] : memref<512x128xf32, #tpu.memory_space<vmem>> -> memref<128x128xf32, #tpu.memory_space<vmem>>
      %dma_wait3A_566 = arith.constant 0 : i32
      %dma_wait3A_567 = arith.constant 0 : i32
      %dma_wait3A_568 = tpu.memref_slice %arg3[%dma_wait3A_566, %dma_wait3A_567] : memref<250000x128xf32, #tpu.memory_space<hbm>> -> memref<128x128xf32, #tpu.memory_space<hbm>>
      tpu.wait_dma2 semaphore(%arg10 : memref<!tpu.dma_semaphore, #tpu.memory_space<semaphore_mem>>) src(%dma_wait3A_568 : memref<128x128xf32, #tpu.memory_space<hbm>>) dst(%dma_wait3A_565 : memref<128x128xf32, #tpu.memory_space<vmem>>)
      %ge3A = arith.constant 4 : i32
      %ge3A_569 = arith.cmpi sge, %add3A_551, %ge3A : i32
      %convert_element_type3A_570 = arith.extui %ge3A_569 : i1 to i32
      %cond3A_571 = arith.constant 0 : i32
      %cond3A_572 = arith.cmpi ne, %convert_element_type3A_570, %cond3A_571 : i32
      scf.if %cond3A_572 {
        %dma_wait3A_1054 = arith.constant 0 : i32
        %dma_wait3A_1055 = arith.constant 0 : i32
        %dma_wait3A_1056 = arith.constant 0 : i32
        %dma_wait3A_1057 = tpu.memref_slice %arg9[%dma_wait3A_1055, %dma_wait3A_1056] : memref<128x128xf32, #tpu.memory_space<vmem>> -> memref<32x128xf32, #tpu.memory_space<vmem>>
        %dma_wait3A_1058 = arith.constant 0 : i32
        %dma_wait3A_1059 = arith.constant 0 : i32
        %dma_wait3A_1060 = tpu.memref_slice %arg4[%dma_wait3A_1054, %dma_wait3A_1058, %dma_wait3A_1059] : memref<50x32x16384xf32, #tpu.memory_space<hbm>> -> memref<1x32x128xf32, #tpu.memory_space<hbm>>
        %dma_wait3A_1061 = tpu.memref_squeeze %dma_wait3A_1060 : memref<1x32x128xf32, #tpu.memory_space<hbm>> -> memref<32x128xf32, #tpu.memory_space<hbm>>
        %dma_wait3A_1062 = arith.constant 0 : i32
        %dma_wait3A_1063 = arith.constant 0 : i32
        %dma_wait3A_1064 = tpu.memref_slice %arg4[%dma_wait3A_1054, %dma_wait3A_1062, %dma_wait3A_1063] : memref<50x32x16384xf32, #tpu.memory_space<hbm>> -> memref<1x32x128xf32, #tpu.memory_space<hbm>>
        %dma_wait3A_1065 = tpu.memref_squeeze %dma_wait3A_1064 : memref<1x32x128xf32, #tpu.memory_space<hbm>> -> memref<32x128xf32, #tpu.memory_space<hbm>>
        %dma_wait3A_1066 = arith.constant 0 : i32
        %dma_wait3A_1067 = arith.constant 0 : i32
        %dma_wait3A_1068 = tpu.memref_slice %arg9[%dma_wait3A_1066, %dma_wait3A_1067] : memref<128x128xf32, #tpu.memory_space<vmem>> -> memref<32x128xf32, #tpu.memory_space<vmem>>
        tpu.wait_dma2 semaphore(%arg14 : memref<!tpu.dma_semaphore, #tpu.memory_space<semaphore_mem>>) src(%dma_wait3A_1068 : memref<32x128xf32, #tpu.memory_space<vmem>>) dst(%dma_wait3A_1065 : memref<32x128xf32, #tpu.memory_space<hbm>>)
      } else {
      }
      %add3A_573 = arith.constant 0 : i32
      %add3A_574 = vector.broadcast %add3A_573 : i32 to vector<16xi32>
      %add3A_575 = arith.addi %add3A_574, %iota3A : vector<16xi32>
      %add3A_576 = arith.constant 16 : i32
      %add3A_577 = vector.broadcast %add3A_576 : i32 to vector<16xi32>
      %add3A_578 = arith.addi %add3A_577, %iota3A : vector<16xi32>
      %add3A_579 = arith.constant 32 : i32
      %add3A_580 = vector.broadcast %add3A_579 : i32 to vector<16xi32>
      %add3A_581 = arith.addi %add3A_580, %iota3A : vector<16xi32>
      %add3A_582 = arith.constant 48 : i32
      %add3A_583 = vector.broadcast %add3A_582 : i32 to vector<16xi32>
      %add3A_584 = arith.addi %add3A_583, %iota3A : vector<16xi32>
      %add3A_585 = arith.constant 64 : i32
      %add3A_586 = vector.broadcast %add3A_585 : i32 to vector<16xi32>
      %add3A_587 = arith.addi %add3A_586, %iota3A : vector<16xi32>
      %add3A_588 = arith.constant 80 : i32
      %add3A_589 = vector.broadcast %add3A_588 : i32 to vector<16xi32>
      %add3A_590 = arith.addi %add3A_589, %iota3A : vector<16xi32>
      %add3A_591 = arith.constant 96 : i32
      %add3A_592 = vector.broadcast %add3A_591 : i32 to vector<16xi32>
      %add3A_593 = arith.addi %add3A_592, %iota3A : vector<16xi32>
      %add3A_594 = arith.constant 112 : i32
      %add3A_595 = vector.broadcast %add3A_594 : i32 to vector<16xi32>
      %add3A_596 = arith.addi %add3A_595, %iota3A : vector<16xi32>
      %get3A_597 = arith.constant 0 : index
      %get3A_598 = tpu.vector_load %arg7[%get3A_597] {strides = array<i32>} : memref<512xi32, #tpu.memory_space<vmem>>, vector<16xi32>,
      %get3A_599 = arith.constant 16 : index
      %get3A_600 = tpu.vector_load %arg7[%get3A_599] {strides = array<i32>} : memref<512xi32, #tpu.memory_space<vmem>>, vector<16xi32>,
      %get3A_601 = arith.constant 32 : index
      %get3A_602 = tpu.vector_load %arg7[%get3A_601] {strides = array<i32>} : memref<512xi32, #tpu.memory_space<vmem>>, vector<16xi32>,
      %get3A_603 = arith.constant 48 : index
      %get3A_604 = tpu.vector_load %arg7[%get3A_603] {strides = array<i32>} : memref<512xi32, #tpu.memory_space<vmem>>, vector<16xi32>,
      %get3A_605 = arith.constant 64 : index
      %get3A_606 = tpu.vector_load %arg7[%get3A_605] {strides = array<i32>} : memref<512xi32, #tpu.memory_space<vmem>>, vector<16xi32>,
      %get3A_607 = arith.constant 80 : index
      %get3A_608 = tpu.vector_load %arg7[%get3A_607] {strides = array<i32>} : memref<512xi32, #tpu.memory_space<vmem>>, vector<16xi32>,
      %get3A_609 = arith.constant 96 : index
      %get3A_610 = tpu.vector_load %arg7[%get3A_609] {strides = array<i32>} : memref<512xi32, #tpu.memory_space<vmem>>, vector<16xi32>,
      %get3A_611 = arith.constant 112 : index
      %get3A_612 = tpu.vector_load %arg7[%get3A_611] {strides = array<i32>} : memref<512xi32, #tpu.memory_space<vmem>>, vector<16xi32>,
      %scan3A_613 = arith.constant 0 : i32
      %scan3A_614 = arith.constant 0 : i32
      %scan3A_615 = arith.constant 8 : i32
      %scan3A_616 = arith.addi %scan3A_614, %scan3A_615 : i32
      %scan3A_617 = arith.constant 1 : i32
      scf.for %scan3A_1054 = %scan3A_614 to %scan3A_616 step %scan3A_617  : i32 {
        %mul3A_1055 = arith.constant 4 : i32
        %mul3A_1056 = arith.muli %scan3A_1054, %mul3A_1055 : i32
        %add3A_1057 = vector.broadcast %mul3A_1056 : i32 to vector<16xi32>
        %add3A_1058 = arith.addi %get3A_598, %add3A_1057 : vector<16xi32>
        %add3A_1059 = arith.constant 0 : i32
        %add3A_1060 = vector.broadcast %add3A_1059 : i32 to vector<16xi32>
        %add3A_1061 = arith.addi %add3A_1058, %add3A_1060 : vector<16xi32>
        %gather3A = arith.constant 0 : i32
        %gather3A_1062 = arith.constant 0 : i32
        %gather3A_1063 = tpu.memref_slice %arg8[%gather3A, %gather3A_1062] : memref<512x128xf32, #tpu.memory_space<vmem>> -> memref<128x128xf32, #tpu.memory_space<vmem>>
        %gather3A_1064 = tpu.vector_load_idx %gather3A_1063[%add3A_575, %add3A_1061] : memref<128x128xf32, #tpu.memory_space<vmem>>[vector<16xi32>, vector<16xi32>], vector<16xf32>,
        %add3A_1065 = vector.broadcast %mul3A_1056 : i32 to vector<16xi32>
        %add3A_1066 = arith.addi %get3A_600, %add3A_1065 : vector<16xi32>
        %add3A_1067 = arith.constant 0 : i32
        %add3A_1068 = vector.broadcast %add3A_1067 : i32 to vector<16xi32>
        %add3A_1069 = arith.addi %add3A_1066, %add3A_1068 : vector<16xi32>
        %gather3A_1070 = arith.constant 0 : i32
        %gather3A_1071 = arith.constant 0 : i32
        %gather3A_1072 = tpu.memref_slice %arg8[%gather3A_1070, %gather3A_1071] : memref<512x128xf32, #tpu.memory_space<vmem>> -> memref<128x128xf32, #tpu.memory_space<vmem>>
        %gather3A_1073 = tpu.vector_load_idx %gather3A_1072[%add3A_578, %add3A_1069] : memref<128x128xf32, #tpu.memory_space<vmem>>[vector<16xi32>, vector<16xi32>], vector<16xf32>,
        %add3A_1074 = vector.broadcast %mul3A_1056 : i32 to vector<16xi32>
        %add3A_1075 = arith.addi %get3A_602, %add3A_1074 : vector<16xi32>
        %add3A_1076 = arith.constant 0 : i32
        %add3A_1077 = vector.broadcast %add3A_1076 : i32 to vector<16xi32>
        %add3A_1078 = arith.addi %add3A_1075, %add3A_1077 : vector<16xi32>
        %gather3A_1079 = arith.constant 0 : i32
        %gather3A_1080 = arith.constant 0 : i32
        %gather3A_1081 = tpu.memref_slice %arg8[%gather3A_1079, %gather3A_1080] : memref<512x128xf32, #tpu.memory_space<vmem>> -> memref<128x128xf32, #tpu.memory_space<vmem>>
        %gather3A_1082 = tpu.vector_load_idx %gather3A_1081[%add3A_581, %add3A_1078] : memref<128x128xf32, #tpu.memory_space<vmem>>[vector<16xi32>, vector<16xi32>], vector<16xf32>,
        %add3A_1083 = vector.broadcast %mul3A_1056 : i32 to vector<16xi32>
        %add3A_1084 = arith.addi %get3A_604, %add3A_1083 : vector<16xi32>
        %add3A_1085 = arith.constant 0 : i32
        %add3A_1086 = vector.broadcast %add3A_1085 : i32 to vector<16xi32>
        %add3A_1087 = arith.addi %add3A_1084, %add3A_1086 : vector<16xi32>
        %gather3A_1088 = arith.constant 0 : i32
        %gather3A_1089 = arith.constant 0 : i32
        %gather3A_1090 = tpu.memref_slice %arg8[%gather3A_1088, %gather3A_1089] : memref<512x128xf32, #tpu.memory_space<vmem>> -> memref<128x128xf32, #tpu.memory_space<vmem>>
        %gather3A_1091 = tpu.vector_load_idx %gather3A_1090[%add3A_584, %add3A_1087] : memref<128x128xf32, #tpu.memory_space<vmem>>[vector<16xi32>, vector<16xi32>], vector<16xf32>,
        %add3A_1092 = vector.broadcast %mul3A_1056 : i32 to vector<16xi32>
        %add3A_1093 = arith.addi %get3A_606, %add3A_1092 : vector<16xi32>
        %add3A_1094 = arith.constant 0 : i32
        %add3A_1095 = vector.broadcast %add3A_1094 : i32 to vector<16xi32>
        %add3A_1096 = arith.addi %add3A_1093, %add3A_1095 : vector<16xi32>
        %gather3A_1097 = arith.constant 0 : i32
        %gather3A_1098 = arith.constant 0 : i32
        %gather3A_1099 = tpu.memref_slice %arg8[%gather3A_1097, %gather3A_1098] : memref<512x128xf32, #tpu.memory_space<vmem>> -> memref<128x128xf32, #tpu.memory_space<vmem>>
        %gather3A_1100 = tpu.vector_load_idx %gather3A_1099[%add3A_587, %add3A_1096] : memref<128x128xf32, #tpu.memory_space<vmem>>[vector<16xi32>, vector<16xi32>], vector<16xf32>,
        %add3A_1101 = vector.broadcast %mul3A_1056 : i32 to vector<16xi32>
        %add3A_1102 = arith.addi %get3A_608, %add3A_1101 : vector<16xi32>
        %add3A_1103 = arith.constant 0 : i32
        %add3A_1104 = vector.broadcast %add3A_1103 : i32 to vector<16xi32>
        %add3A_1105 = arith.addi %add3A_1102, %add3A_1104 : vector<16xi32>
        %gather3A_1106 = arith.constant 0 : i32
        %gather3A_1107 = arith.constant 0 : i32
        %gather3A_1108 = tpu.memref_slice %arg8[%gather3A_1106, %gather3A_1107] : memref<512x128xf32, #tpu.memory_space<vmem>> -> memref<128x128xf32, #tpu.memory_space<vmem>>
        %gather3A_1109 = tpu.vector_load_idx %gather3A_1108[%add3A_590, %add3A_1105] : memref<128x128xf32, #tpu.memory_space<vmem>>[vector<16xi32>, vector<16xi32>], vector<16xf32>,
        %add3A_1110 = vector.broadcast %mul3A_1056 : i32 to vector<16xi32>
        %add3A_1111 = arith.addi %get3A_610, %add3A_1110 : vector<16xi32>
        %add3A_1112 = arith.constant 0 : i32
        %add3A_1113 = vector.broadcast %add3A_1112 : i32 to vector<16xi32>
        %add3A_1114 = arith.addi %add3A_1111, %add3A_1113 : vector<16xi32>
        %gather3A_1115 = arith.constant 0 : i32
        %gather3A_1116 = arith.constant 0 : i32
        %gather3A_1117 = tpu.memref_slice %arg8[%gather3A_1115, %gather3A_1116] : memref<512x128xf32, #tpu.memory_space<vmem>> -> memref<128x128xf32, #tpu.memory_space<vmem>>
        %gather3A_1118 = tpu.vector_load_idx %gather3A_1117[%add3A_593, %add3A_1114] : memref<128x128xf32, #tpu.memory_space<vmem>>[vector<16xi32>, vector<16xi32>], vector<16xf32>,
        %add3A_1119 = vector.broadcast %mul3A_1056 : i32 to vector<16xi32>
        %add3A_1120 = arith.addi %get3A_612, %add3A_1119 : vector<16xi32>
        %add3A_1121 = arith.constant 0 : i32
        %add3A_1122 = vector.broadcast %add3A_1121 : i32 to vector<16xi32>
        %add3A_1123 = arith.addi %add3A_1120, %add3A_1122 : vector<16xi32>
        %gather3A_1124 = arith.constant 0 : i32
        %gather3A_1125 = arith.constant 0 : i32
        %gather3A_1126 = tpu.memref_slice %arg8[%gather3A_1124, %gather3A_1125] : memref<512x128xf32, #tpu.memory_space<vmem>> -> memref<128x128xf32, #tpu.memory_space<vmem>>
        %gather3A_1127 = tpu.vector_load_idx %gather3A_1126[%add3A_596, %add3A_1123] : memref<128x128xf32, #tpu.memory_space<vmem>>[vector<16xi32>, vector<16xi32>], vector<16xf32>,
        %add3A_1128 = vector.broadcast %mul3A_1056 : i32 to vector<16xi32>
        %add3A_1129 = arith.addi %get3A_598, %add3A_1128 : vector<16xi32>
        %add3A_1130 = arith.constant 1 : i32
        %add3A_1131 = vector.broadcast %add3A_1130 : i32 to vector<16xi32>
        %add3A_1132 = arith.addi %add3A_1129, %add3A_1131 : vector<16xi32>
        %gather3A_1133 = arith.constant 0 : i32
        %gather3A_1134 = arith.constant 0 : i32
        %gather3A_1135 = tpu.memref_slice %arg8[%gather3A_1133, %gather3A_1134] : memref<512x128xf32, #tpu.memory_space<vmem>> -> memref<128x128xf32, #tpu.memory_space<vmem>>
        %gather3A_1136 = tpu.vector_load_idx %gather3A_1135[%add3A_575, %add3A_1132] : memref<128x128xf32, #tpu.memory_space<vmem>>[vector<16xi32>, vector<16xi32>], vector<16xf32>,
        %add3A_1137 = vector.broadcast %mul3A_1056 : i32 to vector<16xi32>
        %add3A_1138 = arith.addi %get3A_600, %add3A_1137 : vector<16xi32>
        %add3A_1139 = arith.constant 1 : i32
        %add3A_1140 = vector.broadcast %add3A_1139 : i32 to vector<16xi32>
        %add3A_1141 = arith.addi %add3A_1138, %add3A_1140 : vector<16xi32>
        %gather3A_1142 = arith.constant 0 : i32
        %gather3A_1143 = arith.constant 0 : i32
        %gather3A_1144 = tpu.memref_slice %arg8[%gather3A_1142, %gather3A_1143] : memref<512x128xf32, #tpu.memory_space<vmem>> -> memref<128x128xf32, #tpu.memory_space<vmem>>
        %gather3A_1145 = tpu.vector_load_idx %gather3A_1144[%add3A_578, %add3A_1141] : memref<128x128xf32, #tpu.memory_space<vmem>>[vector<16xi32>, vector<16xi32>], vector<16xf32>,
        %add3A_1146 = vector.broadcast %mul3A_1056 : i32 to vector<16xi32>
        %add3A_1147 = arith.addi %get3A_602, %add3A_1146 : vector<16xi32>
        %add3A_1148 = arith.constant 1 : i32
        %add3A_1149 = vector.broadcast %add3A_1148 : i32 to vector<16xi32>
        %add3A_1150 = arith.addi %add3A_1147, %add3A_1149 : vector<16xi32>
        %gather3A_1151 = arith.constant 0 : i32
        %gather3A_1152 = arith.constant 0 : i32
        %gather3A_1153 = tpu.memref_slice %arg8[%gather3A_1151, %gather3A_1152] : memref<512x128xf32, #tpu.memory_space<vmem>> -> memref<128x128xf32, #tpu.memory_space<vmem>>
        %gather3A_1154 = tpu.vector_load_idx %gather3A_1153[%add3A_581, %add3A_1150] : memref<128x128xf32, #tpu.memory_space<vmem>>[vector<16xi32>, vector<16xi32>], vector<16xf32>,
        %add3A_1155 = vector.broadcast %mul3A_1056 : i32 to vector<16xi32>
        %add3A_1156 = arith.addi %get3A_604, %add3A_1155 : vector<16xi32>
        %add3A_1157 = arith.constant 1 : i32
        %add3A_1158 = vector.broadcast %add3A_1157 : i32 to vector<16xi32>
        %add3A_1159 = arith.addi %add3A_1156, %add3A_1158 : vector<16xi32>
        %gather3A_1160 = arith.constant 0 : i32
        %gather3A_1161 = arith.constant 0 : i32
        %gather3A_1162 = tpu.memref_slice %arg8[%gather3A_1160, %gather3A_1161] : memref<512x128xf32, #tpu.memory_space<vmem>> -> memref<128x128xf32, #tpu.memory_space<vmem>>
        %gather3A_1163 = tpu.vector_load_idx %gather3A_1162[%add3A_584, %add3A_1159] : memref<128x128xf32, #tpu.memory_space<vmem>>[vector<16xi32>, vector<16xi32>], vector<16xf32>,
        %add3A_1164 = vector.broadcast %mul3A_1056 : i32 to vector<16xi32>
        %add3A_1165 = arith.addi %get3A_606, %add3A_1164 : vector<16xi32>
        %add3A_1166 = arith.constant 1 : i32
        %add3A_1167 = vector.broadcast %add3A_1166 : i32 to vector<16xi32>
        %add3A_1168 = arith.addi %add3A_1165, %add3A_1167 : vector<16xi32>
        %gather3A_1169 = arith.constant 0 : i32
        %gather3A_1170 = arith.constant 0 : i32
        %gather3A_1171 = tpu.memref_slice %arg8[%gather3A_1169, %gather3A_1170] : memref<512x128xf32, #tpu.memory_space<vmem>> -> memref<128x128xf32, #tpu.memory_space<vmem>>
        %gather3A_1172 = tpu.vector_load_idx %gather3A_1171[%add3A_587, %add3A_1168] : memref<128x128xf32, #tpu.memory_space<vmem>>[vector<16xi32>, vector<16xi32>], vector<16xf32>,
        %add3A_1173 = vector.broadcast %mul3A_1056 : i32 to vector<16xi32>
        %add3A_1174 = arith.addi %get3A_608, %add3A_1173 : vector<16xi32>
        %add3A_1175 = arith.constant 1 : i32
        %add3A_1176 = vector.broadcast %add3A_1175 : i32 to vector<16xi32>
        %add3A_1177 = arith.addi %add3A_1174, %add3A_1176 : vector<16xi32>
        %gather3A_1178 = arith.constant 0 : i32
        %gather3A_1179 = arith.constant 0 : i32
        %gather3A_1180 = tpu.memref_slice %arg8[%gather3A_1178, %gather3A_1179] : memref<512x128xf32, #tpu.memory_space<vmem>> -> memref<128x128xf32, #tpu.memory_space<vmem>>
        %gather3A_1181 = tpu.vector_load_idx %gather3A_1180[%add3A_590, %add3A_1177] : memref<128x128xf32, #tpu.memory_space<vmem>>[vector<16xi32>, vector<16xi32>], vector<16xf32>,
        %add3A_1182 = vector.broadcast %mul3A_1056 : i32 to vector<16xi32>
        %add3A_1183 = arith.addi %get3A_610, %add3A_1182 : vector<16xi32>
        %add3A_1184 = arith.constant 1 : i32
        %add3A_1185 = vector.broadcast %add3A_1184 : i32 to vector<16xi32>
        %add3A_1186 = arith.addi %add3A_1183, %add3A_1185 : vector<16xi32>
        %gather3A_1187 = arith.constant 0 : i32
        %gather3A_1188 = arith.constant 0 : i32
        %gather3A_1189 = tpu.memref_slice %arg8[%gather3A_1187, %gather3A_1188] : memref<512x128xf32, #tpu.memory_space<vmem>> -> memref<128x128xf32, #tpu.memory_space<vmem>>
        %gather3A_1190 = tpu.vector_load_idx %gather3A_1189[%add3A_593, %add3A_1186] : memref<128x128xf32, #tpu.memory_space<vmem>>[vector<16xi32>, vector<16xi32>], vector<16xf32>,
        %add3A_1191 = vector.broadcast %mul3A_1056 : i32 to vector<16xi32>
        %add3A_1192 = arith.addi %get3A_612, %add3A_1191 : vector<16xi32>
        %add3A_1193 = arith.constant 1 : i32
        %add3A_1194 = vector.broadcast %add3A_1193 : i32 to vector<16xi32>
        %add3A_1195 = arith.addi %add3A_1192, %add3A_1194 : vector<16xi32>
        %gather3A_1196 = arith.constant 0 : i32
        %gather3A_1197 = arith.constant 0 : i32
        %gather3A_1198 = tpu.memref_slice %arg8[%gather3A_1196, %gather3A_1197] : memref<512x128xf32, #tpu.memory_space<vmem>> -> memref<128x128xf32, #tpu.memory_space<vmem>>
        %gather3A_1199 = tpu.vector_load_idx %gather3A_1198[%add3A_596, %add3A_1195] : memref<128x128xf32, #tpu.memory_space<vmem>>[vector<16xi32>, vector<16xi32>], vector<16xf32>,
        %add3A_1200 = vector.broadcast %mul3A_1056 : i32 to vector<16xi32>
        %add3A_1201 = arith.addi %get3A_598, %add3A_1200 : vector<16xi32>
        %add3A_1202 = arith.constant 2 : i32
        %add3A_1203 = vector.broadcast %add3A_1202 : i32 to vector<16xi32>
        %add3A_1204 = arith.addi %add3A_1201, %add3A_1203 : vector<16xi32>
        %gather3A_1205 = arith.constant 0 : i32
        %gather3A_1206 = arith.constant 0 : i32
        %gather3A_1207 = tpu.memref_slice %arg8[%gather3A_1205, %gather3A_1206] : memref<512x128xf32, #tpu.memory_space<vmem>> -> memref<128x128xf32, #tpu.memory_space<vmem>>
        %gather3A_1208 = tpu.vector_load_idx %gather3A_1207[%add3A_575, %add3A_1204] : memref<128x128xf32, #tpu.memory_space<vmem>>[vector<16xi32>, vector<16xi32>], vector<16xf32>,
        %add3A_1209 = vector.broadcast %mul3A_1056 : i32 to vector<16xi32>
        %add3A_1210 = arith.addi %get3A_600, %add3A_1209 : vector<16xi32>
        %add3A_1211 = arith.constant 2 : i32
        %add3A_1212 = vector.broadcast %add3A_1211 : i32 to vector<16xi32>
        %add3A_1213 = arith.addi %add3A_1210, %add3A_1212 : vector<16xi32>
        %gather3A_1214 = arith.constant 0 : i32
        %gather3A_1215 = arith.constant 0 : i32
        %gather3A_1216 = tpu.memref_slice %arg8[%gather3A_1214, %gather3A_1215] : memref<512x128xf32, #tpu.memory_space<vmem>> -> memref<128x128xf32, #tpu.memory_space<vmem>>
        %gather3A_1217 = tpu.vector_load_idx %gather3A_1216[%add3A_578, %add3A_1213] : memref<128x128xf32, #tpu.memory_space<vmem>>[vector<16xi32>, vector<16xi32>], vector<16xf32>,
        %add3A_1218 = vector.broadcast %mul3A_1056 : i32 to vector<16xi32>
        %add3A_1219 = arith.addi %get3A_602, %add3A_1218 : vector<16xi32>
        %add3A_1220 = arith.constant 2 : i32
        %add3A_1221 = vector.broadcast %add3A_1220 : i32 to vector<16xi32>
        %add3A_1222 = arith.addi %add3A_1219, %add3A_1221 : vector<16xi32>
        %gather3A_1223 = arith.constant 0 : i32
        %gather3A_1224 = arith.constant 0 : i32
        %gather3A_1225 = tpu.memref_slice %arg8[%gather3A_1223, %gather3A_1224] : memref<512x128xf32, #tpu.memory_space<vmem>> -> memref<128x128xf32, #tpu.memory_space<vmem>>
        %gather3A_1226 = tpu.vector_load_idx %gather3A_1225[%add3A_581, %add3A_1222] : memref<128x128xf32, #tpu.memory_space<vmem>>[vector<16xi32>, vector<16xi32>], vector<16xf32>,
        %add3A_1227 = vector.broadcast %mul3A_1056 : i32 to vector<16xi32>
        %add3A_1228 = arith.addi %get3A_604, %add3A_1227 : vector<16xi32>
        %add3A_1229 = arith.constant 2 : i32
        %add3A_1230 = vector.broadcast %add3A_1229 : i32 to vector<16xi32>
        %add3A_1231 = arith.addi %add3A_1228, %add3A_1230 : vector<16xi32>
        %gather3A_1232 = arith.constant 0 : i32
        %gather3A_1233 = arith.constant 0 : i32
        %gather3A_1234 = tpu.memref_slice %arg8[%gather3A_1232, %gather3A_1233] : memref<512x128xf32, #tpu.memory_space<vmem>> -> memref<128x128xf32, #tpu.memory_space<vmem>>
        %gather3A_1235 = tpu.vector_load_idx %gather3A_1234[%add3A_584, %add3A_1231] : memref<128x128xf32, #tpu.memory_space<vmem>>[vector<16xi32>, vector<16xi32>], vector<16xf32>,
        %add3A_1236 = vector.broadcast %mul3A_1056 : i32 to vector<16xi32>
        %add3A_1237 = arith.addi %get3A_606, %add3A_1236 : vector<16xi32>
        %add3A_1238 = arith.constant 2 : i32
        %add3A_1239 = vector.broadcast %add3A_1238 : i32 to vector<16xi32>
        %add3A_1240 = arith.addi %add3A_1237, %add3A_1239 : vector<16xi32>
        %gather3A_1241 = arith.constant 0 : i32
        %gather3A_1242 = arith.constant 0 : i32
        %gather3A_1243 = tpu.memref_slice %arg8[%gather3A_1241, %gather3A_1242] : memref<512x128xf32, #tpu.memory_space<vmem>> -> memref<128x128xf32, #tpu.memory_space<vmem>>
        %gather3A_1244 = tpu.vector_load_idx %gather3A_1243[%add3A_587, %add3A_1240] : memref<128x128xf32, #tpu.memory_space<vmem>>[vector<16xi32>, vector<16xi32>], vector<16xf32>,
        %add3A_1245 = vector.broadcast %mul3A_1056 : i32 to vector<16xi32>
        %add3A_1246 = arith.addi %get3A_608, %add3A_1245 : vector<16xi32>
        %add3A_1247 = arith.constant 2 : i32
        %add3A_1248 = vector.broadcast %add3A_1247 : i32 to vector<16xi32>
        %add3A_1249 = arith.addi %add3A_1246, %add3A_1248 : vector<16xi32>
        %gather3A_1250 = arith.constant 0 : i32
        %gather3A_1251 = arith.constant 0 : i32
        %gather3A_1252 = tpu.memref_slice %arg8[%gather3A_1250, %gather3A_1251] : memref<512x128xf32, #tpu.memory_space<vmem>> -> memref<128x128xf32, #tpu.memory_space<vmem>>
        %gather3A_1253 = tpu.vector_load_idx %gather3A_1252[%add3A_590, %add3A_1249] : memref<128x128xf32, #tpu.memory_space<vmem>>[vector<16xi32>, vector<16xi32>], vector<16xf32>,
        %add3A_1254 = vector.broadcast %mul3A_1056 : i32 to vector<16xi32>
        %add3A_1255 = arith.addi %get3A_610, %add3A_1254 : vector<16xi32>
        %add3A_1256 = arith.constant 2 : i32
        %add3A_1257 = vector.broadcast %add3A_1256 : i32 to vector<16xi32>
        %add3A_1258 = arith.addi %add3A_1255, %add3A_1257 : vector<16xi32>
        %gather3A_1259 = arith.constant 0 : i32
        %gather3A_1260 = arith.constant 0 : i32
        %gather3A_1261 = tpu.memref_slice %arg8[%gather3A_1259, %gather3A_1260] : memref<512x128xf32, #tpu.memory_space<vmem>> -> memref<128x128xf32, #tpu.memory_space<vmem>>
        %gather3A_1262 = tpu.vector_load_idx %gather3A_1261[%add3A_593, %add3A_1258] : memref<128x128xf32, #tpu.memory_space<vmem>>[vector<16xi32>, vector<16xi32>], vector<16xf32>,
        %add3A_1263 = vector.broadcast %mul3A_1056 : i32 to vector<16xi32>
        %add3A_1264 = arith.addi %get3A_612, %add3A_1263 : vector<16xi32>
        %add3A_1265 = arith.constant 2 : i32
        %add3A_1266 = vector.broadcast %add3A_1265 : i32 to vector<16xi32>
        %add3A_1267 = arith.addi %add3A_1264, %add3A_1266 : vector<16xi32>
        %gather3A_1268 = arith.constant 0 : i32
        %gather3A_1269 = arith.constant 0 : i32
        %gather3A_1270 = tpu.memref_slice %arg8[%gather3A_1268, %gather3A_1269] : memref<512x128xf32, #tpu.memory_space<vmem>> -> memref<128x128xf32, #tpu.memory_space<vmem>>
        %gather3A_1271 = tpu.vector_load_idx %gather3A_1270[%add3A_596, %add3A_1267] : memref<128x128xf32, #tpu.memory_space<vmem>>[vector<16xi32>, vector<16xi32>], vector<16xf32>,
        %add3A_1272 = vector.broadcast %mul3A_1056 : i32 to vector<16xi32>
        %add3A_1273 = arith.addi %get3A_598, %add3A_1272 : vector<16xi32>
        %add3A_1274 = arith.constant 3 : i32
        %add3A_1275 = vector.broadcast %add3A_1274 : i32 to vector<16xi32>
        %add3A_1276 = arith.addi %add3A_1273, %add3A_1275 : vector<16xi32>
        %gather3A_1277 = arith.constant 0 : i32
        %gather3A_1278 = arith.constant 0 : i32
        %gather3A_1279 = tpu.memref_slice %arg8[%gather3A_1277, %gather3A_1278] : memref<512x128xf32, #tpu.memory_space<vmem>> -> memref<128x128xf32, #tpu.memory_space<vmem>>
        %gather3A_1280 = tpu.vector_load_idx %gather3A_1279[%add3A_575, %add3A_1276] : memref<128x128xf32, #tpu.memory_space<vmem>>[vector<16xi32>, vector<16xi32>], vector<16xf32>,
        %add3A_1281 = vector.broadcast %mul3A_1056 : i32 to vector<16xi32>
        %add3A_1282 = arith.addi %get3A_600, %add3A_1281 : vector<16xi32>
        %add3A_1283 = arith.constant 3 : i32
        %add3A_1284 = vector.broadcast %add3A_1283 : i32 to vector<16xi32>
        %add3A_1285 = arith.addi %add3A_1282, %add3A_1284 : vector<16xi32>
        %gather3A_1286 = arith.constant 0 : i32
        %gather3A_1287 = arith.constant 0 : i32
        %gather3A_1288 = tpu.memref_slice %arg8[%gather3A_1286, %gather3A_1287] : memref<512x128xf32, #tpu.memory_space<vmem>> -> memref<128x128xf32, #tpu.memory_space<vmem>>
        %gather3A_1289 = tpu.vector_load_idx %gather3A_1288[%add3A_578, %add3A_1285] : memref<128x128xf32, #tpu.memory_space<vmem>>[vector<16xi32>, vector<16xi32>], vector<16xf32>,
        %add3A_1290 = vector.broadcast %mul3A_1056 : i32 to vector<16xi32>
        %add3A_1291 = arith.addi %get3A_602, %add3A_1290 : vector<16xi32>
        %add3A_1292 = arith.constant 3 : i32
        %add3A_1293 = vector.broadcast %add3A_1292 : i32 to vector<16xi32>
        %add3A_1294 = arith.addi %add3A_1291, %add3A_1293 : vector<16xi32>
        %gather3A_1295 = arith.constant 0 : i32
        %gather3A_1296 = arith.constant 0 : i32
        %gather3A_1297 = tpu.memref_slice %arg8[%gather3A_1295, %gather3A_1296] : memref<512x128xf32, #tpu.memory_space<vmem>> -> memref<128x128xf32, #tpu.memory_space<vmem>>
        %gather3A_1298 = tpu.vector_load_idx %gather3A_1297[%add3A_581, %add3A_1294] : memref<128x128xf32, #tpu.memory_space<vmem>>[vector<16xi32>, vector<16xi32>], vector<16xf32>,
        %add3A_1299 = vector.broadcast %mul3A_1056 : i32 to vector<16xi32>
        %add3A_1300 = arith.addi %get3A_604, %add3A_1299 : vector<16xi32>
        %add3A_1301 = arith.constant 3 : i32
        %add3A_1302 = vector.broadcast %add3A_1301 : i32 to vector<16xi32>
        %add3A_1303 = arith.addi %add3A_1300, %add3A_1302 : vector<16xi32>
        %gather3A_1304 = arith.constant 0 : i32
        %gather3A_1305 = arith.constant 0 : i32
        %gather3A_1306 = tpu.memref_slice %arg8[%gather3A_1304, %gather3A_1305] : memref<512x128xf32, #tpu.memory_space<vmem>> -> memref<128x128xf32, #tpu.memory_space<vmem>>
        %gather3A_1307 = tpu.vector_load_idx %gather3A_1306[%add3A_584, %add3A_1303] : memref<128x128xf32, #tpu.memory_space<vmem>>[vector<16xi32>, vector<16xi32>], vector<16xf32>,
        %add3A_1308 = vector.broadcast %mul3A_1056 : i32 to vector<16xi32>
        %add3A_1309 = arith.addi %get3A_606, %add3A_1308 : vector<16xi32>
        %add3A_1310 = arith.constant 3 : i32
        %add3A_1311 = vector.broadcast %add3A_1310 : i32 to vector<16xi32>
        %add3A_1312 = arith.addi %add3A_1309, %add3A_1311 : vector<16xi32>
        %gather3A_1313 = arith.constant 0 : i32
        %gather3A_1314 = arith.constant 0 : i32
        %gather3A_1315 = tpu.memref_slice %arg8[%gather3A_1313, %gather3A_1314] : memref<512x128xf32, #tpu.memory_space<vmem>> -> memref<128x128xf32, #tpu.memory_space<vmem>>
        %gather3A_1316 = tpu.vector_load_idx %gather3A_1315[%add3A_587, %add3A_1312] : memref<128x128xf32, #tpu.memory_space<vmem>>[vector<16xi32>, vector<16xi32>], vector<16xf32>,
        %add3A_1317 = vector.broadcast %mul3A_1056 : i32 to vector<16xi32>
        %add3A_1318 = arith.addi %get3A_608, %add3A_1317 : vector<16xi32>
        %add3A_1319 = arith.constant 3 : i32
        %add3A_1320 = vector.broadcast %add3A_1319 : i32 to vector<16xi32>
        %add3A_1321 = arith.addi %add3A_1318, %add3A_1320 : vector<16xi32>
        %gather3A_1322 = arith.constant 0 : i32
        %gather3A_1323 = arith.constant 0 : i32
        %gather3A_1324 = tpu.memref_slice %arg8[%gather3A_1322, %gather3A_1323] : memref<512x128xf32, #tpu.memory_space<vmem>> -> memref<128x128xf32, #tpu.memory_space<vmem>>
        %gather3A_1325 = tpu.vector_load_idx %gather3A_1324[%add3A_590, %add3A_1321] : memref<128x128xf32, #tpu.memory_space<vmem>>[vector<16xi32>, vector<16xi32>], vector<16xf32>,
        %add3A_1326 = vector.broadcast %mul3A_1056 : i32 to vector<16xi32>
        %add3A_1327 = arith.addi %get3A_610, %add3A_1326 : vector<16xi32>
        %add3A_1328 = arith.constant 3 : i32
        %add3A_1329 = vector.broadcast %add3A_1328 : i32 to vector<16xi32>
        %add3A_1330 = arith.addi %add3A_1327, %add3A_1329 : vector<16xi32>
        %gather3A_1331 = arith.constant 0 : i32
        %gather3A_1332 = arith.constant 0 : i32
        %gather3A_1333 = tpu.memref_slice %arg8[%gather3A_1331, %gather3A_1332] : memref<512x128xf32, #tpu.memory_space<vmem>> -> memref<128x128xf32, #tpu.memory_space<vmem>>
        %gather3A_1334 = tpu.vector_load_idx %gather3A_1333[%add3A_593, %add3A_1330] : memref<128x128xf32, #tpu.memory_space<vmem>>[vector<16xi32>, vector<16xi32>], vector<16xf32>,
        %add3A_1335 = vector.broadcast %mul3A_1056 : i32 to vector<16xi32>
        %add3A_1336 = arith.addi %get3A_612, %add3A_1335 : vector<16xi32>
        %add3A_1337 = arith.constant 3 : i32
        %add3A_1338 = vector.broadcast %add3A_1337 : i32 to vector<16xi32>
        %add3A_1339 = arith.addi %add3A_1336, %add3A_1338 : vector<16xi32>
        %gather3A_1340 = arith.constant 0 : i32
        %gather3A_1341 = arith.constant 0 : i32
        %gather3A_1342 = tpu.memref_slice %arg8[%gather3A_1340, %gather3A_1341] : memref<512x128xf32, #tpu.memory_space<vmem>> -> memref<128x128xf32, #tpu.memory_space<vmem>>
        %gather3A_1343 = tpu.vector_load_idx %gather3A_1342[%add3A_596, %add3A_1339] : memref<128x128xf32, #tpu.memory_space<vmem>>[vector<16xi32>, vector<16xi32>], vector<16xf32>,
        %add3A_1344 = arith.constant 0 : i32
        %add3A_1345 = arith.addi %add3A_1344, %mul3A_1056 : i32
        %add3A_1346 = arith.constant 0 : i32
        %add3A_1347 = arith.addi %add3A_1345, %add3A_1346 : i32
        %swap3A_1348 = arith.index_cast %add3A_1347 : i32 to index
        %swap3A_1349 = arith.constant 0 : index
        %swap3A_1350 = tpu.vector_load %arg9[%swap3A_1348, %swap3A_1349] {strides = array<i32>} : memref<128x128xf32, #tpu.memory_space<vmem>>, vector<16xf32>,
        tpu.vector_store %arg9[%swap3A_1348, %swap3A_1349], %gather3A_1064 {strides = array<i32>} : memref<128x128xf32, #tpu.memory_space<vmem>>, vector<16xf32>,
        %add3A_1351 = arith.constant 0 : i32
        %add3A_1352 = arith.addi %add3A_1351, %mul3A_1056 : i32
        %add3A_1353 = arith.constant 0 : i32
        %add3A_1354 = arith.addi %add3A_1352, %add3A_1353 : i32
        %swap3A_1355 = arith.index_cast %add3A_1354 : i32 to index
        %swap3A_1356 = arith.constant 16 : index
        %swap3A_1357 = tpu.vector_load %arg9[%swap3A_1355, %swap3A_1356] {strides = array<i32>} : memref<128x128xf32, #tpu.memory_space<vmem>>, vector<16xf32>,
        tpu.vector_store %arg9[%swap3A_1355, %swap3A_1356], %gather3A_1073 {strides = array<i32>} : memref<128x128xf32, #tpu.memory_space<vmem>>, vector<16xf32>,
        %add3A_1358 = arith.constant 0 : i32
        %add3A_1359 = arith.addi %add3A_1358, %mul3A_1056 : i32
        %add3A_1360 = arith.constant 0 : i32
        %add3A_1361 = arith.addi %add3A_1359, %add3A_1360 : i32
        %swap3A_1362 = arith.index_cast %add3A_1361 : i32 to index
        %swap3A_1363 = arith.constant 32 : index
        %swap3A_1364 = tpu.vector_load %arg9[%swap3A_1362, %swap3A_1363] {strides = array<i32>} : memref<128x128xf32, #tpu.memory_space<vmem>>, vector<16xf32>,
        tpu.vector_store %arg9[%swap3A_1362, %swap3A_1363], %gather3A_1082 {strides = array<i32>} : memref<128x128xf32, #tpu.memory_space<vmem>>, vector<16xf32>,
        %add3A_1365 = arith.constant 0 : i32
        %add3A_1366 = arith.addi %add3A_1365, %mul3A_1056 : i32
        %add3A_1367 = arith.constant 0 : i32
        %add3A_1368 = arith.addi %add3A_1366, %add3A_1367 : i32
        %swap3A_1369 = arith.index_cast %add3A_1368 : i32 to index
        %swap3A_1370 = arith.constant 48 : index
        %swap3A_1371 = tpu.vector_load %arg9[%swap3A_1369, %swap3A_1370] {strides = array<i32>} : memref<128x128xf32, #tpu.memory_space<vmem>>, vector<16xf32>,
        tpu.vector_store %arg9[%swap3A_1369, %swap3A_1370], %gather3A_1091 {strides = array<i32>} : memref<128x128xf32, #tpu.memory_space<vmem>>, vector<16xf32>,
        %add3A_1372 = arith.constant 0 : i32
        %add3A_1373 = arith.addi %add3A_1372, %mul3A_1056 : i32
        %add3A_1374 = arith.constant 0 : i32
        %add3A_1375 = arith.addi %add3A_1373, %add3A_1374 : i32
        %swap3A_1376 = arith.index_cast %add3A_1375 : i32 to index
        %swap3A_1377 = arith.constant 64 : index
        %swap3A_1378 = tpu.vector_load %arg9[%swap3A_1376, %swap3A_1377] {strides = array<i32>} : memref<128x128xf32, #tpu.memory_space<vmem>>, vector<16xf32>,
        tpu.vector_store %arg9[%swap3A_1376, %swap3A_1377], %gather3A_1100 {strides = array<i32>} : memref<128x128xf32, #tpu.memory_space<vmem>>, vector<16xf32>,
        %add3A_1379 = arith.constant 0 : i32
        %add3A_1380 = arith.addi %add3A_1379, %mul3A_1056 : i32
        %add3A_1381 = arith.constant 0 : i32
        %add3A_1382 = arith.addi %add3A_1380, %add3A_1381 : i32
        %swap3A_1383 = arith.index_cast %add3A_1382 : i32 to index
        %swap3A_1384 = arith.constant 80 : index
        %swap3A_1385 = tpu.vector_load %arg9[%swap3A_1383, %swap3A_1384] {strides = array<i32>} : memref<128x128xf32, #tpu.memory_space<vmem>>, vector<16xf32>,
        tpu.vector_store %arg9[%swap3A_1383, %swap3A_1384], %gather3A_1109 {strides = array<i32>} : memref<128x128xf32, #tpu.memory_space<vmem>>, vector<16xf32>,
        %add3A_1386 = arith.constant 0 : i32
        %add3A_1387 = arith.addi %add3A_1386, %mul3A_1056 : i32
        %add3A_1388 = arith.constant 0 : i32
        %add3A_1389 = arith.addi %add3A_1387, %add3A_1388 : i32
        %swap3A_1390 = arith.index_cast %add3A_1389 : i32 to index
        %swap3A_1391 = arith.constant 96 : index
        %swap3A_1392 = tpu.vector_load %arg9[%swap3A_1390, %swap3A_1391] {strides = array<i32>} : memref<128x128xf32, #tpu.memory_space<vmem>>, vector<16xf32>,
        tpu.vector_store %arg9[%swap3A_1390, %swap3A_1391], %gather3A_1118 {strides = array<i32>} : memref<128x128xf32, #tpu.memory_space<vmem>>, vector<16xf32>,
        %add3A_1393 = arith.constant 0 : i32
        %add3A_1394 = arith.addi %add3A_1393, %mul3A_1056 : i32
        %add3A_1395 = arith.constant 0 : i32
        %add3A_1396 = arith.addi %add3A_1394, %add3A_1395 : i32
        %swap3A_1397 = arith.index_cast %add3A_1396 : i32 to index
        %swap3A_1398 = arith.constant 112 : index
        %swap3A_1399 = tpu.vector_load %arg9[%swap3A_1397, %swap3A_1398] {strides = array<i32>} : memref<128x128xf32, #tpu.memory_space<vmem>>, vector<16xf32>,
        tpu.vector_store %arg9[%swap3A_1397, %swap3A_1398], %gather3A_1127 {strides = array<i32>} : memref<128x128xf32, #tpu.memory_space<vmem>>, vector<16xf32>,
        %add3A_1400 = arith.constant 0 : i32
        %add3A_1401 = arith.addi %add3A_1400, %mul3A_1056 : i32
        %add3A_1402 = arith.constant 1 : i32
        %add3A_1403 = arith.addi %add3A_1401, %add3A_1402 : i32
        %swap3A_1404 = arith.index_cast %add3A_1403 : i32 to index
        %swap3A_1405 = arith.constant 0 : index
        %swap3A_1406 = tpu.vector_load %arg9[%swap3A_1404, %swap3A_1405] {strides = array<i32>} : memref<128x128xf32, #tpu.memory_space<vmem>>, vector<16xf32>,
        tpu.vector_store %arg9[%swap3A_1404, %swap3A_1405], %gather3A_1136 {strides = array<i32>} : memref<128x128xf32, #tpu.memory_space<vmem>>, vector<16xf32>,
        %add3A_1407 = arith.constant 0 : i32
        %add3A_1408 = arith.addi %add3A_1407, %mul3A_1056 : i32
        %add3A_1409 = arith.constant 1 : i32
        %add3A_1410 = arith.addi %add3A_1408, %add3A_1409 : i32
        %swap3A_1411 = arith.index_cast %add3A_1410 : i32 to index
        %swap3A_1412 = arith.constant 16 : index
        %swap3A_1413 = tpu.vector_load %arg9[%swap3A_1411, %swap3A_1412] {strides = array<i32>} : memref<128x128xf32, #tpu.memory_space<vmem>>, vector<16xf32>,
        tpu.vector_store %arg9[%swap3A_1411, %swap3A_1412], %gather3A_1145 {strides = array<i32>} : memref<128x128xf32, #tpu.memory_space<vmem>>, vector<16xf32>,
        %add3A_1414 = arith.constant 0 : i32
        %add3A_1415 = arith.addi %add3A_1414, %mul3A_1056 : i32
        %add3A_1416 = arith.constant 1 : i32
        %add3A_1417 = arith.addi %add3A_1415, %add3A_1416 : i32
        %swap3A_1418 = arith.index_cast %add3A_1417 : i32 to index
        %swap3A_1419 = arith.constant 32 : index
        %swap3A_1420 = tpu.vector_load %arg9[%swap3A_1418, %swap3A_1419] {strides = array<i32>} : memref<128x128xf32, #tpu.memory_space<vmem>>, vector<16xf32>,
        tpu.vector_store %arg9[%swap3A_1418, %swap3A_1419], %gather3A_1154 {strides = array<i32>} : memref<128x128xf32, #tpu.memory_space<vmem>>, vector<16xf32>,
        %add3A_1421 = arith.constant 0 : i32
        %add3A_1422 = arith.addi %add3A_1421, %mul3A_1056 : i32
        %add3A_1423 = arith.constant 1 : i32
        %add3A_1424 = arith.addi %add3A_1422, %add3A_1423 : i32
        %swap3A_1425 = arith.index_cast %add3A_1424 : i32 to index
        %swap3A_1426 = arith.constant 48 : index
        %swap3A_1427 = tpu.vector_load %arg9[%swap3A_1425, %swap3A_1426] {strides = array<i32>} : memref<128x128xf32, #tpu.memory_space<vmem>>, vector<16xf32>,
        tpu.vector_store %arg9[%swap3A_1425, %swap3A_1426], %gather3A_1163 {strides = array<i32>} : memref<128x128xf32, #tpu.memory_space<vmem>>, vector<16xf32>,
        %add3A_1428 = arith.constant 0 : i32
        %add3A_1429 = arith.addi %add3A_1428, %mul3A_1056 : i32
        %add3A_1430 = arith.constant 1 : i32
        %add3A_1431 = arith.addi %add3A_1429, %add3A_1430 : i32
        %swap3A_1432 = arith.index_cast %add3A_1431 : i32 to index
        %swap3A_1433 = arith.constant 64 : index
        %swap3A_1434 = tpu.vector_load %arg9[%swap3A_1432, %swap3A_1433] {strides = array<i32>} : memref<128x128xf32, #tpu.memory_space<vmem>>, vector<16xf32>,
        tpu.vector_store %arg9[%swap3A_1432, %swap3A_1433], %gather3A_1172 {strides = array<i32>} : memref<128x128xf32, #tpu.memory_space<vmem>>, vector<16xf32>,
        %add3A_1435 = arith.constant 0 : i32
        %add3A_1436 = arith.addi %add3A_1435, %mul3A_1056 : i32
        %add3A_1437 = arith.constant 1 : i32
        %add3A_1438 = arith.addi %add3A_1436, %add3A_1437 : i32
        %swap3A_1439 = arith.index_cast %add3A_1438 : i32 to index
        %swap3A_1440 = arith.constant 80 : index
        %swap3A_1441 = tpu.vector_load %arg9[%swap3A_1439, %swap3A_1440] {strides = array<i32>} : memref<128x128xf32, #tpu.memory_space<vmem>>, vector<16xf32>,
        tpu.vector_store %arg9[%swap3A_1439, %swap3A_1440], %gather3A_1181 {strides = array<i32>} : memref<128x128xf32, #tpu.memory_space<vmem>>, vector<16xf32>,
        %add3A_1442 = arith.constant 0 : i32
        %add3A_1443 = arith.addi %add3A_1442, %mul3A_1056 : i32
        %add3A_1444 = arith.constant 1 : i32
        %add3A_1445 = arith.addi %add3A_1443, %add3A_1444 : i32
        %swap3A_1446 = arith.index_cast %add3A_1445 : i32 to index
        %swap3A_1447 = arith.constant 96 : index
        %swap3A_1448 = tpu.vector_load %arg9[%swap3A_1446, %swap3A_1447] {strides = array<i32>} : memref<128x128xf32, #tpu.memory_space<vmem>>, vector<16xf32>,
        tpu.vector_store %arg9[%swap3A_1446, %swap3A_1447], %gather3A_1190 {strides = array<i32>} : memref<128x128xf32, #tpu.memory_space<vmem>>, vector<16xf32>,
        %add3A_1449 = arith.constant 0 : i32
        %add3A_1450 = arith.addi %add3A_1449, %mul3A_1056 : i32
        %add3A_1451 = arith.constant 1 : i32
        %add3A_1452 = arith.addi %add3A_1450, %add3A_1451 : i32
        %swap3A_1453 = arith.index_cast %add3A_1452 : i32 to index
        %swap3A_1454 = arith.constant 112 : index
        %swap3A_1455 = tpu.vector_load %arg9[%swap3A_1453, %swap3A_1454] {strides = array<i32>} : memref<128x128xf32, #tpu.memory_space<vmem>>, vector<16xf32>,
        tpu.vector_store %arg9[%swap3A_1453, %swap3A_1454], %gather3A_1199 {strides = array<i32>} : memref<128x128xf32, #tpu.memory_space<vmem>>, vector<16xf32>,
        %add3A_1456 = arith.constant 0 : i32
        %add3A_1457 = arith.addi %add3A_1456, %mul3A_1056 : i32
        %add3A_1458 = arith.constant 2 : i32
        %add3A_1459 = arith.addi %add3A_1457, %add3A_1458 : i32
        %swap3A_1460 = arith.index_cast %add3A_1459 : i32 to index
        %swap3A_1461 = arith.constant 0 : index
        %swap3A_1462 = tpu.vector_load %arg9[%swap3A_1460, %swap3A_1461] {strides = array<i32>} : memref<128x128xf32, #tpu.memory_space<vmem>>, vector<16xf32>,
        tpu.vector_store %arg9[%swap3A_1460, %swap3A_1461], %gather3A_1208 {strides = array<i32>} : memref<128x128xf32, #tpu.memory_space<vmem>>, vector<16xf32>,
        %add3A_1463 = arith.constant 0 : i32
        %add3A_1464 = arith.addi %add3A_1463, %mul3A_1056 : i32
        %add3A_1465 = arith.constant 2 : i32
        %add3A_1466 = arith.addi %add3A_1464, %add3A_1465 : i32
        %swap3A_1467 = arith.index_cast %add3A_1466 : i32 to index
        %swap3A_1468 = arith.constant 16 : index
        %swap3A_1469 = tpu.vector_load %arg9[%swap3A_1467, %swap3A_1468] {strides = array<i32>} : memref<128x128xf32, #tpu.memory_space<vmem>>, vector<16xf32>,
        tpu.vector_store %arg9[%swap3A_1467, %swap3A_1468], %gather3A_1217 {strides = array<i32>} : memref<128x128xf32, #tpu.memory_space<vmem>>, vector<16xf32>,
        %add3A_1470 = arith.constant 0 : i32
        %add3A_1471 = arith.addi %add3A_1470, %mul3A_1056 : i32
        %add3A_1472 = arith.constant 2 : i32
        %add3A_1473 = arith.addi %add3A_1471, %add3A_1472 : i32
        %swap3A_1474 = arith.index_cast %add3A_1473 : i32 to index
        %swap3A_1475 = arith.constant 32 : index
        %swap3A_1476 = tpu.vector_load %arg9[%swap3A_1474, %swap3A_1475] {strides = array<i32>} : memref<128x128xf32, #tpu.memory_space<vmem>>, vector<16xf32>,
        tpu.vector_store %arg9[%swap3A_1474, %swap3A_1475], %gather3A_1226 {strides = array<i32>} : memref<128x128xf32, #tpu.memory_space<vmem>>, vector<16xf32>,
        %add3A_1477 = arith.constant 0 : i32
        %add3A_1478 = arith.addi %add3A_1477, %mul3A_1056 : i32
        %add3A_1479 = arith.constant 2 : i32
        %add3A_1480 = arith.addi %add3A_1478, %add3A_1479 : i32
        %swap3A_1481 = arith.index_cast %add3A_1480 : i32 to index
        %swap3A_1482 = arith.constant 48 : index
        %swap3A_1483 = tpu.vector_load %arg9[%swap3A_1481, %swap3A_1482] {strides = array<i32>} : memref<128x128xf32, #tpu.memory_space<vmem>>, vector<16xf32>,
        tpu.vector_store %arg9[%swap3A_1481, %swap3A_1482], %gather3A_1235 {strides = array<i32>} : memref<128x128xf32, #tpu.memory_space<vmem>>, vector<16xf32>,
        %add3A_1484 = arith.constant 0 : i32
        %add3A_1485 = arith.addi %add3A_1484, %mul3A_1056 : i32
        %add3A_1486 = arith.constant 2 : i32
        %add3A_1487 = arith.addi %add3A_1485, %add3A_1486 : i32
        %swap3A_1488 = arith.index_cast %add3A_1487 : i32 to index
        %swap3A_1489 = arith.constant 64 : index
        %swap3A_1490 = tpu.vector_load %arg9[%swap3A_1488, %swap3A_1489] {strides = array<i32>} : memref<128x128xf32, #tpu.memory_space<vmem>>, vector<16xf32>,
        tpu.vector_store %arg9[%swap3A_1488, %swap3A_1489], %gather3A_1244 {strides = array<i32>} : memref<128x128xf32, #tpu.memory_space<vmem>>, vector<16xf32>,
        %add3A_1491 = arith.constant 0 : i32
        %add3A_1492 = arith.addi %add3A_1491, %mul3A_1056 : i32
        %add3A_1493 = arith.constant 2 : i32
        %add3A_1494 = arith.addi %add3A_1492, %add3A_1493 : i32
        %swap3A_1495 = arith.index_cast %add3A_1494 : i32 to index
        %swap3A_1496 = arith.constant 80 : index
        %swap3A_1497 = tpu.vector_load %arg9[%swap3A_1495, %swap3A_1496] {strides = array<i32>} : memref<128x128xf32, #tpu.memory_space<vmem>>, vector<16xf32>,
        tpu.vector_store %arg9[%swap3A_1495, %swap3A_1496], %gather3A_1253 {strides = array<i32>} : memref<128x128xf32, #tpu.memory_space<vmem>>, vector<16xf32>,
        %add3A_1498 = arith.constant 0 : i32
        %add3A_1499 = arith.addi %add3A_1498, %mul3A_1056 : i32
        %add3A_1500 = arith.constant 2 : i32
        %add3A_1501 = arith.addi %add3A_1499, %add3A_1500 : i32
        %swap3A_1502 = arith.index_cast %add3A_1501 : i32 to index
        %swap3A_1503 = arith.constant 96 : index
        %swap3A_1504 = tpu.vector_load %arg9[%swap3A_1502, %swap3A_1503] {strides = array<i32>} : memref<128x128xf32, #tpu.memory_space<vmem>>, vector<16xf32>,
        tpu.vector_store %arg9[%swap3A_1502, %swap3A_1503], %gather3A_1262 {strides = array<i32>} : memref<128x128xf32, #tpu.memory_space<vmem>>, vector<16xf32>,
        %add3A_1505 = arith.constant 0 : i32
        %add3A_1506 = arith.addi %add3A_1505, %mul3A_1056 : i32
        %add3A_1507 = arith.constant 2 : i32
        %add3A_1508 = arith.addi %add3A_1506, %add3A_1507 : i32
        %swap3A_1509 = arith.index_cast %add3A_1508 : i32 to index
        %swap3A_1510 = arith.constant 112 : index
        %swap3A_1511 = tpu.vector_load %arg9[%swap3A_1509, %swap3A_1510] {strides = array<i32>} : memref<128x128xf32, #tpu.memory_space<vmem>>, vector<16xf32>,
        tpu.vector_store %arg9[%swap3A_1509, %swap3A_1510], %gather3A_1271 {strides = array<i32>} : memref<128x128xf32, #tpu.memory_space<vmem>>, vector<16xf32>,
        %add3A_1512 = arith.constant 0 : i32
        %add3A_1513 = arith.addi %add3A_1512, %mul3A_1056 : i32
        %add3A_1514 = arith.constant 3 : i32
        %add3A_1515 = arith.addi %add3A_1513, %add3A_1514 : i32
        %swap3A_1516 = arith.index_cast %add3A_1515 : i32 to index
        %swap3A_1517 = arith.constant 0 : index
        %swap3A_1518 = tpu.vector_load %arg9[%swap3A_1516, %swap3A_1517] {strides = array<i32>} : memref<128x128xf32, #tpu.memory_space<vmem>>, vector<16xf32>,
        tpu.vector_store %arg9[%swap3A_1516, %swap3A_1517], %gather3A_1280 {strides = array<i32>} : memref<128x128xf32, #tpu.memory_space<vmem>>, vector<16xf32>,
        %add3A_1519 = arith.constant 0 : i32
        %add3A_1520 = arith.addi %add3A_1519, %mul3A_1056 : i32
        %add3A_1521 = arith.constant 3 : i32
        %add3A_1522 = arith.addi %add3A_1520, %add3A_1521 : i32
        %swap3A_1523 = arith.index_cast %add3A_1522 : i32 to index
        %swap3A_1524 = arith.constant 16 : index
        %swap3A_1525 = tpu.vector_load %arg9[%swap3A_1523, %swap3A_1524] {strides = array<i32>} : memref<128x128xf32, #tpu.memory_space<vmem>>, vector<16xf32>,
        tpu.vector_store %arg9[%swap3A_1523, %swap3A_1524], %gather3A_1289 {strides = array<i32>} : memref<128x128xf32, #tpu.memory_space<vmem>>, vector<16xf32>,
        %add3A_1526 = arith.constant 0 : i32
        %add3A_1527 = arith.addi %add3A_1526, %mul3A_1056 : i32
        %add3A_1528 = arith.constant 3 : i32
        %add3A_1529 = arith.addi %add3A_1527, %add3A_1528 : i32
        %swap3A_1530 = arith.index_cast %add3A_1529 : i32 to index
        %swap3A_1531 = arith.constant 32 : index
        %swap3A_1532 = tpu.vector_load %arg9[%swap3A_1530, %swap3A_1531] {strides = array<i32>} : memref<128x128xf32, #tpu.memory_space<vmem>>, vector<16xf32>,
        tpu.vector_store %arg9[%swap3A_1530, %swap3A_1531], %gather3A_1298 {strides = array<i32>} : memref<128x128xf32, #tpu.memory_space<vmem>>, vector<16xf32>,
        %add3A_1533 = arith.constant 0 : i32
        %add3A_1534 = arith.addi %add3A_1533, %mul3A_1056 : i32
        %add3A_1535 = arith.constant 3 : i32
        %add3A_1536 = arith.addi %add3A_1534, %add3A_1535 : i32
        %swap3A_1537 = arith.index_cast %add3A_1536 : i32 to index
        %swap3A_1538 = arith.constant 48 : index
        %swap3A_1539 = tpu.vector_load %arg9[%swap3A_1537, %swap3A_1538] {strides = array<i32>} : memref<128x128xf32, #tpu.memory_space<vmem>>, vector<16xf32>,
        tpu.vector_store %arg9[%swap3A_1537, %swap3A_1538], %gather3A_1307 {strides = array<i32>} : memref<128x128xf32, #tpu.memory_space<vmem>>, vector<16xf32>,
        %add3A_1540 = arith.constant 0 : i32
        %add3A_1541 = arith.addi %add3A_1540, %mul3A_1056 : i32
        %add3A_1542 = arith.constant 3 : i32
        %add3A_1543 = arith.addi %add3A_1541, %add3A_1542 : i32
        %swap3A_1544 = arith.index_cast %add3A_1543 : i32 to index
        %swap3A_1545 = arith.constant 64 : index
        %swap3A_1546 = tpu.vector_load %arg9[%swap3A_1544, %swap3A_1545] {strides = array<i32>} : memref<128x128xf32, #tpu.memory_space<vmem>>, vector<16xf32>,
        tpu.vector_store %arg9[%swap3A_1544, %swap3A_1545], %gather3A_1316 {strides = array<i32>} : memref<128x128xf32, #tpu.memory_space<vmem>>, vector<16xf32>,
        %add3A_1547 = arith.constant 0 : i32
        %add3A_1548 = arith.addi %add3A_1547, %mul3A_1056 : i32
        %add3A_1549 = arith.constant 3 : i32
        %add3A_1550 = arith.addi %add3A_1548, %add3A_1549 : i32
        %swap3A_1551 = arith.index_cast %add3A_1550 : i32 to index
        %swap3A_1552 = arith.constant 80 : index
        %swap3A_1553 = tpu.vector_load %arg9[%swap3A_1551, %swap3A_1552] {strides = array<i32>} : memref<128x128xf32, #tpu.memory_space<vmem>>, vector<16xf32>,
        tpu.vector_store %arg9[%swap3A_1551, %swap3A_1552], %gather3A_1325 {strides = array<i32>} : memref<128x128xf32, #tpu.memory_space<vmem>>, vector<16xf32>,
        %add3A_1554 = arith.constant 0 : i32
        %add3A_1555 = arith.addi %add3A_1554, %mul3A_1056 : i32
        %add3A_1556 = arith.constant 3 : i32
        %add3A_1557 = arith.addi %add3A_1555, %add3A_1556 : i32
        %swap3A_1558 = arith.index_cast %add3A_1557 : i32 to index
        %swap3A_1559 = arith.constant 96 : index
        %swap3A_1560 = tpu.vector_load %arg9[%swap3A_1558, %swap3A_1559] {strides = array<i32>} : memref<128x128xf32, #tpu.memory_space<vmem>>, vector<16xf32>,
        tpu.vector_store %arg9[%swap3A_1558, %swap3A_1559], %gather3A_1334 {strides = array<i32>} : memref<128x128xf32, #tpu.memory_space<vmem>>, vector<16xf32>,
        %add3A_1561 = arith.constant 0 : i32
        %add3A_1562 = arith.addi %add3A_1561, %mul3A_1056 : i32
        %add3A_1563 = arith.constant 3 : i32
        %add3A_1564 = arith.addi %add3A_1562, %add3A_1563 : i32
        %swap3A_1565 = arith.index_cast %add3A_1564 : i32 to index
        %swap3A_1566 = arith.constant 112 : index
        %swap3A_1567 = tpu.vector_load %arg9[%swap3A_1565, %swap3A_1566] {strides = array<i32>} : memref<128x128xf32, #tpu.memory_space<vmem>>, vector<16xf32>,
        tpu.vector_store %arg9[%swap3A_1565, %swap3A_1566], %gather3A_1343 {strides = array<i32>} : memref<128x128xf32, #tpu.memory_space<vmem>>, vector<16xf32>,
      }
      %scan3A_618 = arith.constant 8 : i32
      %jit3A = arith.constant 4 : i32
      %div3A = arith.divsi %add3A_551, %jit3A : i32
      %sign3A = arith.constant 0 : i32
      %sign3A_619 = arith.cmpi sgt, %add3A_551, %sign3A : i32
      %sign3A_620 = arith.extui %sign3A_619 : i1 to i32
      %sign3A_621 = arith.constant 0 : i32
      %sign3A_622 = arith.cmpi slt, %add3A_551, %sign3A_621 : i32
      %sign3A_623 = arith.extui %sign3A_622 : i1 to i32
      %sign3A_624 = arith.subi %sign3A_620, %sign3A_623 : i32
      %sign3A_625 = arith.constant 0 : i32
      %sign3A_626 = arith.cmpi sgt, %jit3A, %sign3A_625 : i32
      %sign3A_627 = arith.extui %sign3A_626 : i1 to i32
      %sign3A_628 = arith.constant 0 : i32
      %sign3A_629 = arith.cmpi slt, %jit3A, %sign3A_628 : i32
      %sign3A_630 = arith.extui %sign3A_629 : i1 to i32
      %sign3A_631 = arith.subi %sign3A_627, %sign3A_630 : i32
      %ne3A = arith.cmpi ne, %sign3A_624, %sign3A_631 : i32
      %rem3A = arith.remsi %add3A_551, %jit3A : i32
      %ne3A_632 = arith.constant 0 : i32
      %ne3A_633 = arith.cmpi ne, %rem3A, %ne3A_632 : i32
      %and3A_634 = arith.andi %ne3A, %ne3A_633 : i1
      %sub3A_635 = arith.constant 1 : i32
      %sub3A_636 = arith.subi %div3A, %sub3A_635 : i32
      %select_n3A = arith.select %and3A_634, %sub3A_636, %div3A : i32
      %jit3A_637 = arith.constant 4 : i32
      %eq3A = arith.constant 0 : i32
      %eq3A_638 = arith.cmpi eq, %jit3A_637, %eq3A : i32
      %jit3A_639 = arith.constant 1 : i32
      %select_n3A_640 = arith.select %eq3A_638, %jit3A_639, %jit3A_637 : i32
      %rem3A_641 = arith.remsi %add3A_551, %select_n3A_640 : i32
      %ne3A_642 = arith.constant 0 : i32
      %ne3A_643 = arith.cmpi ne, %rem3A_641, %ne3A_642 : i32
      %lt3A_644 = arith.constant 0 : i32
      %lt3A_645 = arith.cmpi slt, %rem3A_641, %lt3A_644 : i32
      %lt3A_646 = arith.constant 0 : i32
      %lt3A_647 = arith.cmpi slt, %select_n3A_640, %lt3A_646 : i32
      %ne3A_648 = arith.xori %lt3A_645, %lt3A_647 : i1
      %and3A_649 = arith.andi %ne3A_648, %ne3A_643 : i1
      %add3A_650 = arith.addi %rem3A_641, %select_n3A_640 : i32
      %select_n3A_651 = arith.select %and3A_649, %add3A_650, %rem3A_641 : i32
      %mul3A_652 = arith.constant 128 : i32
      %mul3A_653 = arith.muli %select_n3A_651, %mul3A_652 : i32
      %add3A_654 = arith.addi %mul3A_2, %mul3A_653 : i32
      %dma_start3A_655 = arith.constant 0 : i32
      %dma_start3A_656 = arith.constant 0 : i32
      %dma_start3A_657 = tpu.memref_slice %arg9[%dma_start3A_655, %dma_start3A_656] : memref<128x128xf32, #tpu.memory_space<vmem>> -> memref<32x128xf32, #tpu.memory_space<vmem>>
      %dma_start3A_658 = arith.constant 0 : i32
      %dma_start3A_659 = tpu.memref_slice %arg4[%select_n3A, %dma_start3A_658, %add3A_654] : memref<50x32x16384xf32, #tpu.memory_space<hbm>> -> memref<1x32x128xf32, #tpu.memory_space<hbm>>
      %dma_start3A_660 = tpu.memref_squeeze %dma_start3A_659 : memref<1x32x128xf32, #tpu.memory_space<hbm>> -> memref<32x128xf32, #tpu.memory_space<hbm>>
      %dma_start3A_661 = arith.constant 0 : i32
      %dma_start3A_662 = tpu.memref_slice %arg4[%select_n3A, %dma_start3A_661, %add3A_654] : memref<50x32x16384xf32, #tpu.memory_space<hbm>> -> memref<1x32x128xf32, #tpu.memory_space<hbm>>
      %dma_start3A_663 = tpu.memref_squeeze %dma_start3A_662 : memref<1x32x128xf32, #tpu.memory_space<hbm>> -> memref<32x128xf32, #tpu.memory_space<hbm>>
      %dma_start3A_664 = arith.constant 0 : i32
      %dma_start3A_665 = arith.constant 0 : i32
      %dma_start3A_666 = tpu.memref_slice %arg9[%dma_start3A_664, %dma_start3A_665] : memref<128x128xf32, #tpu.memory_space<vmem>> -> memref<32x128xf32, #tpu.memory_space<vmem>>
      tpu.enqueue_dma source(%dma_start3A_666 : memref<32x128xf32, #tpu.memory_space<vmem>>) target(%dma_start3A_663 : memref<32x128xf32, #tpu.memory_space<hbm>>) target_semaphore(%arg14 : memref<!tpu.dma_semaphore, #tpu.memory_space<semaphore_mem>>)
      %add3A_667 = arith.constant 1 : i32
      %add3A_668 = arith.addi %mul3A_549, %add3A_667 : i32
      %add3A_669 = arith.constant 4 : i32
      %add3A_670 = arith.addi %add3A_668, %add3A_669 : i32
      %sub3A_671 = arith.constant 1 : i32
      %sub3A_672 = arith.subi %add3A_670, %sub3A_671 : i32
      %lt3A_673 = arith.constant 200 : i32
      %lt3A_674 = arith.cmpi slt, %sub3A_672, %lt3A_673 : i32
      %convert_element_type3A_675 = arith.extui %lt3A_674 : i1 to i32
      %cond3A_676 = arith.constant 0 : i32
      %cond3A_677 = arith.cmpi ne, %convert_element_type3A_675, %cond3A_676 : i32
      scf.if %cond3A_677 {
        %jit3A_1054 = arith.constant 4 : i32
        %div3A_1055 = arith.divsi %sub3A_672, %jit3A_1054 : i32
        %sign3A_1056 = arith.constant 0 : i32
        %sign3A_1057 = arith.cmpi sgt, %sub3A_672, %sign3A_1056 : i32
        %sign3A_1058 = arith.extui %sign3A_1057 : i1 to i32
        %sign3A_1059 = arith.constant 0 : i32
        %sign3A_1060 = arith.cmpi slt, %sub3A_672, %sign3A_1059 : i32
        %sign3A_1061 = arith.extui %sign3A_1060 : i1 to i32
        %sign3A_1062 = arith.subi %sign3A_1058, %sign3A_1061 : i32
        %sign3A_1063 = arith.constant 0 : i32
        %sign3A_1064 = arith.cmpi sgt, %jit3A_1054, %sign3A_1063 : i32
        %sign3A_1065 = arith.extui %sign3A_1064 : i1 to i32
        %sign3A_1066 = arith.constant 0 : i32
        %sign3A_1067 = arith.cmpi slt, %jit3A_1054, %sign3A_1066 : i32
        %sign3A_1068 = arith.extui %sign3A_1067 : i1 to i32
        %sign3A_1069 = arith.subi %sign3A_1065, %sign3A_1068 : i32
        %ne3A_1070 = arith.cmpi ne, %sign3A_1062, %sign3A_1069 : i32
        %rem3A_1071 = arith.remsi %sub3A_672, %jit3A_1054 : i32
        %ne3A_1072 = arith.constant 0 : i32
        %ne3A_1073 = arith.cmpi ne, %rem3A_1071, %ne3A_1072 : i32
        %and3A_1074 = arith.andi %ne3A_1070, %ne3A_1073 : i1
        %sub3A_1075 = arith.constant 1 : i32
        %sub3A_1076 = arith.subi %div3A_1055, %sub3A_1075 : i32
        %select_n3A_1077 = arith.select %and3A_1074, %sub3A_1076, %div3A_1055 : i32
        %jit3A_1078 = arith.constant 4 : i32
        %eq3A_1079 = arith.constant 0 : i32
        %eq3A_1080 = arith.cmpi eq, %jit3A_1078, %eq3A_1079 : i32
        %jit3A_1081 = arith.constant 1 : i32
        %select_n3A_1082 = arith.select %eq3A_1080, %jit3A_1081, %jit3A_1078 : i32
        %rem3A_1083 = arith.remsi %sub3A_672, %select_n3A_1082 : i32
        %ne3A_1084 = arith.constant 0 : i32
        %ne3A_1085 = arith.cmpi ne, %rem3A_1083, %ne3A_1084 : i32
        %lt3A_1086 = arith.constant 0 : i32
        %lt3A_1087 = arith.cmpi slt, %rem3A_1083, %lt3A_1086 : i32
        %lt3A_1088 = arith.constant 0 : i32
        %lt3A_1089 = arith.cmpi slt, %select_n3A_1082, %lt3A_1088 : i32
        %ne3A_1090 = arith.xori %lt3A_1087, %lt3A_1089 : i1
        %and3A_1091 = arith.andi %ne3A_1090, %ne3A_1085 : i1
        %add3A_1092 = arith.addi %rem3A_1083, %select_n3A_1082 : i32
        %select_n3A_1093 = arith.select %and3A_1091, %add3A_1092, %rem3A_1083 : i32
        %mul3A_1094 = arith.constant 128 : i32
        %mul3A_1095 = arith.muli %select_n3A_1093, %mul3A_1094 : i32
        %add3A_1096 = arith.constant 0 : i32
        %add3A_1097 = arith.addi %mul3A_1095, %add3A_1096 : i32
        %get3A_1098 = arith.index_cast %select_n3A_1077 : i32 to index
        %get3A_1099 = arith.index_cast %add3A_1097 : i32 to index
        %get3A_1100 = tpu.vector_load %arg5[%get3A_1098, %get3A_1099] {strides = array<i32>} : memref<56x512xi32, #tpu.memory_space<vmem>>, vector<16xi32>,
        %shift_right_arithmetic3A_1101 = arith.constant 2 : i32
        %shift_right_arithmetic3A_1102 = vector.broadcast %shift_right_arithmetic3A_1101 : i32 to vector<16xi32>
        %shift_right_arithmetic3A_1103 = arith.shrsi %get3A_1100, %shift_right_arithmetic3A_1102 : vector<16xi32>
        %swap3A_1104 = arith.constant 0 : i32
        %swap3A_1105 = arith.index_cast %swap3A_1104 : i32 to index
        %swap3A_1106 = arith.constant 0 : index
        %swap3A_1107 = tpu.vector_load %arg6[%swap3A_1105, %swap3A_1106] {strides = array<i32>} : memref<4x128xi32, #tpu.memory_space<vmem>>, vector<16xi32>,
        tpu.vector_store %arg6[%swap3A_1105, %swap3A_1106], %shift_right_arithmetic3A_1103 {strides = array<i32>} : memref<4x128xi32, #tpu.memory_space<vmem>>, vector<16xi32>,
        %and3A_1108 = arith.constant 3 : i32
        %and3A_1109 = vector.broadcast %and3A_1108 : i32 to vector<16xi32>
        %and3A_1110 = arith.andi %get3A_1100, %and3A_1109 : vector<16xi32>
        %shift_left3A_1111 = arith.constant 5 : i32
        %shift_left3A_1112 = vector.broadcast %shift_left3A_1111 : i32 to vector<16xi32>
        %shift_left3A_1113 = arith.shli %and3A_1110, %shift_left3A_1112 : vector<16xi32>
        %swap3A_1114 = arith.constant 0 : index
        %swap3A_1115 = tpu.vector_load %arg7[%swap3A_1114] {strides = array<i32>} : memref<512xi32, #tpu.memory_space<vmem>>, vector<16xi32>,
        tpu.vector_store %arg7[%swap3A_1114], %shift_left3A_1113 {strides = array<i32>} : memref<512xi32, #tpu.memory_space<vmem>>, vector<16xi32>,
        %add3A_1116 = arith.constant 16 : i32
        %add3A_1117 = arith.addi %mul3A_1095, %add3A_1116 : i32
        %get3A_1118 = arith.index_cast %select_n3A_1077 : i32 to index
        %get3A_1119 = arith.index_cast %add3A_1117 : i32 to index
        %get3A_1120 = tpu.vector_load %arg5[%get3A_1118, %get3A_1119] {strides = array<i32>} : memref<56x512xi32, #tpu.memory_space<vmem>>, vector<16xi32>,
        %shift_right_arithmetic3A_1121 = arith.constant 2 : i32
        %shift_right_arithmetic3A_1122 = vector.broadcast %shift_right_arithmetic3A_1121 : i32 to vector<16xi32>
        %shift_right_arithmetic3A_1123 = arith.shrsi %get3A_1120, %shift_right_arithmetic3A_1122 : vector<16xi32>
        %swap3A_1124 = arith.constant 0 : i32
        %swap3A_1125 = arith.index_cast %swap3A_1124 : i32 to index
        %swap3A_1126 = arith.constant 16 : index
        %swap3A_1127 = tpu.vector_load %arg6[%swap3A_1125, %swap3A_1126] {strides = array<i32>} : memref<4x128xi32, #tpu.memory_space<vmem>>, vector<16xi32>,
        tpu.vector_store %arg6[%swap3A_1125, %swap3A_1126], %shift_right_arithmetic3A_1123 {strides = array<i32>} : memref<4x128xi32, #tpu.memory_space<vmem>>, vector<16xi32>,
        %and3A_1128 = arith.constant 3 : i32
        %and3A_1129 = vector.broadcast %and3A_1128 : i32 to vector<16xi32>
        %and3A_1130 = arith.andi %get3A_1120, %and3A_1129 : vector<16xi32>
        %shift_left3A_1131 = arith.constant 5 : i32
        %shift_left3A_1132 = vector.broadcast %shift_left3A_1131 : i32 to vector<16xi32>
        %shift_left3A_1133 = arith.shli %and3A_1130, %shift_left3A_1132 : vector<16xi32>
        %swap3A_1134 = arith.constant 16 : index
        %swap3A_1135 = tpu.vector_load %arg7[%swap3A_1134] {strides = array<i32>} : memref<512xi32, #tpu.memory_space<vmem>>, vector<16xi32>,
        tpu.vector_store %arg7[%swap3A_1134], %shift_left3A_1133 {strides = array<i32>} : memref<512xi32, #tpu.memory_space<vmem>>, vector<16xi32>,
        %add3A_1136 = arith.constant 32 : i32
        %add3A_1137 = arith.addi %mul3A_1095, %add3A_1136 : i32
        %get3A_1138 = arith.index_cast %select_n3A_1077 : i32 to index
        %get3A_1139 = arith.index_cast %add3A_1137 : i32 to index
        %get3A_1140 = tpu.vector_load %arg5[%get3A_1138, %get3A_1139] {strides = array<i32>} : memref<56x512xi32, #tpu.memory_space<vmem>>, vector<16xi32>,
        %shift_right_arithmetic3A_1141 = arith.constant 2 : i32
        %shift_right_arithmetic3A_1142 = vector.broadcast %shift_right_arithmetic3A_1141 : i32 to vector<16xi32>
        %shift_right_arithmetic3A_1143 = arith.shrsi %get3A_1140, %shift_right_arithmetic3A_1142 : vector<16xi32>
        %swap3A_1144 = arith.constant 0 : i32
        %swap3A_1145 = arith.index_cast %swap3A_1144 : i32 to index
        %swap3A_1146 = arith.constant 32 : index
        %swap3A_1147 = tpu.vector_load %arg6[%swap3A_1145, %swap3A_1146] {strides = array<i32>} : memref<4x128xi32, #tpu.memory_space<vmem>>, vector<16xi32>,
        tpu.vector_store %arg6[%swap3A_1145, %swap3A_1146], %shift_right_arithmetic3A_1143 {strides = array<i32>} : memref<4x128xi32, #tpu.memory_space<vmem>>, vector<16xi32>,
        %and3A_1148 = arith.constant 3 : i32
        %and3A_1149 = vector.broadcast %and3A_1148 : i32 to vector<16xi32>
        %and3A_1150 = arith.andi %get3A_1140, %and3A_1149 : vector<16xi32>
        %shift_left3A_1151 = arith.constant 5 : i32
        %shift_left3A_1152 = vector.broadcast %shift_left3A_1151 : i32 to vector<16xi32>
        %shift_left3A_1153 = arith.shli %and3A_1150, %shift_left3A_1152 : vector<16xi32>
        %swap3A_1154 = arith.constant 32 : index
        %swap3A_1155 = tpu.vector_load %arg7[%swap3A_1154] {strides = array<i32>} : memref<512xi32, #tpu.memory_space<vmem>>, vector<16xi32>,
        tpu.vector_store %arg7[%swap3A_1154], %shift_left3A_1153 {strides = array<i32>} : memref<512xi32, #tpu.memory_space<vmem>>, vector<16xi32>,
        %add3A_1156 = arith.constant 48 : i32
        %add3A_1157 = arith.addi %mul3A_1095, %add3A_1156 : i32
        %get3A_1158 = arith.index_cast %select_n3A_1077 : i32 to index
        %get3A_1159 = arith.index_cast %add3A_1157 : i32 to index
        %get3A_1160 = tpu.vector_load %arg5[%get3A_1158, %get3A_1159] {strides = array<i32>} : memref<56x512xi32, #tpu.memory_space<vmem>>, vector<16xi32>,
        %shift_right_arithmetic3A_1161 = arith.constant 2 : i32
        %shift_right_arithmetic3A_1162 = vector.broadcast %shift_right_arithmetic3A_1161 : i32 to vector<16xi32>
        %shift_right_arithmetic3A_1163 = arith.shrsi %get3A_1160, %shift_right_arithmetic3A_1162 : vector<16xi32>
        %swap3A_1164 = arith.constant 0 : i32
        %swap3A_1165 = arith.index_cast %swap3A_1164 : i32 to index
        %swap3A_1166 = arith.constant 48 : index
        %swap3A_1167 = tpu.vector_load %arg6[%swap3A_1165, %swap3A_1166] {strides = array<i32>} : memref<4x128xi32, #tpu.memory_space<vmem>>, vector<16xi32>,
        tpu.vector_store %arg6[%swap3A_1165, %swap3A_1166], %shift_right_arithmetic3A_1163 {strides = array<i32>} : memref<4x128xi32, #tpu.memory_space<vmem>>, vector<16xi32>,
        %and3A_1168 = arith.constant 3 : i32
        %and3A_1169 = vector.broadcast %and3A_1168 : i32 to vector<16xi32>
        %and3A_1170 = arith.andi %get3A_1160, %and3A_1169 : vector<16xi32>
        %shift_left3A_1171 = arith.constant 5 : i32
        %shift_left3A_1172 = vector.broadcast %shift_left3A_1171 : i32 to vector<16xi32>
        %shift_left3A_1173 = arith.shli %and3A_1170, %shift_left3A_1172 : vector<16xi32>
        %swap3A_1174 = arith.constant 48 : index
        %swap3A_1175 = tpu.vector_load %arg7[%swap3A_1174] {strides = array<i32>} : memref<512xi32, #tpu.memory_space<vmem>>, vector<16xi32>,
        tpu.vector_store %arg7[%swap3A_1174], %shift_left3A_1173 {strides = array<i32>} : memref<512xi32, #tpu.memory_space<vmem>>, vector<16xi32>,
        %add3A_1176 = arith.constant 64 : i32
        %add3A_1177 = arith.addi %mul3A_1095, %add3A_1176 : i32
        %get3A_1178 = arith.index_cast %select_n3A_1077 : i32 to index
        %get3A_1179 = arith.index_cast %add3A_1177 : i32 to index
        %get3A_1180 = tpu.vector_load %arg5[%get3A_1178, %get3A_1179] {strides = array<i32>} : memref<56x512xi32, #tpu.memory_space<vmem>>, vector<16xi32>,
        %shift_right_arithmetic3A_1181 = arith.constant 2 : i32
        %shift_right_arithmetic3A_1182 = vector.broadcast %shift_right_arithmetic3A_1181 : i32 to vector<16xi32>
        %shift_right_arithmetic3A_1183 = arith.shrsi %get3A_1180, %shift_right_arithmetic3A_1182 : vector<16xi32>
        %swap3A_1184 = arith.constant 0 : i32
        %swap3A_1185 = arith.index_cast %swap3A_1184 : i32 to index
        %swap3A_1186 = arith.constant 64 : index
        %swap3A_1187 = tpu.vector_load %arg6[%swap3A_1185, %swap3A_1186] {strides = array<i32>} : memref<4x128xi32, #tpu.memory_space<vmem>>, vector<16xi32>,
        tpu.vector_store %arg6[%swap3A_1185, %swap3A_1186], %shift_right_arithmetic3A_1183 {strides = array<i32>} : memref<4x128xi32, #tpu.memory_space<vmem>>, vector<16xi32>,
        %and3A_1188 = arith.constant 3 : i32
        %and3A_1189 = vector.broadcast %and3A_1188 : i32 to vector<16xi32>
        %and3A_1190 = arith.andi %get3A_1180, %and3A_1189 : vector<16xi32>
        %shift_left3A_1191 = arith.constant 5 : i32
        %shift_left3A_1192 = vector.broadcast %shift_left3A_1191 : i32 to vector<16xi32>
        %shift_left3A_1193 = arith.shli %and3A_1190, %shift_left3A_1192 : vector<16xi32>
        %swap3A_1194 = arith.constant 64 : index
        %swap3A_1195 = tpu.vector_load %arg7[%swap3A_1194] {strides = array<i32>} : memref<512xi32, #tpu.memory_space<vmem>>, vector<16xi32>,
        tpu.vector_store %arg7[%swap3A_1194], %shift_left3A_1193 {strides = array<i32>} : memref<512xi32, #tpu.memory_space<vmem>>, vector<16xi32>,
        %add3A_1196 = arith.constant 80 : i32
        %add3A_1197 = arith.addi %mul3A_1095, %add3A_1196 : i32
        %get3A_1198 = arith.index_cast %select_n3A_1077 : i32 to index
        %get3A_1199 = arith.index_cast %add3A_1197 : i32 to index
        %get3A_1200 = tpu.vector_load %arg5[%get3A_1198, %get3A_1199] {strides = array<i32>} : memref<56x512xi32, #tpu.memory_space<vmem>>, vector<16xi32>,
        %shift_right_arithmetic3A_1201 = arith.constant 2 : i32
        %shift_right_arithmetic3A_1202 = vector.broadcast %shift_right_arithmetic3A_1201 : i32 to vector<16xi32>
        %shift_right_arithmetic3A_1203 = arith.shrsi %get3A_1200, %shift_right_arithmetic3A_1202 : vector<16xi32>
        %swap3A_1204 = arith.constant 0 : i32
        %swap3A_1205 = arith.index_cast %swap3A_1204 : i32 to index
        %swap3A_1206 = arith.constant 80 : index
        %swap3A_1207 = tpu.vector_load %arg6[%swap3A_1205, %swap3A_1206] {strides = array<i32>} : memref<4x128xi32, #tpu.memory_space<vmem>>, vector<16xi32>,
        tpu.vector_store %arg6[%swap3A_1205, %swap3A_1206], %shift_right_arithmetic3A_1203 {strides = array<i32>} : memref<4x128xi32, #tpu.memory_space<vmem>>, vector<16xi32>,
        %and3A_1208 = arith.constant 3 : i32
        %and3A_1209 = vector.broadcast %and3A_1208 : i32 to vector<16xi32>
        %and3A_1210 = arith.andi %get3A_1200, %and3A_1209 : vector<16xi32>
        %shift_left3A_1211 = arith.constant 5 : i32
        %shift_left3A_1212 = vector.broadcast %shift_left3A_1211 : i32 to vector<16xi32>
        %shift_left3A_1213 = arith.shli %and3A_1210, %shift_left3A_1212 : vector<16xi32>
        %swap3A_1214 = arith.constant 80 : index
        %swap3A_1215 = tpu.vector_load %arg7[%swap3A_1214] {strides = array<i32>} : memref<512xi32, #tpu.memory_space<vmem>>, vector<16xi32>,
        tpu.vector_store %arg7[%swap3A_1214], %shift_left3A_1213 {strides = array<i32>} : memref<512xi32, #tpu.memory_space<vmem>>, vector<16xi32>,
        %add3A_1216 = arith.constant 96 : i32
        %add3A_1217 = arith.addi %mul3A_1095, %add3A_1216 : i32
        %get3A_1218 = arith.index_cast %select_n3A_1077 : i32 to index
        %get3A_1219 = arith.index_cast %add3A_1217 : i32 to index
        %get3A_1220 = tpu.vector_load %arg5[%get3A_1218, %get3A_1219] {strides = array<i32>} : memref<56x512xi32, #tpu.memory_space<vmem>>, vector<16xi32>,
        %shift_right_arithmetic3A_1221 = arith.constant 2 : i32
        %shift_right_arithmetic3A_1222 = vector.broadcast %shift_right_arithmetic3A_1221 : i32 to vector<16xi32>
        %shift_right_arithmetic3A_1223 = arith.shrsi %get3A_1220, %shift_right_arithmetic3A_1222 : vector<16xi32>
        %swap3A_1224 = arith.constant 0 : i32
        %swap3A_1225 = arith.index_cast %swap3A_1224 : i32 to index
        %swap3A_1226 = arith.constant 96 : index
        %swap3A_1227 = tpu.vector_load %arg6[%swap3A_1225, %swap3A_1226] {strides = array<i32>} : memref<4x128xi32, #tpu.memory_space<vmem>>, vector<16xi32>,
        tpu.vector_store %arg6[%swap3A_1225, %swap3A_1226], %shift_right_arithmetic3A_1223 {strides = array<i32>} : memref<4x128xi32, #tpu.memory_space<vmem>>, vector<16xi32>,
        %and3A_1228 = arith.constant 3 : i32
        %and3A_1229 = vector.broadcast %and3A_1228 : i32 to vector<16xi32>
        %and3A_1230 = arith.andi %get3A_1220, %and3A_1229 : vector<16xi32>
        %shift_left3A_1231 = arith.constant 5 : i32
        %shift_left3A_1232 = vector.broadcast %shift_left3A_1231 : i32 to vector<16xi32>
        %shift_left3A_1233 = arith.shli %and3A_1230, %shift_left3A_1232 : vector<16xi32>
        %swap3A_1234 = arith.constant 96 : index
        %swap3A_1235 = tpu.vector_load %arg7[%swap3A_1234] {strides = array<i32>} : memref<512xi32, #tpu.memory_space<vmem>>, vector<16xi32>,
        tpu.vector_store %arg7[%swap3A_1234], %shift_left3A_1233 {strides = array<i32>} : memref<512xi32, #tpu.memory_space<vmem>>, vector<16xi32>,
        %add3A_1236 = arith.constant 112 : i32
        %add3A_1237 = arith.addi %mul3A_1095, %add3A_1236 : i32
        %get3A_1238 = arith.index_cast %select_n3A_1077 : i32 to index
        %get3A_1239 = arith.index_cast %add3A_1237 : i32 to index
        %get3A_1240 = tpu.vector_load %arg5[%get3A_1238, %get3A_1239] {strides = array<i32>} : memref<56x512xi32, #tpu.memory_space<vmem>>, vector<16xi32>,
        %shift_right_arithmetic3A_1241 = arith.constant 2 : i32
        %shift_right_arithmetic3A_1242 = vector.broadcast %shift_right_arithmetic3A_1241 : i32 to vector<16xi32>
        %shift_right_arithmetic3A_1243 = arith.shrsi %get3A_1240, %shift_right_arithmetic3A_1242 : vector<16xi32>
        %swap3A_1244 = arith.constant 0 : i32
        %swap3A_1245 = arith.index_cast %swap3A_1244 : i32 to index
        %swap3A_1246 = arith.constant 112 : index
        %swap3A_1247 = tpu.vector_load %arg6[%swap3A_1245, %swap3A_1246] {strides = array<i32>} : memref<4x128xi32, #tpu.memory_space<vmem>>, vector<16xi32>,
        tpu.vector_store %arg6[%swap3A_1245, %swap3A_1246], %shift_right_arithmetic3A_1243 {strides = array<i32>} : memref<4x128xi32, #tpu.memory_space<vmem>>, vector<16xi32>,
        %and3A_1248 = arith.constant 3 : i32
        %and3A_1249 = vector.broadcast %and3A_1248 : i32 to vector<16xi32>
        %and3A_1250 = arith.andi %get3A_1240, %and3A_1249 : vector<16xi32>
        %shift_left3A_1251 = arith.constant 5 : i32
        %shift_left3A_1252 = vector.broadcast %shift_left3A_1251 : i32 to vector<16xi32>
        %shift_left3A_1253 = arith.shli %and3A_1250, %shift_left3A_1252 : vector<16xi32>
        %swap3A_1254 = arith.constant 112 : index
        %swap3A_1255 = tpu.vector_load %arg7[%swap3A_1254] {strides = array<i32>} : memref<512xi32, #tpu.memory_space<vmem>>, vector<16xi32>,
        tpu.vector_store %arg7[%swap3A_1254], %shift_left3A_1253 {strides = array<i32>} : memref<512xi32, #tpu.memory_space<vmem>>, vector<16xi32>,
        %dma_start3A_1256 = arith.constant 0 : i32
        %dma_start3A_1257 = arith.constant 0 : i32
        %dma_start3A_1258 = arith.constant 0 : i32
        %dma_start3A_1259 = tpu.memref_slice %arg8[%dma_start3A_1257, %dma_start3A_1258] : memref<512x128xf32, #tpu.memory_space<vmem>> -> memref<128x128xf32, #tpu.memory_space<vmem>>
        %dma_start3A_1260 = arith.constant 0 : i32
        %dma_start3A_1261 = tpu.memref_slice %arg6[%dma_start3A_1256, %dma_start3A_1260] : memref<4x128xi32, #tpu.memory_space<vmem>> -> memref<1x128xi32, #tpu.memory_space<vmem>>
        %dma_start3A_1262 = tpu.memref_squeeze %dma_start3A_1261 : memref<1x128xi32, #tpu.memory_space<vmem>> -> memref<128xi32, #tpu.memory_space<vmem>>
        %dma_start3A_1263 = arith.constant 0 : i32
        %dma_start3A_1264 = arith.constant 0 : i32
        %dma_start3A_1265 = tpu.memref_slice %arg3[%dma_start3A_1263, %dma_start3A_1264] : memref<250000x128xf32, #tpu.memory_space<hbm>> -> memref<250000x128xf32, #tpu.memory_space<hbm>>
        tpu.enqueue_indirect_dma source(%dma_start3A_1265 : memref<250000x128xf32, #tpu.memory_space<hbm>>) target(%dma_start3A_1259 : memref<128x128xf32, #tpu.memory_space<vmem>>) offsets(%dma_start3A_1262 : memref<128xi32, #tpu.memory_space<vmem>>) semaphore(%arg10 : memref<!tpu.dma_semaphore, #tpu.memory_space<semaphore_mem>>)
      } else {
      }
      %dma_wait3A_678 = arith.constant 128 : i32
      %dma_wait3A_679 = arith.constant 0 : i32
      %dma_wait3A_680 = tpu.memref_slice %arg8[%dma_wait3A_678, %dma_wait3A_679] : memref<512x128xf32, #tpu.memory_space<vmem>> -> memref<128x128xf32, #tpu.memory_space<vmem>>
      %dma_wait3A_681 = arith.constant 0 : i32
      %dma_wait3A_682 = arith.constant 0 : i32
      %dma_wait3A_683 = tpu.memref_slice %arg3[%dma_wait3A_681, %dma_wait3A_682] : memref<250000x128xf32, #tpu.memory_space<hbm>> -> memref<128x128xf32, #tpu.memory_space<hbm>>
      %dma_wait3A_684 = arith.constant 128 : i32
      %dma_wait3A_685 = arith.constant 0 : i32
      %dma_wait3A_686 = tpu.memref_slice %arg8[%dma_wait3A_684, %dma_wait3A_685] : memref<512x128xf32, #tpu.memory_space<vmem>> -> memref<128x128xf32, #tpu.memory_space<vmem>>
      %dma_wait3A_687 = arith.constant 0 : i32
      %dma_wait3A_688 = arith.constant 0 : i32
      %dma_wait3A_689 = tpu.memref_slice %arg3[%dma_wait3A_687, %dma_wait3A_688] : memref<250000x128xf32, #tpu.memory_space<hbm>> -> memref<128x128xf32, #tpu.memory_space<hbm>>
      tpu.wait_dma2 semaphore(%arg11 : memref<!tpu.dma_semaphore, #tpu.memory_space<semaphore_mem>>) src(%dma_wait3A_689 : memref<128x128xf32, #tpu.memory_space<hbm>>) dst(%dma_wait3A_686 : memref<128x128xf32, #tpu.memory_space<vmem>>)
      %ge3A_690 = arith.constant 4 : i32
      %ge3A_691 = arith.cmpi sge, %add3A_668, %ge3A_690 : i32
      %convert_element_type3A_692 = arith.extui %ge3A_691 : i1 to i32
      %cond3A_693 = arith.constant 0 : i32
      %cond3A_694 = arith.cmpi ne, %convert_element_type3A_692, %cond3A_693 : i32
      scf.if %cond3A_694 {
        %dma_wait3A_1054 = arith.constant 0 : i32
        %dma_wait3A_1055 = arith.constant 32 : i32
        %dma_wait3A_1056 = arith.constant 0 : i32
        %dma_wait3A_1057 = tpu.memref_slice %arg9[%dma_wait3A_1055, %dma_wait3A_1056] : memref<128x128xf32, #tpu.memory_space<vmem>> -> memref<32x128xf32, #tpu.memory_space<vmem>>
        %dma_wait3A_1058 = arith.constant 0 : i32
        %dma_wait3A_1059 = arith.constant 0 : i32
        %dma_wait3A_1060 = tpu.memref_slice %arg4[%dma_wait3A_1054, %dma_wait3A_1058, %dma_wait3A_1059] : memref<50x32x16384xf32, #tpu.memory_space<hbm>> -> memref<1x32x128xf32, #tpu.memory_space<hbm>>
        %dma_wait3A_1061 = tpu.memref_squeeze %dma_wait3A_1060 : memref<1x32x128xf32, #tpu.memory_space<hbm>> -> memref<32x128xf32, #tpu.memory_space<hbm>>
        %dma_wait3A_1062 = arith.constant 0 : i32
        %dma_wait3A_1063 = arith.constant 0 : i32
        %dma_wait3A_1064 = tpu.memref_slice %arg4[%dma_wait3A_1054, %dma_wait3A_1062, %dma_wait3A_1063] : memref<50x32x16384xf32, #tpu.memory_space<hbm>> -> memref<1x32x128xf32, #tpu.memory_space<hbm>>
        %dma_wait3A_1065 = tpu.memref_squeeze %dma_wait3A_1064 : memref<1x32x128xf32, #tpu.memory_space<hbm>> -> memref<32x128xf32, #tpu.memory_space<hbm>>
        %dma_wait3A_1066 = arith.constant 32 : i32
        %dma_wait3A_1067 = arith.constant 0 : i32
        %dma_wait3A_1068 = tpu.memref_slice %arg9[%dma_wait3A_1066, %dma_wait3A_1067] : memref<128x128xf32, #tpu.memory_space<vmem>> -> memref<32x128xf32, #tpu.memory_space<vmem>>
        tpu.wait_dma2 semaphore(%arg15 : memref<!tpu.dma_semaphore, #tpu.memory_space<semaphore_mem>>) src(%dma_wait3A_1068 : memref<32x128xf32, #tpu.memory_space<vmem>>) dst(%dma_wait3A_1065 : memref<32x128xf32, #tpu.memory_space<hbm>>)
      } else {
      }
      %add3A_695 = arith.constant 0 : i32
      %add3A_696 = vector.broadcast %add3A_695 : i32 to vector<16xi32>
      %add3A_697 = arith.addi %add3A_696, %iota3A : vector<16xi32>
      %add3A_698 = arith.constant 16 : i32
      %add3A_699 = vector.broadcast %add3A_698 : i32 to vector<16xi32>
      %add3A_700 = arith.addi %add3A_699, %iota3A : vector<16xi32>
      %add3A_701 = arith.constant 32 : i32
      %add3A_702 = vector.broadcast %add3A_701 : i32 to vector<16xi32>
      %add3A_703 = arith.addi %add3A_702, %iota3A : vector<16xi32>
      %add3A_704 = arith.constant 48 : i32
      %add3A_705 = vector.broadcast %add3A_704 : i32 to vector<16xi32>
      %add3A_706 = arith.addi %add3A_705, %iota3A : vector<16xi32>
      %add3A_707 = arith.constant 64 : i32
      %add3A_708 = vector.broadcast %add3A_707 : i32 to vector<16xi32>
      %add3A_709 = arith.addi %add3A_708, %iota3A : vector<16xi32>
      %add3A_710 = arith.constant 80 : i32
      %add3A_711 = vector.broadcast %add3A_710 : i32 to vector<16xi32>
      %add3A_712 = arith.addi %add3A_711, %iota3A : vector<16xi32>
      %add3A_713 = arith.constant 96 : i32
      %add3A_714 = vector.broadcast %add3A_713 : i32 to vector<16xi32>
      %add3A_715 = arith.addi %add3A_714, %iota3A : vector<16xi32>
      %add3A_716 = arith.constant 112 : i32
      %add3A_717 = vector.broadcast %add3A_716 : i32 to vector<16xi32>
      %add3A_718 = arith.addi %add3A_717, %iota3A : vector<16xi32>
      %get3A_719 = arith.constant 128 : index
      %get3A_720 = tpu.vector_load %arg7[%get3A_719] {strides = array<i32>} : memref<512xi32, #tpu.memory_space<vmem>>, vector<16xi32>,
      %get3A_721 = arith.constant 144 : index
      %get3A_722 = tpu.vector_load %arg7[%get3A_721] {strides = array<i32>} : memref<512xi32, #tpu.memory_space<vmem>>, vector<16xi32>,
      %get3A_723 = arith.constant 160 : index
      %get3A_724 = tpu.vector_load %arg7[%get3A_723] {strides = array<i32>} : memref<512xi32, #tpu.memory_space<vmem>>, vector<16xi32>,
      %get3A_725 = arith.constant 176 : index
      %get3A_726 = tpu.vector_load %arg7[%get3A_725] {strides = array<i32>} : memref<512xi32, #tpu.memory_space<vmem>>, vector<16xi32>,
      %get3A_727 = arith.constant 192 : index
      %get3A_728 = tpu.vector_load %arg7[%get3A_727] {strides = array<i32>} : memref<512xi32, #tpu.memory_space<vmem>>, vector<16xi32>,
      %get3A_729 = arith.constant 208 : index
      %get3A_730 = tpu.vector_load %arg7[%get3A_729] {strides = array<i32>} : memref<512xi32, #tpu.memory_space<vmem>>, vector<16xi32>,
      %get3A_731 = arith.constant 224 : index
      %get3A_732 = tpu.vector_load %arg7[%get3A_731] {strides = array<i32>} : memref<512xi32, #tpu.memory_space<vmem>>, vector<16xi32>,
      %get3A_733 = arith.constant 240 : index
      %get3A_734 = tpu.vector_load %arg7[%get3A_733] {strides = array<i32>} : memref<512xi32, #tpu.memory_space<vmem>>, vector<16xi32>,
      %scan3A_735 = arith.constant 0 : i32
      %scan3A_736 = arith.constant 0 : i32
      %scan3A_737 = arith.constant 8 : i32
      %scan3A_738 = arith.addi %scan3A_736, %scan3A_737 : i32
      %scan3A_739 = arith.constant 1 : i32
      scf.for %scan3A_1054 = %scan3A_736 to %scan3A_738 step %scan3A_739  : i32 {
        %mul3A_1055 = arith.constant 4 : i32
        %mul3A_1056 = arith.muli %scan3A_1054, %mul3A_1055 : i32
        %add3A_1057 = vector.broadcast %mul3A_1056 : i32 to vector<16xi32>
        %add3A_1058 = arith.addi %get3A_720, %add3A_1057 : vector<16xi32>
        %add3A_1059 = arith.constant 0 : i32
        %add3A_1060 = vector.broadcast %add3A_1059 : i32 to vector<16xi32>
        %add3A_1061 = arith.addi %add3A_1058, %add3A_1060 : vector<16xi32>
        %gather3A = arith.constant 128 : i32
        %gather3A_1062 = arith.constant 0 : i32
        %gather3A_1063 = tpu.memref_slice %arg8[%gather3A, %gather3A_1062] : memref<512x128xf32, #tpu.memory_space<vmem>> -> memref<128x128xf32, #tpu.memory_space<vmem>>
        %gather3A_1064 = tpu.vector_load_idx %gather3A_1063[%add3A_697, %add3A_1061] : memref<128x128xf32, #tpu.memory_space<vmem>>[vector<16xi32>, vector<16xi32>], vector<16xf32>,
        %add3A_1065 = vector.broadcast %mul3A_1056 : i32 to vector<16xi32>
        %add3A_1066 = arith.addi %get3A_722, %add3A_1065 : vector<16xi32>
        %add3A_1067 = arith.constant 0 : i32
        %add3A_1068 = vector.broadcast %add3A_1067 : i32 to vector<16xi32>
        %add3A_1069 = arith.addi %add3A_1066, %add3A_1068 : vector<16xi32>
        %gather3A_1070 = arith.constant 128 : i32
        %gather3A_1071 = arith.constant 0 : i32
        %gather3A_1072 = tpu.memref_slice %arg8[%gather3A_1070, %gather3A_1071] : memref<512x128xf32, #tpu.memory_space<vmem>> -> memref<128x128xf32, #tpu.memory_space<vmem>>
        %gather3A_1073 = tpu.vector_load_idx %gather3A_1072[%add3A_700, %add3A_1069] : memref<128x128xf32, #tpu.memory_space<vmem>>[vector<16xi32>, vector<16xi32>], vector<16xf32>,
        %add3A_1074 = vector.broadcast %mul3A_1056 : i32 to vector<16xi32>
        %add3A_1075 = arith.addi %get3A_724, %add3A_1074 : vector<16xi32>
        %add3A_1076 = arith.constant 0 : i32
        %add3A_1077 = vector.broadcast %add3A_1076 : i32 to vector<16xi32>
        %add3A_1078 = arith.addi %add3A_1075, %add3A_1077 : vector<16xi32>
        %gather3A_1079 = arith.constant 128 : i32
        %gather3A_1080 = arith.constant 0 : i32
        %gather3A_1081 = tpu.memref_slice %arg8[%gather3A_1079, %gather3A_1080] : memref<512x128xf32, #tpu.memory_space<vmem>> -> memref<128x128xf32, #tpu.memory_space<vmem>>
        %gather3A_1082 = tpu.vector_load_idx %gather3A_1081[%add3A_703, %add3A_1078] : memref<128x128xf32, #tpu.memory_space<vmem>>[vector<16xi32>, vector<16xi32>], vector<16xf32>,
        %add3A_1083 = vector.broadcast %mul3A_1056 : i32 to vector<16xi32>
        %add3A_1084 = arith.addi %get3A_726, %add3A_1083 : vector<16xi32>
        %add3A_1085 = arith.constant 0 : i32
        %add3A_1086 = vector.broadcast %add3A_1085 : i32 to vector<16xi32>
        %add3A_1087 = arith.addi %add3A_1084, %add3A_1086 : vector<16xi32>
        %gather3A_1088 = arith.constant 128 : i32
        %gather3A_1089 = arith.constant 0 : i32
        %gather3A_1090 = tpu.memref_slice %arg8[%gather3A_1088, %gather3A_1089] : memref<512x128xf32, #tpu.memory_space<vmem>> -> memref<128x128xf32, #tpu.memory_space<vmem>>
        %gather3A_1091 = tpu.vector_load_idx %gather3A_1090[%add3A_706, %add3A_1087] : memref<128x128xf32, #tpu.memory_space<vmem>>[vector<16xi32>, vector<16xi32>], vector<16xf32>,
        %add3A_1092 = vector.broadcast %mul3A_1056 : i32 to vector<16xi32>
        %add3A_1093 = arith.addi %get3A_728, %add3A_1092 : vector<16xi32>
        %add3A_1094 = arith.constant 0 : i32
        %add3A_1095 = vector.broadcast %add3A_1094 : i32 to vector<16xi32>
        %add3A_1096 = arith.addi %add3A_1093, %add3A_1095 : vector<16xi32>
        %gather3A_1097 = arith.constant 128 : i32
        %gather3A_1098 = arith.constant 0 : i32
        %gather3A_1099 = tpu.memref_slice %arg8[%gather3A_1097, %gather3A_1098] : memref<512x128xf32, #tpu.memory_space<vmem>> -> memref<128x128xf32, #tpu.memory_space<vmem>>
        %gather3A_1100 = tpu.vector_load_idx %gather3A_1099[%add3A_709, %add3A_1096] : memref<128x128xf32, #tpu.memory_space<vmem>>[vector<16xi32>, vector<16xi32>], vector<16xf32>,
        %add3A_1101 = vector.broadcast %mul3A_1056 : i32 to vector<16xi32>
        %add3A_1102 = arith.addi %get3A_730, %add3A_1101 : vector<16xi32>
        %add3A_1103 = arith.constant 0 : i32
        %add3A_1104 = vector.broadcast %add3A_1103 : i32 to vector<16xi32>
        %add3A_1105 = arith.addi %add3A_1102, %add3A_1104 : vector<16xi32>
        %gather3A_1106 = arith.constant 128 : i32
        %gather3A_1107 = arith.constant 0 : i32
        %gather3A_1108 = tpu.memref_slice %arg8[%gather3A_1106, %gather3A_1107] : memref<512x128xf32, #tpu.memory_space<vmem>> -> memref<128x128xf32, #tpu.memory_space<vmem>>
        %gather3A_1109 = tpu.vector_load_idx %gather3A_1108[%add3A_712, %add3A_1105] : memref<128x128xf32, #tpu.memory_space<vmem>>[vector<16xi32>, vector<16xi32>], vector<16xf32>,
        %add3A_1110 = vector.broadcast %mul3A_1056 : i32 to vector<16xi32>
        %add3A_1111 = arith.addi %get3A_732, %add3A_1110 : vector<16xi32>
        %add3A_1112 = arith.constant 0 : i32
        %add3A_1113 = vector.broadcast %add3A_1112 : i32 to vector<16xi32>
        %add3A_1114 = arith.addi %add3A_1111, %add3A_1113 : vector<16xi32>
        %gather3A_1115 = arith.constant 128 : i32
        %gather3A_1116 = arith.constant 0 : i32
        %gather3A_1117 = tpu.memref_slice %arg8[%gather3A_1115, %gather3A_1116] : memref<512x128xf32, #tpu.memory_space<vmem>> -> memref<128x128xf32, #tpu.memory_space<vmem>>
        %gather3A_1118 = tpu.vector_load_idx %gather3A_1117[%add3A_715, %add3A_1114] : memref<128x128xf32, #tpu.memory_space<vmem>>[vector<16xi32>, vector<16xi32>], vector<16xf32>,
        %add3A_1119 = vector.broadcast %mul3A_1056 : i32 to vector<16xi32>
        %add3A_1120 = arith.addi %get3A_734, %add3A_1119 : vector<16xi32>
        %add3A_1121 = arith.constant 0 : i32
        %add3A_1122 = vector.broadcast %add3A_1121 : i32 to vector<16xi32>
        %add3A_1123 = arith.addi %add3A_1120, %add3A_1122 : vector<16xi32>
        %gather3A_1124 = arith.constant 128 : i32
        %gather3A_1125 = arith.constant 0 : i32
        %gather3A_1126 = tpu.memref_slice %arg8[%gather3A_1124, %gather3A_1125] : memref<512x128xf32, #tpu.memory_space<vmem>> -> memref<128x128xf32, #tpu.memory_space<vmem>>
        %gather3A_1127 = tpu.vector_load_idx %gather3A_1126[%add3A_718, %add3A_1123] : memref<128x128xf32, #tpu.memory_space<vmem>>[vector<16xi32>, vector<16xi32>], vector<16xf32>,
        %add3A_1128 = vector.broadcast %mul3A_1056 : i32 to vector<16xi32>
        %add3A_1129 = arith.addi %get3A_720, %add3A_1128 : vector<16xi32>
        %add3A_1130 = arith.constant 1 : i32
        %add3A_1131 = vector.broadcast %add3A_1130 : i32 to vector<16xi32>
        %add3A_1132 = arith.addi %add3A_1129, %add3A_1131 : vector<16xi32>
        %gather3A_1133 = arith.constant 128 : i32
        %gather3A_1134 = arith.constant 0 : i32
        %gather3A_1135 = tpu.memref_slice %arg8[%gather3A_1133, %gather3A_1134] : memref<512x128xf32, #tpu.memory_space<vmem>> -> memref<128x128xf32, #tpu.memory_space<vmem>>
        %gather3A_1136 = tpu.vector_load_idx %gather3A_1135[%add3A_697, %add3A_1132] : memref<128x128xf32, #tpu.memory_space<vmem>>[vector<16xi32>, vector<16xi32>], vector<16xf32>,
        %add3A_1137 = vector.broadcast %mul3A_1056 : i32 to vector<16xi32>
        %add3A_1138 = arith.addi %get3A_722, %add3A_1137 : vector<16xi32>
        %add3A_1139 = arith.constant 1 : i32
        %add3A_1140 = vector.broadcast %add3A_1139 : i32 to vector<16xi32>
        %add3A_1141 = arith.addi %add3A_1138, %add3A_1140 : vector<16xi32>
        %gather3A_1142 = arith.constant 128 : i32
        %gather3A_1143 = arith.constant 0 : i32
        %gather3A_1144 = tpu.memref_slice %arg8[%gather3A_1142, %gather3A_1143] : memref<512x128xf32, #tpu.memory_space<vmem>> -> memref<128x128xf32, #tpu.memory_space<vmem>>
        %gather3A_1145 = tpu.vector_load_idx %gather3A_1144[%add3A_700, %add3A_1141] : memref<128x128xf32, #tpu.memory_space<vmem>>[vector<16xi32>, vector<16xi32>], vector<16xf32>,
        %add3A_1146 = vector.broadcast %mul3A_1056 : i32 to vector<16xi32>
        %add3A_1147 = arith.addi %get3A_724, %add3A_1146 : vector<16xi32>
        %add3A_1148 = arith.constant 1 : i32
        %add3A_1149 = vector.broadcast %add3A_1148 : i32 to vector<16xi32>
        %add3A_1150 = arith.addi %add3A_1147, %add3A_1149 : vector<16xi32>
        %gather3A_1151 = arith.constant 128 : i32
        %gather3A_1152 = arith.constant 0 : i32
        %gather3A_1153 = tpu.memref_slice %arg8[%gather3A_1151, %gather3A_1152] : memref<512x128xf32, #tpu.memory_space<vmem>> -> memref<128x128xf32, #tpu.memory_space<vmem>>
        %gather3A_1154 = tpu.vector_load_idx %gather3A_1153[%add3A_703, %add3A_1150] : memref<128x128xf32, #tpu.memory_space<vmem>>[vector<16xi32>, vector<16xi32>], vector<16xf32>,
        %add3A_1155 = vector.broadcast %mul3A_1056 : i32 to vector<16xi32>
        %add3A_1156 = arith.addi %get3A_726, %add3A_1155 : vector<16xi32>
        %add3A_1157 = arith.constant 1 : i32
        %add3A_1158 = vector.broadcast %add3A_1157 : i32 to vector<16xi32>
        %add3A_1159 = arith.addi %add3A_1156, %add3A_1158 : vector<16xi32>
        %gather3A_1160 = arith.constant 128 : i32
        %gather3A_1161 = arith.constant 0 : i32
        %gather3A_1162 = tpu.memref_slice %arg8[%gather3A_1160, %gather3A_1161] : memref<512x128xf32, #tpu.memory_space<vmem>> -> memref<128x128xf32, #tpu.memory_space<vmem>>
        %gather3A_1163 = tpu.vector_load_idx %gather3A_1162[%add3A_706, %add3A_1159] : memref<128x128xf32, #tpu.memory_space<vmem>>[vector<16xi32>, vector<16xi32>], vector<16xf32>,
        %add3A_1164 = vector.broadcast %mul3A_1056 : i32 to vector<16xi32>
        %add3A_1165 = arith.addi %get3A_728, %add3A_1164 : vector<16xi32>
        %add3A_1166 = arith.constant 1 : i32
        %add3A_1167 = vector.broadcast %add3A_1166 : i32 to vector<16xi32>
        %add3A_1168 = arith.addi %add3A_1165, %add3A_1167 : vector<16xi32>
        %gather3A_1169 = arith.constant 128 : i32
        %gather3A_1170 = arith.constant 0 : i32
        %gather3A_1171 = tpu.memref_slice %arg8[%gather3A_1169, %gather3A_1170] : memref<512x128xf32, #tpu.memory_space<vmem>> -> memref<128x128xf32, #tpu.memory_space<vmem>>
        %gather3A_1172 = tpu.vector_load_idx %gather3A_1171[%add3A_709, %add3A_1168] : memref<128x128xf32, #tpu.memory_space<vmem>>[vector<16xi32>, vector<16xi32>], vector<16xf32>,
        %add3A_1173 = vector.broadcast %mul3A_1056 : i32 to vector<16xi32>
        %add3A_1174 = arith.addi %get3A_730, %add3A_1173 : vector<16xi32>
        %add3A_1175 = arith.constant 1 : i32
        %add3A_1176 = vector.broadcast %add3A_1175 : i32 to vector<16xi32>
        %add3A_1177 = arith.addi %add3A_1174, %add3A_1176 : vector<16xi32>
        %gather3A_1178 = arith.constant 128 : i32
        %gather3A_1179 = arith.constant 0 : i32
        %gather3A_1180 = tpu.memref_slice %arg8[%gather3A_1178, %gather3A_1179] : memref<512x128xf32, #tpu.memory_space<vmem>> -> memref<128x128xf32, #tpu.memory_space<vmem>>
        %gather3A_1181 = tpu.vector_load_idx %gather3A_1180[%add3A_712, %add3A_1177] : memref<128x128xf32, #tpu.memory_space<vmem>>[vector<16xi32>, vector<16xi32>], vector<16xf32>,
        %add3A_1182 = vector.broadcast %mul3A_1056 : i32 to vector<16xi32>
        %add3A_1183 = arith.addi %get3A_732, %add3A_1182 : vector<16xi32>
        %add3A_1184 = arith.constant 1 : i32
        %add3A_1185 = vector.broadcast %add3A_1184 : i32 to vector<16xi32>
        %add3A_1186 = arith.addi %add3A_1183, %add3A_1185 : vector<16xi32>
        %gather3A_1187 = arith.constant 128 : i32
        %gather3A_1188 = arith.constant 0 : i32
        %gather3A_1189 = tpu.memref_slice %arg8[%gather3A_1187, %gather3A_1188] : memref<512x128xf32, #tpu.memory_space<vmem>> -> memref<128x128xf32, #tpu.memory_space<vmem>>
        %gather3A_1190 = tpu.vector_load_idx %gather3A_1189[%add3A_715, %add3A_1186] : memref<128x128xf32, #tpu.memory_space<vmem>>[vector<16xi32>, vector<16xi32>], vector<16xf32>,
        %add3A_1191 = vector.broadcast %mul3A_1056 : i32 to vector<16xi32>
        %add3A_1192 = arith.addi %get3A_734, %add3A_1191 : vector<16xi32>
        %add3A_1193 = arith.constant 1 : i32
        %add3A_1194 = vector.broadcast %add3A_1193 : i32 to vector<16xi32>
        %add3A_1195 = arith.addi %add3A_1192, %add3A_1194 : vector<16xi32>
        %gather3A_1196 = arith.constant 128 : i32
        %gather3A_1197 = arith.constant 0 : i32
        %gather3A_1198 = tpu.memref_slice %arg8[%gather3A_1196, %gather3A_1197] : memref<512x128xf32, #tpu.memory_space<vmem>> -> memref<128x128xf32, #tpu.memory_space<vmem>>
        %gather3A_1199 = tpu.vector_load_idx %gather3A_1198[%add3A_718, %add3A_1195] : memref<128x128xf32, #tpu.memory_space<vmem>>[vector<16xi32>, vector<16xi32>], vector<16xf32>,
        %add3A_1200 = vector.broadcast %mul3A_1056 : i32 to vector<16xi32>
        %add3A_1201 = arith.addi %get3A_720, %add3A_1200 : vector<16xi32>
        %add3A_1202 = arith.constant 2 : i32
        %add3A_1203 = vector.broadcast %add3A_1202 : i32 to vector<16xi32>
        %add3A_1204 = arith.addi %add3A_1201, %add3A_1203 : vector<16xi32>
        %gather3A_1205 = arith.constant 128 : i32
        %gather3A_1206 = arith.constant 0 : i32
        %gather3A_1207 = tpu.memref_slice %arg8[%gather3A_1205, %gather3A_1206] : memref<512x128xf32, #tpu.memory_space<vmem>> -> memref<128x128xf32, #tpu.memory_space<vmem>>
        %gather3A_1208 = tpu.vector_load_idx %gather3A_1207[%add3A_697, %add3A_1204] : memref<128x128xf32, #tpu.memory_space<vmem>>[vector<16xi32>, vector<16xi32>], vector<16xf32>,
        %add3A_1209 = vector.broadcast %mul3A_1056 : i32 to vector<16xi32>
        %add3A_1210 = arith.addi %get3A_722, %add3A_1209 : vector<16xi32>
        %add3A_1211 = arith.constant 2 : i32
        %add3A_1212 = vector.broadcast %add3A_1211 : i32 to vector<16xi32>
        %add3A_1213 = arith.addi %add3A_1210, %add3A_1212 : vector<16xi32>
        %gather3A_1214 = arith.constant 128 : i32
        %gather3A_1215 = arith.constant 0 : i32
        %gather3A_1216 = tpu.memref_slice %arg8[%gather3A_1214, %gather3A_1215] : memref<512x128xf32, #tpu.memory_space<vmem>> -> memref<128x128xf32, #tpu.memory_space<vmem>>
        %gather3A_1217 = tpu.vector_load_idx %gather3A_1216[%add3A_700, %add3A_1213] : memref<128x128xf32, #tpu.memory_space<vmem>>[vector<16xi32>, vector<16xi32>], vector<16xf32>,
        %add3A_1218 = vector.broadcast %mul3A_1056 : i32 to vector<16xi32>
        %add3A_1219 = arith.addi %get3A_724, %add3A_1218 : vector<16xi32>
        %add3A_1220 = arith.constant 2 : i32
        %add3A_1221 = vector.broadcast %add3A_1220 : i32 to vector<16xi32>
        %add3A_1222 = arith.addi %add3A_1219, %add3A_1221 : vector<16xi32>
        %gather3A_1223 = arith.constant 128 : i32
        %gather3A_1224 = arith.constant 0 : i32
        %gather3A_1225 = tpu.memref_slice %arg8[%gather3A_1223, %gather3A_1224] : memref<512x128xf32, #tpu.memory_space<vmem>> -> memref<128x128xf32, #tpu.memory_space<vmem>>
        %gather3A_1226 = tpu.vector_load_idx %gather3A_1225[%add3A_703, %add3A_1222] : memref<128x128xf32, #tpu.memory_space<vmem>>[vector<16xi32>, vector<16xi32>], vector<16xf32>,
        %add3A_1227 = vector.broadcast %mul3A_1056 : i32 to vector<16xi32>
        %add3A_1228 = arith.addi %get3A_726, %add3A_1227 : vector<16xi32>
        %add3A_1229 = arith.constant 2 : i32
        %add3A_1230 = vector.broadcast %add3A_1229 : i32 to vector<16xi32>
        %add3A_1231 = arith.addi %add3A_1228, %add3A_1230 : vector<16xi32>
        %gather3A_1232 = arith.constant 128 : i32
        %gather3A_1233 = arith.constant 0 : i32
        %gather3A_1234 = tpu.memref_slice %arg8[%gather3A_1232, %gather3A_1233] : memref<512x128xf32, #tpu.memory_space<vmem>> -> memref<128x128xf32, #tpu.memory_space<vmem>>
        %gather3A_1235 = tpu.vector_load_idx %gather3A_1234[%add3A_706, %add3A_1231] : memref<128x128xf32, #tpu.memory_space<vmem>>[vector<16xi32>, vector<16xi32>], vector<16xf32>,
        %add3A_1236 = vector.broadcast %mul3A_1056 : i32 to vector<16xi32>
        %add3A_1237 = arith.addi %get3A_728, %add3A_1236 : vector<16xi32>
        %add3A_1238 = arith.constant 2 : i32
        %add3A_1239 = vector.broadcast %add3A_1238 : i32 to vector<16xi32>
        %add3A_1240 = arith.addi %add3A_1237, %add3A_1239 : vector<16xi32>
        %gather3A_1241 = arith.constant 128 : i32
        %gather3A_1242 = arith.constant 0 : i32
        %gather3A_1243 = tpu.memref_slice %arg8[%gather3A_1241, %gather3A_1242] : memref<512x128xf32, #tpu.memory_space<vmem>> -> memref<128x128xf32, #tpu.memory_space<vmem>>
        %gather3A_1244 = tpu.vector_load_idx %gather3A_1243[%add3A_709, %add3A_1240] : memref<128x128xf32, #tpu.memory_space<vmem>>[vector<16xi32>, vector<16xi32>], vector<16xf32>,
        %add3A_1245 = vector.broadcast %mul3A_1056 : i32 to vector<16xi32>
        %add3A_1246 = arith.addi %get3A_730, %add3A_1245 : vector<16xi32>
        %add3A_1247 = arith.constant 2 : i32
        %add3A_1248 = vector.broadcast %add3A_1247 : i32 to vector<16xi32>
        %add3A_1249 = arith.addi %add3A_1246, %add3A_1248 : vector<16xi32>
        %gather3A_1250 = arith.constant 128 : i32
        %gather3A_1251 = arith.constant 0 : i32
        %gather3A_1252 = tpu.memref_slice %arg8[%gather3A_1250, %gather3A_1251] : memref<512x128xf32, #tpu.memory_space<vmem>> -> memref<128x128xf32, #tpu.memory_space<vmem>>
        %gather3A_1253 = tpu.vector_load_idx %gather3A_1252[%add3A_712, %add3A_1249] : memref<128x128xf32, #tpu.memory_space<vmem>>[vector<16xi32>, vector<16xi32>], vector<16xf32>,
        %add3A_1254 = vector.broadcast %mul3A_1056 : i32 to vector<16xi32>
        %add3A_1255 = arith.addi %get3A_732, %add3A_1254 : vector<16xi32>
        %add3A_1256 = arith.constant 2 : i32
        %add3A_1257 = vector.broadcast %add3A_1256 : i32 to vector<16xi32>
        %add3A_1258 = arith.addi %add3A_1255, %add3A_1257 : vector<16xi32>
        %gather3A_1259 = arith.constant 128 : i32
        %gather3A_1260 = arith.constant 0 : i32
        %gather3A_1261 = tpu.memref_slice %arg8[%gather3A_1259, %gather3A_1260] : memref<512x128xf32, #tpu.memory_space<vmem>> -> memref<128x128xf32, #tpu.memory_space<vmem>>
        %gather3A_1262 = tpu.vector_load_idx %gather3A_1261[%add3A_715, %add3A_1258] : memref<128x128xf32, #tpu.memory_space<vmem>>[vector<16xi32>, vector<16xi32>], vector<16xf32>,
        %add3A_1263 = vector.broadcast %mul3A_1056 : i32 to vector<16xi32>
        %add3A_1264 = arith.addi %get3A_734, %add3A_1263 : vector<16xi32>
        %add3A_1265 = arith.constant 2 : i32
        %add3A_1266 = vector.broadcast %add3A_1265 : i32 to vector<16xi32>
        %add3A_1267 = arith.addi %add3A_1264, %add3A_1266 : vector<16xi32>
        %gather3A_1268 = arith.constant 128 : i32
        %gather3A_1269 = arith.constant 0 : i32
        %gather3A_1270 = tpu.memref_slice %arg8[%gather3A_1268, %gather3A_1269] : memref<512x128xf32, #tpu.memory_space<vmem>> -> memref<128x128xf32, #tpu.memory_space<vmem>>
        %gather3A_1271 = tpu.vector_load_idx %gather3A_1270[%add3A_718, %add3A_1267] : memref<128x128xf32, #tpu.memory_space<vmem>>[vector<16xi32>, vector<16xi32>], vector<16xf32>,
        %add3A_1272 = vector.broadcast %mul3A_1056 : i32 to vector<16xi32>
        %add3A_1273 = arith.addi %get3A_720, %add3A_1272 : vector<16xi32>
        %add3A_1274 = arith.constant 3 : i32
        %add3A_1275 = vector.broadcast %add3A_1274 : i32 to vector<16xi32>
        %add3A_1276 = arith.addi %add3A_1273, %add3A_1275 : vector<16xi32>
        %gather3A_1277 = arith.constant 128 : i32
        %gather3A_1278 = arith.constant 0 : i32
        %gather3A_1279 = tpu.memref_slice %arg8[%gather3A_1277, %gather3A_1278] : memref<512x128xf32, #tpu.memory_space<vmem>> -> memref<128x128xf32, #tpu.memory_space<vmem>>
        %gather3A_1280 = tpu.vector_load_idx %gather3A_1279[%add3A_697, %add3A_1276] : memref<128x128xf32, #tpu.memory_space<vmem>>[vector<16xi32>, vector<16xi32>], vector<16xf32>,
        %add3A_1281 = vector.broadcast %mul3A_1056 : i32 to vector<16xi32>
        %add3A_1282 = arith.addi %get3A_722, %add3A_1281 : vector<16xi32>
        %add3A_1283 = arith.constant 3 : i32
        %add3A_1284 = vector.broadcast %add3A_1283 : i32 to vector<16xi32>
        %add3A_1285 = arith.addi %add3A_1282, %add3A_1284 : vector<16xi32>
        %gather3A_1286 = arith.constant 128 : i32
        %gather3A_1287 = arith.constant 0 : i32
        %gather3A_1288 = tpu.memref_slice %arg8[%gather3A_1286, %gather3A_1287] : memref<512x128xf32, #tpu.memory_space<vmem>> -> memref<128x128xf32, #tpu.memory_space<vmem>>
        %gather3A_1289 = tpu.vector_load_idx %gather3A_1288[%add3A_700, %add3A_1285] : memref<128x128xf32, #tpu.memory_space<vmem>>[vector<16xi32>, vector<16xi32>], vector<16xf32>,
        %add3A_1290 = vector.broadcast %mul3A_1056 : i32 to vector<16xi32>
        %add3A_1291 = arith.addi %get3A_724, %add3A_1290 : vector<16xi32>
        %add3A_1292 = arith.constant 3 : i32
        %add3A_1293 = vector.broadcast %add3A_1292 : i32 to vector<16xi32>
        %add3A_1294 = arith.addi %add3A_1291, %add3A_1293 : vector<16xi32>
        %gather3A_1295 = arith.constant 128 : i32
        %gather3A_1296 = arith.constant 0 : i32
        %gather3A_1297 = tpu.memref_slice %arg8[%gather3A_1295, %gather3A_1296] : memref<512x128xf32, #tpu.memory_space<vmem>> -> memref<128x128xf32, #tpu.memory_space<vmem>>
        %gather3A_1298 = tpu.vector_load_idx %gather3A_1297[%add3A_703, %add3A_1294] : memref<128x128xf32, #tpu.memory_space<vmem>>[vector<16xi32>, vector<16xi32>], vector<16xf32>,
        %add3A_1299 = vector.broadcast %mul3A_1056 : i32 to vector<16xi32>
        %add3A_1300 = arith.addi %get3A_726, %add3A_1299 : vector<16xi32>
        %add3A_1301 = arith.constant 3 : i32
        %add3A_1302 = vector.broadcast %add3A_1301 : i32 to vector<16xi32>
        %add3A_1303 = arith.addi %add3A_1300, %add3A_1302 : vector<16xi32>
        %gather3A_1304 = arith.constant 128 : i32
        %gather3A_1305 = arith.constant 0 : i32
        %gather3A_1306 = tpu.memref_slice %arg8[%gather3A_1304, %gather3A_1305] : memref<512x128xf32, #tpu.memory_space<vmem>> -> memref<128x128xf32, #tpu.memory_space<vmem>>
        %gather3A_1307 = tpu.vector_load_idx %gather3A_1306[%add3A_706, %add3A_1303] : memref<128x128xf32, #tpu.memory_space<vmem>>[vector<16xi32>, vector<16xi32>], vector<16xf32>,
        %add3A_1308 = vector.broadcast %mul3A_1056 : i32 to vector<16xi32>
        %add3A_1309 = arith.addi %get3A_728, %add3A_1308 : vector<16xi32>
        %add3A_1310 = arith.constant 3 : i32
        %add3A_1311 = vector.broadcast %add3A_1310 : i32 to vector<16xi32>
        %add3A_1312 = arith.addi %add3A_1309, %add3A_1311 : vector<16xi32>
        %gather3A_1313 = arith.constant 128 : i32
        %gather3A_1314 = arith.constant 0 : i32
        %gather3A_1315 = tpu.memref_slice %arg8[%gather3A_1313, %gather3A_1314] : memref<512x128xf32, #tpu.memory_space<vmem>> -> memref<128x128xf32, #tpu.memory_space<vmem>>
        %gather3A_1316 = tpu.vector_load_idx %gather3A_1315[%add3A_709, %add3A_1312] : memref<128x128xf32, #tpu.memory_space<vmem>>[vector<16xi32>, vector<16xi32>], vector<16xf32>,
        %add3A_1317 = vector.broadcast %mul3A_1056 : i32 to vector<16xi32>
        %add3A_1318 = arith.addi %get3A_730, %add3A_1317 : vector<16xi32>
        %add3A_1319 = arith.constant 3 : i32
        %add3A_1320 = vector.broadcast %add3A_1319 : i32 to vector<16xi32>
        %add3A_1321 = arith.addi %add3A_1318, %add3A_1320 : vector<16xi32>
        %gather3A_1322 = arith.constant 128 : i32
        %gather3A_1323 = arith.constant 0 : i32
        %gather3A_1324 = tpu.memref_slice %arg8[%gather3A_1322, %gather3A_1323] : memref<512x128xf32, #tpu.memory_space<vmem>> -> memref<128x128xf32, #tpu.memory_space<vmem>>
        %gather3A_1325 = tpu.vector_load_idx %gather3A_1324[%add3A_712, %add3A_1321] : memref<128x128xf32, #tpu.memory_space<vmem>>[vector<16xi32>, vector<16xi32>], vector<16xf32>,
        %add3A_1326 = vector.broadcast %mul3A_1056 : i32 to vector<16xi32>
        %add3A_1327 = arith.addi %get3A_732, %add3A_1326 : vector<16xi32>
        %add3A_1328 = arith.constant 3 : i32
        %add3A_1329 = vector.broadcast %add3A_1328 : i32 to vector<16xi32>
        %add3A_1330 = arith.addi %add3A_1327, %add3A_1329 : vector<16xi32>
        %gather3A_1331 = arith.constant 128 : i32
        %gather3A_1332 = arith.constant 0 : i32
        %gather3A_1333 = tpu.memref_slice %arg8[%gather3A_1331, %gather3A_1332] : memref<512x128xf32, #tpu.memory_space<vmem>> -> memref<128x128xf32, #tpu.memory_space<vmem>>
        %gather3A_1334 = tpu.vector_load_idx %gather3A_1333[%add3A_715, %add3A_1330] : memref<128x128xf32, #tpu.memory_space<vmem>>[vector<16xi32>, vector<16xi32>], vector<16xf32>,
        %add3A_1335 = vector.broadcast %mul3A_1056 : i32 to vector<16xi32>
        %add3A_1336 = arith.addi %get3A_734, %add3A_1335 : vector<16xi32>
        %add3A_1337 = arith.constant 3 : i32
        %add3A_1338 = vector.broadcast %add3A_1337 : i32 to vector<16xi32>
        %add3A_1339 = arith.addi %add3A_1336, %add3A_1338 : vector<16xi32>
        %gather3A_1340 = arith.constant 128 : i32
        %gather3A_1341 = arith.constant 0 : i32
        %gather3A_1342 = tpu.memref_slice %arg8[%gather3A_1340, %gather3A_1341] : memref<512x128xf32, #tpu.memory_space<vmem>> -> memref<128x128xf32, #tpu.memory_space<vmem>>
        %gather3A_1343 = tpu.vector_load_idx %gather3A_1342[%add3A_718, %add3A_1339] : memref<128x128xf32, #tpu.memory_space<vmem>>[vector<16xi32>, vector<16xi32>], vector<16xf32>,
        %add3A_1344 = arith.constant 32 : i32
        %add3A_1345 = arith.addi %add3A_1344, %mul3A_1056 : i32
        %add3A_1346 = arith.constant 0 : i32
        %add3A_1347 = arith.addi %add3A_1345, %add3A_1346 : i32
        %swap3A_1348 = arith.index_cast %add3A_1347 : i32 to index
        %swap3A_1349 = arith.constant 0 : index
        %swap3A_1350 = tpu.vector_load %arg9[%swap3A_1348, %swap3A_1349] {strides = array<i32>} : memref<128x128xf32, #tpu.memory_space<vmem>>, vector<16xf32>,
        tpu.vector_store %arg9[%swap3A_1348, %swap3A_1349], %gather3A_1064 {strides = array<i32>} : memref<128x128xf32, #tpu.memory_space<vmem>>, vector<16xf32>,
        %add3A_1351 = arith.constant 32 : i32
        %add3A_1352 = arith.addi %add3A_1351, %mul3A_1056 : i32
        %add3A_1353 = arith.constant 0 : i32
        %add3A_1354 = arith.addi %add3A_1352, %add3A_1353 : i32
        %swap3A_1355 = arith.index_cast %add3A_1354 : i32 to index
        %swap3A_1356 = arith.constant 16 : index
        %swap3A_1357 = tpu.vector_load %arg9[%swap3A_1355, %swap3A_1356] {strides = array<i32>} : memref<128x128xf32, #tpu.memory_space<vmem>>, vector<16xf32>,
        tpu.vector_store %arg9[%swap3A_1355, %swap3A_1356], %gather3A_1073 {strides = array<i32>} : memref<128x128xf32, #tpu.memory_space<vmem>>, vector<16xf32>,
        %add3A_1358 = arith.constant 32 : i32
        %add3A_1359 = arith.addi %add3A_1358, %mul3A_1056 : i32
        %add3A_1360 = arith.constant 0 : i32
        %add3A_1361 = arith.addi %add3A_1359, %add3A_1360 : i32
        %swap3A_1362 = arith.index_cast %add3A_1361 : i32 to index
        %swap3A_1363 = arith.constant 32 : index
        %swap3A_1364 = tpu.vector_load %arg9[%swap3A_1362, %swap3A_1363] {strides = array<i32>} : memref<128x128xf32, #tpu.memory_space<vmem>>, vector<16xf32>,
        tpu.vector_store %arg9[%swap3A_1362, %swap3A_1363], %gather3A_1082 {strides = array<i32>} : memref<128x128xf32, #tpu.memory_space<vmem>>, vector<16xf32>,
        %add3A_1365 = arith.constant 32 : i32
        %add3A_1366 = arith.addi %add3A_1365, %mul3A_1056 : i32
        %add3A_1367 = arith.constant 0 : i32
        %add3A_1368 = arith.addi %add3A_1366, %add3A_1367 : i32
        %swap3A_1369 = arith.index_cast %add3A_1368 : i32 to index
        %swap3A_1370 = arith.constant 48 : index
        %swap3A_1371 = tpu.vector_load %arg9[%swap3A_1369, %swap3A_1370] {strides = array<i32>} : memref<128x128xf32, #tpu.memory_space<vmem>>, vector<16xf32>,
        tpu.vector_store %arg9[%swap3A_1369, %swap3A_1370], %gather3A_1091 {strides = array<i32>} : memref<128x128xf32, #tpu.memory_space<vmem>>, vector<16xf32>,
        %add3A_1372 = arith.constant 32 : i32
        %add3A_1373 = arith.addi %add3A_1372, %mul3A_1056 : i32
        %add3A_1374 = arith.constant 0 : i32
        %add3A_1375 = arith.addi %add3A_1373, %add3A_1374 : i32
        %swap3A_1376 = arith.index_cast %add3A_1375 : i32 to index
        %swap3A_1377 = arith.constant 64 : index
        %swap3A_1378 = tpu.vector_load %arg9[%swap3A_1376, %swap3A_1377] {strides = array<i32>} : memref<128x128xf32, #tpu.memory_space<vmem>>, vector<16xf32>,
        tpu.vector_store %arg9[%swap3A_1376, %swap3A_1377], %gather3A_1100 {strides = array<i32>} : memref<128x128xf32, #tpu.memory_space<vmem>>, vector<16xf32>,
        %add3A_1379 = arith.constant 32 : i32
        %add3A_1380 = arith.addi %add3A_1379, %mul3A_1056 : i32
        %add3A_1381 = arith.constant 0 : i32
        %add3A_1382 = arith.addi %add3A_1380, %add3A_1381 : i32
        %swap3A_1383 = arith.index_cast %add3A_1382 : i32 to index
        %swap3A_1384 = arith.constant 80 : index
        %swap3A_1385 = tpu.vector_load %arg9[%swap3A_1383, %swap3A_1384] {strides = array<i32>} : memref<128x128xf32, #tpu.memory_space<vmem>>, vector<16xf32>,
        tpu.vector_store %arg9[%swap3A_1383, %swap3A_1384], %gather3A_1109 {strides = array<i32>} : memref<128x128xf32, #tpu.memory_space<vmem>>, vector<16xf32>,
        %add3A_1386 = arith.constant 32 : i32
        %add3A_1387 = arith.addi %add3A_1386, %mul3A_1056 : i32
        %add3A_1388 = arith.constant 0 : i32
        %add3A_1389 = arith.addi %add3A_1387, %add3A_1388 : i32
        %swap3A_1390 = arith.index_cast %add3A_1389 : i32 to index
        %swap3A_1391 = arith.constant 96 : index
        %swap3A_1392 = tpu.vector_load %arg9[%swap3A_1390, %swap3A_1391] {strides = array<i32>} : memref<128x128xf32, #tpu.memory_space<vmem>>, vector<16xf32>,
        tpu.vector_store %arg9[%swap3A_1390, %swap3A_1391], %gather3A_1118 {strides = array<i32>} : memref<128x128xf32, #tpu.memory_space<vmem>>, vector<16xf32>,
        %add3A_1393 = arith.constant 32 : i32
        %add3A_1394 = arith.addi %add3A_1393, %mul3A_1056 : i32
        %add3A_1395 = arith.constant 0 : i32
        %add3A_1396 = arith.addi %add3A_1394, %add3A_1395 : i32
        %swap3A_1397 = arith.index_cast %add3A_1396 : i32 to index
        %swap3A_1398 = arith.constant 112 : index
        %swap3A_1399 = tpu.vector_load %arg9[%swap3A_1397, %swap3A_1398] {strides = array<i32>} : memref<128x128xf32, #tpu.memory_space<vmem>>, vector<16xf32>,
        tpu.vector_store %arg9[%swap3A_1397, %swap3A_1398], %gather3A_1127 {strides = array<i32>} : memref<128x128xf32, #tpu.memory_space<vmem>>, vector<16xf32>,
        %add3A_1400 = arith.constant 32 : i32
        %add3A_1401 = arith.addi %add3A_1400, %mul3A_1056 : i32
        %add3A_1402 = arith.constant 1 : i32
        %add3A_1403 = arith.addi %add3A_1401, %add3A_1402 : i32
        %swap3A_1404 = arith.index_cast %add3A_1403 : i32 to index
        %swap3A_1405 = arith.constant 0 : index
        %swap3A_1406 = tpu.vector_load %arg9[%swap3A_1404, %swap3A_1405] {strides = array<i32>} : memref<128x128xf32, #tpu.memory_space<vmem>>, vector<16xf32>,
        tpu.vector_store %arg9[%swap3A_1404, %swap3A_1405], %gather3A_1136 {strides = array<i32>} : memref<128x128xf32, #tpu.memory_space<vmem>>, vector<16xf32>,
        %add3A_1407 = arith.constant 32 : i32
        %add3A_1408 = arith.addi %add3A_1407, %mul3A_1056 : i32
        %add3A_1409 = arith.constant 1 : i32
        %add3A_1410 = arith.addi %add3A_1408, %add3A_1409 : i32
        %swap3A_1411 = arith.index_cast %add3A_1410 : i32 to index
        %swap3A_1412 = arith.constant 16 : index
        %swap3A_1413 = tpu.vector_load %arg9[%swap3A_1411, %swap3A_1412] {strides = array<i32>} : memref<128x128xf32, #tpu.memory_space<vmem>>, vector<16xf32>,
        tpu.vector_store %arg9[%swap3A_1411, %swap3A_1412], %gather3A_1145 {strides = array<i32>} : memref<128x128xf32, #tpu.memory_space<vmem>>, vector<16xf32>,
        %add3A_1414 = arith.constant 32 : i32
        %add3A_1415 = arith.addi %add3A_1414, %mul3A_1056 : i32
        %add3A_1416 = arith.constant 1 : i32
        %add3A_1417 = arith.addi %add3A_1415, %add3A_1416 : i32
        %swap3A_1418 = arith.index_cast %add3A_1417 : i32 to index
        %swap3A_1419 = arith.constant 32 : index
        %swap3A_1420 = tpu.vector_load %arg9[%swap3A_1418, %swap3A_1419] {strides = array<i32>} : memref<128x128xf32, #tpu.memory_space<vmem>>, vector<16xf32>,
        tpu.vector_store %arg9[%swap3A_1418, %swap3A_1419], %gather3A_1154 {strides = array<i32>} : memref<128x128xf32, #tpu.memory_space<vmem>>, vector<16xf32>,
        %add3A_1421 = arith.constant 32 : i32
        %add3A_1422 = arith.addi %add3A_1421, %mul3A_1056 : i32
        %add3A_1423 = arith.constant 1 : i32
        %add3A_1424 = arith.addi %add3A_1422, %add3A_1423 : i32
        %swap3A_1425 = arith.index_cast %add3A_1424 : i32 to index
        %swap3A_1426 = arith.constant 48 : index
        %swap3A_1427 = tpu.vector_load %arg9[%swap3A_1425, %swap3A_1426] {strides = array<i32>} : memref<128x128xf32, #tpu.memory_space<vmem>>, vector<16xf32>,
        tpu.vector_store %arg9[%swap3A_1425, %swap3A_1426], %gather3A_1163 {strides = array<i32>} : memref<128x128xf32, #tpu.memory_space<vmem>>, vector<16xf32>,
        %add3A_1428 = arith.constant 32 : i32
        %add3A_1429 = arith.addi %add3A_1428, %mul3A_1056 : i32
        %add3A_1430 = arith.constant 1 : i32
        %add3A_1431 = arith.addi %add3A_1429, %add3A_1430 : i32
        %swap3A_1432 = arith.index_cast %add3A_1431 : i32 to index
        %swap3A_1433 = arith.constant 64 : index
        %swap3A_1434 = tpu.vector_load %arg9[%swap3A_1432, %swap3A_1433] {strides = array<i32>} : memref<128x128xf32, #tpu.memory_space<vmem>>, vector<16xf32>,
        tpu.vector_store %arg9[%swap3A_1432, %swap3A_1433], %gather3A_1172 {strides = array<i32>} : memref<128x128xf32, #tpu.memory_space<vmem>>, vector<16xf32>,
        %add3A_1435 = arith.constant 32 : i32
        %add3A_1436 = arith.addi %add3A_1435, %mul3A_1056 : i32
        %add3A_1437 = arith.constant 1 : i32
        %add3A_1438 = arith.addi %add3A_1436, %add3A_1437 : i32
        %swap3A_1439 = arith.index_cast %add3A_1438 : i32 to index
        %swap3A_1440 = arith.constant 80 : index
        %swap3A_1441 = tpu.vector_load %arg9[%swap3A_1439, %swap3A_1440] {strides = array<i32>} : memref<128x128xf32, #tpu.memory_space<vmem>>, vector<16xf32>,
        tpu.vector_store %arg9[%swap3A_1439, %swap3A_1440], %gather3A_1181 {strides = array<i32>} : memref<128x128xf32, #tpu.memory_space<vmem>>, vector<16xf32>,
        %add3A_1442 = arith.constant 32 : i32
        %add3A_1443 = arith.addi %add3A_1442, %mul3A_1056 : i32
        %add3A_1444 = arith.constant 1 : i32
        %add3A_1445 = arith.addi %add3A_1443, %add3A_1444 : i32
        %swap3A_1446 = arith.index_cast %add3A_1445 : i32 to index
        %swap3A_1447 = arith.constant 96 : index
        %swap3A_1448 = tpu.vector_load %arg9[%swap3A_1446, %swap3A_1447] {strides = array<i32>} : memref<128x128xf32, #tpu.memory_space<vmem>>, vector<16xf32>,
        tpu.vector_store %arg9[%swap3A_1446, %swap3A_1447], %gather3A_1190 {strides = array<i32>} : memref<128x128xf32, #tpu.memory_space<vmem>>, vector<16xf32>,
        %add3A_1449 = arith.constant 32 : i32
        %add3A_1450 = arith.addi %add3A_1449, %mul3A_1056 : i32
        %add3A_1451 = arith.constant 1 : i32
        %add3A_1452 = arith.addi %add3A_1450, %add3A_1451 : i32
        %swap3A_1453 = arith.index_cast %add3A_1452 : i32 to index
        %swap3A_1454 = arith.constant 112 : index
        %swap3A_1455 = tpu.vector_load %arg9[%swap3A_1453, %swap3A_1454] {strides = array<i32>} : memref<128x128xf32, #tpu.memory_space<vmem>>, vector<16xf32>,
        tpu.vector_store %arg9[%swap3A_1453, %swap3A_1454], %gather3A_1199 {strides = array<i32>} : memref<128x128xf32, #tpu.memory_space<vmem>>, vector<16xf32>,
        %add3A_1456 = arith.constant 32 : i32
        %add3A_1457 = arith.addi %add3A_1456, %mul3A_1056 : i32
        %add3A_1458 = arith.constant 2 : i32
        %add3A_1459 = arith.addi %add3A_1457, %add3A_1458 : i32
        %swap3A_1460 = arith.index_cast %add3A_1459 : i32 to index
        %swap3A_1461 = arith.constant 0 : index
        %swap3A_1462 = tpu.vector_load %arg9[%swap3A_1460, %swap3A_1461] {strides = array<i32>} : memref<128x128xf32, #tpu.memory_space<vmem>>, vector<16xf32>,
        tpu.vector_store %arg9[%swap3A_1460, %swap3A_1461], %gather3A_1208 {strides = array<i32>} : memref<128x128xf32, #tpu.memory_space<vmem>>, vector<16xf32>,
        %add3A_1463 = arith.constant 32 : i32
        %add3A_1464 = arith.addi %add3A_1463, %mul3A_1056 : i32
        %add3A_1465 = arith.constant 2 : i32
        %add3A_1466 = arith.addi %add3A_1464, %add3A_1465 : i32
        %swap3A_1467 = arith.index_cast %add3A_1466 : i32 to index
        %swap3A_1468 = arith.constant 16 : index
        %swap3A_1469 = tpu.vector_load %arg9[%swap3A_1467, %swap3A_1468] {strides = array<i32>} : memref<128x128xf32, #tpu.memory_space<vmem>>, vector<16xf32>,
        tpu.vector_store %arg9[%swap3A_1467, %swap3A_1468], %gather3A_1217 {strides = array<i32>} : memref<128x128xf32, #tpu.memory_space<vmem>>, vector<16xf32>,
        %add3A_1470 = arith.constant 32 : i32
        %add3A_1471 = arith.addi %add3A_1470, %mul3A_1056 : i32
        %add3A_1472 = arith.constant 2 : i32
        %add3A_1473 = arith.addi %add3A_1471, %add3A_1472 : i32
        %swap3A_1474 = arith.index_cast %add3A_1473 : i32 to index
        %swap3A_1475 = arith.constant 32 : index
        %swap3A_1476 = tpu.vector_load %arg9[%swap3A_1474, %swap3A_1475] {strides = array<i32>} : memref<128x128xf32, #tpu.memory_space<vmem>>, vector<16xf32>,
        tpu.vector_store %arg9[%swap3A_1474, %swap3A_1475], %gather3A_1226 {strides = array<i32>} : memref<128x128xf32, #tpu.memory_space<vmem>>, vector<16xf32>,
        %add3A_1477 = arith.constant 32 : i32
        %add3A_1478 = arith.addi %add3A_1477, %mul3A_1056 : i32
        %add3A_1479 = arith.constant 2 : i32
        %add3A_1480 = arith.addi %add3A_1478, %add3A_1479 : i32
        %swap3A_1481 = arith.index_cast %add3A_1480 : i32 to index
        %swap3A_1482 = arith.constant 48 : index
        %swap3A_1483 = tpu.vector_load %arg9[%swap3A_1481, %swap3A_1482] {strides = array<i32>} : memref<128x128xf32, #tpu.memory_space<vmem>>, vector<16xf32>,
        tpu.vector_store %arg9[%swap3A_1481, %swap3A_1482], %gather3A_1235 {strides = array<i32>} : memref<128x128xf32, #tpu.memory_space<vmem>>, vector<16xf32>,
        %add3A_1484 = arith.constant 32 : i32
        %add3A_1485 = arith.addi %add3A_1484, %mul3A_1056 : i32
        %add3A_1486 = arith.constant 2 : i32
        %add3A_1487 = arith.addi %add3A_1485, %add3A_1486 : i32
        %swap3A_1488 = arith.index_cast %add3A_1487 : i32 to index
        %swap3A_1489 = arith.constant 64 : index
        %swap3A_1490 = tpu.vector_load %arg9[%swap3A_1488, %swap3A_1489] {strides = array<i32>} : memref<128x128xf32, #tpu.memory_space<vmem>>, vector<16xf32>,
        tpu.vector_store %arg9[%swap3A_1488, %swap3A_1489], %gather3A_1244 {strides = array<i32>} : memref<128x128xf32, #tpu.memory_space<vmem>>, vector<16xf32>,
        %add3A_1491 = arith.constant 32 : i32
        %add3A_1492 = arith.addi %add3A_1491, %mul3A_1056 : i32
        %add3A_1493 = arith.constant 2 : i32
        %add3A_1494 = arith.addi %add3A_1492, %add3A_1493 : i32
        %swap3A_1495 = arith.index_cast %add3A_1494 : i32 to index
        %swap3A_1496 = arith.constant 80 : index
        %swap3A_1497 = tpu.vector_load %arg9[%swap3A_1495, %swap3A_1496] {strides = array<i32>} : memref<128x128xf32, #tpu.memory_space<vmem>>, vector<16xf32>,
        tpu.vector_store %arg9[%swap3A_1495, %swap3A_1496], %gather3A_1253 {strides = array<i32>} : memref<128x128xf32, #tpu.memory_space<vmem>>, vector<16xf32>,
        %add3A_1498 = arith.constant 32 : i32
        %add3A_1499 = arith.addi %add3A_1498, %mul3A_1056 : i32
        %add3A_1500 = arith.constant 2 : i32
        %add3A_1501 = arith.addi %add3A_1499, %add3A_1500 : i32
        %swap3A_1502 = arith.index_cast %add3A_1501 : i32 to index
        %swap3A_1503 = arith.constant 96 : index
        %swap3A_1504 = tpu.vector_load %arg9[%swap3A_1502, %swap3A_1503] {strides = array<i32>} : memref<128x128xf32, #tpu.memory_space<vmem>>, vector<16xf32>,
        tpu.vector_store %arg9[%swap3A_1502, %swap3A_1503], %gather3A_1262 {strides = array<i32>} : memref<128x128xf32, #tpu.memory_space<vmem>>, vector<16xf32>,
        %add3A_1505 = arith.constant 32 : i32
        %add3A_1506 = arith.addi %add3A_1505, %mul3A_1056 : i32
        %add3A_1507 = arith.constant 2 : i32
        %add3A_1508 = arith.addi %add3A_1506, %add3A_1507 : i32
        %swap3A_1509 = arith.index_cast %add3A_1508 : i32 to index
        %swap3A_1510 = arith.constant 112 : index
        %swap3A_1511 = tpu.vector_load %arg9[%swap3A_1509, %swap3A_1510] {strides = array<i32>} : memref<128x128xf32, #tpu.memory_space<vmem>>, vector<16xf32>,
        tpu.vector_store %arg9[%swap3A_1509, %swap3A_1510], %gather3A_1271 {strides = array<i32>} : memref<128x128xf32, #tpu.memory_space<vmem>>, vector<16xf32>,
        %add3A_1512 = arith.constant 32 : i32
        %add3A_1513 = arith.addi %add3A_1512, %mul3A_1056 : i32
        %add3A_1514 = arith.constant 3 : i32
        %add3A_1515 = arith.addi %add3A_1513, %add3A_1514 : i32
        %swap3A_1516 = arith.index_cast %add3A_1515 : i32 to index
        %swap3A_1517 = arith.constant 0 : index
        %swap3A_1518 = tpu.vector_load %arg9[%swap3A_1516, %swap3A_1517] {strides = array<i32>} : memref<128x128xf32, #tpu.memory_space<vmem>>, vector<16xf32>,
        tpu.vector_store %arg9[%swap3A_1516, %swap3A_1517], %gather3A_1280 {strides = array<i32>} : memref<128x128xf32, #tpu.memory_space<vmem>>, vector<16xf32>,
        %add3A_1519 = arith.constant 32 : i32
        %add3A_1520 = arith.addi %add3A_1519, %mul3A_1056 : i32
        %add3A_1521 = arith.constant 3 : i32
        %add3A_1522 = arith.addi %add3A_1520, %add3A_1521 : i32
        %swap3A_1523 = arith.index_cast %add3A_1522 : i32 to index
        %swap3A_1524 = arith.constant 16 : index
        %swap3A_1525 = tpu.vector_load %arg9[%swap3A_1523, %swap3A_1524] {strides = array<i32>} : memref<128x128xf32, #tpu.memory_space<vmem>>, vector<16xf32>,
        tpu.vector_store %arg9[%swap3A_1523, %swap3A_1524], %gather3A_1289 {strides = array<i32>} : memref<128x128xf32, #tpu.memory_space<vmem>>, vector<16xf32>,
        %add3A_1526 = arith.constant 32 : i32
        %add3A_1527 = arith.addi %add3A_1526, %mul3A_1056 : i32
        %add3A_1528 = arith.constant 3 : i32
        %add3A_1529 = arith.addi %add3A_1527, %add3A_1528 : i32
        %swap3A_1530 = arith.index_cast %add3A_1529 : i32 to index
        %swap3A_1531 = arith.constant 32 : index
        %swap3A_1532 = tpu.vector_load %arg9[%swap3A_1530, %swap3A_1531] {strides = array<i32>} : memref<128x128xf32, #tpu.memory_space<vmem>>, vector<16xf32>,
        tpu.vector_store %arg9[%swap3A_1530, %swap3A_1531], %gather3A_1298 {strides = array<i32>} : memref<128x128xf32, #tpu.memory_space<vmem>>, vector<16xf32>,
        %add3A_1533 = arith.constant 32 : i32
        %add3A_1534 = arith.addi %add3A_1533, %mul3A_1056 : i32
        %add3A_1535 = arith.constant 3 : i32
        %add3A_1536 = arith.addi %add3A_1534, %add3A_1535 : i32
        %swap3A_1537 = arith.index_cast %add3A_1536 : i32 to index
        %swap3A_1538 = arith.constant 48 : index
        %swap3A_1539 = tpu.vector_load %arg9[%swap3A_1537, %swap3A_1538] {strides = array<i32>} : memref<128x128xf32, #tpu.memory_space<vmem>>, vector<16xf32>,
        tpu.vector_store %arg9[%swap3A_1537, %swap3A_1538], %gather3A_1307 {strides = array<i32>} : memref<128x128xf32, #tpu.memory_space<vmem>>, vector<16xf32>,
        %add3A_1540 = arith.constant 32 : i32
        %add3A_1541 = arith.addi %add3A_1540, %mul3A_1056 : i32
        %add3A_1542 = arith.constant 3 : i32
        %add3A_1543 = arith.addi %add3A_1541, %add3A_1542 : i32
        %swap3A_1544 = arith.index_cast %add3A_1543 : i32 to index
        %swap3A_1545 = arith.constant 64 : index
        %swap3A_1546 = tpu.vector_load %arg9[%swap3A_1544, %swap3A_1545] {strides = array<i32>} : memref<128x128xf32, #tpu.memory_space<vmem>>, vector<16xf32>,
        tpu.vector_store %arg9[%swap3A_1544, %swap3A_1545], %gather3A_1316 {strides = array<i32>} : memref<128x128xf32, #tpu.memory_space<vmem>>, vector<16xf32>,
        %add3A_1547 = arith.constant 32 : i32
        %add3A_1548 = arith.addi %add3A_1547, %mul3A_1056 : i32
        %add3A_1549 = arith.constant 3 : i32
        %add3A_1550 = arith.addi %add3A_1548, %add3A_1549 : i32
        %swap3A_1551 = arith.index_cast %add3A_1550 : i32 to index
        %swap3A_1552 = arith.constant 80 : index
        %swap3A_1553 = tpu.vector_load %arg9[%swap3A_1551, %swap3A_1552] {strides = array<i32>} : memref<128x128xf32, #tpu.memory_space<vmem>>, vector<16xf32>,
        tpu.vector_store %arg9[%swap3A_1551, %swap3A_1552], %gather3A_1325 {strides = array<i32>} : memref<128x128xf32, #tpu.memory_space<vmem>>, vector<16xf32>,
        %add3A_1554 = arith.constant 32 : i32
        %add3A_1555 = arith.addi %add3A_1554, %mul3A_1056 : i32
        %add3A_1556 = arith.constant 3 : i32
        %add3A_1557 = arith.addi %add3A_1555, %add3A_1556 : i32
        %swap3A_1558 = arith.index_cast %add3A_1557 : i32 to index
        %swap3A_1559 = arith.constant 96 : index
        %swap3A_1560 = tpu.vector_load %arg9[%swap3A_1558, %swap3A_1559] {strides = array<i32>} : memref<128x128xf32, #tpu.memory_space<vmem>>, vector<16xf32>,
        tpu.vector_store %arg9[%swap3A_1558, %swap3A_1559], %gather3A_1334 {strides = array<i32>} : memref<128x128xf32, #tpu.memory_space<vmem>>, vector<16xf32>,
        %add3A_1561 = arith.constant 32 : i32
        %add3A_1562 = arith.addi %add3A_1561, %mul3A_1056 : i32
        %add3A_1563 = arith.constant 3 : i32
        %add3A_1564 = arith.addi %add3A_1562, %add3A_1563 : i32
        %swap3A_1565 = arith.index_cast %add3A_1564 : i32 to index
        %swap3A_1566 = arith.constant 112 : index
        %swap3A_1567 = tpu.vector_load %arg9[%swap3A_1565, %swap3A_1566] {strides = array<i32>} : memref<128x128xf32, #tpu.memory_space<vmem>>, vector<16xf32>,
        tpu.vector_store %arg9[%swap3A_1565, %swap3A_1566], %gather3A_1343 {strides = array<i32>} : memref<128x128xf32, #tpu.memory_space<vmem>>, vector<16xf32>,
      }
      %scan3A_740 = arith.constant 8 : i32
      %jit3A_741 = arith.constant 4 : i32
      %div3A_742 = arith.divsi %add3A_668, %jit3A_741 : i32
      %sign3A_743 = arith.constant 0 : i32
      %sign3A_744 = arith.cmpi sgt, %add3A_668, %sign3A_743 : i32
      %sign3A_745 = arith.extui %sign3A_744 : i1 to i32
      %sign3A_746 = arith.constant 0 : i32
      %sign3A_747 = arith.cmpi slt, %add3A_668, %sign3A_746 : i32
      %sign3A_748 = arith.extui %sign3A_747 : i1 to i32
      %sign3A_749 = arith.subi %sign3A_745, %sign3A_748 : i32
      %sign3A_750 = arith.constant 0 : i32
      %sign3A_751 = arith.cmpi sgt, %jit3A_741, %sign3A_750 : i32
      %sign3A_752 = arith.extui %sign3A_751 : i1 to i32
      %sign3A_753 = arith.constant 0 : i32
      %sign3A_754 = arith.cmpi slt, %jit3A_741, %sign3A_753 : i32
      %sign3A_755 = arith.extui %sign3A_754 : i1 to i32
      %sign3A_756 = arith.subi %sign3A_752, %sign3A_755 : i32
      %ne3A_757 = arith.cmpi ne, %sign3A_749, %sign3A_756 : i32
      %rem3A_758 = arith.remsi %add3A_668, %jit3A_741 : i32
      %ne3A_759 = arith.constant 0 : i32
      %ne3A_760 = arith.cmpi ne, %rem3A_758, %ne3A_759 : i32
      %and3A_761 = arith.andi %ne3A_757, %ne3A_760 : i1
      %sub3A_762 = arith.constant 1 : i32
      %sub3A_763 = arith.subi %div3A_742, %sub3A_762 : i32
      %select_n3A_764 = arith.select %and3A_761, %sub3A_763, %div3A_742 : i32
      %jit3A_765 = arith.constant 4 : i32
      %eq3A_766 = arith.constant 0 : i32
      %eq3A_767 = arith.cmpi eq, %jit3A_765, %eq3A_766 : i32
      %jit3A_768 = arith.constant 1 : i32
      %select_n3A_769 = arith.select %eq3A_767, %jit3A_768, %jit3A_765 : i32
      %rem3A_770 = arith.remsi %add3A_668, %select_n3A_769 : i32
      %ne3A_771 = arith.constant 0 : i32
      %ne3A_772 = arith.cmpi ne, %rem3A_770, %ne3A_771 : i32
      %lt3A_773 = arith.constant 0 : i32
      %lt3A_774 = arith.cmpi slt, %rem3A_770, %lt3A_773 : i32
      %lt3A_775 = arith.constant 0 : i32
      %lt3A_776 = arith.cmpi slt, %select_n3A_769, %lt3A_775 : i32
      %ne3A_777 = arith.xori %lt3A_774, %lt3A_776 : i1
      %and3A_778 = arith.andi %ne3A_777, %ne3A_772 : i1
      %add3A_779 = arith.addi %rem3A_770, %select_n3A_769 : i32
      %select_n3A_780 = arith.select %and3A_778, %add3A_779, %rem3A_770 : i32
      %mul3A_781 = arith.constant 128 : i32
      %mul3A_782 = arith.muli %select_n3A_780, %mul3A_781 : i32
      %add3A_783 = arith.addi %mul3A_2, %mul3A_782 : i32
      %dma_start3A_784 = arith.constant 32 : i32
      %dma_start3A_785 = arith.constant 0 : i32
      %dma_start3A_786 = tpu.memref_slice %arg9[%dma_start3A_784, %dma_start3A_785] : memref<128x128xf32, #tpu.memory_space<vmem>> -> memref<32x128xf32, #tpu.memory_space<vmem>>
      %dma_start3A_787 = arith.constant 0 : i32
      %dma_start3A_788 = tpu.memref_slice %arg4[%select_n3A_764, %dma_start3A_787, %add3A_783] : memref<50x32x16384xf32, #tpu.memory_space<hbm>> -> memref<1x32x128xf32, #tpu.memory_space<hbm>>
      %dma_start3A_789 = tpu.memref_squeeze %dma_start3A_788 : memref<1x32x128xf32, #tpu.memory_space<hbm>> -> memref<32x128xf32, #tpu.memory_space<hbm>>
      %dma_start3A_790 = arith.constant 0 : i32
      %dma_start3A_791 = tpu.memref_slice %arg4[%select_n3A_764, %dma_start3A_790, %add3A_783] : memref<50x32x16384xf32, #tpu.memory_space<hbm>> -> memref<1x32x128xf32, #tpu.memory_space<hbm>>
      %dma_start3A_792 = tpu.memref_squeeze %dma_start3A_791 : memref<1x32x128xf32, #tpu.memory_space<hbm>> -> memref<32x128xf32, #tpu.memory_space<hbm>>
      %dma_start3A_793 = arith.constant 32 : i32
      %dma_start3A_794 = arith.constant 0 : i32
      %dma_start3A_795 = tpu.memref_slice %arg9[%dma_start3A_793, %dma_start3A_794] : memref<128x128xf32, #tpu.memory_space<vmem>> -> memref<32x128xf32, #tpu.memory_space<vmem>>
      tpu.enqueue_dma source(%dma_start3A_795 : memref<32x128xf32, #tpu.memory_space<vmem>>) target(%dma_start3A_792 : memref<32x128xf32, #tpu.memory_space<hbm>>) target_semaphore(%arg15 : memref<!tpu.dma_semaphore, #tpu.memory_space<semaphore_mem>>)
      %add3A_796 = arith.constant 2 : i32
      %add3A_797 = arith.addi %mul3A_549, %add3A_796 : i32
      %add3A_798 = arith.constant 4 : i32
      %add3A_799 = arith.addi %add3A_797, %add3A_798 : i32
      %sub3A_800 = arith.constant 1 : i32
      %sub3A_801 = arith.subi %add3A_799, %sub3A_800 : i32
      %lt3A_802 = arith.constant 200 : i32
      %lt3A_803 = arith.cmpi slt, %sub3A_801, %lt3A_802 : i32
      %convert_element_type3A_804 = arith.extui %lt3A_803 : i1 to i32
      %cond3A_805 = arith.constant 0 : i32
      %cond3A_806 = arith.cmpi ne, %convert_element_type3A_804, %cond3A_805 : i32
      scf.if %cond3A_806 {
        %jit3A_1054 = arith.constant 4 : i32
        %div3A_1055 = arith.divsi %sub3A_801, %jit3A_1054 : i32
        %sign3A_1056 = arith.constant 0 : i32
        %sign3A_1057 = arith.cmpi sgt, %sub3A_801, %sign3A_1056 : i32
        %sign3A_1058 = arith.extui %sign3A_1057 : i1 to i32
        %sign3A_1059 = arith.constant 0 : i32
        %sign3A_1060 = arith.cmpi slt, %sub3A_801, %sign3A_1059 : i32
        %sign3A_1061 = arith.extui %sign3A_1060 : i1 to i32
        %sign3A_1062 = arith.subi %sign3A_1058, %sign3A_1061 : i32
        %sign3A_1063 = arith.constant 0 : i32
        %sign3A_1064 = arith.cmpi sgt, %jit3A_1054, %sign3A_1063 : i32
        %sign3A_1065 = arith.extui %sign3A_1064 : i1 to i32
        %sign3A_1066 = arith.constant 0 : i32
        %sign3A_1067 = arith.cmpi slt, %jit3A_1054, %sign3A_1066 : i32
        %sign3A_1068 = arith.extui %sign3A_1067 : i1 to i32
        %sign3A_1069 = arith.subi %sign3A_1065, %sign3A_1068 : i32
        %ne3A_1070 = arith.cmpi ne, %sign3A_1062, %sign3A_1069 : i32
        %rem3A_1071 = arith.remsi %sub3A_801, %jit3A_1054 : i32
        %ne3A_1072 = arith.constant 0 : i32
        %ne3A_1073 = arith.cmpi ne, %rem3A_1071, %ne3A_1072 : i32
        %and3A_1074 = arith.andi %ne3A_1070, %ne3A_1073 : i1
        %sub3A_1075 = arith.constant 1 : i32
        %sub3A_1076 = arith.subi %div3A_1055, %sub3A_1075 : i32
        %select_n3A_1077 = arith.select %and3A_1074, %sub3A_1076, %div3A_1055 : i32
        %jit3A_1078 = arith.constant 4 : i32
        %eq3A_1079 = arith.constant 0 : i32
        %eq3A_1080 = arith.cmpi eq, %jit3A_1078, %eq3A_1079 : i32
        %jit3A_1081 = arith.constant 1 : i32
        %select_n3A_1082 = arith.select %eq3A_1080, %jit3A_1081, %jit3A_1078 : i32
        %rem3A_1083 = arith.remsi %sub3A_801, %select_n3A_1082 : i32
        %ne3A_1084 = arith.constant 0 : i32
        %ne3A_1085 = arith.cmpi ne, %rem3A_1083, %ne3A_1084 : i32
        %lt3A_1086 = arith.constant 0 : i32
        %lt3A_1087 = arith.cmpi slt, %rem3A_1083, %lt3A_1086 : i32
        %lt3A_1088 = arith.constant 0 : i32
        %lt3A_1089 = arith.cmpi slt, %select_n3A_1082, %lt3A_1088 : i32
        %ne3A_1090 = arith.xori %lt3A_1087, %lt3A_1089 : i1
        %and3A_1091 = arith.andi %ne3A_1090, %ne3A_1085 : i1
        %add3A_1092 = arith.addi %rem3A_1083, %select_n3A_1082 : i32
        %select_n3A_1093 = arith.select %and3A_1091, %add3A_1092, %rem3A_1083 : i32
        %mul3A_1094 = arith.constant 128 : i32
        %mul3A_1095 = arith.muli %select_n3A_1093, %mul3A_1094 : i32
        %add3A_1096 = arith.constant 0 : i32
        %add3A_1097 = arith.addi %mul3A_1095, %add3A_1096 : i32
        %get3A_1098 = arith.index_cast %select_n3A_1077 : i32 to index
        %get3A_1099 = arith.index_cast %add3A_1097 : i32 to index
        %get3A_1100 = tpu.vector_load %arg5[%get3A_1098, %get3A_1099] {strides = array<i32>} : memref<56x512xi32, #tpu.memory_space<vmem>>, vector<16xi32>,
        %shift_right_arithmetic3A_1101 = arith.constant 2 : i32
        %shift_right_arithmetic3A_1102 = vector.broadcast %shift_right_arithmetic3A_1101 : i32 to vector<16xi32>
        %shift_right_arithmetic3A_1103 = arith.shrsi %get3A_1100, %shift_right_arithmetic3A_1102 : vector<16xi32>
        %swap3A_1104 = arith.constant 1 : i32
        %swap3A_1105 = arith.index_cast %swap3A_1104 : i32 to index
        %swap3A_1106 = arith.constant 0 : index
        %swap3A_1107 = tpu.vector_load %arg6[%swap3A_1105, %swap3A_1106] {strides = array<i32>} : memref<4x128xi32, #tpu.memory_space<vmem>>, vector<16xi32>,
        tpu.vector_store %arg6[%swap3A_1105, %swap3A_1106], %shift_right_arithmetic3A_1103 {strides = array<i32>} : memref<4x128xi32, #tpu.memory_space<vmem>>, vector<16xi32>,
        %and3A_1108 = arith.constant 3 : i32
        %and3A_1109 = vector.broadcast %and3A_1108 : i32 to vector<16xi32>
        %and3A_1110 = arith.andi %get3A_1100, %and3A_1109 : vector<16xi32>
        %shift_left3A_1111 = arith.constant 5 : i32
        %shift_left3A_1112 = vector.broadcast %shift_left3A_1111 : i32 to vector<16xi32>
        %shift_left3A_1113 = arith.shli %and3A_1110, %shift_left3A_1112 : vector<16xi32>
        %swap3A_1114 = arith.constant 128 : index
        %swap3A_1115 = tpu.vector_load %arg7[%swap3A_1114] {strides = array<i32>} : memref<512xi32, #tpu.memory_space<vmem>>, vector<16xi32>,
        tpu.vector_store %arg7[%swap3A_1114], %shift_left3A_1113 {strides = array<i32>} : memref<512xi32, #tpu.memory_space<vmem>>, vector<16xi32>,
        %add3A_1116 = arith.constant 16 : i32
        %add3A_1117 = arith.addi %mul3A_1095, %add3A_1116 : i32
        %get3A_1118 = arith.index_cast %select_n3A_1077 : i32 to index
        %get3A_1119 = arith.index_cast %add3A_1117 : i32 to index
        %get3A_1120 = tpu.vector_load %arg5[%get3A_1118, %get3A_1119] {strides = array<i32>} : memref<56x512xi32, #tpu.memory_space<vmem>>, vector<16xi32>,
        %shift_right_arithmetic3A_1121 = arith.constant 2 : i32
        %shift_right_arithmetic3A_1122 = vector.broadcast %shift_right_arithmetic3A_1121 : i32 to vector<16xi32>
        %shift_right_arithmetic3A_1123 = arith.shrsi %get3A_1120, %shift_right_arithmetic3A_1122 : vector<16xi32>
        %swap3A_1124 = arith.constant 1 : i32
        %swap3A_1125 = arith.index_cast %swap3A_1124 : i32 to index
        %swap3A_1126 = arith.constant 16 : index
        %swap3A_1127 = tpu.vector_load %arg6[%swap3A_1125, %swap3A_1126] {strides = array<i32>} : memref<4x128xi32, #tpu.memory_space<vmem>>, vector<16xi32>,
        tpu.vector_store %arg6[%swap3A_1125, %swap3A_1126], %shift_right_arithmetic3A_1123 {strides = array<i32>} : memref<4x128xi32, #tpu.memory_space<vmem>>, vector<16xi32>,
        %and3A_1128 = arith.constant 3 : i32
        %and3A_1129 = vector.broadcast %and3A_1128 : i32 to vector<16xi32>
        %and3A_1130 = arith.andi %get3A_1120, %and3A_1129 : vector<16xi32>
        %shift_left3A_1131 = arith.constant 5 : i32
        %shift_left3A_1132 = vector.broadcast %shift_left3A_1131 : i32 to vector<16xi32>
        %shift_left3A_1133 = arith.shli %and3A_1130, %shift_left3A_1132 : vector<16xi32>
        %swap3A_1134 = arith.constant 144 : index
        %swap3A_1135 = tpu.vector_load %arg7[%swap3A_1134] {strides = array<i32>} : memref<512xi32, #tpu.memory_space<vmem>>, vector<16xi32>,
        tpu.vector_store %arg7[%swap3A_1134], %shift_left3A_1133 {strides = array<i32>} : memref<512xi32, #tpu.memory_space<vmem>>, vector<16xi32>,
        %add3A_1136 = arith.constant 32 : i32
        %add3A_1137 = arith.addi %mul3A_1095, %add3A_1136 : i32
        %get3A_1138 = arith.index_cast %select_n3A_1077 : i32 to index
        %get3A_1139 = arith.index_cast %add3A_1137 : i32 to index
        %get3A_1140 = tpu.vector_load %arg5[%get3A_1138, %get3A_1139] {strides = array<i32>} : memref<56x512xi32, #tpu.memory_space<vmem>>, vector<16xi32>,
        %shift_right_arithmetic3A_1141 = arith.constant 2 : i32
        %shift_right_arithmetic3A_1142 = vector.broadcast %shift_right_arithmetic3A_1141 : i32 to vector<16xi32>
        %shift_right_arithmetic3A_1143 = arith.shrsi %get3A_1140, %shift_right_arithmetic3A_1142 : vector<16xi32>
        %swap3A_1144 = arith.constant 1 : i32
        %swap3A_1145 = arith.index_cast %swap3A_1144 : i32 to index
        %swap3A_1146 = arith.constant 32 : index
        %swap3A_1147 = tpu.vector_load %arg6[%swap3A_1145, %swap3A_1146] {strides = array<i32>} : memref<4x128xi32, #tpu.memory_space<vmem>>, vector<16xi32>,
        tpu.vector_store %arg6[%swap3A_1145, %swap3A_1146], %shift_right_arithmetic3A_1143 {strides = array<i32>} : memref<4x128xi32, #tpu.memory_space<vmem>>, vector<16xi32>,
        %and3A_1148 = arith.constant 3 : i32
        %and3A_1149 = vector.broadcast %and3A_1148 : i32 to vector<16xi32>
        %and3A_1150 = arith.andi %get3A_1140, %and3A_1149 : vector<16xi32>
        %shift_left3A_1151 = arith.constant 5 : i32
        %shift_left3A_1152 = vector.broadcast %shift_left3A_1151 : i32 to vector<16xi32>
        %shift_left3A_1153 = arith.shli %and3A_1150, %shift_left3A_1152 : vector<16xi32>
        %swap3A_1154 = arith.constant 160 : index
        %swap3A_1155 = tpu.vector_load %arg7[%swap3A_1154] {strides = array<i32>} : memref<512xi32, #tpu.memory_space<vmem>>, vector<16xi32>,
        tpu.vector_store %arg7[%swap3A_1154], %shift_left3A_1153 {strides = array<i32>} : memref<512xi32, #tpu.memory_space<vmem>>, vector<16xi32>,
        %add3A_1156 = arith.constant 48 : i32
        %add3A_1157 = arith.addi %mul3A_1095, %add3A_1156 : i32
        %get3A_1158 = arith.index_cast %select_n3A_1077 : i32 to index
        %get3A_1159 = arith.index_cast %add3A_1157 : i32 to index
        %get3A_1160 = tpu.vector_load %arg5[%get3A_1158, %get3A_1159] {strides = array<i32>} : memref<56x512xi32, #tpu.memory_space<vmem>>, vector<16xi32>,
        %shift_right_arithmetic3A_1161 = arith.constant 2 : i32
        %shift_right_arithmetic3A_1162 = vector.broadcast %shift_right_arithmetic3A_1161 : i32 to vector<16xi32>
        %shift_right_arithmetic3A_1163 = arith.shrsi %get3A_1160, %shift_right_arithmetic3A_1162 : vector<16xi32>
        %swap3A_1164 = arith.constant 1 : i32
        %swap3A_1165 = arith.index_cast %swap3A_1164 : i32 to index
        %swap3A_1166 = arith.constant 48 : index
        %swap3A_1167 = tpu.vector_load %arg6[%swap3A_1165, %swap3A_1166] {strides = array<i32>} : memref<4x128xi32, #tpu.memory_space<vmem>>, vector<16xi32>,
        tpu.vector_store %arg6[%swap3A_1165, %swap3A_1166], %shift_right_arithmetic3A_1163 {strides = array<i32>} : memref<4x128xi32, #tpu.memory_space<vmem>>, vector<16xi32>,
        %and3A_1168 = arith.constant 3 : i32
        %and3A_1169 = vector.broadcast %and3A_1168 : i32 to vector<16xi32>
        %and3A_1170 = arith.andi %get3A_1160, %and3A_1169 : vector<16xi32>
        %shift_left3A_1171 = arith.constant 5 : i32
        %shift_left3A_1172 = vector.broadcast %shift_left3A_1171 : i32 to vector<16xi32>
        %shift_left3A_1173 = arith.shli %and3A_1170, %shift_left3A_1172 : vector<16xi32>
        %swap3A_1174 = arith.constant 176 : index
        %swap3A_1175 = tpu.vector_load %arg7[%swap3A_1174] {strides = array<i32>} : memref<512xi32, #tpu.memory_space<vmem>>, vector<16xi32>,
        tpu.vector_store %arg7[%swap3A_1174], %shift_left3A_1173 {strides = array<i32>} : memref<512xi32, #tpu.memory_space<vmem>>, vector<16xi32>,
        %add3A_1176 = arith.constant 64 : i32
        %add3A_1177 = arith.addi %mul3A_1095, %add3A_1176 : i32
        %get3A_1178 = arith.index_cast %select_n3A_1077 : i32 to index
        %get3A_1179 = arith.index_cast %add3A_1177 : i32 to index
        %get3A_1180 = tpu.vector_load %arg5[%get3A_1178, %get3A_1179] {strides = array<i32>} : memref<56x512xi32, #tpu.memory_space<vmem>>, vector<16xi32>,
        %shift_right_arithmetic3A_1181 = arith.constant 2 : i32
        %shift_right_arithmetic3A_1182 = vector.broadcast %shift_right_arithmetic3A_1181 : i32 to vector<16xi32>
        %shift_right_arithmetic3A_1183 = arith.shrsi %get3A_1180, %shift_right_arithmetic3A_1182 : vector<16xi32>
        %swap3A_1184 = arith.constant 1 : i32
        %swap3A_1185 = arith.index_cast %swap3A_1184 : i32 to index
        %swap3A_1186 = arith.constant 64 : index
        %swap3A_1187 = tpu.vector_load %arg6[%swap3A_1185, %swap3A_1186] {strides = array<i32>} : memref<4x128xi32, #tpu.memory_space<vmem>>, vector<16xi32>,
        tpu.vector_store %arg6[%swap3A_1185, %swap3A_1186], %shift_right_arithmetic3A_1183 {strides = array<i32>} : memref<4x128xi32, #tpu.memory_space<vmem>>, vector<16xi32>,
        %and3A_1188 = arith.constant 3 : i32
        %and3A_1189 = vector.broadcast %and3A_1188 : i32 to vector<16xi32>
        %and3A_1190 = arith.andi %get3A_1180, %and3A_1189 : vector<16xi32>
        %shift_left3A_1191 = arith.constant 5 : i32
        %shift_left3A_1192 = vector.broadcast %shift_left3A_1191 : i32 to vector<16xi32>
        %shift_left3A_1193 = arith.shli %and3A_1190, %shift_left3A_1192 : vector<16xi32>
        %swap3A_1194 = arith.constant 192 : index
        %swap3A_1195 = tpu.vector_load %arg7[%swap3A_1194] {strides = array<i32>} : memref<512xi32, #tpu.memory_space<vmem>>, vector<16xi32>,
        tpu.vector_store %arg7[%swap3A_1194], %shift_left3A_1193 {strides = array<i32>} : memref<512xi32, #tpu.memory_space<vmem>>, vector<16xi32>,
        %add3A_1196 = arith.constant 80 : i32
        %add3A_1197 = arith.addi %mul3A_1095, %add3A_1196 : i32
        %get3A_1198 = arith.index_cast %select_n3A_1077 : i32 to index
        %get3A_1199 = arith.index_cast %add3A_1197 : i32 to index
        %get3A_1200 = tpu.vector_load %arg5[%get3A_1198, %get3A_1199] {strides = array<i32>} : memref<56x512xi32, #tpu.memory_space<vmem>>, vector<16xi32>,
        %shift_right_arithmetic3A_1201 = arith.constant 2 : i32
        %shift_right_arithmetic3A_1202 = vector.broadcast %shift_right_arithmetic3A_1201 : i32 to vector<16xi32>
        %shift_right_arithmetic3A_1203 = arith.shrsi %get3A_1200, %shift_right_arithmetic3A_1202 : vector<16xi32>
        %swap3A_1204 = arith.constant 1 : i32
        %swap3A_1205 = arith.index_cast %swap3A_1204 : i32 to index
        %swap3A_1206 = arith.constant 80 : index
        %swap3A_1207 = tpu.vector_load %arg6[%swap3A_1205, %swap3A_1206] {strides = array<i32>} : memref<4x128xi32, #tpu.memory_space<vmem>>, vector<16xi32>,
        tpu.vector_store %arg6[%swap3A_1205, %swap3A_1206], %shift_right_arithmetic3A_1203 {strides = array<i32>} : memref<4x128xi32, #tpu.memory_space<vmem>>, vector<16xi32>,
        %and3A_1208 = arith.constant 3 : i32
        %and3A_1209 = vector.broadcast %and3A_1208 : i32 to vector<16xi32>
        %and3A_1210 = arith.andi %get3A_1200, %and3A_1209 : vector<16xi32>
        %shift_left3A_1211 = arith.constant 5 : i32
        %shift_left3A_1212 = vector.broadcast %shift_left3A_1211 : i32 to vector<16xi32>
        %shift_left3A_1213 = arith.shli %and3A_1210, %shift_left3A_1212 : vector<16xi32>
        %swap3A_1214 = arith.constant 208 : index
        %swap3A_1215 = tpu.vector_load %arg7[%swap3A_1214] {strides = array<i32>} : memref<512xi32, #tpu.memory_space<vmem>>, vector<16xi32>,
        tpu.vector_store %arg7[%swap3A_1214], %shift_left3A_1213 {strides = array<i32>} : memref<512xi32, #tpu.memory_space<vmem>>, vector<16xi32>,
        %add3A_1216 = arith.constant 96 : i32
        %add3A_1217 = arith.addi %mul3A_1095, %add3A_1216 : i32
        %get3A_1218 = arith.index_cast %select_n3A_1077 : i32 to index
        %get3A_1219 = arith.index_cast %add3A_1217 : i32 to index
        %get3A_1220 = tpu.vector_load %arg5[%get3A_1218, %get3A_1219] {strides = array<i32>} : memref<56x512xi32, #tpu.memory_space<vmem>>, vector<16xi32>,
        %shift_right_arithmetic3A_1221 = arith.constant 2 : i32
        %shift_right_arithmetic3A_1222 = vector.broadcast %shift_right_arithmetic3A_1221 : i32 to vector<16xi32>
        %shift_right_arithmetic3A_1223 = arith.shrsi %get3A_1220, %shift_right_arithmetic3A_1222 : vector<16xi32>
        %swap3A_1224 = arith.constant 1 : i32
        %swap3A_1225 = arith.index_cast %swap3A_1224 : i32 to index
        %swap3A_1226 = arith.constant 96 : index
        %swap3A_1227 = tpu.vector_load %arg6[%swap3A_1225, %swap3A_1226] {strides = array<i32>} : memref<4x128xi32, #tpu.memory_space<vmem>>, vector<16xi32>,
        tpu.vector_store %arg6[%swap3A_1225, %swap3A_1226], %shift_right_arithmetic3A_1223 {strides = array<i32>} : memref<4x128xi32, #tpu.memory_space<vmem>>, vector<16xi32>,
        %and3A_1228 = arith.constant 3 : i32
        %and3A_1229 = vector.broadcast %and3A_1228 : i32 to vector<16xi32>
        %and3A_1230 = arith.andi %get3A_1220, %and3A_1229 : vector<16xi32>
        %shift_left3A_1231 = arith.constant 5 : i32
        %shift_left3A_1232 = vector.broadcast %shift_left3A_1231 : i32 to vector<16xi32>
        %shift_left3A_1233 = arith.shli %and3A_1230, %shift_left3A_1232 : vector<16xi32>
        %swap3A_1234 = arith.constant 224 : index
        %swap3A_1235 = tpu.vector_load %arg7[%swap3A_1234] {strides = array<i32>} : memref<512xi32, #tpu.memory_space<vmem>>, vector<16xi32>,
        tpu.vector_store %arg7[%swap3A_1234], %shift_left3A_1233 {strides = array<i32>} : memref<512xi32, #tpu.memory_space<vmem>>, vector<16xi32>,
        %add3A_1236 = arith.constant 112 : i32
        %add3A_1237 = arith.addi %mul3A_1095, %add3A_1236 : i32
        %get3A_1238 = arith.index_cast %select_n3A_1077 : i32 to index
        %get3A_1239 = arith.index_cast %add3A_1237 : i32 to index
        %get3A_1240 = tpu.vector_load %arg5[%get3A_1238, %get3A_1239] {strides = array<i32>} : memref<56x512xi32, #tpu.memory_space<vmem>>, vector<16xi32>,
        %shift_right_arithmetic3A_1241 = arith.constant 2 : i32
        %shift_right_arithmetic3A_1242 = vector.broadcast %shift_right_arithmetic3A_1241 : i32 to vector<16xi32>
        %shift_right_arithmetic3A_1243 = arith.shrsi %get3A_1240, %shift_right_arithmetic3A_1242 : vector<16xi32>
        %swap3A_1244 = arith.constant 1 : i32
        %swap3A_1245 = arith.index_cast %swap3A_1244 : i32 to index
        %swap3A_1246 = arith.constant 112 : index
        %swap3A_1247 = tpu.vector_load %arg6[%swap3A_1245, %swap3A_1246] {strides = array<i32>} : memref<4x128xi32, #tpu.memory_space<vmem>>, vector<16xi32>,
        tpu.vector_store %arg6[%swap3A_1245, %swap3A_1246], %shift_right_arithmetic3A_1243 {strides = array<i32>} : memref<4x128xi32, #tpu.memory_space<vmem>>, vector<16xi32>,
        %and3A_1248 = arith.constant 3 : i32
        %and3A_1249 = vector.broadcast %and3A_1248 : i32 to vector<16xi32>
        %and3A_1250 = arith.andi %get3A_1240, %and3A_1249 : vector<16xi32>
        %shift_left3A_1251 = arith.constant 5 : i32
        %shift_left3A_1252 = vector.broadcast %shift_left3A_1251 : i32 to vector<16xi32>
        %shift_left3A_1253 = arith.shli %and3A_1250, %shift_left3A_1252 : vector<16xi32>
        %swap3A_1254 = arith.constant 240 : index
        %swap3A_1255 = tpu.vector_load %arg7[%swap3A_1254] {strides = array<i32>} : memref<512xi32, #tpu.memory_space<vmem>>, vector<16xi32>,
        tpu.vector_store %arg7[%swap3A_1254], %shift_left3A_1253 {strides = array<i32>} : memref<512xi32, #tpu.memory_space<vmem>>, vector<16xi32>,
        %dma_start3A_1256 = arith.constant 1 : i32
        %dma_start3A_1257 = arith.constant 128 : i32
        %dma_start3A_1258 = arith.constant 0 : i32
        %dma_start3A_1259 = tpu.memref_slice %arg8[%dma_start3A_1257, %dma_start3A_1258] : memref<512x128xf32, #tpu.memory_space<vmem>> -> memref<128x128xf32, #tpu.memory_space<vmem>>
        %dma_start3A_1260 = arith.constant 0 : i32
        %dma_start3A_1261 = tpu.memref_slice %arg6[%dma_start3A_1256, %dma_start3A_1260] : memref<4x128xi32, #tpu.memory_space<vmem>> -> memref<1x128xi32, #tpu.memory_space<vmem>>
        %dma_start3A_1262 = tpu.memref_squeeze %dma_start3A_1261 : memref<1x128xi32, #tpu.memory_space<vmem>> -> memref<128xi32, #tpu.memory_space<vmem>>
        %dma_start3A_1263 = arith.constant 0 : i32
        %dma_start3A_1264 = arith.constant 0 : i32
        %dma_start3A_1265 = tpu.memref_slice %arg3[%dma_start3A_1263, %dma_start3A_1264] : memref<250000x128xf32, #tpu.memory_space<hbm>> -> memref<250000x128xf32, #tpu.memory_space<hbm>>
        tpu.enqueue_indirect_dma source(%dma_start3A_1265 : memref<250000x128xf32, #tpu.memory_space<hbm>>) target(%dma_start3A_1259 : memref<128x128xf32, #tpu.memory_space<vmem>>) offsets(%dma_start3A_1262 : memref<128xi32, #tpu.memory_space<vmem>>) semaphore(%arg11 : memref<!tpu.dma_semaphore, #tpu.memory_space<semaphore_mem>>)
      } else {
      }
      %dma_wait3A_807 = arith.constant 256 : i32
      %dma_wait3A_808 = arith.constant 0 : i32
      %dma_wait3A_809 = tpu.memref_slice %arg8[%dma_wait3A_807, %dma_wait3A_808] : memref<512x128xf32, #tpu.memory_space<vmem>> -> memref<128x128xf32, #tpu.memory_space<vmem>>
      %dma_wait3A_810 = arith.constant 0 : i32
      %dma_wait3A_811 = arith.constant 0 : i32
      %dma_wait3A_812 = tpu.memref_slice %arg3[%dma_wait3A_810, %dma_wait3A_811] : memref<250000x128xf32, #tpu.memory_space<hbm>> -> memref<128x128xf32, #tpu.memory_space<hbm>>
      %dma_wait3A_813 = arith.constant 256 : i32
      %dma_wait3A_814 = arith.constant 0 : i32
      %dma_wait3A_815 = tpu.memref_slice %arg8[%dma_wait3A_813, %dma_wait3A_814] : memref<512x128xf32, #tpu.memory_space<vmem>> -> memref<128x128xf32, #tpu.memory_space<vmem>>
      %dma_wait3A_816 = arith.constant 0 : i32
      %dma_wait3A_817 = arith.constant 0 : i32
      %dma_wait3A_818 = tpu.memref_slice %arg3[%dma_wait3A_816, %dma_wait3A_817] : memref<250000x128xf32, #tpu.memory_space<hbm>> -> memref<128x128xf32, #tpu.memory_space<hbm>>
      tpu.wait_dma2 semaphore(%arg12 : memref<!tpu.dma_semaphore, #tpu.memory_space<semaphore_mem>>) src(%dma_wait3A_818 : memref<128x128xf32, #tpu.memory_space<hbm>>) dst(%dma_wait3A_815 : memref<128x128xf32, #tpu.memory_space<vmem>>)
      %ge3A_819 = arith.constant 4 : i32
      %ge3A_820 = arith.cmpi sge, %add3A_797, %ge3A_819 : i32
      %convert_element_type3A_821 = arith.extui %ge3A_820 : i1 to i32
      %cond3A_822 = arith.constant 0 : i32
      %cond3A_823 = arith.cmpi ne, %convert_element_type3A_821, %cond3A_822 : i32
      scf.if %cond3A_823 {
        %dma_wait3A_1054 = arith.constant 0 : i32
        %dma_wait3A_1055 = arith.constant 64 : i32
        %dma_wait3A_1056 = arith.constant 0 : i32
        %dma_wait3A_1057 = tpu.memref_slice %arg9[%dma_wait3A_1055, %dma_wait3A_1056] : memref<128x128xf32, #tpu.memory_space<vmem>> -> memref<32x128xf32, #tpu.memory_space<vmem>>
        %dma_wait3A_1058 = arith.constant 0 : i32
        %dma_wait3A_1059 = arith.constant 0 : i32
        %dma_wait3A_1060 = tpu.memref_slice %arg4[%dma_wait3A_1054, %dma_wait3A_1058, %dma_wait3A_1059] : memref<50x32x16384xf32, #tpu.memory_space<hbm>> -> memref<1x32x128xf32, #tpu.memory_space<hbm>>
        %dma_wait3A_1061 = tpu.memref_squeeze %dma_wait3A_1060 : memref<1x32x128xf32, #tpu.memory_space<hbm>> -> memref<32x128xf32, #tpu.memory_space<hbm>>
        %dma_wait3A_1062 = arith.constant 0 : i32
        %dma_wait3A_1063 = arith.constant 0 : i32
        %dma_wait3A_1064 = tpu.memref_slice %arg4[%dma_wait3A_1054, %dma_wait3A_1062, %dma_wait3A_1063] : memref<50x32x16384xf32, #tpu.memory_space<hbm>> -> memref<1x32x128xf32, #tpu.memory_space<hbm>>
        %dma_wait3A_1065 = tpu.memref_squeeze %dma_wait3A_1064 : memref<1x32x128xf32, #tpu.memory_space<hbm>> -> memref<32x128xf32, #tpu.memory_space<hbm>>
        %dma_wait3A_1066 = arith.constant 64 : i32
        %dma_wait3A_1067 = arith.constant 0 : i32
        %dma_wait3A_1068 = tpu.memref_slice %arg9[%dma_wait3A_1066, %dma_wait3A_1067] : memref<128x128xf32, #tpu.memory_space<vmem>> -> memref<32x128xf32, #tpu.memory_space<vmem>>
        tpu.wait_dma2 semaphore(%arg16 : memref<!tpu.dma_semaphore, #tpu.memory_space<semaphore_mem>>) src(%dma_wait3A_1068 : memref<32x128xf32, #tpu.memory_space<vmem>>) dst(%dma_wait3A_1065 : memref<32x128xf32, #tpu.memory_space<hbm>>)
      } else {
      }
      %add3A_824 = arith.constant 0 : i32
      %add3A_825 = vector.broadcast %add3A_824 : i32 to vector<16xi32>
      %add3A_826 = arith.addi %add3A_825, %iota3A : vector<16xi32>
      %add3A_827 = arith.constant 16 : i32
      %add3A_828 = vector.broadcast %add3A_827 : i32 to vector<16xi32>
      %add3A_829 = arith.addi %add3A_828, %iota3A : vector<16xi32>
      %add3A_830 = arith.constant 32 : i32
      %add3A_831 = vector.broadcast %add3A_830 : i32 to vector<16xi32>
      %add3A_832 = arith.addi %add3A_831, %iota3A : vector<16xi32>
      %add3A_833 = arith.constant 48 : i32
      %add3A_834 = vector.broadcast %add3A_833 : i32 to vector<16xi32>
      %add3A_835 = arith.addi %add3A_834, %iota3A : vector<16xi32>
      %add3A_836 = arith.constant 64 : i32
      %add3A_837 = vector.broadcast %add3A_836 : i32 to vector<16xi32>
      %add3A_838 = arith.addi %add3A_837, %iota3A : vector<16xi32>
      %add3A_839 = arith.constant 80 : i32
      %add3A_840 = vector.broadcast %add3A_839 : i32 to vector<16xi32>
      %add3A_841 = arith.addi %add3A_840, %iota3A : vector<16xi32>
      %add3A_842 = arith.constant 96 : i32
      %add3A_843 = vector.broadcast %add3A_842 : i32 to vector<16xi32>
      %add3A_844 = arith.addi %add3A_843, %iota3A : vector<16xi32>
      %add3A_845 = arith.constant 112 : i32
      %add3A_846 = vector.broadcast %add3A_845 : i32 to vector<16xi32>
      %add3A_847 = arith.addi %add3A_846, %iota3A : vector<16xi32>
      %get3A_848 = arith.constant 256 : index
      %get3A_849 = tpu.vector_load %arg7[%get3A_848] {strides = array<i32>} : memref<512xi32, #tpu.memory_space<vmem>>, vector<16xi32>,
      %get3A_850 = arith.constant 272 : index
      %get3A_851 = tpu.vector_load %arg7[%get3A_850] {strides = array<i32>} : memref<512xi32, #tpu.memory_space<vmem>>, vector<16xi32>,
      %get3A_852 = arith.constant 288 : index
      %get3A_853 = tpu.vector_load %arg7[%get3A_852] {strides = array<i32>} : memref<512xi32, #tpu.memory_space<vmem>>, vector<16xi32>,
      %get3A_854 = arith.constant 304 : index
      %get3A_855 = tpu.vector_load %arg7[%get3A_854] {strides = array<i32>} : memref<512xi32, #tpu.memory_space<vmem>>, vector<16xi32>,
      %get3A_856 = arith.constant 320 : index
      %get3A_857 = tpu.vector_load %arg7[%get3A_856] {strides = array<i32>} : memref<512xi32, #tpu.memory_space<vmem>>, vector<16xi32>,
      %get3A_858 = arith.constant 336 : index
      %get3A_859 = tpu.vector_load %arg7[%get3A_858] {strides = array<i32>} : memref<512xi32, #tpu.memory_space<vmem>>, vector<16xi32>,
      %get3A_860 = arith.constant 352 : index
      %get3A_861 = tpu.vector_load %arg7[%get3A_860] {strides = array<i32>} : memref<512xi32, #tpu.memory_space<vmem>>, vector<16xi32>,
      %get3A_862 = arith.constant 368 : index
      %get3A_863 = tpu.vector_load %arg7[%get3A_862] {strides = array<i32>} : memref<512xi32, #tpu.memory_space<vmem>>, vector<16xi32>,
      %scan3A_864 = arith.constant 0 : i32
      %scan3A_865 = arith.constant 0 : i32
      %scan3A_866 = arith.constant 8 : i32
      %scan3A_867 = arith.addi %scan3A_865, %scan3A_866 : i32
      %scan3A_868 = arith.constant 1 : i32
      scf.for %scan3A_1054 = %scan3A_865 to %scan3A_867 step %scan3A_868  : i32 {
        %mul3A_1055 = arith.constant 4 : i32
        %mul3A_1056 = arith.muli %scan3A_1054, %mul3A_1055 : i32
        %add3A_1057 = vector.broadcast %mul3A_1056 : i32 to vector<16xi32>
        %add3A_1058 = arith.addi %get3A_849, %add3A_1057 : vector<16xi32>
        %add3A_1059 = arith.constant 0 : i32
        %add3A_1060 = vector.broadcast %add3A_1059 : i32 to vector<16xi32>
        %add3A_1061 = arith.addi %add3A_1058, %add3A_1060 : vector<16xi32>
        %gather3A = arith.constant 256 : i32
        %gather3A_1062 = arith.constant 0 : i32
        %gather3A_1063 = tpu.memref_slice %arg8[%gather3A, %gather3A_1062] : memref<512x128xf32, #tpu.memory_space<vmem>> -> memref<128x128xf32, #tpu.memory_space<vmem>>
        %gather3A_1064 = tpu.vector_load_idx %gather3A_1063[%add3A_826, %add3A_1061] : memref<128x128xf32, #tpu.memory_space<vmem>>[vector<16xi32>, vector<16xi32>], vector<16xf32>,
        %add3A_1065 = vector.broadcast %mul3A_1056 : i32 to vector<16xi32>
        %add3A_1066 = arith.addi %get3A_851, %add3A_1065 : vector<16xi32>
        %add3A_1067 = arith.constant 0 : i32
        %add3A_1068 = vector.broadcast %add3A_1067 : i32 to vector<16xi32>
        %add3A_1069 = arith.addi %add3A_1066, %add3A_1068 : vector<16xi32>
        %gather3A_1070 = arith.constant 256 : i32
        %gather3A_1071 = arith.constant 0 : i32
        %gather3A_1072 = tpu.memref_slice %arg8[%gather3A_1070, %gather3A_1071] : memref<512x128xf32, #tpu.memory_space<vmem>> -> memref<128x128xf32, #tpu.memory_space<vmem>>
        %gather3A_1073 = tpu.vector_load_idx %gather3A_1072[%add3A_829, %add3A_1069] : memref<128x128xf32, #tpu.memory_space<vmem>>[vector<16xi32>, vector<16xi32>], vector<16xf32>,
        %add3A_1074 = vector.broadcast %mul3A_1056 : i32 to vector<16xi32>
        %add3A_1075 = arith.addi %get3A_853, %add3A_1074 : vector<16xi32>
        %add3A_1076 = arith.constant 0 : i32
        %add3A_1077 = vector.broadcast %add3A_1076 : i32 to vector<16xi32>
        %add3A_1078 = arith.addi %add3A_1075, %add3A_1077 : vector<16xi32>
        %gather3A_1079 = arith.constant 256 : i32
        %gather3A_1080 = arith.constant 0 : i32
        %gather3A_1081 = tpu.memref_slice %arg8[%gather3A_1079, %gather3A_1080] : memref<512x128xf32, #tpu.memory_space<vmem>> -> memref<128x128xf32, #tpu.memory_space<vmem>>
        %gather3A_1082 = tpu.vector_load_idx %gather3A_1081[%add3A_832, %add3A_1078] : memref<128x128xf32, #tpu.memory_space<vmem>>[vector<16xi32>, vector<16xi32>], vector<16xf32>,
        %add3A_1083 = vector.broadcast %mul3A_1056 : i32 to vector<16xi32>
        %add3A_1084 = arith.addi %get3A_855, %add3A_1083 : vector<16xi32>
        %add3A_1085 = arith.constant 0 : i32
        %add3A_1086 = vector.broadcast %add3A_1085 : i32 to vector<16xi32>
        %add3A_1087 = arith.addi %add3A_1084, %add3A_1086 : vector<16xi32>
        %gather3A_1088 = arith.constant 256 : i32
        %gather3A_1089 = arith.constant 0 : i32
        %gather3A_1090 = tpu.memref_slice %arg8[%gather3A_1088, %gather3A_1089] : memref<512x128xf32, #tpu.memory_space<vmem>> -> memref<128x128xf32, #tpu.memory_space<vmem>>
        %gather3A_1091 = tpu.vector_load_idx %gather3A_1090[%add3A_835, %add3A_1087] : memref<128x128xf32, #tpu.memory_space<vmem>>[vector<16xi32>, vector<16xi32>], vector<16xf32>,
        %add3A_1092 = vector.broadcast %mul3A_1056 : i32 to vector<16xi32>
        %add3A_1093 = arith.addi %get3A_857, %add3A_1092 : vector<16xi32>
        %add3A_1094 = arith.constant 0 : i32
        %add3A_1095 = vector.broadcast %add3A_1094 : i32 to vector<16xi32>
        %add3A_1096 = arith.addi %add3A_1093, %add3A_1095 : vector<16xi32>
        %gather3A_1097 = arith.constant 256 : i32
        %gather3A_1098 = arith.constant 0 : i32
        %gather3A_1099 = tpu.memref_slice %arg8[%gather3A_1097, %gather3A_1098] : memref<512x128xf32, #tpu.memory_space<vmem>> -> memref<128x128xf32, #tpu.memory_space<vmem>>
        %gather3A_1100 = tpu.vector_load_idx %gather3A_1099[%add3A_838, %add3A_1096] : memref<128x128xf32, #tpu.memory_space<vmem>>[vector<16xi32>, vector<16xi32>], vector<16xf32>,
        %add3A_1101 = vector.broadcast %mul3A_1056 : i32 to vector<16xi32>
        %add3A_1102 = arith.addi %get3A_859, %add3A_1101 : vector<16xi32>
        %add3A_1103 = arith.constant 0 : i32
        %add3A_1104 = vector.broadcast %add3A_1103 : i32 to vector<16xi32>
        %add3A_1105 = arith.addi %add3A_1102, %add3A_1104 : vector<16xi32>
        %gather3A_1106 = arith.constant 256 : i32
        %gather3A_1107 = arith.constant 0 : i32
        %gather3A_1108 = tpu.memref_slice %arg8[%gather3A_1106, %gather3A_1107] : memref<512x128xf32, #tpu.memory_space<vmem>> -> memref<128x128xf32, #tpu.memory_space<vmem>>
        %gather3A_1109 = tpu.vector_load_idx %gather3A_1108[%add3A_841, %add3A_1105] : memref<128x128xf32, #tpu.memory_space<vmem>>[vector<16xi32>, vector<16xi32>], vector<16xf32>,
        %add3A_1110 = vector.broadcast %mul3A_1056 : i32 to vector<16xi32>
        %add3A_1111 = arith.addi %get3A_861, %add3A_1110 : vector<16xi32>
        %add3A_1112 = arith.constant 0 : i32
        %add3A_1113 = vector.broadcast %add3A_1112 : i32 to vector<16xi32>
        %add3A_1114 = arith.addi %add3A_1111, %add3A_1113 : vector<16xi32>
        %gather3A_1115 = arith.constant 256 : i32
        %gather3A_1116 = arith.constant 0 : i32
        %gather3A_1117 = tpu.memref_slice %arg8[%gather3A_1115, %gather3A_1116] : memref<512x128xf32, #tpu.memory_space<vmem>> -> memref<128x128xf32, #tpu.memory_space<vmem>>
        %gather3A_1118 = tpu.vector_load_idx %gather3A_1117[%add3A_844, %add3A_1114] : memref<128x128xf32, #tpu.memory_space<vmem>>[vector<16xi32>, vector<16xi32>], vector<16xf32>,
        %add3A_1119 = vector.broadcast %mul3A_1056 : i32 to vector<16xi32>
        %add3A_1120 = arith.addi %get3A_863, %add3A_1119 : vector<16xi32>
        %add3A_1121 = arith.constant 0 : i32
        %add3A_1122 = vector.broadcast %add3A_1121 : i32 to vector<16xi32>
        %add3A_1123 = arith.addi %add3A_1120, %add3A_1122 : vector<16xi32>
        %gather3A_1124 = arith.constant 256 : i32
        %gather3A_1125 = arith.constant 0 : i32
        %gather3A_1126 = tpu.memref_slice %arg8[%gather3A_1124, %gather3A_1125] : memref<512x128xf32, #tpu.memory_space<vmem>> -> memref<128x128xf32, #tpu.memory_space<vmem>>
        %gather3A_1127 = tpu.vector_load_idx %gather3A_1126[%add3A_847, %add3A_1123] : memref<128x128xf32, #tpu.memory_space<vmem>>[vector<16xi32>, vector<16xi32>], vector<16xf32>,
        %add3A_1128 = vector.broadcast %mul3A_1056 : i32 to vector<16xi32>
        %add3A_1129 = arith.addi %get3A_849, %add3A_1128 : vector<16xi32>
        %add3A_1130 = arith.constant 1 : i32
        %add3A_1131 = vector.broadcast %add3A_1130 : i32 to vector<16xi32>
        %add3A_1132 = arith.addi %add3A_1129, %add3A_1131 : vector<16xi32>
        %gather3A_1133 = arith.constant 256 : i32
        %gather3A_1134 = arith.constant 0 : i32
        %gather3A_1135 = tpu.memref_slice %arg8[%gather3A_1133, %gather3A_1134] : memref<512x128xf32, #tpu.memory_space<vmem>> -> memref<128x128xf32, #tpu.memory_space<vmem>>
        %gather3A_1136 = tpu.vector_load_idx %gather3A_1135[%add3A_826, %add3A_1132] : memref<128x128xf32, #tpu.memory_space<vmem>>[vector<16xi32>, vector<16xi32>], vector<16xf32>,
        %add3A_1137 = vector.broadcast %mul3A_1056 : i32 to vector<16xi32>
        %add3A_1138 = arith.addi %get3A_851, %add3A_1137 : vector<16xi32>
        %add3A_1139 = arith.constant 1 : i32
        %add3A_1140 = vector.broadcast %add3A_1139 : i32 to vector<16xi32>
        %add3A_1141 = arith.addi %add3A_1138, %add3A_1140 : vector<16xi32>
        %gather3A_1142 = arith.constant 256 : i32
        %gather3A_1143 = arith.constant 0 : i32
        %gather3A_1144 = tpu.memref_slice %arg8[%gather3A_1142, %gather3A_1143] : memref<512x128xf32, #tpu.memory_space<vmem>> -> memref<128x128xf32, #tpu.memory_space<vmem>>
        %gather3A_1145 = tpu.vector_load_idx %gather3A_1144[%add3A_829, %add3A_1141] : memref<128x128xf32, #tpu.memory_space<vmem>>[vector<16xi32>, vector<16xi32>], vector<16xf32>,
        %add3A_1146 = vector.broadcast %mul3A_1056 : i32 to vector<16xi32>
        %add3A_1147 = arith.addi %get3A_853, %add3A_1146 : vector<16xi32>
        %add3A_1148 = arith.constant 1 : i32
        %add3A_1149 = vector.broadcast %add3A_1148 : i32 to vector<16xi32>
        %add3A_1150 = arith.addi %add3A_1147, %add3A_1149 : vector<16xi32>
        %gather3A_1151 = arith.constant 256 : i32
        %gather3A_1152 = arith.constant 0 : i32
        %gather3A_1153 = tpu.memref_slice %arg8[%gather3A_1151, %gather3A_1152] : memref<512x128xf32, #tpu.memory_space<vmem>> -> memref<128x128xf32, #tpu.memory_space<vmem>>
        %gather3A_1154 = tpu.vector_load_idx %gather3A_1153[%add3A_832, %add3A_1150] : memref<128x128xf32, #tpu.memory_space<vmem>>[vector<16xi32>, vector<16xi32>], vector<16xf32>,
        %add3A_1155 = vector.broadcast %mul3A_1056 : i32 to vector<16xi32>
        %add3A_1156 = arith.addi %get3A_855, %add3A_1155 : vector<16xi32>
        %add3A_1157 = arith.constant 1 : i32
        %add3A_1158 = vector.broadcast %add3A_1157 : i32 to vector<16xi32>
        %add3A_1159 = arith.addi %add3A_1156, %add3A_1158 : vector<16xi32>
        %gather3A_1160 = arith.constant 256 : i32
        %gather3A_1161 = arith.constant 0 : i32
        %gather3A_1162 = tpu.memref_slice %arg8[%gather3A_1160, %gather3A_1161] : memref<512x128xf32, #tpu.memory_space<vmem>> -> memref<128x128xf32, #tpu.memory_space<vmem>>
        %gather3A_1163 = tpu.vector_load_idx %gather3A_1162[%add3A_835, %add3A_1159] : memref<128x128xf32, #tpu.memory_space<vmem>>[vector<16xi32>, vector<16xi32>], vector<16xf32>,
        %add3A_1164 = vector.broadcast %mul3A_1056 : i32 to vector<16xi32>
        %add3A_1165 = arith.addi %get3A_857, %add3A_1164 : vector<16xi32>
        %add3A_1166 = arith.constant 1 : i32
        %add3A_1167 = vector.broadcast %add3A_1166 : i32 to vector<16xi32>
        %add3A_1168 = arith.addi %add3A_1165, %add3A_1167 : vector<16xi32>
        %gather3A_1169 = arith.constant 256 : i32
        %gather3A_1170 = arith.constant 0 : i32
        %gather3A_1171 = tpu.memref_slice %arg8[%gather3A_1169, %gather3A_1170] : memref<512x128xf32, #tpu.memory_space<vmem>> -> memref<128x128xf32, #tpu.memory_space<vmem>>
        %gather3A_1172 = tpu.vector_load_idx %gather3A_1171[%add3A_838, %add3A_1168] : memref<128x128xf32, #tpu.memory_space<vmem>>[vector<16xi32>, vector<16xi32>], vector<16xf32>,
        %add3A_1173 = vector.broadcast %mul3A_1056 : i32 to vector<16xi32>
        %add3A_1174 = arith.addi %get3A_859, %add3A_1173 : vector<16xi32>
        %add3A_1175 = arith.constant 1 : i32
        %add3A_1176 = vector.broadcast %add3A_1175 : i32 to vector<16xi32>
        %add3A_1177 = arith.addi %add3A_1174, %add3A_1176 : vector<16xi32>
        %gather3A_1178 = arith.constant 256 : i32
        %gather3A_1179 = arith.constant 0 : i32
        %gather3A_1180 = tpu.memref_slice %arg8[%gather3A_1178, %gather3A_1179] : memref<512x128xf32, #tpu.memory_space<vmem>> -> memref<128x128xf32, #tpu.memory_space<vmem>>
        %gather3A_1181 = tpu.vector_load_idx %gather3A_1180[%add3A_841, %add3A_1177] : memref<128x128xf32, #tpu.memory_space<vmem>>[vector<16xi32>, vector<16xi32>], vector<16xf32>,
        %add3A_1182 = vector.broadcast %mul3A_1056 : i32 to vector<16xi32>
        %add3A_1183 = arith.addi %get3A_861, %add3A_1182 : vector<16xi32>
        %add3A_1184 = arith.constant 1 : i32
        %add3A_1185 = vector.broadcast %add3A_1184 : i32 to vector<16xi32>
        %add3A_1186 = arith.addi %add3A_1183, %add3A_1185 : vector<16xi32>
        %gather3A_1187 = arith.constant 256 : i32
        %gather3A_1188 = arith.constant 0 : i32
        %gather3A_1189 = tpu.memref_slice %arg8[%gather3A_1187, %gather3A_1188] : memref<512x128xf32, #tpu.memory_space<vmem>> -> memref<128x128xf32, #tpu.memory_space<vmem>>
        %gather3A_1190 = tpu.vector_load_idx %gather3A_1189[%add3A_844, %add3A_1186] : memref<128x128xf32, #tpu.memory_space<vmem>>[vector<16xi32>, vector<16xi32>], vector<16xf32>,
        %add3A_1191 = vector.broadcast %mul3A_1056 : i32 to vector<16xi32>
        %add3A_1192 = arith.addi %get3A_863, %add3A_1191 : vector<16xi32>
        %add3A_1193 = arith.constant 1 : i32
        %add3A_1194 = vector.broadcast %add3A_1193 : i32 to vector<16xi32>
        %add3A_1195 = arith.addi %add3A_1192, %add3A_1194 : vector<16xi32>
        %gather3A_1196 = arith.constant 256 : i32
        %gather3A_1197 = arith.constant 0 : i32
        %gather3A_1198 = tpu.memref_slice %arg8[%gather3A_1196, %gather3A_1197] : memref<512x128xf32, #tpu.memory_space<vmem>> -> memref<128x128xf32, #tpu.memory_space<vmem>>
        %gather3A_1199 = tpu.vector_load_idx %gather3A_1198[%add3A_847, %add3A_1195] : memref<128x128xf32, #tpu.memory_space<vmem>>[vector<16xi32>, vector<16xi32>], vector<16xf32>,
        %add3A_1200 = vector.broadcast %mul3A_1056 : i32 to vector<16xi32>
        %add3A_1201 = arith.addi %get3A_849, %add3A_1200 : vector<16xi32>
        %add3A_1202 = arith.constant 2 : i32
        %add3A_1203 = vector.broadcast %add3A_1202 : i32 to vector<16xi32>
        %add3A_1204 = arith.addi %add3A_1201, %add3A_1203 : vector<16xi32>
        %gather3A_1205 = arith.constant 256 : i32
        %gather3A_1206 = arith.constant 0 : i32
        %gather3A_1207 = tpu.memref_slice %arg8[%gather3A_1205, %gather3A_1206] : memref<512x128xf32, #tpu.memory_space<vmem>> -> memref<128x128xf32, #tpu.memory_space<vmem>>
        %gather3A_1208 = tpu.vector_load_idx %gather3A_1207[%add3A_826, %add3A_1204] : memref<128x128xf32, #tpu.memory_space<vmem>>[vector<16xi32>, vector<16xi32>], vector<16xf32>,
        %add3A_1209 = vector.broadcast %mul3A_1056 : i32 to vector<16xi32>
        %add3A_1210 = arith.addi %get3A_851, %add3A_1209 : vector<16xi32>
        %add3A_1211 = arith.constant 2 : i32
        %add3A_1212 = vector.broadcast %add3A_1211 : i32 to vector<16xi32>
        %add3A_1213 = arith.addi %add3A_1210, %add3A_1212 : vector<16xi32>
        %gather3A_1214 = arith.constant 256 : i32
        %gather3A_1215 = arith.constant 0 : i32
        %gather3A_1216 = tpu.memref_slice %arg8[%gather3A_1214, %gather3A_1215] : memref<512x128xf32, #tpu.memory_space<vmem>> -> memref<128x128xf32, #tpu.memory_space<vmem>>
        %gather3A_1217 = tpu.vector_load_idx %gather3A_1216[%add3A_829, %add3A_1213] : memref<128x128xf32, #tpu.memory_space<vmem>>[vector<16xi32>, vector<16xi32>], vector<16xf32>,
        %add3A_1218 = vector.broadcast %mul3A_1056 : i32 to vector<16xi32>
        %add3A_1219 = arith.addi %get3A_853, %add3A_1218 : vector<16xi32>
        %add3A_1220 = arith.constant 2 : i32
        %add3A_1221 = vector.broadcast %add3A_1220 : i32 to vector<16xi32>
        %add3A_1222 = arith.addi %add3A_1219, %add3A_1221 : vector<16xi32>
        %gather3A_1223 = arith.constant 256 : i32
        %gather3A_1224 = arith.constant 0 : i32
        %gather3A_1225 = tpu.memref_slice %arg8[%gather3A_1223, %gather3A_1224] : memref<512x128xf32, #tpu.memory_space<vmem>> -> memref<128x128xf32, #tpu.memory_space<vmem>>
        %gather3A_1226 = tpu.vector_load_idx %gather3A_1225[%add3A_832, %add3A_1222] : memref<128x128xf32, #tpu.memory_space<vmem>>[vector<16xi32>, vector<16xi32>], vector<16xf32>,
        %add3A_1227 = vector.broadcast %mul3A_1056 : i32 to vector<16xi32>
        %add3A_1228 = arith.addi %get3A_855, %add3A_1227 : vector<16xi32>
        %add3A_1229 = arith.constant 2 : i32
        %add3A_1230 = vector.broadcast %add3A_1229 : i32 to vector<16xi32>
        %add3A_1231 = arith.addi %add3A_1228, %add3A_1230 : vector<16xi32>
        %gather3A_1232 = arith.constant 256 : i32
        %gather3A_1233 = arith.constant 0 : i32
        %gather3A_1234 = tpu.memref_slice %arg8[%gather3A_1232, %gather3A_1233] : memref<512x128xf32, #tpu.memory_space<vmem>> -> memref<128x128xf32, #tpu.memory_space<vmem>>
        %gather3A_1235 = tpu.vector_load_idx %gather3A_1234[%add3A_835, %add3A_1231] : memref<128x128xf32, #tpu.memory_space<vmem>>[vector<16xi32>, vector<16xi32>], vector<16xf32>,
        %add3A_1236 = vector.broadcast %mul3A_1056 : i32 to vector<16xi32>
        %add3A_1237 = arith.addi %get3A_857, %add3A_1236 : vector<16xi32>
        %add3A_1238 = arith.constant 2 : i32
        %add3A_1239 = vector.broadcast %add3A_1238 : i32 to vector<16xi32>
        %add3A_1240 = arith.addi %add3A_1237, %add3A_1239 : vector<16xi32>
        %gather3A_1241 = arith.constant 256 : i32
        %gather3A_1242 = arith.constant 0 : i32
        %gather3A_1243 = tpu.memref_slice %arg8[%gather3A_1241, %gather3A_1242] : memref<512x128xf32, #tpu.memory_space<vmem>> -> memref<128x128xf32, #tpu.memory_space<vmem>>
        %gather3A_1244 = tpu.vector_load_idx %gather3A_1243[%add3A_838, %add3A_1240] : memref<128x128xf32, #tpu.memory_space<vmem>>[vector<16xi32>, vector<16xi32>], vector<16xf32>,
        %add3A_1245 = vector.broadcast %mul3A_1056 : i32 to vector<16xi32>
        %add3A_1246 = arith.addi %get3A_859, %add3A_1245 : vector<16xi32>
        %add3A_1247 = arith.constant 2 : i32
        %add3A_1248 = vector.broadcast %add3A_1247 : i32 to vector<16xi32>
        %add3A_1249 = arith.addi %add3A_1246, %add3A_1248 : vector<16xi32>
        %gather3A_1250 = arith.constant 256 : i32
        %gather3A_1251 = arith.constant 0 : i32
        %gather3A_1252 = tpu.memref_slice %arg8[%gather3A_1250, %gather3A_1251] : memref<512x128xf32, #tpu.memory_space<vmem>> -> memref<128x128xf32, #tpu.memory_space<vmem>>
        %gather3A_1253 = tpu.vector_load_idx %gather3A_1252[%add3A_841, %add3A_1249] : memref<128x128xf32, #tpu.memory_space<vmem>>[vector<16xi32>, vector<16xi32>], vector<16xf32>,
        %add3A_1254 = vector.broadcast %mul3A_1056 : i32 to vector<16xi32>
        %add3A_1255 = arith.addi %get3A_861, %add3A_1254 : vector<16xi32>
        %add3A_1256 = arith.constant 2 : i32
        %add3A_1257 = vector.broadcast %add3A_1256 : i32 to vector<16xi32>
        %add3A_1258 = arith.addi %add3A_1255, %add3A_1257 : vector<16xi32>
        %gather3A_1259 = arith.constant 256 : i32
        %gather3A_1260 = arith.constant 0 : i32
        %gather3A_1261 = tpu.memref_slice %arg8[%gather3A_1259, %gather3A_1260] : memref<512x128xf32, #tpu.memory_space<vmem>> -> memref<128x128xf32, #tpu.memory_space<vmem>>
        %gather3A_1262 = tpu.vector_load_idx %gather3A_1261[%add3A_844, %add3A_1258] : memref<128x128xf32, #tpu.memory_space<vmem>>[vector<16xi32>, vector<16xi32>], vector<16xf32>,
        %add3A_1263 = vector.broadcast %mul3A_1056 : i32 to vector<16xi32>
        %add3A_1264 = arith.addi %get3A_863, %add3A_1263 : vector<16xi32>
        %add3A_1265 = arith.constant 2 : i32
        %add3A_1266 = vector.broadcast %add3A_1265 : i32 to vector<16xi32>
        %add3A_1267 = arith.addi %add3A_1264, %add3A_1266 : vector<16xi32>
        %gather3A_1268 = arith.constant 256 : i32
        %gather3A_1269 = arith.constant 0 : i32
        %gather3A_1270 = tpu.memref_slice %arg8[%gather3A_1268, %gather3A_1269] : memref<512x128xf32, #tpu.memory_space<vmem>> -> memref<128x128xf32, #tpu.memory_space<vmem>>
        %gather3A_1271 = tpu.vector_load_idx %gather3A_1270[%add3A_847, %add3A_1267] : memref<128x128xf32, #tpu.memory_space<vmem>>[vector<16xi32>, vector<16xi32>], vector<16xf32>,
        %add3A_1272 = vector.broadcast %mul3A_1056 : i32 to vector<16xi32>
        %add3A_1273 = arith.addi %get3A_849, %add3A_1272 : vector<16xi32>
        %add3A_1274 = arith.constant 3 : i32
        %add3A_1275 = vector.broadcast %add3A_1274 : i32 to vector<16xi32>
        %add3A_1276 = arith.addi %add3A_1273, %add3A_1275 : vector<16xi32>
        %gather3A_1277 = arith.constant 256 : i32
        %gather3A_1278 = arith.constant 0 : i32
        %gather3A_1279 = tpu.memref_slice %arg8[%gather3A_1277, %gather3A_1278] : memref<512x128xf32, #tpu.memory_space<vmem>> -> memref<128x128xf32, #tpu.memory_space<vmem>>
        %gather3A_1280 = tpu.vector_load_idx %gather3A_1279[%add3A_826, %add3A_1276] : memref<128x128xf32, #tpu.memory_space<vmem>>[vector<16xi32>, vector<16xi32>], vector<16xf32>,
        %add3A_1281 = vector.broadcast %mul3A_1056 : i32 to vector<16xi32>
        %add3A_1282 = arith.addi %get3A_851, %add3A_1281 : vector<16xi32>
        %add3A_1283 = arith.constant 3 : i32
        %add3A_1284 = vector.broadcast %add3A_1283 : i32 to vector<16xi32>
        %add3A_1285 = arith.addi %add3A_1282, %add3A_1284 : vector<16xi32>
        %gather3A_1286 = arith.constant 256 : i32
        %gather3A_1287 = arith.constant 0 : i32
        %gather3A_1288 = tpu.memref_slice %arg8[%gather3A_1286, %gather3A_1287] : memref<512x128xf32, #tpu.memory_space<vmem>> -> memref<128x128xf32, #tpu.memory_space<vmem>>
        %gather3A_1289 = tpu.vector_load_idx %gather3A_1288[%add3A_829, %add3A_1285] : memref<128x128xf32, #tpu.memory_space<vmem>>[vector<16xi32>, vector<16xi32>], vector<16xf32>,
        %add3A_1290 = vector.broadcast %mul3A_1056 : i32 to vector<16xi32>
        %add3A_1291 = arith.addi %get3A_853, %add3A_1290 : vector<16xi32>
        %add3A_1292 = arith.constant 3 : i32
        %add3A_1293 = vector.broadcast %add3A_1292 : i32 to vector<16xi32>
        %add3A_1294 = arith.addi %add3A_1291, %add3A_1293 : vector<16xi32>
        %gather3A_1295 = arith.constant 256 : i32
        %gather3A_1296 = arith.constant 0 : i32
        %gather3A_1297 = tpu.memref_slice %arg8[%gather3A_1295, %gather3A_1296] : memref<512x128xf32, #tpu.memory_space<vmem>> -> memref<128x128xf32, #tpu.memory_space<vmem>>
        %gather3A_1298 = tpu.vector_load_idx %gather3A_1297[%add3A_832, %add3A_1294] : memref<128x128xf32, #tpu.memory_space<vmem>>[vector<16xi32>, vector<16xi32>], vector<16xf32>,
        %add3A_1299 = vector.broadcast %mul3A_1056 : i32 to vector<16xi32>
        %add3A_1300 = arith.addi %get3A_855, %add3A_1299 : vector<16xi32>
        %add3A_1301 = arith.constant 3 : i32
        %add3A_1302 = vector.broadcast %add3A_1301 : i32 to vector<16xi32>
        %add3A_1303 = arith.addi %add3A_1300, %add3A_1302 : vector<16xi32>
        %gather3A_1304 = arith.constant 256 : i32
        %gather3A_1305 = arith.constant 0 : i32
        %gather3A_1306 = tpu.memref_slice %arg8[%gather3A_1304, %gather3A_1305] : memref<512x128xf32, #tpu.memory_space<vmem>> -> memref<128x128xf32, #tpu.memory_space<vmem>>
        %gather3A_1307 = tpu.vector_load_idx %gather3A_1306[%add3A_835, %add3A_1303] : memref<128x128xf32, #tpu.memory_space<vmem>>[vector<16xi32>, vector<16xi32>], vector<16xf32>,
        %add3A_1308 = vector.broadcast %mul3A_1056 : i32 to vector<16xi32>
        %add3A_1309 = arith.addi %get3A_857, %add3A_1308 : vector<16xi32>
        %add3A_1310 = arith.constant 3 : i32
        %add3A_1311 = vector.broadcast %add3A_1310 : i32 to vector<16xi32>
        %add3A_1312 = arith.addi %add3A_1309, %add3A_1311 : vector<16xi32>
        %gather3A_1313 = arith.constant 256 : i32
        %gather3A_1314 = arith.constant 0 : i32
        %gather3A_1315 = tpu.memref_slice %arg8[%gather3A_1313, %gather3A_1314] : memref<512x128xf32, #tpu.memory_space<vmem>> -> memref<128x128xf32, #tpu.memory_space<vmem>>
        %gather3A_1316 = tpu.vector_load_idx %gather3A_1315[%add3A_838, %add3A_1312] : memref<128x128xf32, #tpu.memory_space<vmem>>[vector<16xi32>, vector<16xi32>], vector<16xf32>,
        %add3A_1317 = vector.broadcast %mul3A_1056 : i32 to vector<16xi32>
        %add3A_1318 = arith.addi %get3A_859, %add3A_1317 : vector<16xi32>
        %add3A_1319 = arith.constant 3 : i32
        %add3A_1320 = vector.broadcast %add3A_1319 : i32 to vector<16xi32>
        %add3A_1321 = arith.addi %add3A_1318, %add3A_1320 : vector<16xi32>
        %gather3A_1322 = arith.constant 256 : i32
        %gather3A_1323 = arith.constant 0 : i32
        %gather3A_1324 = tpu.memref_slice %arg8[%gather3A_1322, %gather3A_1323] : memref<512x128xf32, #tpu.memory_space<vmem>> -> memref<128x128xf32, #tpu.memory_space<vmem>>
        %gather3A_1325 = tpu.vector_load_idx %gather3A_1324[%add3A_841, %add3A_1321] : memref<128x128xf32, #tpu.memory_space<vmem>>[vector<16xi32>, vector<16xi32>], vector<16xf32>,
        %add3A_1326 = vector.broadcast %mul3A_1056 : i32 to vector<16xi32>
        %add3A_1327 = arith.addi %get3A_861, %add3A_1326 : vector<16xi32>
        %add3A_1328 = arith.constant 3 : i32
        %add3A_1329 = vector.broadcast %add3A_1328 : i32 to vector<16xi32>
        %add3A_1330 = arith.addi %add3A_1327, %add3A_1329 : vector<16xi32>
        %gather3A_1331 = arith.constant 256 : i32
        %gather3A_1332 = arith.constant 0 : i32
        %gather3A_1333 = tpu.memref_slice %arg8[%gather3A_1331, %gather3A_1332] : memref<512x128xf32, #tpu.memory_space<vmem>> -> memref<128x128xf32, #tpu.memory_space<vmem>>
        %gather3A_1334 = tpu.vector_load_idx %gather3A_1333[%add3A_844, %add3A_1330] : memref<128x128xf32, #tpu.memory_space<vmem>>[vector<16xi32>, vector<16xi32>], vector<16xf32>,
        %add3A_1335 = vector.broadcast %mul3A_1056 : i32 to vector<16xi32>
        %add3A_1336 = arith.addi %get3A_863, %add3A_1335 : vector<16xi32>
        %add3A_1337 = arith.constant 3 : i32
        %add3A_1338 = vector.broadcast %add3A_1337 : i32 to vector<16xi32>
        %add3A_1339 = arith.addi %add3A_1336, %add3A_1338 : vector<16xi32>
        %gather3A_1340 = arith.constant 256 : i32
        %gather3A_1341 = arith.constant 0 : i32
        %gather3A_1342 = tpu.memref_slice %arg8[%gather3A_1340, %gather3A_1341] : memref<512x128xf32, #tpu.memory_space<vmem>> -> memref<128x128xf32, #tpu.memory_space<vmem>>
        %gather3A_1343 = tpu.vector_load_idx %gather3A_1342[%add3A_847, %add3A_1339] : memref<128x128xf32, #tpu.memory_space<vmem>>[vector<16xi32>, vector<16xi32>], vector<16xf32>,
        %add3A_1344 = arith.constant 64 : i32
        %add3A_1345 = arith.addi %add3A_1344, %mul3A_1056 : i32
        %add3A_1346 = arith.constant 0 : i32
        %add3A_1347 = arith.addi %add3A_1345, %add3A_1346 : i32
        %swap3A_1348 = arith.index_cast %add3A_1347 : i32 to index
        %swap3A_1349 = arith.constant 0 : index
        %swap3A_1350 = tpu.vector_load %arg9[%swap3A_1348, %swap3A_1349] {strides = array<i32>} : memref<128x128xf32, #tpu.memory_space<vmem>>, vector<16xf32>,
        tpu.vector_store %arg9[%swap3A_1348, %swap3A_1349], %gather3A_1064 {strides = array<i32>} : memref<128x128xf32, #tpu.memory_space<vmem>>, vector<16xf32>,
        %add3A_1351 = arith.constant 64 : i32
        %add3A_1352 = arith.addi %add3A_1351, %mul3A_1056 : i32
        %add3A_1353 = arith.constant 0 : i32
        %add3A_1354 = arith.addi %add3A_1352, %add3A_1353 : i32
        %swap3A_1355 = arith.index_cast %add3A_1354 : i32 to index
        %swap3A_1356 = arith.constant 16 : index
        %swap3A_1357 = tpu.vector_load %arg9[%swap3A_1355, %swap3A_1356] {strides = array<i32>} : memref<128x128xf32, #tpu.memory_space<vmem>>, vector<16xf32>,
        tpu.vector_store %arg9[%swap3A_1355, %swap3A_1356], %gather3A_1073 {strides = array<i32>} : memref<128x128xf32, #tpu.memory_space<vmem>>, vector<16xf32>,
        %add3A_1358 = arith.constant 64 : i32
        %add3A_1359 = arith.addi %add3A_1358, %mul3A_1056 : i32
        %add3A_1360 = arith.constant 0 : i32
        %add3A_1361 = arith.addi %add3A_1359, %add3A_1360 : i32
        %swap3A_1362 = arith.index_cast %add3A_1361 : i32 to index
        %swap3A_1363 = arith.constant 32 : index
        %swap3A_1364 = tpu.vector_load %arg9[%swap3A_1362, %swap3A_1363] {strides = array<i32>} : memref<128x128xf32, #tpu.memory_space<vmem>>, vector<16xf32>,
        tpu.vector_store %arg9[%swap3A_1362, %swap3A_1363], %gather3A_1082 {strides = array<i32>} : memref<128x128xf32, #tpu.memory_space<vmem>>, vector<16xf32>,
        %add3A_1365 = arith.constant 64 : i32
        %add3A_1366 = arith.addi %add3A_1365, %mul3A_1056 : i32
        %add3A_1367 = arith.constant 0 : i32
        %add3A_1368 = arith.addi %add3A_1366, %add3A_1367 : i32
        %swap3A_1369 = arith.index_cast %add3A_1368 : i32 to index
        %swap3A_1370 = arith.constant 48 : index
        %swap3A_1371 = tpu.vector_load %arg9[%swap3A_1369, %swap3A_1370] {strides = array<i32>} : memref<128x128xf32, #tpu.memory_space<vmem>>, vector<16xf32>,
        tpu.vector_store %arg9[%swap3A_1369, %swap3A_1370], %gather3A_1091 {strides = array<i32>} : memref<128x128xf32, #tpu.memory_space<vmem>>, vector<16xf32>,
        %add3A_1372 = arith.constant 64 : i32
        %add3A_1373 = arith.addi %add3A_1372, %mul3A_1056 : i32
        %add3A_1374 = arith.constant 0 : i32
        %add3A_1375 = arith.addi %add3A_1373, %add3A_1374 : i32
        %swap3A_1376 = arith.index_cast %add3A_1375 : i32 to index
        %swap3A_1377 = arith.constant 64 : index
        %swap3A_1378 = tpu.vector_load %arg9[%swap3A_1376, %swap3A_1377] {strides = array<i32>} : memref<128x128xf32, #tpu.memory_space<vmem>>, vector<16xf32>,
        tpu.vector_store %arg9[%swap3A_1376, %swap3A_1377], %gather3A_1100 {strides = array<i32>} : memref<128x128xf32, #tpu.memory_space<vmem>>, vector<16xf32>,
        %add3A_1379 = arith.constant 64 : i32
        %add3A_1380 = arith.addi %add3A_1379, %mul3A_1056 : i32
        %add3A_1381 = arith.constant 0 : i32
        %add3A_1382 = arith.addi %add3A_1380, %add3A_1381 : i32
        %swap3A_1383 = arith.index_cast %add3A_1382 : i32 to index
        %swap3A_1384 = arith.constant 80 : index
        %swap3A_1385 = tpu.vector_load %arg9[%swap3A_1383, %swap3A_1384] {strides = array<i32>} : memref<128x128xf32, #tpu.memory_space<vmem>>, vector<16xf32>,
        tpu.vector_store %arg9[%swap3A_1383, %swap3A_1384], %gather3A_1109 {strides = array<i32>} : memref<128x128xf32, #tpu.memory_space<vmem>>, vector<16xf32>,
        %add3A_1386 = arith.constant 64 : i32
        %add3A_1387 = arith.addi %add3A_1386, %mul3A_1056 : i32
        %add3A_1388 = arith.constant 0 : i32
        %add3A_1389 = arith.addi %add3A_1387, %add3A_1388 : i32
        %swap3A_1390 = arith.index_cast %add3A_1389 : i32 to index
        %swap3A_1391 = arith.constant 96 : index
        %swap3A_1392 = tpu.vector_load %arg9[%swap3A_1390, %swap3A_1391] {strides = array<i32>} : memref<128x128xf32, #tpu.memory_space<vmem>>, vector<16xf32>,
        tpu.vector_store %arg9[%swap3A_1390, %swap3A_1391], %gather3A_1118 {strides = array<i32>} : memref<128x128xf32, #tpu.memory_space<vmem>>, vector<16xf32>,
        %add3A_1393 = arith.constant 64 : i32
        %add3A_1394 = arith.addi %add3A_1393, %mul3A_1056 : i32
        %add3A_1395 = arith.constant 0 : i32
        %add3A_1396 = arith.addi %add3A_1394, %add3A_1395 : i32
        %swap3A_1397 = arith.index_cast %add3A_1396 : i32 to index
        %swap3A_1398 = arith.constant 112 : index
        %swap3A_1399 = tpu.vector_load %arg9[%swap3A_1397, %swap3A_1398] {strides = array<i32>} : memref<128x128xf32, #tpu.memory_space<vmem>>, vector<16xf32>,
        tpu.vector_store %arg9[%swap3A_1397, %swap3A_1398], %gather3A_1127 {strides = array<i32>} : memref<128x128xf32, #tpu.memory_space<vmem>>, vector<16xf32>,
        %add3A_1400 = arith.constant 64 : i32
        %add3A_1401 = arith.addi %add3A_1400, %mul3A_1056 : i32
        %add3A_1402 = arith.constant 1 : i32
        %add3A_1403 = arith.addi %add3A_1401, %add3A_1402 : i32
        %swap3A_1404 = arith.index_cast %add3A_1403 : i32 to index
        %swap3A_1405 = arith.constant 0 : index
        %swap3A_1406 = tpu.vector_load %arg9[%swap3A_1404, %swap3A_1405] {strides = array<i32>} : memref<128x128xf32, #tpu.memory_space<vmem>>, vector<16xf32>,
        tpu.vector_store %arg9[%swap3A_1404, %swap3A_1405], %gather3A_1136 {strides = array<i32>} : memref<128x128xf32, #tpu.memory_space<vmem>>, vector<16xf32>,
        %add3A_1407 = arith.constant 64 : i32
        %add3A_1408 = arith.addi %add3A_1407, %mul3A_1056 : i32
        %add3A_1409 = arith.constant 1 : i32
        %add3A_1410 = arith.addi %add3A_1408, %add3A_1409 : i32
        %swap3A_1411 = arith.index_cast %add3A_1410 : i32 to index
        %swap3A_1412 = arith.constant 16 : index
        %swap3A_1413 = tpu.vector_load %arg9[%swap3A_1411, %swap3A_1412] {strides = array<i32>} : memref<128x128xf32, #tpu.memory_space<vmem>>, vector<16xf32>,
        tpu.vector_store %arg9[%swap3A_1411, %swap3A_1412], %gather3A_1145 {strides = array<i32>} : memref<128x128xf32, #tpu.memory_space<vmem>>, vector<16xf32>,
        %add3A_1414 = arith.constant 64 : i32
        %add3A_1415 = arith.addi %add3A_1414, %mul3A_1056 : i32
        %add3A_1416 = arith.constant 1 : i32
        %add3A_1417 = arith.addi %add3A_1415, %add3A_1416 : i32
        %swap3A_1418 = arith.index_cast %add3A_1417 : i32 to index
        %swap3A_1419 = arith.constant 32 : index
        %swap3A_1420 = tpu.vector_load %arg9[%swap3A_1418, %swap3A_1419] {strides = array<i32>} : memref<128x128xf32, #tpu.memory_space<vmem>>, vector<16xf32>,
        tpu.vector_store %arg9[%swap3A_1418, %swap3A_1419], %gather3A_1154 {strides = array<i32>} : memref<128x128xf32, #tpu.memory_space<vmem>>, vector<16xf32>,
        %add3A_1421 = arith.constant 64 : i32
        %add3A_1422 = arith.addi %add3A_1421, %mul3A_1056 : i32
        %add3A_1423 = arith.constant 1 : i32
        %add3A_1424 = arith.addi %add3A_1422, %add3A_1423 : i32
        %swap3A_1425 = arith.index_cast %add3A_1424 : i32 to index
        %swap3A_1426 = arith.constant 48 : index
        %swap3A_1427 = tpu.vector_load %arg9[%swap3A_1425, %swap3A_1426] {strides = array<i32>} : memref<128x128xf32, #tpu.memory_space<vmem>>, vector<16xf32>,
        tpu.vector_store %arg9[%swap3A_1425, %swap3A_1426], %gather3A_1163 {strides = array<i32>} : memref<128x128xf32, #tpu.memory_space<vmem>>, vector<16xf32>,
        %add3A_1428 = arith.constant 64 : i32
        %add3A_1429 = arith.addi %add3A_1428, %mul3A_1056 : i32
        %add3A_1430 = arith.constant 1 : i32
        %add3A_1431 = arith.addi %add3A_1429, %add3A_1430 : i32
        %swap3A_1432 = arith.index_cast %add3A_1431 : i32 to index
        %swap3A_1433 = arith.constant 64 : index
        %swap3A_1434 = tpu.vector_load %arg9[%swap3A_1432, %swap3A_1433] {strides = array<i32>} : memref<128x128xf32, #tpu.memory_space<vmem>>, vector<16xf32>,
        tpu.vector_store %arg9[%swap3A_1432, %swap3A_1433], %gather3A_1172 {strides = array<i32>} : memref<128x128xf32, #tpu.memory_space<vmem>>, vector<16xf32>,
        %add3A_1435 = arith.constant 64 : i32
        %add3A_1436 = arith.addi %add3A_1435, %mul3A_1056 : i32
        %add3A_1437 = arith.constant 1 : i32
        %add3A_1438 = arith.addi %add3A_1436, %add3A_1437 : i32
        %swap3A_1439 = arith.index_cast %add3A_1438 : i32 to index
        %swap3A_1440 = arith.constant 80 : index
        %swap3A_1441 = tpu.vector_load %arg9[%swap3A_1439, %swap3A_1440] {strides = array<i32>} : memref<128x128xf32, #tpu.memory_space<vmem>>, vector<16xf32>,
        tpu.vector_store %arg9[%swap3A_1439, %swap3A_1440], %gather3A_1181 {strides = array<i32>} : memref<128x128xf32, #tpu.memory_space<vmem>>, vector<16xf32>,
        %add3A_1442 = arith.constant 64 : i32
        %add3A_1443 = arith.addi %add3A_1442, %mul3A_1056 : i32
        %add3A_1444 = arith.constant 1 : i32
        %add3A_1445 = arith.addi %add3A_1443, %add3A_1444 : i32
        %swap3A_1446 = arith.index_cast %add3A_1445 : i32 to index
        %swap3A_1447 = arith.constant 96 : index
        %swap3A_1448 = tpu.vector_load %arg9[%swap3A_1446, %swap3A_1447] {strides = array<i32>} : memref<128x128xf32, #tpu.memory_space<vmem>>, vector<16xf32>,
        tpu.vector_store %arg9[%swap3A_1446, %swap3A_1447], %gather3A_1190 {strides = array<i32>} : memref<128x128xf32, #tpu.memory_space<vmem>>, vector<16xf32>,
        %add3A_1449 = arith.constant 64 : i32
        %add3A_1450 = arith.addi %add3A_1449, %mul3A_1056 : i32
        %add3A_1451 = arith.constant 1 : i32
        %add3A_1452 = arith.addi %add3A_1450, %add3A_1451 : i32
        %swap3A_1453 = arith.index_cast %add3A_1452 : i32 to index
        %swap3A_1454 = arith.constant 112 : index
        %swap3A_1455 = tpu.vector_load %arg9[%swap3A_1453, %swap3A_1454] {strides = array<i32>} : memref<128x128xf32, #tpu.memory_space<vmem>>, vector<16xf32>,
        tpu.vector_store %arg9[%swap3A_1453, %swap3A_1454], %gather3A_1199 {strides = array<i32>} : memref<128x128xf32, #tpu.memory_space<vmem>>, vector<16xf32>,
        %add3A_1456 = arith.constant 64 : i32
        %add3A_1457 = arith.addi %add3A_1456, %mul3A_1056 : i32
        %add3A_1458 = arith.constant 2 : i32
        %add3A_1459 = arith.addi %add3A_1457, %add3A_1458 : i32
        %swap3A_1460 = arith.index_cast %add3A_1459 : i32 to index
        %swap3A_1461 = arith.constant 0 : index
        %swap3A_1462 = tpu.vector_load %arg9[%swap3A_1460, %swap3A_1461] {strides = array<i32>} : memref<128x128xf32, #tpu.memory_space<vmem>>, vector<16xf32>,
        tpu.vector_store %arg9[%swap3A_1460, %swap3A_1461], %gather3A_1208 {strides = array<i32>} : memref<128x128xf32, #tpu.memory_space<vmem>>, vector<16xf32>,
        %add3A_1463 = arith.constant 64 : i32
        %add3A_1464 = arith.addi %add3A_1463, %mul3A_1056 : i32
        %add3A_1465 = arith.constant 2 : i32
        %add3A_1466 = arith.addi %add3A_1464, %add3A_1465 : i32
        %swap3A_1467 = arith.index_cast %add3A_1466 : i32 to index
        %swap3A_1468 = arith.constant 16 : index
        %swap3A_1469 = tpu.vector_load %arg9[%swap3A_1467, %swap3A_1468] {strides = array<i32>} : memref<128x128xf32, #tpu.memory_space<vmem>>, vector<16xf32>,
        tpu.vector_store %arg9[%swap3A_1467, %swap3A_1468], %gather3A_1217 {strides = array<i32>} : memref<128x128xf32, #tpu.memory_space<vmem>>, vector<16xf32>,
        %add3A_1470 = arith.constant 64 : i32
        %add3A_1471 = arith.addi %add3A_1470, %mul3A_1056 : i32
        %add3A_1472 = arith.constant 2 : i32
        %add3A_1473 = arith.addi %add3A_1471, %add3A_1472 : i32
        %swap3A_1474 = arith.index_cast %add3A_1473 : i32 to index
        %swap3A_1475 = arith.constant 32 : index
        %swap3A_1476 = tpu.vector_load %arg9[%swap3A_1474, %swap3A_1475] {strides = array<i32>} : memref<128x128xf32, #tpu.memory_space<vmem>>, vector<16xf32>,
        tpu.vector_store %arg9[%swap3A_1474, %swap3A_1475], %gather3A_1226 {strides = array<i32>} : memref<128x128xf32, #tpu.memory_space<vmem>>, vector<16xf32>,
        %add3A_1477 = arith.constant 64 : i32
        %add3A_1478 = arith.addi %add3A_1477, %mul3A_1056 : i32
        %add3A_1479 = arith.constant 2 : i32
        %add3A_1480 = arith.addi %add3A_1478, %add3A_1479 : i32
        %swap3A_1481 = arith.index_cast %add3A_1480 : i32 to index
        %swap3A_1482 = arith.constant 48 : index
        %swap3A_1483 = tpu.vector_load %arg9[%swap3A_1481, %swap3A_1482] {strides = array<i32>} : memref<128x128xf32, #tpu.memory_space<vmem>>, vector<16xf32>,
        tpu.vector_store %arg9[%swap3A_1481, %swap3A_1482], %gather3A_1235 {strides = array<i32>} : memref<128x128xf32, #tpu.memory_space<vmem>>, vector<16xf32>,
        %add3A_1484 = arith.constant 64 : i32
        %add3A_1485 = arith.addi %add3A_1484, %mul3A_1056 : i32
        %add3A_1486 = arith.constant 2 : i32
        %add3A_1487 = arith.addi %add3A_1485, %add3A_1486 : i32
        %swap3A_1488 = arith.index_cast %add3A_1487 : i32 to index
        %swap3A_1489 = arith.constant 64 : index
        %swap3A_1490 = tpu.vector_load %arg9[%swap3A_1488, %swap3A_1489] {strides = array<i32>} : memref<128x128xf32, #tpu.memory_space<vmem>>, vector<16xf32>,
        tpu.vector_store %arg9[%swap3A_1488, %swap3A_1489], %gather3A_1244 {strides = array<i32>} : memref<128x128xf32, #tpu.memory_space<vmem>>, vector<16xf32>,
        %add3A_1491 = arith.constant 64 : i32
        %add3A_1492 = arith.addi %add3A_1491, %mul3A_1056 : i32
        %add3A_1493 = arith.constant 2 : i32
        %add3A_1494 = arith.addi %add3A_1492, %add3A_1493 : i32
        %swap3A_1495 = arith.index_cast %add3A_1494 : i32 to index
        %swap3A_1496 = arith.constant 80 : index
        %swap3A_1497 = tpu.vector_load %arg9[%swap3A_1495, %swap3A_1496] {strides = array<i32>} : memref<128x128xf32, #tpu.memory_space<vmem>>, vector<16xf32>,
        tpu.vector_store %arg9[%swap3A_1495, %swap3A_1496], %gather3A_1253 {strides = array<i32>} : memref<128x128xf32, #tpu.memory_space<vmem>>, vector<16xf32>,
        %add3A_1498 = arith.constant 64 : i32
        %add3A_1499 = arith.addi %add3A_1498, %mul3A_1056 : i32
        %add3A_1500 = arith.constant 2 : i32
        %add3A_1501 = arith.addi %add3A_1499, %add3A_1500 : i32
        %swap3A_1502 = arith.index_cast %add3A_1501 : i32 to index
        %swap3A_1503 = arith.constant 96 : index
        %swap3A_1504 = tpu.vector_load %arg9[%swap3A_1502, %swap3A_1503] {strides = array<i32>} : memref<128x128xf32, #tpu.memory_space<vmem>>, vector<16xf32>,
        tpu.vector_store %arg9[%swap3A_1502, %swap3A_1503], %gather3A_1262 {strides = array<i32>} : memref<128x128xf32, #tpu.memory_space<vmem>>, vector<16xf32>,
        %add3A_1505 = arith.constant 64 : i32
        %add3A_1506 = arith.addi %add3A_1505, %mul3A_1056 : i32
        %add3A_1507 = arith.constant 2 : i32
        %add3A_1508 = arith.addi %add3A_1506, %add3A_1507 : i32
        %swap3A_1509 = arith.index_cast %add3A_1508 : i32 to index
        %swap3A_1510 = arith.constant 112 : index
        %swap3A_1511 = tpu.vector_load %arg9[%swap3A_1509, %swap3A_1510] {strides = array<i32>} : memref<128x128xf32, #tpu.memory_space<vmem>>, vector<16xf32>,
        tpu.vector_store %arg9[%swap3A_1509, %swap3A_1510], %gather3A_1271 {strides = array<i32>} : memref<128x128xf32, #tpu.memory_space<vmem>>, vector<16xf32>,
        %add3A_1512 = arith.constant 64 : i32
        %add3A_1513 = arith.addi %add3A_1512, %mul3A_1056 : i32
        %add3A_1514 = arith.constant 3 : i32
        %add3A_1515 = arith.addi %add3A_1513, %add3A_1514 : i32
        %swap3A_1516 = arith.index_cast %add3A_1515 : i32 to index
        %swap3A_1517 = arith.constant 0 : index
        %swap3A_1518 = tpu.vector_load %arg9[%swap3A_1516, %swap3A_1517] {strides = array<i32>} : memref<128x128xf32, #tpu.memory_space<vmem>>, vector<16xf32>,
        tpu.vector_store %arg9[%swap3A_1516, %swap3A_1517], %gather3A_1280 {strides = array<i32>} : memref<128x128xf32, #tpu.memory_space<vmem>>, vector<16xf32>,
        %add3A_1519 = arith.constant 64 : i32
        %add3A_1520 = arith.addi %add3A_1519, %mul3A_1056 : i32
        %add3A_1521 = arith.constant 3 : i32
        %add3A_1522 = arith.addi %add3A_1520, %add3A_1521 : i32
        %swap3A_1523 = arith.index_cast %add3A_1522 : i32 to index
        %swap3A_1524 = arith.constant 16 : index
        %swap3A_1525 = tpu.vector_load %arg9[%swap3A_1523, %swap3A_1524] {strides = array<i32>} : memref<128x128xf32, #tpu.memory_space<vmem>>, vector<16xf32>,
        tpu.vector_store %arg9[%swap3A_1523, %swap3A_1524], %gather3A_1289 {strides = array<i32>} : memref<128x128xf32, #tpu.memory_space<vmem>>, vector<16xf32>,
        %add3A_1526 = arith.constant 64 : i32
        %add3A_1527 = arith.addi %add3A_1526, %mul3A_1056 : i32
        %add3A_1528 = arith.constant 3 : i32
        %add3A_1529 = arith.addi %add3A_1527, %add3A_1528 : i32
        %swap3A_1530 = arith.index_cast %add3A_1529 : i32 to index
        %swap3A_1531 = arith.constant 32 : index
        %swap3A_1532 = tpu.vector_load %arg9[%swap3A_1530, %swap3A_1531] {strides = array<i32>} : memref<128x128xf32, #tpu.memory_space<vmem>>, vector<16xf32>,
        tpu.vector_store %arg9[%swap3A_1530, %swap3A_1531], %gather3A_1298 {strides = array<i32>} : memref<128x128xf32, #tpu.memory_space<vmem>>, vector<16xf32>,
        %add3A_1533 = arith.constant 64 : i32
        %add3A_1534 = arith.addi %add3A_1533, %mul3A_1056 : i32
        %add3A_1535 = arith.constant 3 : i32
        %add3A_1536 = arith.addi %add3A_1534, %add3A_1535 : i32
        %swap3A_1537 = arith.index_cast %add3A_1536 : i32 to index
        %swap3A_1538 = arith.constant 48 : index
        %swap3A_1539 = tpu.vector_load %arg9[%swap3A_1537, %swap3A_1538] {strides = array<i32>} : memref<128x128xf32, #tpu.memory_space<vmem>>, vector<16xf32>,
        tpu.vector_store %arg9[%swap3A_1537, %swap3A_1538], %gather3A_1307 {strides = array<i32>} : memref<128x128xf32, #tpu.memory_space<vmem>>, vector<16xf32>,
        %add3A_1540 = arith.constant 64 : i32
        %add3A_1541 = arith.addi %add3A_1540, %mul3A_1056 : i32
        %add3A_1542 = arith.constant 3 : i32
        %add3A_1543 = arith.addi %add3A_1541, %add3A_1542 : i32
        %swap3A_1544 = arith.index_cast %add3A_1543 : i32 to index
        %swap3A_1545 = arith.constant 64 : index
        %swap3A_1546 = tpu.vector_load %arg9[%swap3A_1544, %swap3A_1545] {strides = array<i32>} : memref<128x128xf32, #tpu.memory_space<vmem>>, vector<16xf32>,
        tpu.vector_store %arg9[%swap3A_1544, %swap3A_1545], %gather3A_1316 {strides = array<i32>} : memref<128x128xf32, #tpu.memory_space<vmem>>, vector<16xf32>,
        %add3A_1547 = arith.constant 64 : i32
        %add3A_1548 = arith.addi %add3A_1547, %mul3A_1056 : i32
        %add3A_1549 = arith.constant 3 : i32
        %add3A_1550 = arith.addi %add3A_1548, %add3A_1549 : i32
        %swap3A_1551 = arith.index_cast %add3A_1550 : i32 to index
        %swap3A_1552 = arith.constant 80 : index
        %swap3A_1553 = tpu.vector_load %arg9[%swap3A_1551, %swap3A_1552] {strides = array<i32>} : memref<128x128xf32, #tpu.memory_space<vmem>>, vector<16xf32>,
        tpu.vector_store %arg9[%swap3A_1551, %swap3A_1552], %gather3A_1325 {strides = array<i32>} : memref<128x128xf32, #tpu.memory_space<vmem>>, vector<16xf32>,
        %add3A_1554 = arith.constant 64 : i32
        %add3A_1555 = arith.addi %add3A_1554, %mul3A_1056 : i32
        %add3A_1556 = arith.constant 3 : i32
        %add3A_1557 = arith.addi %add3A_1555, %add3A_1556 : i32
        %swap3A_1558 = arith.index_cast %add3A_1557 : i32 to index
        %swap3A_1559 = arith.constant 96 : index
        %swap3A_1560 = tpu.vector_load %arg9[%swap3A_1558, %swap3A_1559] {strides = array<i32>} : memref<128x128xf32, #tpu.memory_space<vmem>>, vector<16xf32>,
        tpu.vector_store %arg9[%swap3A_1558, %swap3A_1559], %gather3A_1334 {strides = array<i32>} : memref<128x128xf32, #tpu.memory_space<vmem>>, vector<16xf32>,
        %add3A_1561 = arith.constant 64 : i32
        %add3A_1562 = arith.addi %add3A_1561, %mul3A_1056 : i32
        %add3A_1563 = arith.constant 3 : i32
        %add3A_1564 = arith.addi %add3A_1562, %add3A_1563 : i32
        %swap3A_1565 = arith.index_cast %add3A_1564 : i32 to index
        %swap3A_1566 = arith.constant 112 : index
        %swap3A_1567 = tpu.vector_load %arg9[%swap3A_1565, %swap3A_1566] {strides = array<i32>} : memref<128x128xf32, #tpu.memory_space<vmem>>, vector<16xf32>,
        tpu.vector_store %arg9[%swap3A_1565, %swap3A_1566], %gather3A_1343 {strides = array<i32>} : memref<128x128xf32, #tpu.memory_space<vmem>>, vector<16xf32>,
      }
      %scan3A_869 = arith.constant 8 : i32
      %jit3A_870 = arith.constant 4 : i32
      %div3A_871 = arith.divsi %add3A_797, %jit3A_870 : i32
      %sign3A_872 = arith.constant 0 : i32
      %sign3A_873 = arith.cmpi sgt, %add3A_797, %sign3A_872 : i32
      %sign3A_874 = arith.extui %sign3A_873 : i1 to i32
      %sign3A_875 = arith.constant 0 : i32
      %sign3A_876 = arith.cmpi slt, %add3A_797, %sign3A_875 : i32
      %sign3A_877 = arith.extui %sign3A_876 : i1 to i32
      %sign3A_878 = arith.subi %sign3A_874, %sign3A_877 : i32
      %sign3A_879 = arith.constant 0 : i32
      %sign3A_880 = arith.cmpi sgt, %jit3A_870, %sign3A_879 : i32
      %sign3A_881 = arith.extui %sign3A_880 : i1 to i32
      %sign3A_882 = arith.constant 0 : i32
      %sign3A_883 = arith.cmpi slt, %jit3A_870, %sign3A_882 : i32
      %sign3A_884 = arith.extui %sign3A_883 : i1 to i32
      %sign3A_885 = arith.subi %sign3A_881, %sign3A_884 : i32
      %ne3A_886 = arith.cmpi ne, %sign3A_878, %sign3A_885 : i32
      %rem3A_887 = arith.remsi %add3A_797, %jit3A_870 : i32
      %ne3A_888 = arith.constant 0 : i32
      %ne3A_889 = arith.cmpi ne, %rem3A_887, %ne3A_888 : i32
      %and3A_890 = arith.andi %ne3A_886, %ne3A_889 : i1
      %sub3A_891 = arith.constant 1 : i32
      %sub3A_892 = arith.subi %div3A_871, %sub3A_891 : i32
      %select_n3A_893 = arith.select %and3A_890, %sub3A_892, %div3A_871 : i32
      %jit3A_894 = arith.constant 4 : i32
      %eq3A_895 = arith.constant 0 : i32
      %eq3A_896 = arith.cmpi eq, %jit3A_894, %eq3A_895 : i32
      %jit3A_897 = arith.constant 1 : i32
      %select_n3A_898 = arith.select %eq3A_896, %jit3A_897, %jit3A_894 : i32
      %rem3A_899 = arith.remsi %add3A_797, %select_n3A_898 : i32
      %ne3A_900 = arith.constant 0 : i32
      %ne3A_901 = arith.cmpi ne, %rem3A_899, %ne3A_900 : i32
      %lt3A_902 = arith.constant 0 : i32
      %lt3A_903 = arith.cmpi slt, %rem3A_899, %lt3A_902 : i32
      %lt3A_904 = arith.constant 0 : i32
      %lt3A_905 = arith.cmpi slt, %select_n3A_898, %lt3A_904 : i32
      %ne3A_906 = arith.xori %lt3A_903, %lt3A_905 : i1
      %and3A_907 = arith.andi %ne3A_906, %ne3A_901 : i1
      %add3A_908 = arith.addi %rem3A_899, %select_n3A_898 : i32
      %select_n3A_909 = arith.select %and3A_907, %add3A_908, %rem3A_899 : i32
      %mul3A_910 = arith.constant 128 : i32
      %mul3A_911 = arith.muli %select_n3A_909, %mul3A_910 : i32
      %add3A_912 = arith.addi %mul3A_2, %mul3A_911 : i32
      %dma_start3A_913 = arith.constant 64 : i32
      %dma_start3A_914 = arith.constant 0 : i32
      %dma_start3A_915 = tpu.memref_slice %arg9[%dma_start3A_913, %dma_start3A_914] : memref<128x128xf32, #tpu.memory_space<vmem>> -> memref<32x128xf32, #tpu.memory_space<vmem>>
      %dma_start3A_916 = arith.constant 0 : i32
      %dma_start3A_917 = tpu.memref_slice %arg4[%select_n3A_893, %dma_start3A_916, %add3A_912] : memref<50x32x16384xf32, #tpu.memory_space<hbm>> -> memref<1x32x128xf32, #tpu.memory_space<hbm>>
      %dma_start3A_918 = tpu.memref_squeeze %dma_start3A_917 : memref<1x32x128xf32, #tpu.memory_space<hbm>> -> memref<32x128xf32, #tpu.memory_space<hbm>>
      %dma_start3A_919 = arith.constant 0 : i32
      %dma_start3A_920 = tpu.memref_slice %arg4[%select_n3A_893, %dma_start3A_919, %add3A_912] : memref<50x32x16384xf32, #tpu.memory_space<hbm>> -> memref<1x32x128xf32, #tpu.memory_space<hbm>>
      %dma_start3A_921 = tpu.memref_squeeze %dma_start3A_920 : memref<1x32x128xf32, #tpu.memory_space<hbm>> -> memref<32x128xf32, #tpu.memory_space<hbm>>
      %dma_start3A_922 = arith.constant 64 : i32
      %dma_start3A_923 = arith.constant 0 : i32
      %dma_start3A_924 = tpu.memref_slice %arg9[%dma_start3A_922, %dma_start3A_923] : memref<128x128xf32, #tpu.memory_space<vmem>> -> memref<32x128xf32, #tpu.memory_space<vmem>>
      tpu.enqueue_dma source(%dma_start3A_924 : memref<32x128xf32, #tpu.memory_space<vmem>>) target(%dma_start3A_921 : memref<32x128xf32, #tpu.memory_space<hbm>>) target_semaphore(%arg16 : memref<!tpu.dma_semaphore, #tpu.memory_space<semaphore_mem>>)
      %add3A_925 = arith.constant 3 : i32
      %add3A_926 = arith.addi %mul3A_549, %add3A_925 : i32
      %add3A_927 = arith.constant 4 : i32
      %add3A_928 = arith.addi %add3A_926, %add3A_927 : i32
      %sub3A_929 = arith.constant 1 : i32
      %sub3A_930 = arith.subi %add3A_928, %sub3A_929 : i32
      %lt3A_931 = arith.constant 200 : i32
      %lt3A_932 = arith.cmpi slt, %sub3A_930, %lt3A_931 : i32
      %convert_element_type3A_933 = arith.extui %lt3A_932 : i1 to i32
      %cond3A_934 = arith.constant 0 : i32
      %cond3A_935 = arith.cmpi ne, %convert_element_type3A_933, %cond3A_934 : i32
      scf.if %cond3A_935 {
        %jit3A_1054 = arith.constant 4 : i32
        %div3A_1055 = arith.divsi %sub3A_930, %jit3A_1054 : i32
        %sign3A_1056 = arith.constant 0 : i32
        %sign3A_1057 = arith.cmpi sgt, %sub3A_930, %sign3A_1056 : i32
        %sign3A_1058 = arith.extui %sign3A_1057 : i1 to i32
        %sign3A_1059 = arith.constant 0 : i32
        %sign3A_1060 = arith.cmpi slt, %sub3A_930, %sign3A_1059 : i32
        %sign3A_1061 = arith.extui %sign3A_1060 : i1 to i32
        %sign3A_1062 = arith.subi %sign3A_1058, %sign3A_1061 : i32
        %sign3A_1063 = arith.constant 0 : i32
        %sign3A_1064 = arith.cmpi sgt, %jit3A_1054, %sign3A_1063 : i32
        %sign3A_1065 = arith.extui %sign3A_1064 : i1 to i32
        %sign3A_1066 = arith.constant 0 : i32
        %sign3A_1067 = arith.cmpi slt, %jit3A_1054, %sign3A_1066 : i32
        %sign3A_1068 = arith.extui %sign3A_1067 : i1 to i32
        %sign3A_1069 = arith.subi %sign3A_1065, %sign3A_1068 : i32
        %ne3A_1070 = arith.cmpi ne, %sign3A_1062, %sign3A_1069 : i32
        %rem3A_1071 = arith.remsi %sub3A_930, %jit3A_1054 : i32
        %ne3A_1072 = arith.constant 0 : i32
        %ne3A_1073 = arith.cmpi ne, %rem3A_1071, %ne3A_1072 : i32
        %and3A_1074 = arith.andi %ne3A_1070, %ne3A_1073 : i1
        %sub3A_1075 = arith.constant 1 : i32
        %sub3A_1076 = arith.subi %div3A_1055, %sub3A_1075 : i32
        %select_n3A_1077 = arith.select %and3A_1074, %sub3A_1076, %div3A_1055 : i32
        %jit3A_1078 = arith.constant 4 : i32
        %eq3A_1079 = arith.constant 0 : i32
        %eq3A_1080 = arith.cmpi eq, %jit3A_1078, %eq3A_1079 : i32
        %jit3A_1081 = arith.constant 1 : i32
        %select_n3A_1082 = arith.select %eq3A_1080, %jit3A_1081, %jit3A_1078 : i32
        %rem3A_1083 = arith.remsi %sub3A_930, %select_n3A_1082 : i32
        %ne3A_1084 = arith.constant 0 : i32
        %ne3A_1085 = arith.cmpi ne, %rem3A_1083, %ne3A_1084 : i32
        %lt3A_1086 = arith.constant 0 : i32
        %lt3A_1087 = arith.cmpi slt, %rem3A_1083, %lt3A_1086 : i32
        %lt3A_1088 = arith.constant 0 : i32
        %lt3A_1089 = arith.cmpi slt, %select_n3A_1082, %lt3A_1088 : i32
        %ne3A_1090 = arith.xori %lt3A_1087, %lt3A_1089 : i1
        %and3A_1091 = arith.andi %ne3A_1090, %ne3A_1085 : i1
        %add3A_1092 = arith.addi %rem3A_1083, %select_n3A_1082 : i32
        %select_n3A_1093 = arith.select %and3A_1091, %add3A_1092, %rem3A_1083 : i32
        %mul3A_1094 = arith.constant 128 : i32
        %mul3A_1095 = arith.muli %select_n3A_1093, %mul3A_1094 : i32
        %add3A_1096 = arith.constant 0 : i32
        %add3A_1097 = arith.addi %mul3A_1095, %add3A_1096 : i32
        %get3A_1098 = arith.index_cast %select_n3A_1077 : i32 to index
        %get3A_1099 = arith.index_cast %add3A_1097 : i32 to index
        %get3A_1100 = tpu.vector_load %arg5[%get3A_1098, %get3A_1099] {strides = array<i32>} : memref<56x512xi32, #tpu.memory_space<vmem>>, vector<16xi32>,
        %shift_right_arithmetic3A_1101 = arith.constant 2 : i32
        %shift_right_arithmetic3A_1102 = vector.broadcast %shift_right_arithmetic3A_1101 : i32 to vector<16xi32>
        %shift_right_arithmetic3A_1103 = arith.shrsi %get3A_1100, %shift_right_arithmetic3A_1102 : vector<16xi32>
        %swap3A_1104 = arith.constant 2 : i32
        %swap3A_1105 = arith.index_cast %swap3A_1104 : i32 to index
        %swap3A_1106 = arith.constant 0 : index
        %swap3A_1107 = tpu.vector_load %arg6[%swap3A_1105, %swap3A_1106] {strides = array<i32>} : memref<4x128xi32, #tpu.memory_space<vmem>>, vector<16xi32>,
        tpu.vector_store %arg6[%swap3A_1105, %swap3A_1106], %shift_right_arithmetic3A_1103 {strides = array<i32>} : memref<4x128xi32, #tpu.memory_space<vmem>>, vector<16xi32>,
        %and3A_1108 = arith.constant 3 : i32
        %and3A_1109 = vector.broadcast %and3A_1108 : i32 to vector<16xi32>
        %and3A_1110 = arith.andi %get3A_1100, %and3A_1109 : vector<16xi32>
        %shift_left3A_1111 = arith.constant 5 : i32
        %shift_left3A_1112 = vector.broadcast %shift_left3A_1111 : i32 to vector<16xi32>
        %shift_left3A_1113 = arith.shli %and3A_1110, %shift_left3A_1112 : vector<16xi32>
        %swap3A_1114 = arith.constant 256 : index
        %swap3A_1115 = tpu.vector_load %arg7[%swap3A_1114] {strides = array<i32>} : memref<512xi32, #tpu.memory_space<vmem>>, vector<16xi32>,
        tpu.vector_store %arg7[%swap3A_1114], %shift_left3A_1113 {strides = array<i32>} : memref<512xi32, #tpu.memory_space<vmem>>, vector<16xi32>,
        %add3A_1116 = arith.constant 16 : i32
        %add3A_1117 = arith.addi %mul3A_1095, %add3A_1116 : i32
        %get3A_1118 = arith.index_cast %select_n3A_1077 : i32 to index
        %get3A_1119 = arith.index_cast %add3A_1117 : i32 to index
        %get3A_1120 = tpu.vector_load %arg5[%get3A_1118, %get3A_1119] {strides = array<i32>} : memref<56x512xi32, #tpu.memory_space<vmem>>, vector<16xi32>,
        %shift_right_arithmetic3A_1121 = arith.constant 2 : i32
        %shift_right_arithmetic3A_1122 = vector.broadcast %shift_right_arithmetic3A_1121 : i32 to vector<16xi32>
        %shift_right_arithmetic3A_1123 = arith.shrsi %get3A_1120, %shift_right_arithmetic3A_1122 : vector<16xi32>
        %swap3A_1124 = arith.constant 2 : i32
        %swap3A_1125 = arith.index_cast %swap3A_1124 : i32 to index
        %swap3A_1126 = arith.constant 16 : index
        %swap3A_1127 = tpu.vector_load %arg6[%swap3A_1125, %swap3A_1126] {strides = array<i32>} : memref<4x128xi32, #tpu.memory_space<vmem>>, vector<16xi32>,
        tpu.vector_store %arg6[%swap3A_1125, %swap3A_1126], %shift_right_arithmetic3A_1123 {strides = array<i32>} : memref<4x128xi32, #tpu.memory_space<vmem>>, vector<16xi32>,
        %and3A_1128 = arith.constant 3 : i32
        %and3A_1129 = vector.broadcast %and3A_1128 : i32 to vector<16xi32>
        %and3A_1130 = arith.andi %get3A_1120, %and3A_1129 : vector<16xi32>
        %shift_left3A_1131 = arith.constant 5 : i32
        %shift_left3A_1132 = vector.broadcast %shift_left3A_1131 : i32 to vector<16xi32>
        %shift_left3A_1133 = arith.shli %and3A_1130, %shift_left3A_1132 : vector<16xi32>
        %swap3A_1134 = arith.constant 272 : index
        %swap3A_1135 = tpu.vector_load %arg7[%swap3A_1134] {strides = array<i32>} : memref<512xi32, #tpu.memory_space<vmem>>, vector<16xi32>,
        tpu.vector_store %arg7[%swap3A_1134], %shift_left3A_1133 {strides = array<i32>} : memref<512xi32, #tpu.memory_space<vmem>>, vector<16xi32>,
        %add3A_1136 = arith.constant 32 : i32
        %add3A_1137 = arith.addi %mul3A_1095, %add3A_1136 : i32
        %get3A_1138 = arith.index_cast %select_n3A_1077 : i32 to index
        %get3A_1139 = arith.index_cast %add3A_1137 : i32 to index
        %get3A_1140 = tpu.vector_load %arg5[%get3A_1138, %get3A_1139] {strides = array<i32>} : memref<56x512xi32, #tpu.memory_space<vmem>>, vector<16xi32>,
        %shift_right_arithmetic3A_1141 = arith.constant 2 : i32
        %shift_right_arithmetic3A_1142 = vector.broadcast %shift_right_arithmetic3A_1141 : i32 to vector<16xi32>
        %shift_right_arithmetic3A_1143 = arith.shrsi %get3A_1140, %shift_right_arithmetic3A_1142 : vector<16xi32>
        %swap3A_1144 = arith.constant 2 : i32
        %swap3A_1145 = arith.index_cast %swap3A_1144 : i32 to index
        %swap3A_1146 = arith.constant 32 : index
        %swap3A_1147 = tpu.vector_load %arg6[%swap3A_1145, %swap3A_1146] {strides = array<i32>} : memref<4x128xi32, #tpu.memory_space<vmem>>, vector<16xi32>,
        tpu.vector_store %arg6[%swap3A_1145, %swap3A_1146], %shift_right_arithmetic3A_1143 {strides = array<i32>} : memref<4x128xi32, #tpu.memory_space<vmem>>, vector<16xi32>,
        %and3A_1148 = arith.constant 3 : i32
        %and3A_1149 = vector.broadcast %and3A_1148 : i32 to vector<16xi32>
        %and3A_1150 = arith.andi %get3A_1140, %and3A_1149 : vector<16xi32>
        %shift_left3A_1151 = arith.constant 5 : i32
        %shift_left3A_1152 = vector.broadcast %shift_left3A_1151 : i32 to vector<16xi32>
        %shift_left3A_1153 = arith.shli %and3A_1150, %shift_left3A_1152 : vector<16xi32>
        %swap3A_1154 = arith.constant 288 : index
        %swap3A_1155 = tpu.vector_load %arg7[%swap3A_1154] {strides = array<i32>} : memref<512xi32, #tpu.memory_space<vmem>>, vector<16xi32>,
        tpu.vector_store %arg7[%swap3A_1154], %shift_left3A_1153 {strides = array<i32>} : memref<512xi32, #tpu.memory_space<vmem>>, vector<16xi32>,
        %add3A_1156 = arith.constant 48 : i32
        %add3A_1157 = arith.addi %mul3A_1095, %add3A_1156 : i32
        %get3A_1158 = arith.index_cast %select_n3A_1077 : i32 to index
        %get3A_1159 = arith.index_cast %add3A_1157 : i32 to index
        %get3A_1160 = tpu.vector_load %arg5[%get3A_1158, %get3A_1159] {strides = array<i32>} : memref<56x512xi32, #tpu.memory_space<vmem>>, vector<16xi32>,
        %shift_right_arithmetic3A_1161 = arith.constant 2 : i32
        %shift_right_arithmetic3A_1162 = vector.broadcast %shift_right_arithmetic3A_1161 : i32 to vector<16xi32>
        %shift_right_arithmetic3A_1163 = arith.shrsi %get3A_1160, %shift_right_arithmetic3A_1162 : vector<16xi32>
        %swap3A_1164 = arith.constant 2 : i32
        %swap3A_1165 = arith.index_cast %swap3A_1164 : i32 to index
        %swap3A_1166 = arith.constant 48 : index
        %swap3A_1167 = tpu.vector_load %arg6[%swap3A_1165, %swap3A_1166] {strides = array<i32>} : memref<4x128xi32, #tpu.memory_space<vmem>>, vector<16xi32>,
        tpu.vector_store %arg6[%swap3A_1165, %swap3A_1166], %shift_right_arithmetic3A_1163 {strides = array<i32>} : memref<4x128xi32, #tpu.memory_space<vmem>>, vector<16xi32>,
        %and3A_1168 = arith.constant 3 : i32
        %and3A_1169 = vector.broadcast %and3A_1168 : i32 to vector<16xi32>
        %and3A_1170 = arith.andi %get3A_1160, %and3A_1169 : vector<16xi32>
        %shift_left3A_1171 = arith.constant 5 : i32
        %shift_left3A_1172 = vector.broadcast %shift_left3A_1171 : i32 to vector<16xi32>
        %shift_left3A_1173 = arith.shli %and3A_1170, %shift_left3A_1172 : vector<16xi32>
        %swap3A_1174 = arith.constant 304 : index
        %swap3A_1175 = tpu.vector_load %arg7[%swap3A_1174] {strides = array<i32>} : memref<512xi32, #tpu.memory_space<vmem>>, vector<16xi32>,
        tpu.vector_store %arg7[%swap3A_1174], %shift_left3A_1173 {strides = array<i32>} : memref<512xi32, #tpu.memory_space<vmem>>, vector<16xi32>,
        %add3A_1176 = arith.constant 64 : i32
        %add3A_1177 = arith.addi %mul3A_1095, %add3A_1176 : i32
        %get3A_1178 = arith.index_cast %select_n3A_1077 : i32 to index
        %get3A_1179 = arith.index_cast %add3A_1177 : i32 to index
        %get3A_1180 = tpu.vector_load %arg5[%get3A_1178, %get3A_1179] {strides = array<i32>} : memref<56x512xi32, #tpu.memory_space<vmem>>, vector<16xi32>,
        %shift_right_arithmetic3A_1181 = arith.constant 2 : i32
        %shift_right_arithmetic3A_1182 = vector.broadcast %shift_right_arithmetic3A_1181 : i32 to vector<16xi32>
        %shift_right_arithmetic3A_1183 = arith.shrsi %get3A_1180, %shift_right_arithmetic3A_1182 : vector<16xi32>
        %swap3A_1184 = arith.constant 2 : i32
        %swap3A_1185 = arith.index_cast %swap3A_1184 : i32 to index
        %swap3A_1186 = arith.constant 64 : index
        %swap3A_1187 = tpu.vector_load %arg6[%swap3A_1185, %swap3A_1186] {strides = array<i32>} : memref<4x128xi32, #tpu.memory_space<vmem>>, vector<16xi32>,
        tpu.vector_store %arg6[%swap3A_1185, %swap3A_1186], %shift_right_arithmetic3A_1183 {strides = array<i32>} : memref<4x128xi32, #tpu.memory_space<vmem>>, vector<16xi32>,
        %and3A_1188 = arith.constant 3 : i32
        %and3A_1189 = vector.broadcast %and3A_1188 : i32 to vector<16xi32>
        %and3A_1190 = arith.andi %get3A_1180, %and3A_1189 : vector<16xi32>
        %shift_left3A_1191 = arith.constant 5 : i32
        %shift_left3A_1192 = vector.broadcast %shift_left3A_1191 : i32 to vector<16xi32>
        %shift_left3A_1193 = arith.shli %and3A_1190, %shift_left3A_1192 : vector<16xi32>
        %swap3A_1194 = arith.constant 320 : index
        %swap3A_1195 = tpu.vector_load %arg7[%swap3A_1194] {strides = array<i32>} : memref<512xi32, #tpu.memory_space<vmem>>, vector<16xi32>,
        tpu.vector_store %arg7[%swap3A_1194], %shift_left3A_1193 {strides = array<i32>} : memref<512xi32, #tpu.memory_space<vmem>>, vector<16xi32>,
        %add3A_1196 = arith.constant 80 : i32
        %add3A_1197 = arith.addi %mul3A_1095, %add3A_1196 : i32
        %get3A_1198 = arith.index_cast %select_n3A_1077 : i32 to index
        %get3A_1199 = arith.index_cast %add3A_1197 : i32 to index
        %get3A_1200 = tpu.vector_load %arg5[%get3A_1198, %get3A_1199] {strides = array<i32>} : memref<56x512xi32, #tpu.memory_space<vmem>>, vector<16xi32>,
        %shift_right_arithmetic3A_1201 = arith.constant 2 : i32
        %shift_right_arithmetic3A_1202 = vector.broadcast %shift_right_arithmetic3A_1201 : i32 to vector<16xi32>
        %shift_right_arithmetic3A_1203 = arith.shrsi %get3A_1200, %shift_right_arithmetic3A_1202 : vector<16xi32>
        %swap3A_1204 = arith.constant 2 : i32
        %swap3A_1205 = arith.index_cast %swap3A_1204 : i32 to index
        %swap3A_1206 = arith.constant 80 : index
        %swap3A_1207 = tpu.vector_load %arg6[%swap3A_1205, %swap3A_1206] {strides = array<i32>} : memref<4x128xi32, #tpu.memory_space<vmem>>, vector<16xi32>,
        tpu.vector_store %arg6[%swap3A_1205, %swap3A_1206], %shift_right_arithmetic3A_1203 {strides = array<i32>} : memref<4x128xi32, #tpu.memory_space<vmem>>, vector<16xi32>,
        %and3A_1208 = arith.constant 3 : i32
        %and3A_1209 = vector.broadcast %and3A_1208 : i32 to vector<16xi32>
        %and3A_1210 = arith.andi %get3A_1200, %and3A_1209 : vector<16xi32>
        %shift_left3A_1211 = arith.constant 5 : i32
        %shift_left3A_1212 = vector.broadcast %shift_left3A_1211 : i32 to vector<16xi32>
        %shift_left3A_1213 = arith.shli %and3A_1210, %shift_left3A_1212 : vector<16xi32>
        %swap3A_1214 = arith.constant 336 : index
        %swap3A_1215 = tpu.vector_load %arg7[%swap3A_1214] {strides = array<i32>} : memref<512xi32, #tpu.memory_space<vmem>>, vector<16xi32>,
        tpu.vector_store %arg7[%swap3A_1214], %shift_left3A_1213 {strides = array<i32>} : memref<512xi32, #tpu.memory_space<vmem>>, vector<16xi32>,
        %add3A_1216 = arith.constant 96 : i32
        %add3A_1217 = arith.addi %mul3A_1095, %add3A_1216 : i32
        %get3A_1218 = arith.index_cast %select_n3A_1077 : i32 to index
        %get3A_1219 = arith.index_cast %add3A_1217 : i32 to index
        %get3A_1220 = tpu.vector_load %arg5[%get3A_1218, %get3A_1219] {strides = array<i32>} : memref<56x512xi32, #tpu.memory_space<vmem>>, vector<16xi32>,
        %shift_right_arithmetic3A_1221 = arith.constant 2 : i32
        %shift_right_arithmetic3A_1222 = vector.broadcast %shift_right_arithmetic3A_1221 : i32 to vector<16xi32>
        %shift_right_arithmetic3A_1223 = arith.shrsi %get3A_1220, %shift_right_arithmetic3A_1222 : vector<16xi32>
        %swap3A_1224 = arith.constant 2 : i32
        %swap3A_1225 = arith.index_cast %swap3A_1224 : i32 to index
        %swap3A_1226 = arith.constant 96 : index
        %swap3A_1227 = tpu.vector_load %arg6[%swap3A_1225, %swap3A_1226] {strides = array<i32>} : memref<4x128xi32, #tpu.memory_space<vmem>>, vector<16xi32>,
        tpu.vector_store %arg6[%swap3A_1225, %swap3A_1226], %shift_right_arithmetic3A_1223 {strides = array<i32>} : memref<4x128xi32, #tpu.memory_space<vmem>>, vector<16xi32>,
        %and3A_1228 = arith.constant 3 : i32
        %and3A_1229 = vector.broadcast %and3A_1228 : i32 to vector<16xi32>
        %and3A_1230 = arith.andi %get3A_1220, %and3A_1229 : vector<16xi32>
        %shift_left3A_1231 = arith.constant 5 : i32
        %shift_left3A_1232 = vector.broadcast %shift_left3A_1231 : i32 to vector<16xi32>
        %shift_left3A_1233 = arith.shli %and3A_1230, %shift_left3A_1232 : vector<16xi32>
        %swap3A_1234 = arith.constant 352 : index
        %swap3A_1235 = tpu.vector_load %arg7[%swap3A_1234] {strides = array<i32>} : memref<512xi32, #tpu.memory_space<vmem>>, vector<16xi32>,
        tpu.vector_store %arg7[%swap3A_1234], %shift_left3A_1233 {strides = array<i32>} : memref<512xi32, #tpu.memory_space<vmem>>, vector<16xi32>,
        %add3A_1236 = arith.constant 112 : i32
        %add3A_1237 = arith.addi %mul3A_1095, %add3A_1236 : i32
        %get3A_1238 = arith.index_cast %select_n3A_1077 : i32 to index
        %get3A_1239 = arith.index_cast %add3A_1237 : i32 to index
        %get3A_1240 = tpu.vector_load %arg5[%get3A_1238, %get3A_1239] {strides = array<i32>} : memref<56x512xi32, #tpu.memory_space<vmem>>, vector<16xi32>,
        %shift_right_arithmetic3A_1241 = arith.constant 2 : i32
        %shift_right_arithmetic3A_1242 = vector.broadcast %shift_right_arithmetic3A_1241 : i32 to vector<16xi32>
        %shift_right_arithmetic3A_1243 = arith.shrsi %get3A_1240, %shift_right_arithmetic3A_1242 : vector<16xi32>
        %swap3A_1244 = arith.constant 2 : i32
        %swap3A_1245 = arith.index_cast %swap3A_1244 : i32 to index
        %swap3A_1246 = arith.constant 112 : index
        %swap3A_1247 = tpu.vector_load %arg6[%swap3A_1245, %swap3A_1246] {strides = array<i32>} : memref<4x128xi32, #tpu.memory_space<vmem>>, vector<16xi32>,
        tpu.vector_store %arg6[%swap3A_1245, %swap3A_1246], %shift_right_arithmetic3A_1243 {strides = array<i32>} : memref<4x128xi32, #tpu.memory_space<vmem>>, vector<16xi32>,
        %and3A_1248 = arith.constant 3 : i32
        %and3A_1249 = vector.broadcast %and3A_1248 : i32 to vector<16xi32>
        %and3A_1250 = arith.andi %get3A_1240, %and3A_1249 : vector<16xi32>
        %shift_left3A_1251 = arith.constant 5 : i32
        %shift_left3A_1252 = vector.broadcast %shift_left3A_1251 : i32 to vector<16xi32>
        %shift_left3A_1253 = arith.shli %and3A_1250, %shift_left3A_1252 : vector<16xi32>
        %swap3A_1254 = arith.constant 368 : index
        %swap3A_1255 = tpu.vector_load %arg7[%swap3A_1254] {strides = array<i32>} : memref<512xi32, #tpu.memory_space<vmem>>, vector<16xi32>,
        tpu.vector_store %arg7[%swap3A_1254], %shift_left3A_1253 {strides = array<i32>} : memref<512xi32, #tpu.memory_space<vmem>>, vector<16xi32>,
        %dma_start3A_1256 = arith.constant 2 : i32
        %dma_start3A_1257 = arith.constant 256 : i32
        %dma_start3A_1258 = arith.constant 0 : i32
        %dma_start3A_1259 = tpu.memref_slice %arg8[%dma_start3A_1257, %dma_start3A_1258] : memref<512x128xf32, #tpu.memory_space<vmem>> -> memref<128x128xf32, #tpu.memory_space<vmem>>
        %dma_start3A_1260 = arith.constant 0 : i32
        %dma_start3A_1261 = tpu.memref_slice %arg6[%dma_start3A_1256, %dma_start3A_1260] : memref<4x128xi32, #tpu.memory_space<vmem>> -> memref<1x128xi32, #tpu.memory_space<vmem>>
        %dma_start3A_1262 = tpu.memref_squeeze %dma_start3A_1261 : memref<1x128xi32, #tpu.memory_space<vmem>> -> memref<128xi32, #tpu.memory_space<vmem>>
        %dma_start3A_1263 = arith.constant 0 : i32
        %dma_start3A_1264 = arith.constant 0 : i32
        %dma_start3A_1265 = tpu.memref_slice %arg3[%dma_start3A_1263, %dma_start3A_1264] : memref<250000x128xf32, #tpu.memory_space<hbm>> -> memref<250000x128xf32, #tpu.memory_space<hbm>>
        tpu.enqueue_indirect_dma source(%dma_start3A_1265 : memref<250000x128xf32, #tpu.memory_space<hbm>>) target(%dma_start3A_1259 : memref<128x128xf32, #tpu.memory_space<vmem>>) offsets(%dma_start3A_1262 : memref<128xi32, #tpu.memory_space<vmem>>) semaphore(%arg12 : memref<!tpu.dma_semaphore, #tpu.memory_space<semaphore_mem>>)
      } else {
      }
      %dma_wait3A_936 = arith.constant 384 : i32
      %dma_wait3A_937 = arith.constant 0 : i32
      %dma_wait3A_938 = tpu.memref_slice %arg8[%dma_wait3A_936, %dma_wait3A_937] : memref<512x128xf32, #tpu.memory_space<vmem>> -> memref<128x128xf32, #tpu.memory_space<vmem>>
      %dma_wait3A_939 = arith.constant 0 : i32
      %dma_wait3A_940 = arith.constant 0 : i32
      %dma_wait3A_941 = tpu.memref_slice %arg3[%dma_wait3A_939, %dma_wait3A_940] : memref<250000x128xf32, #tpu.memory_space<hbm>> -> memref<128x128xf32, #tpu.memory_space<hbm>>
      %dma_wait3A_942 = arith.constant 384 : i32
      %dma_wait3A_943 = arith.constant 0 : i32
      %dma_wait3A_944 = tpu.memref_slice %arg8[%dma_wait3A_942, %dma_wait3A_943] : memref<512x128xf32, #tpu.memory_space<vmem>> -> memref<128x128xf32, #tpu.memory_space<vmem>>
      %dma_wait3A_945 = arith.constant 0 : i32
      %dma_wait3A_946 = arith.constant 0 : i32
      %dma_wait3A_947 = tpu.memref_slice %arg3[%dma_wait3A_945, %dma_wait3A_946] : memref<250000x128xf32, #tpu.memory_space<hbm>> -> memref<128x128xf32, #tpu.memory_space<hbm>>
      tpu.wait_dma2 semaphore(%arg13 : memref<!tpu.dma_semaphore, #tpu.memory_space<semaphore_mem>>) src(%dma_wait3A_947 : memref<128x128xf32, #tpu.memory_space<hbm>>) dst(%dma_wait3A_944 : memref<128x128xf32, #tpu.memory_space<vmem>>)
      %ge3A_948 = arith.constant 4 : i32
      %ge3A_949 = arith.cmpi sge, %add3A_926, %ge3A_948 : i32
      %convert_element_type3A_950 = arith.extui %ge3A_949 : i1 to i32
      %cond3A_951 = arith.constant 0 : i32
      %cond3A_952 = arith.cmpi ne, %convert_element_type3A_950, %cond3A_951 : i32
      scf.if %cond3A_952 {
        %dma_wait3A_1054 = arith.constant 0 : i32
        %dma_wait3A_1055 = arith.constant 96 : i32
        %dma_wait3A_1056 = arith.constant 0 : i32
        %dma_wait3A_1057 = tpu.memref_slice %arg9[%dma_wait3A_1055, %dma_wait3A_1056] : memref<128x128xf32, #tpu.memory_space<vmem>> -> memref<32x128xf32, #tpu.memory_space<vmem>>
        %dma_wait3A_1058 = arith.constant 0 : i32
        %dma_wait3A_1059 = arith.constant 0 : i32
        %dma_wait3A_1060 = tpu.memref_slice %arg4[%dma_wait3A_1054, %dma_wait3A_1058, %dma_wait3A_1059] : memref<50x32x16384xf32, #tpu.memory_space<hbm>> -> memref<1x32x128xf32, #tpu.memory_space<hbm>>
        %dma_wait3A_1061 = tpu.memref_squeeze %dma_wait3A_1060 : memref<1x32x128xf32, #tpu.memory_space<hbm>> -> memref<32x128xf32, #tpu.memory_space<hbm>>
        %dma_wait3A_1062 = arith.constant 0 : i32
        %dma_wait3A_1063 = arith.constant 0 : i32
        %dma_wait3A_1064 = tpu.memref_slice %arg4[%dma_wait3A_1054, %dma_wait3A_1062, %dma_wait3A_1063] : memref<50x32x16384xf32, #tpu.memory_space<hbm>> -> memref<1x32x128xf32, #tpu.memory_space<hbm>>
        %dma_wait3A_1065 = tpu.memref_squeeze %dma_wait3A_1064 : memref<1x32x128xf32, #tpu.memory_space<hbm>> -> memref<32x128xf32, #tpu.memory_space<hbm>>
        %dma_wait3A_1066 = arith.constant 96 : i32
        %dma_wait3A_1067 = arith.constant 0 : i32
        %dma_wait3A_1068 = tpu.memref_slice %arg9[%dma_wait3A_1066, %dma_wait3A_1067] : memref<128x128xf32, #tpu.memory_space<vmem>> -> memref<32x128xf32, #tpu.memory_space<vmem>>
        tpu.wait_dma2 semaphore(%arg17 : memref<!tpu.dma_semaphore, #tpu.memory_space<semaphore_mem>>) src(%dma_wait3A_1068 : memref<32x128xf32, #tpu.memory_space<vmem>>) dst(%dma_wait3A_1065 : memref<32x128xf32, #tpu.memory_space<hbm>>)
      } else {
      }
      %add3A_953 = arith.constant 0 : i32
      %add3A_954 = vector.broadcast %add3A_953 : i32 to vector<16xi32>
      %add3A_955 = arith.addi %add3A_954, %iota3A : vector<16xi32>
      %add3A_956 = arith.constant 16 : i32
      %add3A_957 = vector.broadcast %add3A_956 : i32 to vector<16xi32>
      %add3A_958 = arith.addi %add3A_957, %iota3A : vector<16xi32>
      %add3A_959 = arith.constant 32 : i32
      %add3A_960 = vector.broadcast %add3A_959 : i32 to vector<16xi32>
      %add3A_961 = arith.addi %add3A_960, %iota3A : vector<16xi32>
      %add3A_962 = arith.constant 48 : i32
      %add3A_963 = vector.broadcast %add3A_962 : i32 to vector<16xi32>
      %add3A_964 = arith.addi %add3A_963, %iota3A : vector<16xi32>
      %add3A_965 = arith.constant 64 : i32
      %add3A_966 = vector.broadcast %add3A_965 : i32 to vector<16xi32>
      %add3A_967 = arith.addi %add3A_966, %iota3A : vector<16xi32>
      %add3A_968 = arith.constant 80 : i32
      %add3A_969 = vector.broadcast %add3A_968 : i32 to vector<16xi32>
      %add3A_970 = arith.addi %add3A_969, %iota3A : vector<16xi32>
      %add3A_971 = arith.constant 96 : i32
      %add3A_972 = vector.broadcast %add3A_971 : i32 to vector<16xi32>
      %add3A_973 = arith.addi %add3A_972, %iota3A : vector<16xi32>
      %add3A_974 = arith.constant 112 : i32
      %add3A_975 = vector.broadcast %add3A_974 : i32 to vector<16xi32>
      %add3A_976 = arith.addi %add3A_975, %iota3A : vector<16xi32>
      %get3A_977 = arith.constant 384 : index
      %get3A_978 = tpu.vector_load %arg7[%get3A_977] {strides = array<i32>} : memref<512xi32, #tpu.memory_space<vmem>>, vector<16xi32>,
      %get3A_979 = arith.constant 400 : index
      %get3A_980 = tpu.vector_load %arg7[%get3A_979] {strides = array<i32>} : memref<512xi32, #tpu.memory_space<vmem>>, vector<16xi32>,
      %get3A_981 = arith.constant 416 : index
      %get3A_982 = tpu.vector_load %arg7[%get3A_981] {strides = array<i32>} : memref<512xi32, #tpu.memory_space<vmem>>, vector<16xi32>,
      %get3A_983 = arith.constant 432 : index
      %get3A_984 = tpu.vector_load %arg7[%get3A_983] {strides = array<i32>} : memref<512xi32, #tpu.memory_space<vmem>>, vector<16xi32>,
      %get3A_985 = arith.constant 448 : index
      %get3A_986 = tpu.vector_load %arg7[%get3A_985] {strides = array<i32>} : memref<512xi32, #tpu.memory_space<vmem>>, vector<16xi32>,
      %get3A_987 = arith.constant 464 : index
      %get3A_988 = tpu.vector_load %arg7[%get3A_987] {strides = array<i32>} : memref<512xi32, #tpu.memory_space<vmem>>, vector<16xi32>,
      %get3A_989 = arith.constant 480 : index
      %get3A_990 = tpu.vector_load %arg7[%get3A_989] {strides = array<i32>} : memref<512xi32, #tpu.memory_space<vmem>>, vector<16xi32>,
      %get3A_991 = arith.constant 496 : index
      %get3A_992 = tpu.vector_load %arg7[%get3A_991] {strides = array<i32>} : memref<512xi32, #tpu.memory_space<vmem>>, vector<16xi32>,
      %scan3A_993 = arith.constant 0 : i32
      %scan3A_994 = arith.constant 0 : i32
      %scan3A_995 = arith.constant 8 : i32
      %scan3A_996 = arith.addi %scan3A_994, %scan3A_995 : i32
      %scan3A_997 = arith.constant 1 : i32
      scf.for %scan3A_1054 = %scan3A_994 to %scan3A_996 step %scan3A_997  : i32 {
        %mul3A_1055 = arith.constant 4 : i32
        %mul3A_1056 = arith.muli %scan3A_1054, %mul3A_1055 : i32
        %add3A_1057 = vector.broadcast %mul3A_1056 : i32 to vector<16xi32>
        %add3A_1058 = arith.addi %get3A_978, %add3A_1057 : vector<16xi32>
        %add3A_1059 = arith.constant 0 : i32
        %add3A_1060 = vector.broadcast %add3A_1059 : i32 to vector<16xi32>
        %add3A_1061 = arith.addi %add3A_1058, %add3A_1060 : vector<16xi32>
        %gather3A = arith.constant 384 : i32
        %gather3A_1062 = arith.constant 0 : i32
        %gather3A_1063 = tpu.memref_slice %arg8[%gather3A, %gather3A_1062] : memref<512x128xf32, #tpu.memory_space<vmem>> -> memref<128x128xf32, #tpu.memory_space<vmem>>
        %gather3A_1064 = tpu.vector_load_idx %gather3A_1063[%add3A_955, %add3A_1061] : memref<128x128xf32, #tpu.memory_space<vmem>>[vector<16xi32>, vector<16xi32>], vector<16xf32>,
        %add3A_1065 = vector.broadcast %mul3A_1056 : i32 to vector<16xi32>
        %add3A_1066 = arith.addi %get3A_980, %add3A_1065 : vector<16xi32>
        %add3A_1067 = arith.constant 0 : i32
        %add3A_1068 = vector.broadcast %add3A_1067 : i32 to vector<16xi32>
        %add3A_1069 = arith.addi %add3A_1066, %add3A_1068 : vector<16xi32>
        %gather3A_1070 = arith.constant 384 : i32
        %gather3A_1071 = arith.constant 0 : i32
        %gather3A_1072 = tpu.memref_slice %arg8[%gather3A_1070, %gather3A_1071] : memref<512x128xf32, #tpu.memory_space<vmem>> -> memref<128x128xf32, #tpu.memory_space<vmem>>
        %gather3A_1073 = tpu.vector_load_idx %gather3A_1072[%add3A_958, %add3A_1069] : memref<128x128xf32, #tpu.memory_space<vmem>>[vector<16xi32>, vector<16xi32>], vector<16xf32>,
        %add3A_1074 = vector.broadcast %mul3A_1056 : i32 to vector<16xi32>
        %add3A_1075 = arith.addi %get3A_982, %add3A_1074 : vector<16xi32>
        %add3A_1076 = arith.constant 0 : i32
        %add3A_1077 = vector.broadcast %add3A_1076 : i32 to vector<16xi32>
        %add3A_1078 = arith.addi %add3A_1075, %add3A_1077 : vector<16xi32>
        %gather3A_1079 = arith.constant 384 : i32
        %gather3A_1080 = arith.constant 0 : i32
        %gather3A_1081 = tpu.memref_slice %arg8[%gather3A_1079, %gather3A_1080] : memref<512x128xf32, #tpu.memory_space<vmem>> -> memref<128x128xf32, #tpu.memory_space<vmem>>
        %gather3A_1082 = tpu.vector_load_idx %gather3A_1081[%add3A_961, %add3A_1078] : memref<128x128xf32, #tpu.memory_space<vmem>>[vector<16xi32>, vector<16xi32>], vector<16xf32>,
        %add3A_1083 = vector.broadcast %mul3A_1056 : i32 to vector<16xi32>
        %add3A_1084 = arith.addi %get3A_984, %add3A_1083 : vector<16xi32>
        %add3A_1085 = arith.constant 0 : i32
        %add3A_1086 = vector.broadcast %add3A_1085 : i32 to vector<16xi32>
        %add3A_1087 = arith.addi %add3A_1084, %add3A_1086 : vector<16xi32>
        %gather3A_1088 = arith.constant 384 : i32
        %gather3A_1089 = arith.constant 0 : i32
        %gather3A_1090 = tpu.memref_slice %arg8[%gather3A_1088, %gather3A_1089] : memref<512x128xf32, #tpu.memory_space<vmem>> -> memref<128x128xf32, #tpu.memory_space<vmem>>
        %gather3A_1091 = tpu.vector_load_idx %gather3A_1090[%add3A_964, %add3A_1087] : memref<128x128xf32, #tpu.memory_space<vmem>>[vector<16xi32>, vector<16xi32>], vector<16xf32>,
        %add3A_1092 = vector.broadcast %mul3A_1056 : i32 to vector<16xi32>
        %add3A_1093 = arith.addi %get3A_986, %add3A_1092 : vector<16xi32>
        %add3A_1094 = arith.constant 0 : i32
        %add3A_1095 = vector.broadcast %add3A_1094 : i32 to vector<16xi32>
        %add3A_1096 = arith.addi %add3A_1093, %add3A_1095 : vector<16xi32>
        %gather3A_1097 = arith.constant 384 : i32
        %gather3A_1098 = arith.constant 0 : i32
        %gather3A_1099 = tpu.memref_slice %arg8[%gather3A_1097, %gather3A_1098] : memref<512x128xf32, #tpu.memory_space<vmem>> -> memref<128x128xf32, #tpu.memory_space<vmem>>
        %gather3A_1100 = tpu.vector_load_idx %gather3A_1099[%add3A_967, %add3A_1096] : memref<128x128xf32, #tpu.memory_space<vmem>>[vector<16xi32>, vector<16xi32>], vector<16xf32>,
        %add3A_1101 = vector.broadcast %mul3A_1056 : i32 to vector<16xi32>
        %add3A_1102 = arith.addi %get3A_988, %add3A_1101 : vector<16xi32>
        %add3A_1103 = arith.constant 0 : i32
        %add3A_1104 = vector.broadcast %add3A_1103 : i32 to vector<16xi32>
        %add3A_1105 = arith.addi %add3A_1102, %add3A_1104 : vector<16xi32>
        %gather3A_1106 = arith.constant 384 : i32
        %gather3A_1107 = arith.constant 0 : i32
        %gather3A_1108 = tpu.memref_slice %arg8[%gather3A_1106, %gather3A_1107] : memref<512x128xf32, #tpu.memory_space<vmem>> -> memref<128x128xf32, #tpu.memory_space<vmem>>
        %gather3A_1109 = tpu.vector_load_idx %gather3A_1108[%add3A_970, %add3A_1105] : memref<128x128xf32, #tpu.memory_space<vmem>>[vector<16xi32>, vector<16xi32>], vector<16xf32>,
        %add3A_1110 = vector.broadcast %mul3A_1056 : i32 to vector<16xi32>
        %add3A_1111 = arith.addi %get3A_990, %add3A_1110 : vector<16xi32>
        %add3A_1112 = arith.constant 0 : i32
        %add3A_1113 = vector.broadcast %add3A_1112 : i32 to vector<16xi32>
        %add3A_1114 = arith.addi %add3A_1111, %add3A_1113 : vector<16xi32>
        %gather3A_1115 = arith.constant 384 : i32
        %gather3A_1116 = arith.constant 0 : i32
        %gather3A_1117 = tpu.memref_slice %arg8[%gather3A_1115, %gather3A_1116] : memref<512x128xf32, #tpu.memory_space<vmem>> -> memref<128x128xf32, #tpu.memory_space<vmem>>
        %gather3A_1118 = tpu.vector_load_idx %gather3A_1117[%add3A_973, %add3A_1114] : memref<128x128xf32, #tpu.memory_space<vmem>>[vector<16xi32>, vector<16xi32>], vector<16xf32>,
        %add3A_1119 = vector.broadcast %mul3A_1056 : i32 to vector<16xi32>
        %add3A_1120 = arith.addi %get3A_992, %add3A_1119 : vector<16xi32>
        %add3A_1121 = arith.constant 0 : i32
        %add3A_1122 = vector.broadcast %add3A_1121 : i32 to vector<16xi32>
        %add3A_1123 = arith.addi %add3A_1120, %add3A_1122 : vector<16xi32>
        %gather3A_1124 = arith.constant 384 : i32
        %gather3A_1125 = arith.constant 0 : i32
        %gather3A_1126 = tpu.memref_slice %arg8[%gather3A_1124, %gather3A_1125] : memref<512x128xf32, #tpu.memory_space<vmem>> -> memref<128x128xf32, #tpu.memory_space<vmem>>
        %gather3A_1127 = tpu.vector_load_idx %gather3A_1126[%add3A_976, %add3A_1123] : memref<128x128xf32, #tpu.memory_space<vmem>>[vector<16xi32>, vector<16xi32>], vector<16xf32>,
        %add3A_1128 = vector.broadcast %mul3A_1056 : i32 to vector<16xi32>
        %add3A_1129 = arith.addi %get3A_978, %add3A_1128 : vector<16xi32>
        %add3A_1130 = arith.constant 1 : i32
        %add3A_1131 = vector.broadcast %add3A_1130 : i32 to vector<16xi32>
        %add3A_1132 = arith.addi %add3A_1129, %add3A_1131 : vector<16xi32>
        %gather3A_1133 = arith.constant 384 : i32
        %gather3A_1134 = arith.constant 0 : i32
        %gather3A_1135 = tpu.memref_slice %arg8[%gather3A_1133, %gather3A_1134] : memref<512x128xf32, #tpu.memory_space<vmem>> -> memref<128x128xf32, #tpu.memory_space<vmem>>
        %gather3A_1136 = tpu.vector_load_idx %gather3A_1135[%add3A_955, %add3A_1132] : memref<128x128xf32, #tpu.memory_space<vmem>>[vector<16xi32>, vector<16xi32>], vector<16xf32>,
        %add3A_1137 = vector.broadcast %mul3A_1056 : i32 to vector<16xi32>
        %add3A_1138 = arith.addi %get3A_980, %add3A_1137 : vector<16xi32>
        %add3A_1139 = arith.constant 1 : i32
        %add3A_1140 = vector.broadcast %add3A_1139 : i32 to vector<16xi32>
        %add3A_1141 = arith.addi %add3A_1138, %add3A_1140 : vector<16xi32>
        %gather3A_1142 = arith.constant 384 : i32
        %gather3A_1143 = arith.constant 0 : i32
        %gather3A_1144 = tpu.memref_slice %arg8[%gather3A_1142, %gather3A_1143] : memref<512x128xf32, #tpu.memory_space<vmem>> -> memref<128x128xf32, #tpu.memory_space<vmem>>
        %gather3A_1145 = tpu.vector_load_idx %gather3A_1144[%add3A_958, %add3A_1141] : memref<128x128xf32, #tpu.memory_space<vmem>>[vector<16xi32>, vector<16xi32>], vector<16xf32>,
        %add3A_1146 = vector.broadcast %mul3A_1056 : i32 to vector<16xi32>
        %add3A_1147 = arith.addi %get3A_982, %add3A_1146 : vector<16xi32>
        %add3A_1148 = arith.constant 1 : i32
        %add3A_1149 = vector.broadcast %add3A_1148 : i32 to vector<16xi32>
        %add3A_1150 = arith.addi %add3A_1147, %add3A_1149 : vector<16xi32>
        %gather3A_1151 = arith.constant 384 : i32
        %gather3A_1152 = arith.constant 0 : i32
        %gather3A_1153 = tpu.memref_slice %arg8[%gather3A_1151, %gather3A_1152] : memref<512x128xf32, #tpu.memory_space<vmem>> -> memref<128x128xf32, #tpu.memory_space<vmem>>
        %gather3A_1154 = tpu.vector_load_idx %gather3A_1153[%add3A_961, %add3A_1150] : memref<128x128xf32, #tpu.memory_space<vmem>>[vector<16xi32>, vector<16xi32>], vector<16xf32>,
        %add3A_1155 = vector.broadcast %mul3A_1056 : i32 to vector<16xi32>
        %add3A_1156 = arith.addi %get3A_984, %add3A_1155 : vector<16xi32>
        %add3A_1157 = arith.constant 1 : i32
        %add3A_1158 = vector.broadcast %add3A_1157 : i32 to vector<16xi32>
        %add3A_1159 = arith.addi %add3A_1156, %add3A_1158 : vector<16xi32>
        %gather3A_1160 = arith.constant 384 : i32
        %gather3A_1161 = arith.constant 0 : i32
        %gather3A_1162 = tpu.memref_slice %arg8[%gather3A_1160, %gather3A_1161] : memref<512x128xf32, #tpu.memory_space<vmem>> -> memref<128x128xf32, #tpu.memory_space<vmem>>
        %gather3A_1163 = tpu.vector_load_idx %gather3A_1162[%add3A_964, %add3A_1159] : memref<128x128xf32, #tpu.memory_space<vmem>>[vector<16xi32>, vector<16xi32>], vector<16xf32>,
        %add3A_1164 = vector.broadcast %mul3A_1056 : i32 to vector<16xi32>
        %add3A_1165 = arith.addi %get3A_986, %add3A_1164 : vector<16xi32>
        %add3A_1166 = arith.constant 1 : i32
        %add3A_1167 = vector.broadcast %add3A_1166 : i32 to vector<16xi32>
        %add3A_1168 = arith.addi %add3A_1165, %add3A_1167 : vector<16xi32>
        %gather3A_1169 = arith.constant 384 : i32
        %gather3A_1170 = arith.constant 0 : i32
        %gather3A_1171 = tpu.memref_slice %arg8[%gather3A_1169, %gather3A_1170] : memref<512x128xf32, #tpu.memory_space<vmem>> -> memref<128x128xf32, #tpu.memory_space<vmem>>
        %gather3A_1172 = tpu.vector_load_idx %gather3A_1171[%add3A_967, %add3A_1168] : memref<128x128xf32, #tpu.memory_space<vmem>>[vector<16xi32>, vector<16xi32>], vector<16xf32>,
        %add3A_1173 = vector.broadcast %mul3A_1056 : i32 to vector<16xi32>
        %add3A_1174 = arith.addi %get3A_988, %add3A_1173 : vector<16xi32>
        %add3A_1175 = arith.constant 1 : i32
        %add3A_1176 = vector.broadcast %add3A_1175 : i32 to vector<16xi32>
        %add3A_1177 = arith.addi %add3A_1174, %add3A_1176 : vector<16xi32>
        %gather3A_1178 = arith.constant 384 : i32
        %gather3A_1179 = arith.constant 0 : i32
        %gather3A_1180 = tpu.memref_slice %arg8[%gather3A_1178, %gather3A_1179] : memref<512x128xf32, #tpu.memory_space<vmem>> -> memref<128x128xf32, #tpu.memory_space<vmem>>
        %gather3A_1181 = tpu.vector_load_idx %gather3A_1180[%add3A_970, %add3A_1177] : memref<128x128xf32, #tpu.memory_space<vmem>>[vector<16xi32>, vector<16xi32>], vector<16xf32>,
        %add3A_1182 = vector.broadcast %mul3A_1056 : i32 to vector<16xi32>
        %add3A_1183 = arith.addi %get3A_990, %add3A_1182 : vector<16xi32>
        %add3A_1184 = arith.constant 1 : i32
        %add3A_1185 = vector.broadcast %add3A_1184 : i32 to vector<16xi32>
        %add3A_1186 = arith.addi %add3A_1183, %add3A_1185 : vector<16xi32>
        %gather3A_1187 = arith.constant 384 : i32
        %gather3A_1188 = arith.constant 0 : i32
        %gather3A_1189 = tpu.memref_slice %arg8[%gather3A_1187, %gather3A_1188] : memref<512x128xf32, #tpu.memory_space<vmem>> -> memref<128x128xf32, #tpu.memory_space<vmem>>
        %gather3A_1190 = tpu.vector_load_idx %gather3A_1189[%add3A_973, %add3A_1186] : memref<128x128xf32, #tpu.memory_space<vmem>>[vector<16xi32>, vector<16xi32>], vector<16xf32>,
        %add3A_1191 = vector.broadcast %mul3A_1056 : i32 to vector<16xi32>
        %add3A_1192 = arith.addi %get3A_992, %add3A_1191 : vector<16xi32>
        %add3A_1193 = arith.constant 1 : i32
        %add3A_1194 = vector.broadcast %add3A_1193 : i32 to vector<16xi32>
        %add3A_1195 = arith.addi %add3A_1192, %add3A_1194 : vector<16xi32>
        %gather3A_1196 = arith.constant 384 : i32
        %gather3A_1197 = arith.constant 0 : i32
        %gather3A_1198 = tpu.memref_slice %arg8[%gather3A_1196, %gather3A_1197] : memref<512x128xf32, #tpu.memory_space<vmem>> -> memref<128x128xf32, #tpu.memory_space<vmem>>
        %gather3A_1199 = tpu.vector_load_idx %gather3A_1198[%add3A_976, %add3A_1195] : memref<128x128xf32, #tpu.memory_space<vmem>>[vector<16xi32>, vector<16xi32>], vector<16xf32>,
        %add3A_1200 = vector.broadcast %mul3A_1056 : i32 to vector<16xi32>
        %add3A_1201 = arith.addi %get3A_978, %add3A_1200 : vector<16xi32>
        %add3A_1202 = arith.constant 2 : i32
        %add3A_1203 = vector.broadcast %add3A_1202 : i32 to vector<16xi32>
        %add3A_1204 = arith.addi %add3A_1201, %add3A_1203 : vector<16xi32>
        %gather3A_1205 = arith.constant 384 : i32
        %gather3A_1206 = arith.constant 0 : i32
        %gather3A_1207 = tpu.memref_slice %arg8[%gather3A_1205, %gather3A_1206] : memref<512x128xf32, #tpu.memory_space<vmem>> -> memref<128x128xf32, #tpu.memory_space<vmem>>
        %gather3A_1208 = tpu.vector_load_idx %gather3A_1207[%add3A_955, %add3A_1204] : memref<128x128xf32, #tpu.memory_space<vmem>>[vector<16xi32>, vector<16xi32>], vector<16xf32>,
        %add3A_1209 = vector.broadcast %mul3A_1056 : i32 to vector<16xi32>
        %add3A_1210 = arith.addi %get3A_980, %add3A_1209 : vector<16xi32>
        %add3A_1211 = arith.constant 2 : i32
        %add3A_1212 = vector.broadcast %add3A_1211 : i32 to vector<16xi32>
        %add3A_1213 = arith.addi %add3A_1210, %add3A_1212 : vector<16xi32>
        %gather3A_1214 = arith.constant 384 : i32
        %gather3A_1215 = arith.constant 0 : i32
        %gather3A_1216 = tpu.memref_slice %arg8[%gather3A_1214, %gather3A_1215] : memref<512x128xf32, #tpu.memory_space<vmem>> -> memref<128x128xf32, #tpu.memory_space<vmem>>
        %gather3A_1217 = tpu.vector_load_idx %gather3A_1216[%add3A_958, %add3A_1213] : memref<128x128xf32, #tpu.memory_space<vmem>>[vector<16xi32>, vector<16xi32>], vector<16xf32>,
        %add3A_1218 = vector.broadcast %mul3A_1056 : i32 to vector<16xi32>
        %add3A_1219 = arith.addi %get3A_982, %add3A_1218 : vector<16xi32>
        %add3A_1220 = arith.constant 2 : i32
        %add3A_1221 = vector.broadcast %add3A_1220 : i32 to vector<16xi32>
        %add3A_1222 = arith.addi %add3A_1219, %add3A_1221 : vector<16xi32>
        %gather3A_1223 = arith.constant 384 : i32
        %gather3A_1224 = arith.constant 0 : i32
        %gather3A_1225 = tpu.memref_slice %arg8[%gather3A_1223, %gather3A_1224] : memref<512x128xf32, #tpu.memory_space<vmem>> -> memref<128x128xf32, #tpu.memory_space<vmem>>
        %gather3A_1226 = tpu.vector_load_idx %gather3A_1225[%add3A_961, %add3A_1222] : memref<128x128xf32, #tpu.memory_space<vmem>>[vector<16xi32>, vector<16xi32>], vector<16xf32>,
        %add3A_1227 = vector.broadcast %mul3A_1056 : i32 to vector<16xi32>
        %add3A_1228 = arith.addi %get3A_984, %add3A_1227 : vector<16xi32>
        %add3A_1229 = arith.constant 2 : i32
        %add3A_1230 = vector.broadcast %add3A_1229 : i32 to vector<16xi32>
        %add3A_1231 = arith.addi %add3A_1228, %add3A_1230 : vector<16xi32>
        %gather3A_1232 = arith.constant 384 : i32
        %gather3A_1233 = arith.constant 0 : i32
        %gather3A_1234 = tpu.memref_slice %arg8[%gather3A_1232, %gather3A_1233] : memref<512x128xf32, #tpu.memory_space<vmem>> -> memref<128x128xf32, #tpu.memory_space<vmem>>
        %gather3A_1235 = tpu.vector_load_idx %gather3A_1234[%add3A_964, %add3A_1231] : memref<128x128xf32, #tpu.memory_space<vmem>>[vector<16xi32>, vector<16xi32>], vector<16xf32>,
        %add3A_1236 = vector.broadcast %mul3A_1056 : i32 to vector<16xi32>
        %add3A_1237 = arith.addi %get3A_986, %add3A_1236 : vector<16xi32>
        %add3A_1238 = arith.constant 2 : i32
        %add3A_1239 = vector.broadcast %add3A_1238 : i32 to vector<16xi32>
        %add3A_1240 = arith.addi %add3A_1237, %add3A_1239 : vector<16xi32>
        %gather3A_1241 = arith.constant 384 : i32
        %gather3A_1242 = arith.constant 0 : i32
        %gather3A_1243 = tpu.memref_slice %arg8[%gather3A_1241, %gather3A_1242] : memref<512x128xf32, #tpu.memory_space<vmem>> -> memref<128x128xf32, #tpu.memory_space<vmem>>
        %gather3A_1244 = tpu.vector_load_idx %gather3A_1243[%add3A_967, %add3A_1240] : memref<128x128xf32, #tpu.memory_space<vmem>>[vector<16xi32>, vector<16xi32>], vector<16xf32>,
        %add3A_1245 = vector.broadcast %mul3A_1056 : i32 to vector<16xi32>
        %add3A_1246 = arith.addi %get3A_988, %add3A_1245 : vector<16xi32>
        %add3A_1247 = arith.constant 2 : i32
        %add3A_1248 = vector.broadcast %add3A_1247 : i32 to vector<16xi32>
        %add3A_1249 = arith.addi %add3A_1246, %add3A_1248 : vector<16xi32>
        %gather3A_1250 = arith.constant 384 : i32
        %gather3A_1251 = arith.constant 0 : i32
        %gather3A_1252 = tpu.memref_slice %arg8[%gather3A_1250, %gather3A_1251] : memref<512x128xf32, #tpu.memory_space<vmem>> -> memref<128x128xf32, #tpu.memory_space<vmem>>
        %gather3A_1253 = tpu.vector_load_idx %gather3A_1252[%add3A_970, %add3A_1249] : memref<128x128xf32, #tpu.memory_space<vmem>>[vector<16xi32>, vector<16xi32>], vector<16xf32>,
        %add3A_1254 = vector.broadcast %mul3A_1056 : i32 to vector<16xi32>
        %add3A_1255 = arith.addi %get3A_990, %add3A_1254 : vector<16xi32>
        %add3A_1256 = arith.constant 2 : i32
        %add3A_1257 = vector.broadcast %add3A_1256 : i32 to vector<16xi32>
        %add3A_1258 = arith.addi %add3A_1255, %add3A_1257 : vector<16xi32>
        %gather3A_1259 = arith.constant 384 : i32
        %gather3A_1260 = arith.constant 0 : i32
        %gather3A_1261 = tpu.memref_slice %arg8[%gather3A_1259, %gather3A_1260] : memref<512x128xf32, #tpu.memory_space<vmem>> -> memref<128x128xf32, #tpu.memory_space<vmem>>
        %gather3A_1262 = tpu.vector_load_idx %gather3A_1261[%add3A_973, %add3A_1258] : memref<128x128xf32, #tpu.memory_space<vmem>>[vector<16xi32>, vector<16xi32>], vector<16xf32>,
        %add3A_1263 = vector.broadcast %mul3A_1056 : i32 to vector<16xi32>
        %add3A_1264 = arith.addi %get3A_992, %add3A_1263 : vector<16xi32>
        %add3A_1265 = arith.constant 2 : i32
        %add3A_1266 = vector.broadcast %add3A_1265 : i32 to vector<16xi32>
        %add3A_1267 = arith.addi %add3A_1264, %add3A_1266 : vector<16xi32>
        %gather3A_1268 = arith.constant 384 : i32
        %gather3A_1269 = arith.constant 0 : i32
        %gather3A_1270 = tpu.memref_slice %arg8[%gather3A_1268, %gather3A_1269] : memref<512x128xf32, #tpu.memory_space<vmem>> -> memref<128x128xf32, #tpu.memory_space<vmem>>
        %gather3A_1271 = tpu.vector_load_idx %gather3A_1270[%add3A_976, %add3A_1267] : memref<128x128xf32, #tpu.memory_space<vmem>>[vector<16xi32>, vector<16xi32>], vector<16xf32>,
        %add3A_1272 = vector.broadcast %mul3A_1056 : i32 to vector<16xi32>
        %add3A_1273 = arith.addi %get3A_978, %add3A_1272 : vector<16xi32>
        %add3A_1274 = arith.constant 3 : i32
        %add3A_1275 = vector.broadcast %add3A_1274 : i32 to vector<16xi32>
        %add3A_1276 = arith.addi %add3A_1273, %add3A_1275 : vector<16xi32>
        %gather3A_1277 = arith.constant 384 : i32
        %gather3A_1278 = arith.constant 0 : i32
        %gather3A_1279 = tpu.memref_slice %arg8[%gather3A_1277, %gather3A_1278] : memref<512x128xf32, #tpu.memory_space<vmem>> -> memref<128x128xf32, #tpu.memory_space<vmem>>
        %gather3A_1280 = tpu.vector_load_idx %gather3A_1279[%add3A_955, %add3A_1276] : memref<128x128xf32, #tpu.memory_space<vmem>>[vector<16xi32>, vector<16xi32>], vector<16xf32>,
        %add3A_1281 = vector.broadcast %mul3A_1056 : i32 to vector<16xi32>
        %add3A_1282 = arith.addi %get3A_980, %add3A_1281 : vector<16xi32>
        %add3A_1283 = arith.constant 3 : i32
        %add3A_1284 = vector.broadcast %add3A_1283 : i32 to vector<16xi32>
        %add3A_1285 = arith.addi %add3A_1282, %add3A_1284 : vector<16xi32>
        %gather3A_1286 = arith.constant 384 : i32
        %gather3A_1287 = arith.constant 0 : i32
        %gather3A_1288 = tpu.memref_slice %arg8[%gather3A_1286, %gather3A_1287] : memref<512x128xf32, #tpu.memory_space<vmem>> -> memref<128x128xf32, #tpu.memory_space<vmem>>
        %gather3A_1289 = tpu.vector_load_idx %gather3A_1288[%add3A_958, %add3A_1285] : memref<128x128xf32, #tpu.memory_space<vmem>>[vector<16xi32>, vector<16xi32>], vector<16xf32>,
        %add3A_1290 = vector.broadcast %mul3A_1056 : i32 to vector<16xi32>
        %add3A_1291 = arith.addi %get3A_982, %add3A_1290 : vector<16xi32>
        %add3A_1292 = arith.constant 3 : i32
        %add3A_1293 = vector.broadcast %add3A_1292 : i32 to vector<16xi32>
        %add3A_1294 = arith.addi %add3A_1291, %add3A_1293 : vector<16xi32>
        %gather3A_1295 = arith.constant 384 : i32
        %gather3A_1296 = arith.constant 0 : i32
        %gather3A_1297 = tpu.memref_slice %arg8[%gather3A_1295, %gather3A_1296] : memref<512x128xf32, #tpu.memory_space<vmem>> -> memref<128x128xf32, #tpu.memory_space<vmem>>
        %gather3A_1298 = tpu.vector_load_idx %gather3A_1297[%add3A_961, %add3A_1294] : memref<128x128xf32, #tpu.memory_space<vmem>>[vector<16xi32>, vector<16xi32>], vector<16xf32>,
        %add3A_1299 = vector.broadcast %mul3A_1056 : i32 to vector<16xi32>
        %add3A_1300 = arith.addi %get3A_984, %add3A_1299 : vector<16xi32>
        %add3A_1301 = arith.constant 3 : i32
        %add3A_1302 = vector.broadcast %add3A_1301 : i32 to vector<16xi32>
        %add3A_1303 = arith.addi %add3A_1300, %add3A_1302 : vector<16xi32>
        %gather3A_1304 = arith.constant 384 : i32
        %gather3A_1305 = arith.constant 0 : i32
        %gather3A_1306 = tpu.memref_slice %arg8[%gather3A_1304, %gather3A_1305] : memref<512x128xf32, #tpu.memory_space<vmem>> -> memref<128x128xf32, #tpu.memory_space<vmem>>
        %gather3A_1307 = tpu.vector_load_idx %gather3A_1306[%add3A_964, %add3A_1303] : memref<128x128xf32, #tpu.memory_space<vmem>>[vector<16xi32>, vector<16xi32>], vector<16xf32>,
        %add3A_1308 = vector.broadcast %mul3A_1056 : i32 to vector<16xi32>
        %add3A_1309 = arith.addi %get3A_986, %add3A_1308 : vector<16xi32>
        %add3A_1310 = arith.constant 3 : i32
        %add3A_1311 = vector.broadcast %add3A_1310 : i32 to vector<16xi32>
        %add3A_1312 = arith.addi %add3A_1309, %add3A_1311 : vector<16xi32>
        %gather3A_1313 = arith.constant 384 : i32
        %gather3A_1314 = arith.constant 0 : i32
        %gather3A_1315 = tpu.memref_slice %arg8[%gather3A_1313, %gather3A_1314] : memref<512x128xf32, #tpu.memory_space<vmem>> -> memref<128x128xf32, #tpu.memory_space<vmem>>
        %gather3A_1316 = tpu.vector_load_idx %gather3A_1315[%add3A_967, %add3A_1312] : memref<128x128xf32, #tpu.memory_space<vmem>>[vector<16xi32>, vector<16xi32>], vector<16xf32>,
        %add3A_1317 = vector.broadcast %mul3A_1056 : i32 to vector<16xi32>
        %add3A_1318 = arith.addi %get3A_988, %add3A_1317 : vector<16xi32>
        %add3A_1319 = arith.constant 3 : i32
        %add3A_1320 = vector.broadcast %add3A_1319 : i32 to vector<16xi32>
        %add3A_1321 = arith.addi %add3A_1318, %add3A_1320 : vector<16xi32>
        %gather3A_1322 = arith.constant 384 : i32
        %gather3A_1323 = arith.constant 0 : i32
        %gather3A_1324 = tpu.memref_slice %arg8[%gather3A_1322, %gather3A_1323] : memref<512x128xf32, #tpu.memory_space<vmem>> -> memref<128x128xf32, #tpu.memory_space<vmem>>
        %gather3A_1325 = tpu.vector_load_idx %gather3A_1324[%add3A_970, %add3A_1321] : memref<128x128xf32, #tpu.memory_space<vmem>>[vector<16xi32>, vector<16xi32>], vector<16xf32>,
        %add3A_1326 = vector.broadcast %mul3A_1056 : i32 to vector<16xi32>
        %add3A_1327 = arith.addi %get3A_990, %add3A_1326 : vector<16xi32>
        %add3A_1328 = arith.constant 3 : i32
        %add3A_1329 = vector.broadcast %add3A_1328 : i32 to vector<16xi32>
        %add3A_1330 = arith.addi %add3A_1327, %add3A_1329 : vector<16xi32>
        %gather3A_1331 = arith.constant 384 : i32
        %gather3A_1332 = arith.constant 0 : i32
        %gather3A_1333 = tpu.memref_slice %arg8[%gather3A_1331, %gather3A_1332] : memref<512x128xf32, #tpu.memory_space<vmem>> -> memref<128x128xf32, #tpu.memory_space<vmem>>
        %gather3A_1334 = tpu.vector_load_idx %gather3A_1333[%add3A_973, %add3A_1330] : memref<128x128xf32, #tpu.memory_space<vmem>>[vector<16xi32>, vector<16xi32>], vector<16xf32>,
        %add3A_1335 = vector.broadcast %mul3A_1056 : i32 to vector<16xi32>
        %add3A_1336 = arith.addi %get3A_992, %add3A_1335 : vector<16xi32>
        %add3A_1337 = arith.constant 3 : i32
        %add3A_1338 = vector.broadcast %add3A_1337 : i32 to vector<16xi32>
        %add3A_1339 = arith.addi %add3A_1336, %add3A_1338 : vector<16xi32>
        %gather3A_1340 = arith.constant 384 : i32
        %gather3A_1341 = arith.constant 0 : i32
        %gather3A_1342 = tpu.memref_slice %arg8[%gather3A_1340, %gather3A_1341] : memref<512x128xf32, #tpu.memory_space<vmem>> -> memref<128x128xf32, #tpu.memory_space<vmem>>
        %gather3A_1343 = tpu.vector_load_idx %gather3A_1342[%add3A_976, %add3A_1339] : memref<128x128xf32, #tpu.memory_space<vmem>>[vector<16xi32>, vector<16xi32>], vector<16xf32>,
        %add3A_1344 = arith.constant 96 : i32
        %add3A_1345 = arith.addi %add3A_1344, %mul3A_1056 : i32
        %add3A_1346 = arith.constant 0 : i32
        %add3A_1347 = arith.addi %add3A_1345, %add3A_1346 : i32
        %swap3A_1348 = arith.index_cast %add3A_1347 : i32 to index
        %swap3A_1349 = arith.constant 0 : index
        %swap3A_1350 = tpu.vector_load %arg9[%swap3A_1348, %swap3A_1349] {strides = array<i32>} : memref<128x128xf32, #tpu.memory_space<vmem>>, vector<16xf32>,
        tpu.vector_store %arg9[%swap3A_1348, %swap3A_1349], %gather3A_1064 {strides = array<i32>} : memref<128x128xf32, #tpu.memory_space<vmem>>, vector<16xf32>,
        %add3A_1351 = arith.constant 96 : i32
        %add3A_1352 = arith.addi %add3A_1351, %mul3A_1056 : i32
        %add3A_1353 = arith.constant 0 : i32
        %add3A_1354 = arith.addi %add3A_1352, %add3A_1353 : i32
        %swap3A_1355 = arith.index_cast %add3A_1354 : i32 to index
        %swap3A_1356 = arith.constant 16 : index
        %swap3A_1357 = tpu.vector_load %arg9[%swap3A_1355, %swap3A_1356] {strides = array<i32>} : memref<128x128xf32, #tpu.memory_space<vmem>>, vector<16xf32>,
        tpu.vector_store %arg9[%swap3A_1355, %swap3A_1356], %gather3A_1073 {strides = array<i32>} : memref<128x128xf32, #tpu.memory_space<vmem>>, vector<16xf32>,
        %add3A_1358 = arith.constant 96 : i32
        %add3A_1359 = arith.addi %add3A_1358, %mul3A_1056 : i32
        %add3A_1360 = arith.constant 0 : i32
        %add3A_1361 = arith.addi %add3A_1359, %add3A_1360 : i32
        %swap3A_1362 = arith.index_cast %add3A_1361 : i32 to index
        %swap3A_1363 = arith.constant 32 : index
        %swap3A_1364 = tpu.vector_load %arg9[%swap3A_1362, %swap3A_1363] {strides = array<i32>} : memref<128x128xf32, #tpu.memory_space<vmem>>, vector<16xf32>,
        tpu.vector_store %arg9[%swap3A_1362, %swap3A_1363], %gather3A_1082 {strides = array<i32>} : memref<128x128xf32, #tpu.memory_space<vmem>>, vector<16xf32>,
        %add3A_1365 = arith.constant 96 : i32
        %add3A_1366 = arith.addi %add3A_1365, %mul3A_1056 : i32
        %add3A_1367 = arith.constant 0 : i32
        %add3A_1368 = arith.addi %add3A_1366, %add3A_1367 : i32
        %swap3A_1369 = arith.index_cast %add3A_1368 : i32 to index
        %swap3A_1370 = arith.constant 48 : index
        %swap3A_1371 = tpu.vector_load %arg9[%swap3A_1369, %swap3A_1370] {strides = array<i32>} : memref<128x128xf32, #tpu.memory_space<vmem>>, vector<16xf32>,
        tpu.vector_store %arg9[%swap3A_1369, %swap3A_1370], %gather3A_1091 {strides = array<i32>} : memref<128x128xf32, #tpu.memory_space<vmem>>, vector<16xf32>,
        %add3A_1372 = arith.constant 96 : i32
        %add3A_1373 = arith.addi %add3A_1372, %mul3A_1056 : i32
        %add3A_1374 = arith.constant 0 : i32
        %add3A_1375 = arith.addi %add3A_1373, %add3A_1374 : i32
        %swap3A_1376 = arith.index_cast %add3A_1375 : i32 to index
        %swap3A_1377 = arith.constant 64 : index
        %swap3A_1378 = tpu.vector_load %arg9[%swap3A_1376, %swap3A_1377] {strides = array<i32>} : memref<128x128xf32, #tpu.memory_space<vmem>>, vector<16xf32>,
        tpu.vector_store %arg9[%swap3A_1376, %swap3A_1377], %gather3A_1100 {strides = array<i32>} : memref<128x128xf32, #tpu.memory_space<vmem>>, vector<16xf32>,
        %add3A_1379 = arith.constant 96 : i32
        %add3A_1380 = arith.addi %add3A_1379, %mul3A_1056 : i32
        %add3A_1381 = arith.constant 0 : i32
        %add3A_1382 = arith.addi %add3A_1380, %add3A_1381 : i32
        %swap3A_1383 = arith.index_cast %add3A_1382 : i32 to index
        %swap3A_1384 = arith.constant 80 : index
        %swap3A_1385 = tpu.vector_load %arg9[%swap3A_1383, %swap3A_1384] {strides = array<i32>} : memref<128x128xf32, #tpu.memory_space<vmem>>, vector<16xf32>,
        tpu.vector_store %arg9[%swap3A_1383, %swap3A_1384], %gather3A_1109 {strides = array<i32>} : memref<128x128xf32, #tpu.memory_space<vmem>>, vector<16xf32>,
        %add3A_1386 = arith.constant 96 : i32
        %add3A_1387 = arith.addi %add3A_1386, %mul3A_1056 : i32
        %add3A_1388 = arith.constant 0 : i32
        %add3A_1389 = arith.addi %add3A_1387, %add3A_1388 : i32
        %swap3A_1390 = arith.index_cast %add3A_1389 : i32 to index
        %swap3A_1391 = arith.constant 96 : index
        %swap3A_1392 = tpu.vector_load %arg9[%swap3A_1390, %swap3A_1391] {strides = array<i32>} : memref<128x128xf32, #tpu.memory_space<vmem>>, vector<16xf32>,
        tpu.vector_store %arg9[%swap3A_1390, %swap3A_1391], %gather3A_1118 {strides = array<i32>} : memref<128x128xf32, #tpu.memory_space<vmem>>, vector<16xf32>,
        %add3A_1393 = arith.constant 96 : i32
        %add3A_1394 = arith.addi %add3A_1393, %mul3A_1056 : i32
        %add3A_1395 = arith.constant 0 : i32
        %add3A_1396 = arith.addi %add3A_1394, %add3A_1395 : i32
        %swap3A_1397 = arith.index_cast %add3A_1396 : i32 to index
        %swap3A_1398 = arith.constant 112 : index
        %swap3A_1399 = tpu.vector_load %arg9[%swap3A_1397, %swap3A_1398] {strides = array<i32>} : memref<128x128xf32, #tpu.memory_space<vmem>>, vector<16xf32>,
        tpu.vector_store %arg9[%swap3A_1397, %swap3A_1398], %gather3A_1127 {strides = array<i32>} : memref<128x128xf32, #tpu.memory_space<vmem>>, vector<16xf32>,
        %add3A_1400 = arith.constant 96 : i32
        %add3A_1401 = arith.addi %add3A_1400, %mul3A_1056 : i32
        %add3A_1402 = arith.constant 1 : i32
        %add3A_1403 = arith.addi %add3A_1401, %add3A_1402 : i32
        %swap3A_1404 = arith.index_cast %add3A_1403 : i32 to index
        %swap3A_1405 = arith.constant 0 : index
        %swap3A_1406 = tpu.vector_load %arg9[%swap3A_1404, %swap3A_1405] {strides = array<i32>} : memref<128x128xf32, #tpu.memory_space<vmem>>, vector<16xf32>,
        tpu.vector_store %arg9[%swap3A_1404, %swap3A_1405], %gather3A_1136 {strides = array<i32>} : memref<128x128xf32, #tpu.memory_space<vmem>>, vector<16xf32>,
        %add3A_1407 = arith.constant 96 : i32
        %add3A_1408 = arith.addi %add3A_1407, %mul3A_1056 : i32
        %add3A_1409 = arith.constant 1 : i32
        %add3A_1410 = arith.addi %add3A_1408, %add3A_1409 : i32
        %swap3A_1411 = arith.index_cast %add3A_1410 : i32 to index
        %swap3A_1412 = arith.constant 16 : index
        %swap3A_1413 = tpu.vector_load %arg9[%swap3A_1411, %swap3A_1412] {strides = array<i32>} : memref<128x128xf32, #tpu.memory_space<vmem>>, vector<16xf32>,
        tpu.vector_store %arg9[%swap3A_1411, %swap3A_1412], %gather3A_1145 {strides = array<i32>} : memref<128x128xf32, #tpu.memory_space<vmem>>, vector<16xf32>,
        %add3A_1414 = arith.constant 96 : i32
        %add3A_1415 = arith.addi %add3A_1414, %mul3A_1056 : i32
        %add3A_1416 = arith.constant 1 : i32
        %add3A_1417 = arith.addi %add3A_1415, %add3A_1416 : i32
        %swap3A_1418 = arith.index_cast %add3A_1417 : i32 to index
        %swap3A_1419 = arith.constant 32 : index
        %swap3A_1420 = tpu.vector_load %arg9[%swap3A_1418, %swap3A_1419] {strides = array<i32>} : memref<128x128xf32, #tpu.memory_space<vmem>>, vector<16xf32>,
        tpu.vector_store %arg9[%swap3A_1418, %swap3A_1419], %gather3A_1154 {strides = array<i32>} : memref<128x128xf32, #tpu.memory_space<vmem>>, vector<16xf32>,
        %add3A_1421 = arith.constant 96 : i32
        %add3A_1422 = arith.addi %add3A_1421, %mul3A_1056 : i32
        %add3A_1423 = arith.constant 1 : i32
        %add3A_1424 = arith.addi %add3A_1422, %add3A_1423 : i32
        %swap3A_1425 = arith.index_cast %add3A_1424 : i32 to index
        %swap3A_1426 = arith.constant 48 : index
        %swap3A_1427 = tpu.vector_load %arg9[%swap3A_1425, %swap3A_1426] {strides = array<i32>} : memref<128x128xf32, #tpu.memory_space<vmem>>, vector<16xf32>,
        tpu.vector_store %arg9[%swap3A_1425, %swap3A_1426], %gather3A_1163 {strides = array<i32>} : memref<128x128xf32, #tpu.memory_space<vmem>>, vector<16xf32>,
        %add3A_1428 = arith.constant 96 : i32
        %add3A_1429 = arith.addi %add3A_1428, %mul3A_1056 : i32
        %add3A_1430 = arith.constant 1 : i32
        %add3A_1431 = arith.addi %add3A_1429, %add3A_1430 : i32
        %swap3A_1432 = arith.index_cast %add3A_1431 : i32 to index
        %swap3A_1433 = arith.constant 64 : index
        %swap3A_1434 = tpu.vector_load %arg9[%swap3A_1432, %swap3A_1433] {strides = array<i32>} : memref<128x128xf32, #tpu.memory_space<vmem>>, vector<16xf32>,
        tpu.vector_store %arg9[%swap3A_1432, %swap3A_1433], %gather3A_1172 {strides = array<i32>} : memref<128x128xf32, #tpu.memory_space<vmem>>, vector<16xf32>,
        %add3A_1435 = arith.constant 96 : i32
        %add3A_1436 = arith.addi %add3A_1435, %mul3A_1056 : i32
        %add3A_1437 = arith.constant 1 : i32
        %add3A_1438 = arith.addi %add3A_1436, %add3A_1437 : i32
        %swap3A_1439 = arith.index_cast %add3A_1438 : i32 to index
        %swap3A_1440 = arith.constant 80 : index
        %swap3A_1441 = tpu.vector_load %arg9[%swap3A_1439, %swap3A_1440] {strides = array<i32>} : memref<128x128xf32, #tpu.memory_space<vmem>>, vector<16xf32>,
        tpu.vector_store %arg9[%swap3A_1439, %swap3A_1440], %gather3A_1181 {strides = array<i32>} : memref<128x128xf32, #tpu.memory_space<vmem>>, vector<16xf32>,
        %add3A_1442 = arith.constant 96 : i32
        %add3A_1443 = arith.addi %add3A_1442, %mul3A_1056 : i32
        %add3A_1444 = arith.constant 1 : i32
        %add3A_1445 = arith.addi %add3A_1443, %add3A_1444 : i32
        %swap3A_1446 = arith.index_cast %add3A_1445 : i32 to index
        %swap3A_1447 = arith.constant 96 : index
        %swap3A_1448 = tpu.vector_load %arg9[%swap3A_1446, %swap3A_1447] {strides = array<i32>} : memref<128x128xf32, #tpu.memory_space<vmem>>, vector<16xf32>,
        tpu.vector_store %arg9[%swap3A_1446, %swap3A_1447], %gather3A_1190 {strides = array<i32>} : memref<128x128xf32, #tpu.memory_space<vmem>>, vector<16xf32>,
        %add3A_1449 = arith.constant 96 : i32
        %add3A_1450 = arith.addi %add3A_1449, %mul3A_1056 : i32
        %add3A_1451 = arith.constant 1 : i32
        %add3A_1452 = arith.addi %add3A_1450, %add3A_1451 : i32
        %swap3A_1453 = arith.index_cast %add3A_1452 : i32 to index
        %swap3A_1454 = arith.constant 112 : index
        %swap3A_1455 = tpu.vector_load %arg9[%swap3A_1453, %swap3A_1454] {strides = array<i32>} : memref<128x128xf32, #tpu.memory_space<vmem>>, vector<16xf32>,
        tpu.vector_store %arg9[%swap3A_1453, %swap3A_1454], %gather3A_1199 {strides = array<i32>} : memref<128x128xf32, #tpu.memory_space<vmem>>, vector<16xf32>,
        %add3A_1456 = arith.constant 96 : i32
        %add3A_1457 = arith.addi %add3A_1456, %mul3A_1056 : i32
        %add3A_1458 = arith.constant 2 : i32
        %add3A_1459 = arith.addi %add3A_1457, %add3A_1458 : i32
        %swap3A_1460 = arith.index_cast %add3A_1459 : i32 to index
        %swap3A_1461 = arith.constant 0 : index
        %swap3A_1462 = tpu.vector_load %arg9[%swap3A_1460, %swap3A_1461] {strides = array<i32>} : memref<128x128xf32, #tpu.memory_space<vmem>>, vector<16xf32>,
        tpu.vector_store %arg9[%swap3A_1460, %swap3A_1461], %gather3A_1208 {strides = array<i32>} : memref<128x128xf32, #tpu.memory_space<vmem>>, vector<16xf32>,
        %add3A_1463 = arith.constant 96 : i32
        %add3A_1464 = arith.addi %add3A_1463, %mul3A_1056 : i32
        %add3A_1465 = arith.constant 2 : i32
        %add3A_1466 = arith.addi %add3A_1464, %add3A_1465 : i32
        %swap3A_1467 = arith.index_cast %add3A_1466 : i32 to index
        %swap3A_1468 = arith.constant 16 : index
        %swap3A_1469 = tpu.vector_load %arg9[%swap3A_1467, %swap3A_1468] {strides = array<i32>} : memref<128x128xf32, #tpu.memory_space<vmem>>, vector<16xf32>,
        tpu.vector_store %arg9[%swap3A_1467, %swap3A_1468], %gather3A_1217 {strides = array<i32>} : memref<128x128xf32, #tpu.memory_space<vmem>>, vector<16xf32>,
        %add3A_1470 = arith.constant 96 : i32
        %add3A_1471 = arith.addi %add3A_1470, %mul3A_1056 : i32
        %add3A_1472 = arith.constant 2 : i32
        %add3A_1473 = arith.addi %add3A_1471, %add3A_1472 : i32
        %swap3A_1474 = arith.index_cast %add3A_1473 : i32 to index
        %swap3A_1475 = arith.constant 32 : index
        %swap3A_1476 = tpu.vector_load %arg9[%swap3A_1474, %swap3A_1475] {strides = array<i32>} : memref<128x128xf32, #tpu.memory_space<vmem>>, vector<16xf32>,
        tpu.vector_store %arg9[%swap3A_1474, %swap3A_1475], %gather3A_1226 {strides = array<i32>} : memref<128x128xf32, #tpu.memory_space<vmem>>, vector<16xf32>,
        %add3A_1477 = arith.constant 96 : i32
        %add3A_1478 = arith.addi %add3A_1477, %mul3A_1056 : i32
        %add3A_1479 = arith.constant 2 : i32
        %add3A_1480 = arith.addi %add3A_1478, %add3A_1479 : i32
        %swap3A_1481 = arith.index_cast %add3A_1480 : i32 to index
        %swap3A_1482 = arith.constant 48 : index
        %swap3A_1483 = tpu.vector_load %arg9[%swap3A_1481, %swap3A_1482] {strides = array<i32>} : memref<128x128xf32, #tpu.memory_space<vmem>>, vector<16xf32>,
        tpu.vector_store %arg9[%swap3A_1481, %swap3A_1482], %gather3A_1235 {strides = array<i32>} : memref<128x128xf32, #tpu.memory_space<vmem>>, vector<16xf32>,
        %add3A_1484 = arith.constant 96 : i32
        %add3A_1485 = arith.addi %add3A_1484, %mul3A_1056 : i32
        %add3A_1486 = arith.constant 2 : i32
        %add3A_1487 = arith.addi %add3A_1485, %add3A_1486 : i32
        %swap3A_1488 = arith.index_cast %add3A_1487 : i32 to index
        %swap3A_1489 = arith.constant 64 : index
        %swap3A_1490 = tpu.vector_load %arg9[%swap3A_1488, %swap3A_1489] {strides = array<i32>} : memref<128x128xf32, #tpu.memory_space<vmem>>, vector<16xf32>,
        tpu.vector_store %arg9[%swap3A_1488, %swap3A_1489], %gather3A_1244 {strides = array<i32>} : memref<128x128xf32, #tpu.memory_space<vmem>>, vector<16xf32>,
        %add3A_1491 = arith.constant 96 : i32
        %add3A_1492 = arith.addi %add3A_1491, %mul3A_1056 : i32
        %add3A_1493 = arith.constant 2 : i32
        %add3A_1494 = arith.addi %add3A_1492, %add3A_1493 : i32
        %swap3A_1495 = arith.index_cast %add3A_1494 : i32 to index
        %swap3A_1496 = arith.constant 80 : index
        %swap3A_1497 = tpu.vector_load %arg9[%swap3A_1495, %swap3A_1496] {strides = array<i32>} : memref<128x128xf32, #tpu.memory_space<vmem>>, vector<16xf32>,
        tpu.vector_store %arg9[%swap3A_1495, %swap3A_1496], %gather3A_1253 {strides = array<i32>} : memref<128x128xf32, #tpu.memory_space<vmem>>, vector<16xf32>,
        %add3A_1498 = arith.constant 96 : i32
        %add3A_1499 = arith.addi %add3A_1498, %mul3A_1056 : i32
        %add3A_1500 = arith.constant 2 : i32
        %add3A_1501 = arith.addi %add3A_1499, %add3A_1500 : i32
        %swap3A_1502 = arith.index_cast %add3A_1501 : i32 to index
        %swap3A_1503 = arith.constant 96 : index
        %swap3A_1504 = tpu.vector_load %arg9[%swap3A_1502, %swap3A_1503] {strides = array<i32>} : memref<128x128xf32, #tpu.memory_space<vmem>>, vector<16xf32>,
        tpu.vector_store %arg9[%swap3A_1502, %swap3A_1503], %gather3A_1262 {strides = array<i32>} : memref<128x128xf32, #tpu.memory_space<vmem>>, vector<16xf32>,
        %add3A_1505 = arith.constant 96 : i32
        %add3A_1506 = arith.addi %add3A_1505, %mul3A_1056 : i32
        %add3A_1507 = arith.constant 2 : i32
        %add3A_1508 = arith.addi %add3A_1506, %add3A_1507 : i32
        %swap3A_1509 = arith.index_cast %add3A_1508 : i32 to index
        %swap3A_1510 = arith.constant 112 : index
        %swap3A_1511 = tpu.vector_load %arg9[%swap3A_1509, %swap3A_1510] {strides = array<i32>} : memref<128x128xf32, #tpu.memory_space<vmem>>, vector<16xf32>,
        tpu.vector_store %arg9[%swap3A_1509, %swap3A_1510], %gather3A_1271 {strides = array<i32>} : memref<128x128xf32, #tpu.memory_space<vmem>>, vector<16xf32>,
        %add3A_1512 = arith.constant 96 : i32
        %add3A_1513 = arith.addi %add3A_1512, %mul3A_1056 : i32
        %add3A_1514 = arith.constant 3 : i32
        %add3A_1515 = arith.addi %add3A_1513, %add3A_1514 : i32
        %swap3A_1516 = arith.index_cast %add3A_1515 : i32 to index
        %swap3A_1517 = arith.constant 0 : index
        %swap3A_1518 = tpu.vector_load %arg9[%swap3A_1516, %swap3A_1517] {strides = array<i32>} : memref<128x128xf32, #tpu.memory_space<vmem>>, vector<16xf32>,
        tpu.vector_store %arg9[%swap3A_1516, %swap3A_1517], %gather3A_1280 {strides = array<i32>} : memref<128x128xf32, #tpu.memory_space<vmem>>, vector<16xf32>,
        %add3A_1519 = arith.constant 96 : i32
        %add3A_1520 = arith.addi %add3A_1519, %mul3A_1056 : i32
        %add3A_1521 = arith.constant 3 : i32
        %add3A_1522 = arith.addi %add3A_1520, %add3A_1521 : i32
        %swap3A_1523 = arith.index_cast %add3A_1522 : i32 to index
        %swap3A_1524 = arith.constant 16 : index
        %swap3A_1525 = tpu.vector_load %arg9[%swap3A_1523, %swap3A_1524] {strides = array<i32>} : memref<128x128xf32, #tpu.memory_space<vmem>>, vector<16xf32>,
        tpu.vector_store %arg9[%swap3A_1523, %swap3A_1524], %gather3A_1289 {strides = array<i32>} : memref<128x128xf32, #tpu.memory_space<vmem>>, vector<16xf32>,
        %add3A_1526 = arith.constant 96 : i32
        %add3A_1527 = arith.addi %add3A_1526, %mul3A_1056 : i32
        %add3A_1528 = arith.constant 3 : i32
        %add3A_1529 = arith.addi %add3A_1527, %add3A_1528 : i32
        %swap3A_1530 = arith.index_cast %add3A_1529 : i32 to index
        %swap3A_1531 = arith.constant 32 : index
        %swap3A_1532 = tpu.vector_load %arg9[%swap3A_1530, %swap3A_1531] {strides = array<i32>} : memref<128x128xf32, #tpu.memory_space<vmem>>, vector<16xf32>,
        tpu.vector_store %arg9[%swap3A_1530, %swap3A_1531], %gather3A_1298 {strides = array<i32>} : memref<128x128xf32, #tpu.memory_space<vmem>>, vector<16xf32>,
        %add3A_1533 = arith.constant 96 : i32
        %add3A_1534 = arith.addi %add3A_1533, %mul3A_1056 : i32
        %add3A_1535 = arith.constant 3 : i32
        %add3A_1536 = arith.addi %add3A_1534, %add3A_1535 : i32
        %swap3A_1537 = arith.index_cast %add3A_1536 : i32 to index
        %swap3A_1538 = arith.constant 48 : index
        %swap3A_1539 = tpu.vector_load %arg9[%swap3A_1537, %swap3A_1538] {strides = array<i32>} : memref<128x128xf32, #tpu.memory_space<vmem>>, vector<16xf32>,
        tpu.vector_store %arg9[%swap3A_1537, %swap3A_1538], %gather3A_1307 {strides = array<i32>} : memref<128x128xf32, #tpu.memory_space<vmem>>, vector<16xf32>,
        %add3A_1540 = arith.constant 96 : i32
        %add3A_1541 = arith.addi %add3A_1540, %mul3A_1056 : i32
        %add3A_1542 = arith.constant 3 : i32
        %add3A_1543 = arith.addi %add3A_1541, %add3A_1542 : i32
        %swap3A_1544 = arith.index_cast %add3A_1543 : i32 to index
        %swap3A_1545 = arith.constant 64 : index
        %swap3A_1546 = tpu.vector_load %arg9[%swap3A_1544, %swap3A_1545] {strides = array<i32>} : memref<128x128xf32, #tpu.memory_space<vmem>>, vector<16xf32>,
        tpu.vector_store %arg9[%swap3A_1544, %swap3A_1545], %gather3A_1316 {strides = array<i32>} : memref<128x128xf32, #tpu.memory_space<vmem>>, vector<16xf32>,
        %add3A_1547 = arith.constant 96 : i32
        %add3A_1548 = arith.addi %add3A_1547, %mul3A_1056 : i32
        %add3A_1549 = arith.constant 3 : i32
        %add3A_1550 = arith.addi %add3A_1548, %add3A_1549 : i32
        %swap3A_1551 = arith.index_cast %add3A_1550 : i32 to index
        %swap3A_1552 = arith.constant 80 : index
        %swap3A_1553 = tpu.vector_load %arg9[%swap3A_1551, %swap3A_1552] {strides = array<i32>} : memref<128x128xf32, #tpu.memory_space<vmem>>, vector<16xf32>,
        tpu.vector_store %arg9[%swap3A_1551, %swap3A_1552], %gather3A_1325 {strides = array<i32>} : memref<128x128xf32, #tpu.memory_space<vmem>>, vector<16xf32>,
        %add3A_1554 = arith.constant 96 : i32
        %add3A_1555 = arith.addi %add3A_1554, %mul3A_1056 : i32
        %add3A_1556 = arith.constant 3 : i32
        %add3A_1557 = arith.addi %add3A_1555, %add3A_1556 : i32
        %swap3A_1558 = arith.index_cast %add3A_1557 : i32 to index
        %swap3A_1559 = arith.constant 96 : index
        %swap3A_1560 = tpu.vector_load %arg9[%swap3A_1558, %swap3A_1559] {strides = array<i32>} : memref<128x128xf32, #tpu.memory_space<vmem>>, vector<16xf32>,
        tpu.vector_store %arg9[%swap3A_1558, %swap3A_1559], %gather3A_1334 {strides = array<i32>} : memref<128x128xf32, #tpu.memory_space<vmem>>, vector<16xf32>,
        %add3A_1561 = arith.constant 96 : i32
        %add3A_1562 = arith.addi %add3A_1561, %mul3A_1056 : i32
        %add3A_1563 = arith.constant 3 : i32
        %add3A_1564 = arith.addi %add3A_1562, %add3A_1563 : i32
        %swap3A_1565 = arith.index_cast %add3A_1564 : i32 to index
        %swap3A_1566 = arith.constant 112 : index
        %swap3A_1567 = tpu.vector_load %arg9[%swap3A_1565, %swap3A_1566] {strides = array<i32>} : memref<128x128xf32, #tpu.memory_space<vmem>>, vector<16xf32>,
        tpu.vector_store %arg9[%swap3A_1565, %swap3A_1566], %gather3A_1343 {strides = array<i32>} : memref<128x128xf32, #tpu.memory_space<vmem>>, vector<16xf32>,
      }
      %scan3A_998 = arith.constant 8 : i32
      %jit3A_999 = arith.constant 4 : i32
      %div3A_1000 = arith.divsi %add3A_926, %jit3A_999 : i32
      %sign3A_1001 = arith.constant 0 : i32
      %sign3A_1002 = arith.cmpi sgt, %add3A_926, %sign3A_1001 : i32
      %sign3A_1003 = arith.extui %sign3A_1002 : i1 to i32
      %sign3A_1004 = arith.constant 0 : i32
      %sign3A_1005 = arith.cmpi slt, %add3A_926, %sign3A_1004 : i32
      %sign3A_1006 = arith.extui %sign3A_1005 : i1 to i32
      %sign3A_1007 = arith.subi %sign3A_1003, %sign3A_1006 : i32
      %sign3A_1008 = arith.constant 0 : i32
      %sign3A_1009 = arith.cmpi sgt, %jit3A_999, %sign3A_1008 : i32
      %sign3A_1010 = arith.extui %sign3A_1009 : i1 to i32
      %sign3A_1011 = arith.constant 0 : i32
      %sign3A_1012 = arith.cmpi slt, %jit3A_999, %sign3A_1011 : i32
      %sign3A_1013 = arith.extui %sign3A_1012 : i1 to i32
      %sign3A_1014 = arith.subi %sign3A_1010, %sign3A_1013 : i32
      %ne3A_1015 = arith.cmpi ne, %sign3A_1007, %sign3A_1014 : i32
      %rem3A_1016 = arith.remsi %add3A_926, %jit3A_999 : i32
      %ne3A_1017 = arith.constant 0 : i32
      %ne3A_1018 = arith.cmpi ne, %rem3A_1016, %ne3A_1017 : i32
      %and3A_1019 = arith.andi %ne3A_1015, %ne3A_1018 : i1
      %sub3A_1020 = arith.constant 1 : i32
      %sub3A_1021 = arith.subi %div3A_1000, %sub3A_1020 : i32
      %select_n3A_1022 = arith.select %and3A_1019, %sub3A_1021, %div3A_1000 : i32
      %jit3A_1023 = arith.constant 4 : i32
      %eq3A_1024 = arith.constant 0 : i32
      %eq3A_1025 = arith.cmpi eq, %jit3A_1023, %eq3A_1024 : i32
      %jit3A_1026 = arith.constant 1 : i32
      %select_n3A_1027 = arith.select %eq3A_1025, %jit3A_1026, %jit3A_1023 : i32
      %rem3A_1028 = arith.remsi %add3A_926, %select_n3A_1027 : i32
      %ne3A_1029 = arith.constant 0 : i32
      %ne3A_1030 = arith.cmpi ne, %rem3A_1028, %ne3A_1029 : i32
      %lt3A_1031 = arith.constant 0 : i32
      %lt3A_1032 = arith.cmpi slt, %rem3A_1028, %lt3A_1031 : i32
      %lt3A_1033 = arith.constant 0 : i32
      %lt3A_1034 = arith.cmpi slt, %select_n3A_1027, %lt3A_1033 : i32
      %ne3A_1035 = arith.xori %lt3A_1032, %lt3A_1034 : i1
      %and3A_1036 = arith.andi %ne3A_1035, %ne3A_1030 : i1
      %add3A_1037 = arith.addi %rem3A_1028, %select_n3A_1027 : i32
      %select_n3A_1038 = arith.select %and3A_1036, %add3A_1037, %rem3A_1028 : i32
      %mul3A_1039 = arith.constant 128 : i32
      %mul3A_1040 = arith.muli %select_n3A_1038, %mul3A_1039 : i32
      %add3A_1041 = arith.addi %mul3A_2, %mul3A_1040 : i32
      %dma_start3A_1042 = arith.constant 96 : i32
      %dma_start3A_1043 = arith.constant 0 : i32
      %dma_start3A_1044 = tpu.memref_slice %arg9[%dma_start3A_1042, %dma_start3A_1043] : memref<128x128xf32, #tpu.memory_space<vmem>> -> memref<32x128xf32, #tpu.memory_space<vmem>>
      %dma_start3A_1045 = arith.constant 0 : i32
      %dma_start3A_1046 = tpu.memref_slice %arg4[%select_n3A_1022, %dma_start3A_1045, %add3A_1041] : memref<50x32x16384xf32, #tpu.memory_space<hbm>> -> memref<1x32x128xf32, #tpu.memory_space<hbm>>
      %dma_start3A_1047 = tpu.memref_squeeze %dma_start3A_1046 : memref<1x32x128xf32, #tpu.memory_space<hbm>> -> memref<32x128xf32, #tpu.memory_space<hbm>>
      %dma_start3A_1048 = arith.constant 0 : i32
      %dma_start3A_1049 = tpu.memref_slice %arg4[%select_n3A_1022, %dma_start3A_1048, %add3A_1041] : memref<50x32x16384xf32, #tpu.memory_space<hbm>> -> memref<1x32x128xf32, #tpu.memory_space<hbm>>
      %dma_start3A_1050 = tpu.memref_squeeze %dma_start3A_1049 : memref<1x32x128xf32, #tpu.memory_space<hbm>> -> memref<32x128xf32, #tpu.memory_space<hbm>>
      %dma_start3A_1051 = arith.constant 96 : i32
      %dma_start3A_1052 = arith.constant 0 : i32
      %dma_start3A_1053 = tpu.memref_slice %arg9[%dma_start3A_1051, %dma_start3A_1052] : memref<128x128xf32, #tpu.memory_space<vmem>> -> memref<32x128xf32, #tpu.memory_space<vmem>>
      tpu.enqueue_dma source(%dma_start3A_1053 : memref<32x128xf32, #tpu.memory_space<vmem>>) target(%dma_start3A_1050 : memref<32x128xf32, #tpu.memory_space<hbm>>) target_semaphore(%arg17 : memref<!tpu.dma_semaphore, #tpu.memory_space<semaphore_mem>>)
    }
    %scan3A_487 = arith.constant 50 : i32
    %dma_wait3A = arith.constant 0 : i32
    %dma_wait3A_488 = arith.constant 0 : i32
    %dma_wait3A_489 = arith.constant 0 : i32
    %dma_wait3A_490 = tpu.memref_slice %arg9[%dma_wait3A_488, %dma_wait3A_489] : memref<128x128xf32, #tpu.memory_space<vmem>> -> memref<32x128xf32, #tpu.memory_space<vmem>>
    %dma_wait3A_491 = arith.constant 0 : i32
    %dma_wait3A_492 = arith.constant 0 : i32
    %dma_wait3A_493 = tpu.memref_slice %arg4[%dma_wait3A, %dma_wait3A_491, %dma_wait3A_492] : memref<50x32x16384xf32, #tpu.memory_space<hbm>> -> memref<1x32x128xf32, #tpu.memory_space<hbm>>
    %dma_wait3A_494 = tpu.memref_squeeze %dma_wait3A_493 : memref<1x32x128xf32, #tpu.memory_space<hbm>> -> memref<32x128xf32, #tpu.memory_space<hbm>>
    %dma_wait3A_495 = arith.constant 0 : i32
    %dma_wait3A_496 = arith.constant 0 : i32
    %dma_wait3A_497 = tpu.memref_slice %arg4[%dma_wait3A, %dma_wait3A_495, %dma_wait3A_496] : memref<50x32x16384xf32, #tpu.memory_space<hbm>> -> memref<1x32x128xf32, #tpu.memory_space<hbm>>
    %dma_wait3A_498 = tpu.memref_squeeze %dma_wait3A_497 : memref<1x32x128xf32, #tpu.memory_space<hbm>> -> memref<32x128xf32, #tpu.memory_space<hbm>>
    %dma_wait3A_499 = arith.constant 0 : i32
    %dma_wait3A_500 = arith.constant 0 : i32
    %dma_wait3A_501 = tpu.memref_slice %arg9[%dma_wait3A_499, %dma_wait3A_500] : memref<128x128xf32, #tpu.memory_space<vmem>> -> memref<32x128xf32, #tpu.memory_space<vmem>>
    tpu.wait_dma2 semaphore(%arg14 : memref<!tpu.dma_semaphore, #tpu.memory_space<semaphore_mem>>) src(%dma_wait3A_501 : memref<32x128xf32, #tpu.memory_space<vmem>>) dst(%dma_wait3A_498 : memref<32x128xf32, #tpu.memory_space<hbm>>)
    %dma_wait3A_502 = arith.constant 0 : i32
    %dma_wait3A_503 = arith.constant 32 : i32
    %dma_wait3A_504 = arith.constant 0 : i32
    %dma_wait3A_505 = tpu.memref_slice %arg9[%dma_wait3A_503, %dma_wait3A_504] : memref<128x128xf32, #tpu.memory_space<vmem>> -> memref<32x128xf32, #tpu.memory_space<vmem>>
    %dma_wait3A_506 = arith.constant 0 : i32
    %dma_wait3A_507 = arith.constant 0 : i32
    %dma_wait3A_508 = tpu.memref_slice %arg4[%dma_wait3A_502, %dma_wait3A_506, %dma_wait3A_507] : memref<50x32x16384xf32, #tpu.memory_space<hbm>> -> memref<1x32x128xf32, #tpu.memory_space<hbm>>
    %dma_wait3A_509 = tpu.memref_squeeze %dma_wait3A_508 : memref<1x32x128xf32, #tpu.memory_space<hbm>> -> memref<32x128xf32, #tpu.memory_space<hbm>>
    %dma_wait3A_510 = arith.constant 0 : i32
    %dma_wait3A_511 = arith.constant 0 : i32
    %dma_wait3A_512 = tpu.memref_slice %arg4[%dma_wait3A_502, %dma_wait3A_510, %dma_wait3A_511] : memref<50x32x16384xf32, #tpu.memory_space<hbm>> -> memref<1x32x128xf32, #tpu.memory_space<hbm>>
    %dma_wait3A_513 = tpu.memref_squeeze %dma_wait3A_512 : memref<1x32x128xf32, #tpu.memory_space<hbm>> -> memref<32x128xf32, #tpu.memory_space<hbm>>
    %dma_wait3A_514 = arith.constant 32 : i32
    %dma_wait3A_515 = arith.constant 0 : i32
    %dma_wait3A_516 = tpu.memref_slice %arg9[%dma_wait3A_514, %dma_wait3A_515] : memref<128x128xf32, #tpu.memory_space<vmem>> -> memref<32x128xf32, #tpu.memory_space<vmem>>
    tpu.wait_dma2 semaphore(%arg15 : memref<!tpu.dma_semaphore, #tpu.memory_space<semaphore_mem>>) src(%dma_wait3A_516 : memref<32x128xf32, #tpu.memory_space<vmem>>) dst(%dma_wait3A_513 : memref<32x128xf32, #tpu.memory_space<hbm>>)
    %dma_wait3A_517 = arith.constant 0 : i32
    %dma_wait3A_518 = arith.constant 64 : i32
    %dma_wait3A_519 = arith.constant 0 : i32
    %dma_wait3A_520 = tpu.memref_slice %arg9[%dma_wait3A_518, %dma_wait3A_519] : memref<128x128xf32, #tpu.memory_space<vmem>> -> memref<32x128xf32, #tpu.memory_space<vmem>>
    %dma_wait3A_521 = arith.constant 0 : i32
    %dma_wait3A_522 = arith.constant 0 : i32
    %dma_wait3A_523 = tpu.memref_slice %arg4[%dma_wait3A_517, %dma_wait3A_521, %dma_wait3A_522] : memref<50x32x16384xf32, #tpu.memory_space<hbm>> -> memref<1x32x128xf32, #tpu.memory_space<hbm>>
    %dma_wait3A_524 = tpu.memref_squeeze %dma_wait3A_523 : memref<1x32x128xf32, #tpu.memory_space<hbm>> -> memref<32x128xf32, #tpu.memory_space<hbm>>
    %dma_wait3A_525 = arith.constant 0 : i32
    %dma_wait3A_526 = arith.constant 0 : i32
    %dma_wait3A_527 = tpu.memref_slice %arg4[%dma_wait3A_517, %dma_wait3A_525, %dma_wait3A_526] : memref<50x32x16384xf32, #tpu.memory_space<hbm>> -> memref<1x32x128xf32, #tpu.memory_space<hbm>>
    %dma_wait3A_528 = tpu.memref_squeeze %dma_wait3A_527 : memref<1x32x128xf32, #tpu.memory_space<hbm>> -> memref<32x128xf32, #tpu.memory_space<hbm>>
    %dma_wait3A_529 = arith.constant 64 : i32
    %dma_wait3A_530 = arith.constant 0 : i32
    %dma_wait3A_531 = tpu.memref_slice %arg9[%dma_wait3A_529, %dma_wait3A_530] : memref<128x128xf32, #tpu.memory_space<vmem>> -> memref<32x128xf32, #tpu.memory_space<vmem>>
    tpu.wait_dma2 semaphore(%arg16 : memref<!tpu.dma_semaphore, #tpu.memory_space<semaphore_mem>>) src(%dma_wait3A_531 : memref<32x128xf32, #tpu.memory_space<vmem>>) dst(%dma_wait3A_528 : memref<32x128xf32, #tpu.memory_space<hbm>>)
    %dma_wait3A_532 = arith.constant 0 : i32
    %dma_wait3A_533 = arith.constant 96 : i32
    %dma_wait3A_534 = arith.constant 0 : i32
    %dma_wait3A_535 = tpu.memref_slice %arg9[%dma_wait3A_533, %dma_wait3A_534] : memref<128x128xf32, #tpu.memory_space<vmem>> -> memref<32x128xf32, #tpu.memory_space<vmem>>
    %dma_wait3A_536 = arith.constant 0 : i32
    %dma_wait3A_537 = arith.constant 0 : i32
    %dma_wait3A_538 = tpu.memref_slice %arg4[%dma_wait3A_532, %dma_wait3A_536, %dma_wait3A_537] : memref<50x32x16384xf32, #tpu.memory_space<hbm>> -> memref<1x32x128xf32, #tpu.memory_space<hbm>>
    %dma_wait3A_539 = tpu.memref_squeeze %dma_wait3A_538 : memref<1x32x128xf32, #tpu.memory_space<hbm>> -> memref<32x128xf32, #tpu.memory_space<hbm>>
    %dma_wait3A_540 = arith.constant 0 : i32
    %dma_wait3A_541 = arith.constant 0 : i32
    %dma_wait3A_542 = tpu.memref_slice %arg4[%dma_wait3A_532, %dma_wait3A_540, %dma_wait3A_541] : memref<50x32x16384xf32, #tpu.memory_space<hbm>> -> memref<1x32x128xf32, #tpu.memory_space<hbm>>
    %dma_wait3A_543 = tpu.memref_squeeze %dma_wait3A_542 : memref<1x32x128xf32, #tpu.memory_space<hbm>> -> memref<32x128xf32, #tpu.memory_space<hbm>>
    %dma_wait3A_544 = arith.constant 96 : i32
    %dma_wait3A_545 = arith.constant 0 : i32
    %dma_wait3A_546 = tpu.memref_slice %arg9[%dma_wait3A_544, %dma_wait3A_545] : memref<128x128xf32, #tpu.memory_space<vmem>> -> memref<32x128xf32, #tpu.memory_space<vmem>>
    tpu.wait_dma2 semaphore(%arg17 : memref<!tpu.dma_semaphore, #tpu.memory_space<semaphore_mem>>) src(%dma_wait3A_546 : memref<32x128xf32, #tpu.memory_space<vmem>>) dst(%dma_wait3A_543 : memref<32x128xf32, #tpu.memory_space<hbm>>)
    return
  }
}

</mosaic_0001>

<sc_bundles>
// kernel: kernel.3.cloned.1.call-start
scs
__scs_entry_jumppad:
0x0: {  	(pc) =	sbr.rel $0x88, $3  }
0x1: {  	(tag) =	ssettag $0x0;
	lr =	simm.s32 $0x1  }
0x2: {  	[smem:$0x3F9F] =	sst lr;
	_ =	strace $0xD0000000  }
0x3: {  	_ = 	snop  }
0x4: {  	_ = 	snop  }
0x5: {  	_ = 	snop  }
0x6: {  	_ = 	snop  }
0x7: {  	_ = 	snop  }
__scs_overlays_trampoline_lowered:
0x8: {  	[smem:$0x3FAE] =	sst s0  }
0x9: {  	[smem:$0x3FAF] =	sst s1  }
0xa: {  	[smem:$0x3FB0] =	sst s2  }
0xb: {  	[smem:$0x3FB1] =	sst s3  }
0xc: {  	[smem:$0x3FB2] =	sst s4  }
0xd: {  	[smem:$0x3FB3] =	sst s5  }
0xe: {  	[smem:$0x3FB4] =	sst s6  }
0xf: {  	[smem:$0x3FB5] =	sst s7  }
0x10: {  	[smem:$0x3FB6] =	sst s8  }
0x11: {  	[smem:$0x3FB7] =	sst s9;
	s0 =	simm.s32 @!p0 $0x0  }
0x12: {  	s1 =	sld [smem:$0x3F9D];
	s0 =	simm.s32 @p0 $0x1  }
0x13: {  	[smem:$0x3FB8] =	sst s0;
	s0 =	simm.s32 @!p1 $0x0  }
0x14: {  	s2 =	sld [smem:$0x3F9C];
	s0 =	simm.s32 @p1 $0x1  }
0x15: {  	[smem:$0x3FB9] =	sst s0;
	s0 =	simm.s32 @!p2 $0x0  }
0x16: {  	s3 =	sld [smem:$0x3FDB];
	s0 =	simm.s32 @p2 $0x1  }
0x17: {  	s4 =	simm.s32 $0x1BF5;
	[smem:$0x3FBB] =	sst s0  }
0x18: {  	s0 =	sld [smem:$0x3F9E];
	_ =	swait.ge [sflag:s4], $0x0  }
0x19: {  	s7 =	sld [smem:$0x3F9F]  }
0x1a: {  	s8 =	sadd.s32 $0xFFFFE003, lr  }
0x1b: {  	s9 =	sadd.s32 $0xFFFFFEF7, lr;
	s5 =	simm.s32 $0xFFFFFFFF;
	p2 =	slt.u32 s8, $0xFFFFF086  }
0x1c: {  	p1 =	slt.u32 s9, $0xF7A;
	s5 =	simm.s32 @!p2 $0x0  }
0x1d: {  	s5 =	simm.s32 @p1 $0x1;
	p0 =	seq.s32 s7, s2  }
0x1e: {  	s7 =	smul.u32 @!p0 $0xF7A, s2;
	p2 =	seq.s32 @!p0 s5, $0x0  }
0x1f: {  	s9 =	smul.u32 $0xF7A, s1;
	s8 =	simm.s32 @!p0 $0x1BF5;
	p2 =	por !p2, p0  }
0x20: {  	[sflag:s8] =	ssyncset.s32 @!p0 $0xFFFFF086;
	s6 =	sadd.s32 @!p0 s3, s7;
	s7 =	simm.s32 @!p0 $0x108  }
0x21: {  	s3 =	sadd.s32 s3, s9;
	s6 =	sadd.s32 @!p0 $0x88, s6;
	s7 =	simm.s32 @p2 $0x1082  }
0x22: {  	[simem:s7], [sflag:s8] =	dma.local @!p0 [hbm:s6], $0xF7A  }
0x23: {  	s9 =	sor.u32 $0xD0000000, s2;
	s6 =	simm.s32 $0x108;
	_ =	swait.ge @!p0 [sflag:s8], $0x0  }
0x24: {  	s3 =	sadd.s32 $0x88, s3;
	s6 =	simm.s32 @!p1 $0x1082;
	[sflag:s4] =	ssyncset.s32 $0xFFFFF086  }
0x25: {  	[simem:s6], [sflag:s4] =	dma.local [hbm:s3], $0xF7A  }
0x26: {  	[smem:$0x3F9F] =	sst s1;
	(tag) =	ssettag s2;
	_ =	strace s9  }
0x27: {  	s1 =	sld [smem:$0x3FAF]  }
0x28: {  	s2 =	sld [smem:$0x3FB0]  }
0x29: {  	s4 =	sld [smem:$0x3FB2]  }
0x2a: {  	p0 =	seq.s32 s5, $0x0;
	s5 =	sld [smem:$0x3FB3]  }
0x2b: {  	s6 =	sld [smem:$0x3FB4]  }
0x2c: {  	s7 =	sld [smem:$0x3FB5]  }
0x2d: {  	s3 =	simm.s32 $0x108;
	s8 =	sld [smem:$0x3FB6]  }
0x2e: {  	s3 =	simm.s32 @!p0 $0x1082;
	s9 =	sld [smem:$0x3FB7]  }
0x2f: {  	lr =	sadd.s32 s0, s3;
	s0 =	sld [smem:$0x3FAE]  }
0x30: {  	s3 =	sld [smem:$0x3FB1]  }
0x31: {  	[smem:$0x3FBA] =	sst s10  }
0x32: {  	s10 =	sld [smem:$0x3FB8];
	_ =	sdelay $0x3  }
0x33: {  	p0 =	seq.s32 s10, $0x1;
	s10 =	sld [smem:$0x3FBA];
	_ =	sdelay $0x3  }
0x34: {  	[smem:$0x3FBA] =	sst s10  }
0x35: {  	s10 =	sld [smem:$0x3FB9];
	_ =	sdelay $0x3  }
0x36: {  	p1 =	seq.s32 s10, $0x1;
	s10 =	sld [smem:$0x3FBA];
	_ =	sdelay $0x3  }
0x37: {  	[smem:$0x3FBA] =	sst s10  }
0x38: {  	s10 =	sld [smem:$0x3FBB]  }
0x39: {  	_ = 	snop;
	(pc) =	sbr.ind lr, $3  }
0x3a: {  	_ = 	snop  }
0x3b: {  	_ = 	snop  }
0x3c: {  	p2 =	seq.s32 s10, $0x1;
	s10 =	sld [smem:$0x3FBA]  }
0x3d: {  	_ =	shalt  }
0x3e: {  	_ =	shalt  }
0x3f: {  	_ =	shalt  }
0x40: {  	_ =	shalt  }
0x41: {  	_ =	shalt  }
0x42: {  	_ =	shalt  }
0x43: {  	_ =	shalt  }
0x44: {  	_ =	shalt  }
0x45: {  	_ =	shalt  }
0x46: {  	_ =	shalt  }
0x47: {  	_ =	shalt  }
0x48: {  	_ =	shalt  }
0x49: {  	_ =	shalt  }
0x4a: {  	_ =	shalt  }
0x4b: {  	_ =	shalt  }
0x4c: {  	_ =	shalt  }
0x4d: {  	_ =	shalt  }
0x4e: {  	_ =	shalt  }
0x4f: {  	_ =	shalt  }
0x50: {  	_ =	shalt  }
0x51: {  	_ =	shalt  }
0x52: {  	_ =	shalt  }
0x53: {  	_ =	shalt  }
0x54: {  	_ =	shalt  }
0x55: {  	_ =	shalt  }
0x56: {  	_ =	shalt  }
0x57: {  	_ =	shalt  }
0x58: {  	_ =	shalt  }
0x59: {  	_ =	shalt  }
0x5a: {  	_ =	shalt  }
0x5b: {  	_ =	shalt  }
0x5c: {  	_ =	shalt  }
0x5d: {  	_ =	shalt  }
0x5e: {  	_ =	shalt  }
0x5f: {  	_ =	shalt  }
0x60: {  	_ =	shalt  }
0x61: {  	_ =	shalt  }
0x62: {  	_ =	shalt  }
0x63: {  	_ =	shalt  }
0x64: {  	_ =	shalt  }
0x65: {  	_ =	shalt  }
0x66: {  	_ =	shalt  }
0x67: {  	_ =	shalt  }
0x68: {  	_ =	shalt  }
0x69: {  	_ =	shalt  }
0x6a: {  	_ =	shalt  }
0x6b: {  	_ =	shalt  }
0x6c: {  	_ =	shalt  }
0x6d: {  	_ =	shalt  }
0x6e: {  	_ =	shalt  }
0x6f: {  	_ =	shalt  }
0x70: {  	_ =	shalt  }
0x71: {  	_ =	shalt  }
0x72: {  	_ =	shalt  }
0x73: {  	_ =	shalt  }
0x74: {  	_ =	shalt  }
0x75: {  	_ =	shalt  }
0x76: {  	_ =	shalt  }
0x77: {  	_ =	shalt  }
0x78: {  	_ =	shalt  }
0x79: {  	_ =	shalt  }
0x7a: {  	_ =	shalt  }
0x7b: {  	_ =	shalt  }
0x7c: {  	_ =	shalt  }
0x7d: {  	_ =	shalt  }
0x7e: {  	_ =	shalt  }
0x7f: {  	_ =	shalt  }
0x80: {  	_ =	shalt  }
0x81: {  	_ =	shalt  }
0x82: {  	_ =	shalt  }
0x83: {  	_ =	shalt  }
0x84: {  	_ =	shalt  }
0x85: {  	_ =	shalt  }
0x86: {  	_ =	shalt  }
0x87: {  	_ =	shalt  }
.Lfunc_end0:
.L_simem_size_0:
called_computation_lowered:
.L_overlay_start_0:
0x88: {  	s2 =	sld [smem:$0x3FD9]  }
0x89: {  	s3 =	sld [smem:$0x3FFE];
	_ =	sdelay $0x1  }
0x8a: {  	s1 =	srdreg.scid  }
0x8b: {  	s0 =	sand.u32 $0x1, s1  }
0x8c: {  	s17 =	sshll.u32 s0, $0xA;
	s2 =	sadd.s32 s3, s2  }
0x8d: {  	s2 =	sadd.s32 s2, s17  }
0x8e: {  	[smem:$0x3FC6] =	sst s2  }
0x8f: {  	_ = 	snop  }
0x90: {  	s2 =	sld [smem:$0x3FD0];
	(tm) =	ssettm $0x1  }
0x91: {  	s18 =	sld [smem:$0x3FFB];
	_ =	sdelay $0x3  }
0x92: {  	_ =	strace s18  }
0x93: {  	s3 =	sld [smem:$0x3FFC];
	_ =	sdelay $0x3  }
0x94: {  	_ =	strace s3  }
0x95: {  	s3 =	sld [smem:$0x3FFD];
	_ =	sdelay $0x3  }
0x96: {  	_ =	strace s3  }
0x97: {  	_ =	strace $0x8FFFFFFF  }
0x98: {  	s19 =	sld [smem:$0x3FDB];
	_ =	sdelay $0x1  }
0x99: {  	s4 =	simm.s32 $_scs_section_size  }
0x9a: {  	s5 =	simm.s32 $_size__tile_overlayer_lowered;
	s6 =	simm.s32 $_tile_overlayer_lowered  }
0x9b: {  	s22 =	simm.s32 $0x1BFF;
	s21 =	sshll.u32 s6, $0x1;
	s3 =	sadd.s32 s4, s19  }
0x9c: {  	s7 =	simm.s32 $0x0;
	s20 =	sshll.u32 s5, $0x1;
	s5 =	sadd.s32 s21, s3  }
0x9d: {  	[timem:s7], [sflag:s22] =	dma.local [hbm:s5], s20  }
0x9e: {  	_ =	swait.ge [sflag:s22], s20  }
0x9f: {  	s4 =	ssub.s32 $0x0, s20;
	[sflag:s22] =	ssyncset.done $0x0  }
0xa0: {  	[sflag:s22] =	ssyncadd.s32 s4;
	_ =	sdelay $0x1  }
0xa1: {  	s23 =	simm.s32 $0x1B8B  }
0xa2: {  	_ =	swait.ge [sflag:s23], $0x1  }
0xa3: {  	[sflag:s23] =	ssyncset.done $0x0  }
0xa4: {  	s25 =	simm.s32 $0x1B8E;
	s24 =	sld [smem:$0x3FFE];
	[sflag:s23] =	ssyncadd.s32 $0xFFFFFFFF  }
0xa5: {  	s26 =	simm.s32 $execute0_lowered;
	[smem:$0x3FD2] =	sst s25  }
0xa6: {  	s5 =	sshll.u32 s26, $0x1;
	_ =	strace $0x80000046;
	[dreg:$0x1] =	wrdreg $0xFFFFFFFF  }
0xa7: {  	s28 =	simm.s32 $_size_execute0_lowered;
	s3 =	sadd.s32 s3, s5;
	[dreg:$0x0] =	wrdreg $0x0  }
0xa8: {  	s5 =	sshll.u32 s28, $0x1;
	[dreg:$0x2] =	wrdreg s3  }
0xa9: {  	[dreg:$0x3] =	wrdreg s5  }
0xaa: {  	[dreg:$0x4] =	wrdreg $0xC0  }
0xab: {  	_ =	task [dreg:s7], $0x5FFFF  }
0xac: {  	[dreg:$0x1] =	wrdreg $0xFFFFFFFF  }
0xad: {  	[dreg:$0x0] =	wrdreg $0x60  }
0xae: {  	[dreg:$0x2] =	wrdreg s24  }
0xaf: {  	[dreg:$0x3] =	wrdreg s2  }
0xb0: {  	[dreg:$0x4] =	wrdreg $0x9  }
0xb1: {  	_ =	task.clear_ibuf [dreg:s7], $0x5FFFF;
	_ =	strace $0x90000046  }
0xb2: {  	s29 =	simm.s32 $0x9;
	_ =	strace $0x80000048  }
0xb3: {  	_ =	swait.ge [sflag:s29], $0x1  }
0xb4: {  	[sflag:s29] =	ssyncadd.s32 $0xFFFFFFFF  }
0xb5: {  	_ =	strace $0x90000048  }
0xb6: {  	_ =	sfence  }
0xb7: {  	s30 =	sld [smem:$0x0];
	_ =	sdelay $0x2  }
0xb8: {  	s31 =	sshll.u32 s1, $0xD;
	s1 =	sshrl.u32 s1, $0x2  }
0xb9: {  	s3 =	sand.u32 $0x4000, s31;
	s1 =	sadd.s32 s1, s30  }
0xba: {  	s0 =	sor.u32 s3, s0;
	s1 =	sshll.u32 s1, $0x11  }
0xbb: {  	s0 =	sor.u32 s1, s0  }
0xbc: {  	s0 =	sadd.s32 $0x8F2B, s0  }
0xbd: {  	[sflag:s0] =	ssyncadd.remote.s32 $0x1  }
0xbe: {  	_ =	sfence.sel $0xFFFF  }
0xbf: {  	[dreg:$0x0] =	wrdreg $0xFFFFFFFF;
	(pc) =	sbr.abs _section_cstart, $3  }
0xc0: {  	[dreg:$0x1] =	wrdreg $0xFFFFFFFF  }
0xc1: {  	_ =	task.clear_ibuf [dreg:s7], $0x2FFFF;
	_ =	strace $0x9FFFFFFF  }
0xc2: {  	(tm) =	ssettm $0x7FFFFFFF  }
0xc3: {  	_ =	shalt  }
tec
execute0_lowered:
.L_overlay_start_1:
0x0: {  	(tag) =	ssettag $0x1  }
0x1: {  	v0 =	vlaneseq.u32  }
0x2: {  	s0 =	rddreg [dreg:$0x0];
	s4 =	simm.s32 $0x0;
	v9 =	vmul.u32 $0x80, v0  }
0x3: {  	[smem:$0x7FF] =	sst s4  }
0x4: {  	s1 =	rddreg [dreg:$0x1];
	_ =	strace $0x80000047;
	v0 =	vor.u32 $0x3801, v9;
	[tilespmem:$0x1FF10] =	vst v9  }
0x5: {  	v54 =	vor.u32 $0x2, v9;
	[tilespmem:$0x1FE80] =	vst v0  }
0x6: {  	v55 =	vor.u32 $0x802, v9;
	[tilespmem:$0x1FE90] =	vst v54  }
0x7: {  	v56 =	vor.u32 $0x1002, v9;
	[tilespmem:$0x1FEA0] =	vst v55  }
0x8: {  	v58 =	vor.u32 $0x1802, v9;
	[tilespmem:$0x1FEB0] =	vst v56  }
0x9: {  	v59 =	vor.u32 $0x2002, v9;
	[tilespmem:$0x1FEC0] =	vst v58  }
0xa: {  	v60 =	vor.u32 $0x2802, v9;
	[tilespmem:$0x1FED0] =	vst v59  }
0xb: {  	v61 =	vor.u32 $0x3002, v9;
	[tilespmem:$0x1FEE0] =	vst v60  }
0xc: {  	v63 =	vor.u32 $0x3802, v9;
	[tilespmem:$0x1FEF0] =	vst v61  }
0xd: {  	v14 =	vor.u32 $0x800, v9;
	[tilespmem:$0x1FF00] =	vst v63  }
0xe: {  	s2 =	srdreg.scid;
	s3 =	stileid.u32;
	s11 =	simm.s32 $0x20000;
	v10 =	vor.u32 $0x1000, v9;
	[tilespmem:$0x1FF20] =	vst v14  }
0xf: {  	s13 =	simm.s32 $0x80;
	s14 =	simm.s32 $0x7000;
	s15 =	simm.s32 $0x7400;
	v11 =	vor.u32 $0x1800, v9;
	[tilespmem:$0x1FF30] =	vst v10  }
0x10: {  	s16 =	simm.s32 $0x7080;
	s17 =	simm.s32 $0xB400;
	s18 =	simm.s32 $0x7100;
	v13 =	vor.u32 $0x2000, v9;
	[tilespmem:$0x1FF40] =	vst v11  }
0x11: {  	s19 =	simm.s32 $0xF400;
	s20 =	simm.s32 $0x7180;
	s21 =	simm.s32 $0x13400;
	v12 =	vor.u32 $0x2800, v9;
	[tilespmem:$0x1FF50] =	vst v13  }
0x12: {  	s22 =	simm.s32 $0x1;
	s23 =	simm.s32 $0x400;
	s28 =	simm.s32 $0x18400;
	v17 =	vor.u32 $0x3000, v9;
	[tilespmem:$0x1FF60] =	vst v12  }
0x13: {  	s29 =	simm.s32 $0x3;
	s30 =	simm.s32 $0x7;
	s2 =	sand.u32 $0x1, s2;
	v15 =	vor.u32 $0x3800, v9;
	[tilespmem:$0x1FF70] =	vst v17  }
0x14: {  	s31 =	simm.s32 $0x19400;
	s3 =	sshll.u32 s3, $0xA;
	s24 =	sshll.u32 s2, $0x9;
	v38 =	vor.u32 $0x1, v9;
	[tilespmem:$0x1FF80] =	vst v15  }
0x15: {  	s10 =	simm.s32 $0x1A400;
	s2 =	ssub.s32 $0x2, s2;
	s4 =	sor.u32 s24, s3;
	v29 =	vor.u32 $0x801, v9;
	[tilespmem:$0x1FF90] =	vst v38  }
0x16: {  	s3 =	sadd.s32 $0xF42A00, s0;
	s25 =	sshrl.u32 s2, $0x1;
	v57 =	vor.u32 $0x1001, v9;
	s24 =	simm.s32 $0x17400;
	[tilespmem:$0x1FFA0] =	vst v29  }
0x17: {  	v19 =	vor.u32 $0x1801, v9;
	s5 =	sadd.s32 s4, s0;
	s0 =	ssub.s32 s2, s25;
	s25 =	simm.s32 $0x2;
	[tilespmem:$0x1FFB0] =	vst v57  }
0x18: {  	v62 =	vor.u32 $0x2001, v9;
	[tilespmem:$0x1FFC0] =	vst v19;
	s26 =	sadd.s32 $0x600, s5;
	s5 =	sadd.s32 s1, s4;
	s0 =	smax.u32 s0, $0x1  }
0x19: {  	v27 =	vor.u32 $0x2801, v9;
	[tilespmem:$0x1FFD0] =	vst v62;
	s1 =	simm.s32 $0x8;
	s4 =	simm.s32 $0x0;
	[dreg:$0x3] =	wrdreg s26  }
0x1a: {  	v16 =	vor.u32 $0x3001, v9;
	[tilespmem:$0x1FFE0] =	vst v27;
	s6 =	sadd.s32 $0x80, s5;
	s7 =	sadd.s32 $0x100, s5;
	s8 =	sadd.s32 $0x180, s5  }
0x1b: {  	[tilespmem:$0x1FFF0] =	vst v16;
	[dreg:$0x4] =	wrdreg s0;
	s26 =	simm.s32 $0x6;
	s0 =	simm.s32 $0x4  }
.LBB2_1:
0x1c: {  	s2 =	simm.s32 $0x0;
	s12 =	rddreg [dreg:$0x3];
	s9 =	simm.s32 $0x1000  }
0x1d: {  	[tilespmem:s2], [sflag:$0x9] =	stream.strided.gather [hbm4b:s12+s9], $0x7000, s11, s9, $0x38;
	[tilespmem:$0x1B400] =	vst v63  }
0x1e: {  	[dreg:$0x5] =	wrdreg s4;
	s12 =	simm.s32 $0x9  }
0x1f: {  	_ =	swait.ge [sflag:s12], $0x7000  }
0x20: {  	[sflag:s12] =	ssyncset.done $0x0  }
0x21: {  	[sflag:s12] =	ssyncadd.s32 $0xFFFF9000  }
0x22: {  	v0 =	vld [tilespmem:$0x0]  }
0x23: {  	v1 =	vld [tilespmem:$0x10]  }
0x24: {  	v2 =	vld [tilespmem:$0x20]  }
0x25: {  	v6 =	vld [tilespmem:$0x30]  }
0x26: {  	v22 =	vld [tilespmem:$0x40]  }
0x27: {  	v33 =	vld [tilespmem:$0x50];
	v3 =	vshra.s32 v0, $0x2  }
0x28: {  	v36 =	vld [tilespmem:$0x60];
	v7 =	vshra.s32 v1, $0x2;
	[tilespmem:$0x7000] =	vst v3  }
0x29: {  	v40 =	vld [tilespmem:$0x70];
	v23 =	vshra.s32 v2, $0x2;
	[tilespmem:$0x7010] =	vst v7  }
0x2a: {  	v34 =	vshra.s32 v6, $0x2;
	[tilespmem:$0x7020] =	vst v23  }
0x2b: {  	v37 =	vshra.s32 v22, $0x2;
	[tilespmem:$0x7030] =	vst v34  }
0x2c: {  	v41 =	vshra.s32 v33, $0x2;
	[tilespmem:$0x7040] =	vst v37  }
0x2d: {  	v43 =	vshra.s32 v36, $0x2;
	[tilespmem:$0x7050] =	vst v41  }
0x2e: {  	v0 =	vshll.u32 v0, $0x5;
	v46 =	vshra.s32 v40, $0x2;
	[tilespmem:$0x7060] =	vst v43  }
0x2f: {  	v1 =	vshll.u32 v1, $0x5;
	v0 =	vand.u32 $0x60, v0;
	[tilespmem:$0x7070] =	vst v46  }
0x30: {  	v2 =	vshll.u32 v2, $0x5;
	v21 =	vand.u32 $0x60, v1;
	[tilespmem:$0x7200] =	vst v0  }
0x31: {  	v44 =	vshll.u32 v36, $0x5;
	v32 =	vand.u32 $0x60, v2;
	[tilespmem:$0x7210] =	vst v21  }
0x32: {  	v3 =	vshll.u32 v6, $0x5;
	v45 =	vand.u32 $0x60, v44;
	[tilespmem:$0x7220] =	vst v32  }
0x33: {  	v1 =	vshll.u32 v22, $0x5;
	v35 =	vand.u32 $0x60, v3;
	[tilespmem:$0x7260] =	vst v45  }
0x34: {  	v2 =	vshll.u32 v33, $0x5;
	v39 =	vand.u32 $0x60, v1;
	[tilespmem:$0x7230] =	vst v35  }
0x35: {  	v42 =	vand.u32 $0x60, v2;
	v1 =	vshll.u32 v40, $0x5;
	[tilespmem:$0x7240] =	vst v39  }
0x36: {  	[tilespmem:$0x7250] =	vst v42;
	v47 =	vand.u32 $0x60, v1  }
0x37: {  	[tilespmem:$0x7270] =	vst v47  }
0x38: {  	[tilespmem:s15], [sflag:$0x1] =	stream.indirect.gather [hbm4b:s3+s13], $0x80, s14, s13, $0xb8;
	[tilespmem:$0x1B400] =	vst v63  }
0x39: {  	v48 =	vld [tilespmem:$0x400]  }
0x3a: {  	v49 =	vld [tilespmem:$0x410]  }
0x3b: {  	v50 =	vld [tilespmem:$0x420]  }
0x3c: {  	v52 =	vld [tilespmem:$0x430]  }
0x3d: {  	v55 =	vld [tilespmem:$0x440]  }
0x3e: {  	v59 =	vld [tilespmem:$0x450];
	v51 =	vshra.s32 v48, $0x2  }
0x3f: {  	v63 =	vld [tilespmem:$0x460];
	v53 =	vshra.s32 v49, $0x2;
	[tilespmem:$0x7080] =	vst v51  }
0x40: {  	v21 =	vld [tilespmem:$0x470];
	v56 =	vshra.s32 v50, $0x2;
	[tilespmem:$0x7090] =	vst v53  }
0x41: {  	v60 =	vshra.s32 v52, $0x2;
	[tilespmem:$0x70A0] =	vst v56  }
0x42: {  	v6 =	vshra.s32 v55, $0x2;
	[tilespmem:$0x70B0] =	vst v60  }
0x43: {  	v22 =	vshra.s32 v59, $0x2;
	[tilespmem:$0x70C0] =	vst v6  }
0x44: {  	v32 =	vshra.s32 v63, $0x2;
	[tilespmem:$0x70D0] =	vst v22  }
0x45: {  	v0 =	vshll.u32 v48, $0x5;
	v35 =	vshra.s32 v21, $0x2;
	[tilespmem:$0x70E0] =	vst v32  }
0x46: {  	v1 =	vshll.u32 v49, $0x5;
	v0 =	vand.u32 $0x60, v0;
	[tilespmem:$0x70F0] =	vst v35  }
0x47: {  	v2 =	vshll.u32 v50, $0x5;
	v54 =	vand.u32 $0x60, v1;
	[tilespmem:$0x7280] =	vst v0  }
0x48: {  	v3 =	vshll.u32 v52, $0x5;
	v58 =	vand.u32 $0x60, v2;
	[tilespmem:$0x7290] =	vst v54  }
0x49: {  	v33 =	vshll.u32 v63, $0x5;
	v61 =	vand.u32 $0x60, v3;
	[tilespmem:$0x72A0] =	vst v58  }
0x4a: {  	v1 =	vshll.u32 v55, $0x5;
	v34 =	vand.u32 $0x60, v33;
	[tilespmem:$0x72B0] =	vst v61  }
0x4b: {  	v2 =	vshll.u32 v59, $0x5;
	v7 =	vand.u32 $0x60, v1;
	[tilespmem:$0x72E0] =	vst v34  }
0x4c: {  	v23 =	vand.u32 $0x60, v2;
	v1 =	vshll.u32 v21, $0x5;
	[tilespmem:$0x72C0] =	vst v7  }
0x4d: {  	[tilespmem:$0x72D0] =	vst v23;
	v36 =	vand.u32 $0x60, v1  }
0x4e: {  	[tilespmem:$0x72F0] =	vst v36  }
0x4f: {  	[tilespmem:s17], [sflag:$0x2] =	stream.indirect.gather [hbm4b:s3+s13], $0x80, s16, s13, $0xb8;
	[tilespmem:$0x1B400] =	vst v63  }
0x50: {  	v37 =	vld [tilespmem:$0x800]  }
0x51: {  	v39 =	vld [tilespmem:$0x810]  }
0x52: {  	v40 =	vld [tilespmem:$0x820]  }
0x53: {  	v42 =	vld [tilespmem:$0x830]  }
0x54: {  	v45 =	vld [tilespmem:$0x840]  }
0x55: {  	v48 =	vld [tilespmem:$0x850];
	v41 =	vshra.s32 v37, $0x2  }
0x56: {  	v51 =	vld [tilespmem:$0x860];
	v43 =	vshra.s32 v39, $0x2;
	[tilespmem:$0x7100] =	vst v41  }
0x57: {  	v54 =	vld [tilespmem:$0x870];
	v46 =	vshra.s32 v40, $0x2;
	[tilespmem:$0x7110] =	vst v43  }
0x58: {  	v49 =	vshra.s32 v42, $0x2;
	[tilespmem:$0x7120] =	vst v46  }
0x59: {  	v52 =	vshra.s32 v45, $0x2;
	[tilespmem:$0x7130] =	vst v49  }
0x5a: {  	v55 =	vshra.s32 v48, $0x2;
	[tilespmem:$0x7140] =	vst v52  }
0x5b: {  	v58 =	vshra.s32 v51, $0x2;
	[tilespmem:$0x7150] =	vst v55  }
0x5c: {  	v0 =	vshll.u32 v37, $0x5;
	v61 =	vshra.s32 v54, $0x2;
	[tilespmem:$0x7160] =	vst v58  }
0x5d: {  	v1 =	vshll.u32 v39, $0x5;
	v0 =	vand.u32 $0x60, v0;
	[tilespmem:$0x7170] =	vst v61  }
0x5e: {  	v2 =	vshll.u32 v40, $0x5;
	v44 =	vand.u32 $0x60, v1;
	[tilespmem:$0x7300] =	vst v0  }
0x5f: {  	v3 =	vshll.u32 v42, $0x5;
	v47 =	vand.u32 $0x60, v2;
	[tilespmem:$0x7310] =	vst v44  }
0x60: {  	v59 =	vshll.u32 v51, $0x5;
	v50 =	vand.u32 $0x60, v3;
	[tilespmem:$0x7320] =	vst v47  }
0x61: {  	v1 =	vshll.u32 v45, $0x5;
	v60 =	vand.u32 $0x60, v59;
	[tilespmem:$0x7330] =	vst v50  }
0x62: {  	v2 =	vshll.u32 v48, $0x5;
	v53 =	vand.u32 $0x60, v1;
	[tilespmem:$0x7360] =	vst v60  }
0x63: {  	v56 =	vand.u32 $0x60, v2;
	v1 =	vshll.u32 v54, $0x5;
	[tilespmem:$0x7340] =	vst v53  }
0x64: {  	[tilespmem:$0x7350] =	vst v56;
	v63 =	vand.u32 $0x60, v1  }
0x65: {  	s9 =	simm.s32 $0x0;
	[tilespmem:$0x7370] =	vst v63  }
0x66: {  	[tilespmem:s19], [sflag:$0x3] =	stream.indirect.gather [hbm4b:s3+s13], $0x80, s18, s13, $0xb8;
	[tilespmem:$0x1B400] =	vst v63  }
.LBB2_2:
0x67: {  	s2 =	sshll.u32 s9, $0x9;
	s4 =	sshll.u32 s9, $0x7  }
0x68: {  	s2 =	sand.u32 $0x7000, s2;
	s4 =	sand.u32 $0x380, s4  }
0x69: {  	s2 =	sor.u32 s4, s2  }
0x6a: {  	v0 =	vld [tilespmem:s2+$0xC00];
	_ =	sdelay $0x4  }
0x6b: {  	v1 =	vshra.s32 v0, $0x2;
	v0 =	vshll.u32 v0, $0x5  }
0x6c: {  	[tilespmem:$0x7180] =	vst v1;
	v0 =	vand.u32 $0x60, v0  }
0x6d: {  	[tilespmem:$0x7380] =	vst v0  }
0x6e: {  	v0 =	vld [tilespmem:s2+$0xC10];
	_ =	sdelay $0x4  }
0x6f: {  	v1 =	vshra.s32 v0, $0x2;
	v0 =	vshll.u32 v0, $0x5  }
0x70: {  	[tilespmem:$0x7190] =	vst v1;
	v0 =	vand.u32 $0x60, v0  }
0x71: {  	[tilespmem:$0x7390] =	vst v0  }
0x72: {  	v0 =	vld [tilespmem:s2+$0xC20];
	_ =	sdelay $0x4  }
0x73: {  	v1 =	vshra.s32 v0, $0x2;
	v0 =	vshll.u32 v0, $0x5  }
0x74: {  	[tilespmem:$0x71A0] =	vst v1;
	v0 =	vand.u32 $0x60, v0  }
0x75: {  	[tilespmem:$0x73A0] =	vst v0  }
0x76: {  	v0 =	vld [tilespmem:s2+$0xC30];
	_ =	sdelay $0x4  }
0x77: {  	v1 =	vshra.s32 v0, $0x2;
	v0 =	vshll.u32 v0, $0x5  }
0x78: {  	[tilespmem:$0x71B0] =	vst v1;
	v0 =	vand.u32 $0x60, v0  }
0x79: {  	[tilespmem:$0x73B0] =	vst v0  }
0x7a: {  	v0 =	vld [tilespmem:s2+$0xC40];
	_ =	sdelay $0x4  }
0x7b: {  	v1 =	vshra.s32 v0, $0x2;
	v0 =	vshll.u32 v0, $0x5  }
0x7c: {  	[tilespmem:$0x71C0] =	vst v1;
	v0 =	vand.u32 $0x60, v0  }
0x7d: {  	[tilespmem:$0x73C0] =	vst v0  }
0x7e: {  	v0 =	vld [tilespmem:s2+$0xC50];
	_ =	sdelay $0x4  }
0x7f: {  	v1 =	vshra.s32 v0, $0x2;
	v0 =	vshll.u32 v0, $0x5  }
0x80: {  	[tilespmem:$0x71D0] =	vst v1;
	v0 =	vand.u32 $0x60, v0  }
0x81: {  	[tilespmem:$0x73D0] =	vst v0  }
0x82: {  	v0 =	vld [tilespmem:s2+$0xC60];
	_ =	sdelay $0x4  }
0x83: {  	v1 =	vshra.s32 v0, $0x2;
	v0 =	vshll.u32 v0, $0x5  }
0x84: {  	[tilespmem:$0x71E0] =	vst v1;
	v0 =	vand.u32 $0x60, v0  }
0x85: {  	[tilespmem:$0x73E0] =	vst v0  }
0x86: {  	v0 =	vld [tilespmem:s2+$0xC70];
	_ =	sdelay $0x4  }
0x87: {  	v1 =	vshra.s32 v0, $0x2;
	v0 =	vshll.u32 v0, $0x5  }
0x88: {  	[tilespmem:$0x71F0] =	vst v1;
	v0 =	vand.u32 $0x60, v0  }
0x89: {  	[tilespmem:$0x73F0] =	vst v0  }
0x8a: {  	[tilespmem:s21], [sflag:$0x4] =	stream.indirect.gather [hbm4b:s3+s13], $0x80, s20, s13, $0xb8;
	[tilespmem:$0x1B400] =	vst v63  }
0x8b: {  	_ =	swait.ge [sflag:s22], $0x4000  }
0x8c: {  	p0 =	seq.s32 s9, $0x0;
	[sflag:s22] =	ssyncset.done $0x0  }
0x8d: {  	s2 =	simm.s32 @!p0 $0x5;
	[sflag:s22] =	ssyncadd.s32 $0xFFFFC000  }
0x8e: {  	_ =	swait.ge @!p0 [sflag:s2], $0x1000  }
0x8f: {  	[sflag:s2] =	ssyncset.done @!p0 $0x0  }
0x90: {  	[sflag:s2] =	ssyncadd.s32 @!p0 $0xFFFFF000  }
0x91: {  	v42 =	vld [tilespmem:$0x7200];
	_ =	sdelay $0x3  }
0x92: {  	s12 =	simm.s32 $0x0  }
0x93: {  	v43 =	vld [tilespmem:$0x7210];
	v0 =	vadd.s32 s12, v42  }
0x94: {  	v1 =	vadd.s32 v9, v0;
	_ =	sdelay $0x3  }
0x95: {  	v44 =	vld [tilespmem:$0x7220];
	v2 =	vadd.s32 s12, v43  }
0x96: {  	v3 =	vadd.s32 v14, v2;
	v1 =	vld.idx.msk [tilespmem:v1+s15+$0x0], $0xffff;
	_ =	sdelay $0x3  }
0x97: {  	v46 =	vld [tilespmem:$0x7230];
	v4 =	vadd.s32 s12, v44  }
0x98: {  	v5 =	vadd.s32 v10, v4;
	[tilespmem:$0x1FE20] =	vst v1;
	v1 =	vld.idx.msk [tilespmem:v3+s15+$0x0], $0xffff;
	_ =	sdelay $0x3  }
0x99: {  	v48 =	vld [tilespmem:$0x7240];
	v6 =	vadd.s32 s12, v46  }
0x9a: {  	v7 =	vadd.s32 v11, v6;
	[tilespmem:$0x1FE30] =	vst v1;
	v1 =	vld.idx.msk [tilespmem:v5+s15+$0x0], $0xffff;
	_ =	sdelay $0x1  }
0x9b: {  	v50 =	vld [tilespmem:$0x7250]  }
0x9c: {  	v53 =	vld [tilespmem:$0x7270]  }
0x9d: {  	v35 =	vld [tilespmem:$0x1FE90];
	v58 =	vadd.s32 s12, v48  }
0x9e: {  	v8 =	vadd.s32 v13, v58;
	[tilespmem:$0x1FE40] =	vst v1;
	v1 =	vld.idx.msk [tilespmem:v7+s15+$0x0], $0xffff  }
0x9f: {  	v61 =	vld [tilespmem:$0x1FEB0]  }
0xa0: {  	v24 =	vld [tilespmem:$0x1FF00];
	v40 =	vadd.s32 s12, v50  }
0xa1: {  	v39 =	vld [tilespmem:$0x1FEC0];
	v25 =	vadd.s32 s12, v53;
	v18 =	vadd.s32 v12, v40  }
0xa2: {  	v63 =	vld [tilespmem:$0x1FED0];
	v20 =	vadd.s32 v15, v25  }
0xa3: {  	v22 =	vadd.s32 v38, v0;
	[tilespmem:$0x1FE50] =	vst v1;
	v1 =	vld.idx.msk [tilespmem:v8+s15+$0x0], $0xffff  }
0xa4: {  	v52 =	vld [tilespmem:$0x7260];
	v28 =	vadd.s32 v61, v4  }
0xa5: {  	v36 =	vadd.s32 v24, v25;
	v5 =	vld [tilespmem:$0x1FE80]  }
0xa6: {  	v30 =	vld.idx.msk [tilespmem:v18+s15+$0x0], $0xffff  }
0xa7: {  	v45 =	vld.idx.msk [tilespmem:v20+s15+$0x0], $0xffff;
	v20 =	vadd.s32 v62, v58  }
0xa8: {  	v32 =	vld.idx.msk [tilespmem:v22+s15+$0x0], $0xffff;
	[tilespmem:$0x1FE60] =	vst v1;
	v1 =	vadd.s32 v29, v2  }
0xa9: {  	v28 =	vld.idx.msk [tilespmem:v28+s15+$0x0], $0xffff;
	v3 =	vmov v38;
	v38 =	vmov v27;
	v27 =	vadd.s32 v27, v40  }
0xaa: {  	v36 =	vld.idx.msk [tilespmem:v36+s15+$0x0], $0xffff;
	v18 =	vadd.s32 v5, v25  }
0xab: {  	v41 =	vadd.s32 s12, v52;
	v59 =	vadd.s32 v39, v6;
	v5 =	vld [tilespmem:$0x1FEA0]  }
0xac: {  	v26 =	vadd.s32 v17, v41;
	v31 =	vld.idx.msk [tilespmem:v20+s15+$0x0], $0xffff  }
0xad: {  	v47 =	vld.idx.msk [tilespmem:v1+s15+$0x0], $0xffff;
	v1 =	vadd.s32 v16, v41  }
0xae: {  	v51 =	vld.idx.msk [tilespmem:v27+s15+$0x0], $0xffff  }
0xaf: {  	v20 =	vadd.s32 v63, v58;
	v27 =	vld.idx.msk [tilespmem:v18+s15+$0x0], $0xffff  }
0xb0: {  	v8 =	vadd.s32 v57, v4;
	v22 =	vadd.s32 v5, v2;
	v5 =	vld.idx.msk [tilespmem:v59+s15+$0x0], $0xffff  }
0xb1: {  	v29 =	vld.idx.msk [tilespmem:v26+s15+$0x0], $0xffff  }
0xb2: {  	v26 =	vadd.s32 v19, v6;
	v23 =	vld.idx.msk [tilespmem:v1+s15+$0x0], $0xffff  }
0xb3: {  	v18 =	vmov v12;
	v12 =	vor.u32 $0x3803, v9;
	v1 =	vld [tilespmem:$0x1FEE0]  }
0xb4: {  	v21 =	vmov v17;
	v17 =	vor.u32 $0x803, v9;
	v59 =	vld.idx.msk [tilespmem:v20+s15+$0x0], $0xffff;
	v60 =	vadd.s32 v12, v25  }
0xb5: {  	[tilespmem:$0x1FDC0] =	vst v17;
	v33 =	vld.idx.msk [tilespmem:v8+s15+$0x0], $0xffff;
	v2 =	vadd.s32 v17, v2;
	v17 =	vor.u32 $0x1003, v9  }
0xb6: {  	v56 =	vld.idx.msk [tilespmem:v22+s15+$0x0], $0xffff;
	v8 =	vor.u32 $0x1803, v9;
	v4 =	vadd.s32 v17, v4  }
0xb7: {  	v7 =	vor.u32 $0x3, v9;
	v6 =	vadd.s32 v8, v6;
	v49 =	vld.idx.msk [tilespmem:v26+s15+$0x0], $0xffff  }
0xb8: {  	[tilespmem:$0x1FDE0] =	vst v8;
	v8 =	vor.u32 $0x2003, v9;
	v26 =	vadd.s32 v35, v0;
	v55 =	vadd.s32 v1, v40;
	v1 =	vld [tilespmem:$0x1FEF0]  }
0xb9: {  	v60 =	vld.idx.msk [tilespmem:v60+s15+$0x0], $0xffff;
	v0 =	vadd.s32 v7, v0  }
0xba: {  	v2 =	vld.idx.msk [tilespmem:v2+s15+$0x0], $0xffff  }
0xbb: {  	[tilespmem:$0x1FDF0] =	vst v8;
	v58 =	vadd.s32 v8, v58;
	v8 =	vmov v3;
	v3 =	vor.u32 $0x2803, v9;
	v4 =	vld.idx.msk [tilespmem:v4+s15+$0x0], $0xffff  }
0xbc: {  	v6 =	vld.idx.msk [tilespmem:v6+s15+$0x0], $0xffff;
	v40 =	vadd.s32 v3, v40  }
0xbd: {  	v54 =	vld.idx.msk [tilespmem:v26+s15+$0x0], $0xffff;
	v26 =	vadd.s32 v1, v41  }
0xbe: {  	[tilespmem:$0x1FE00] =	vst v3;
	v0 =	vld.idx.msk [tilespmem:v0+s15+$0x0], $0xffff;
	v3 =	vor.u32 $0x3003, v9  }
0xbf: {  	v55 =	vld.idx.msk [tilespmem:v55+s15+$0x0], $0xffff;
	v41 =	vadd.s32 v3, v41  }
0xc0: {  	[tilespmem:$0x1FE10] =	vst v3;
	v3 =	vld [tilespmem:$0x1FE20]  }
0xc1: {  	v40 =	vld.idx.msk [tilespmem:v40+s15+$0x0], $0xffff  }
0xc2: {  	v34 =	vld.idx.msk [tilespmem:v26+s15+$0x0], $0xffff  }
0xc3: {  	s12 =	simm.s32 $0x17500;
	[tilespmem:$0x1FE70] =	vst v7;
	v26 =	vmov v63;
	v63 =	vld.idx.msk [tilespmem:v58+s15+$0x0], $0xffff  }
0xc4: {  	v41 =	vld.idx.msk [tilespmem:v41+s15+$0x0], $0xffff;
	[tilespmem:s12+$0xF0] =	vst v60  }
0xc5: {  	[tilespmem:s12+$0xFFFFFF00] =	vst v3  }
0xc6: {  	[tilespmem:s12+$0xFFFFFF50] =	vst v30  }
0xc7: {  	[tilespmem:s12+$0xFFFFFF60] =	vst v29  }
0xc8: {  	[tilespmem:s12+$0xFFFFFF70] =	vst v45  }
0xc9: {  	[tilespmem:s12+$0xFFFFFF80] =	vst v32  }
0xca: {  	[tilespmem:s12+$0xFFFFFF90] =	vst v47  }
0xcb: {  	[tilespmem:s12+$0xFFFFFFA0] =	vst v33  }
0xcc: {  	[tilespmem:s12+$0xFFFFFFB0] =	vst v49  }
0xcd: {  	[tilespmem:s12+$0xFFFFFFC0] =	vst v31  }
0xce: {  	[tilespmem:s12+$0xFFFFFFD0] =	vst v51  }
0xcf: {  	v3 =	vld [tilespmem:$0x1FE30];
	[tilespmem:s12+$0xFFFFFFE0] =	vst v23  }
0xd0: {  	[tilespmem:s12+$0xFFFFFFF0] =	vst v27  }
0xd1: {  	[tilespmem:s12+$0x0] =	vst v54  }
0xd2: {  	[tilespmem:s12+$0x10] =	vst v56  }
0xd3: {  	[tilespmem:s12+$0x20] =	vst v28  }
0xd4: {  	[tilespmem:s12+$0xFFFFFF10] =	vst v3;
	v3 =	vld [tilespmem:$0x1FE40]  }
0xd5: {  	[tilespmem:s12+$0x30] =	vst v5  }
0xd6: {  	[tilespmem:s12+$0x40] =	vst v59  }
0xd7: {  	[tilespmem:s12+$0x50] =	vst v55  }
0xd8: {  	[tilespmem:s12+$0x70] =	vst v36  }
0xd9: {  	[tilespmem:s12+$0xFFFFFF20] =	vst v3;
	v3 =	vld [tilespmem:$0x1FE50]  }
0xda: {  	[tilespmem:s12+$0x80] =	vst v0  }
0xdb: {  	[tilespmem:s12+$0x90] =	vst v2  }
0xdc: {  	[tilespmem:s12+$0xA0] =	vst v4  }
0xdd: {  	s4 =	simm.s32 $0x4;
	[tilespmem:s12+$0xB0] =	vst v6  }
0xde: {  	v5 =	vadd.s32 s4, v42;
	[tilespmem:s12+$0xFFFFFF30] =	vst v3;
	v3 =	vld [tilespmem:$0x1FE60]  }
0xdf: {  	v45 =	vadd.s32 s4, v43;
	[tilespmem:s12+$0xD0] =	vst v40;
	v0 =	vadd.s32 v9, v5  }
0xe0: {  	v7 =	vmov v1;
	v51 =	vadd.s32 s4, v48;
	v1 =	vadd.s32 v14, v45;
	[tilespmem:s12+$0x60] =	vst v34  }
0xe1: {  	v6 =	vadd.s32 v13, v51;
	[tilespmem:s12+$0xC0] =	vst v63  }
0xe2: {  	v49 =	vadd.s32 s4, v46;
	[tilespmem:s12+$0xE0] =	vst v41  }
0xe3: {  	v47 =	vadd.s32 s4, v44;
	v4 =	vadd.s32 v11, v49;
	[tilespmem:s12+$0xFFFFFF40] =	vst v3  }
0xe4: {  	v54 =	vadd.s32 s4, v50;
	v3 =	vadd.s32 v10, v47;
	v40 =	vld.idx.msk [tilespmem:v0+s15+$0x0], $0xffff  }
0xe5: {  	v0 =	vadd.s32 v18, v54;
	v41 =	vld.idx.msk [tilespmem:v1+s15+$0x0], $0xffff  }
0xe6: {  	v29 =	vmov v44;
	v56 =	vadd.s32 s4, v52;
	v44 =	vld.idx.msk [tilespmem:v6+s15+$0x0], $0xffff  }
0xe7: {  	v1 =	vadd.s32 v21, v56;
	v6 =	vld [tilespmem:$0x1FFA0]  }
0xe8: {  	v37 =	vmovc v15;
	v22 =	vmov v43;
	v2 =	vadd.s32 s4, v53;
	v43 =	vld.idx.msk [tilespmem:v4+s15+$0x0], $0xffff;
	v4 =	vadd.s32 v8, v5  }
0xe9: {  	v20 =	vmov v42;
	v42 =	vld.idx.msk [tilespmem:v3+s15+$0x0], $0xffff;
	v3 =	vadd.s32 v37, v2  }
0xea: {  	v32 =	vmov v46;
	v46 =	vld.idx.msk [tilespmem:v0+s15+$0x0], $0xffff;
	v0 =	vadd.s32 v57, v47;
	_ =	sdelay $0x1  }
0xeb: {  	v33 =	vmov v48;
	v30 =	vmov v6;
	v6 =	vadd.s32 v6, v45;
	v48 =	vld.idx.msk [tilespmem:v1+s15+$0x0], $0xffff  }
0xec: {  	v15 =	vmov v52;
	v1 =	vadd.s32 v19, v49;
	v52 =	vld.idx.msk [tilespmem:v4+s15+$0x0], $0xffff  }
0xed: {  	[tilespmem:$0x1FDD0] =	vst v17;
	v17 =	vmov v62;
	v31 =	vmov v50;
	v50 =	vld.idx.msk [tilespmem:v3+s15+$0x0], $0xffff  }
0xee: {  	v3 =	vadd.s32 v17, v51;
	v55 =	vld.idx.msk [tilespmem:v0+s15+$0x0], $0xffff  }
0xef: {  	v0 =	vld [tilespmem:$0x1FE80]  }
0xf0: {  	v27 =	vmov v53;
	v4 =	vadd.s32 v38, v54;
	v53 =	vld.idx.msk [tilespmem:v6+s15+$0x0], $0xffff  }
0xf1: {  	[tilespmem:$0x1FDB0] =	vst v12;
	v12 =	vmov v57;
	v57 =	vld.idx.msk [tilespmem:v1+s15+$0x0], $0xffff;
	v1 =	vadd.s32 v35, v5  }
0xf2: {  	v28 =	vmov v8;
	v8 =	vadd.s32 v39, v49;
	v6 =	vld [tilespmem:$0x1FFF0]  }
0xf3: {  	v58 =	vld.idx.msk [tilespmem:v3+s15+$0x0], $0xffff  }
0xf4: {  	v3 =	vld [tilespmem:$0x1FEA0];
	v23 =	vmov v0;
	v0 =	vadd.s32 v0, v2  }
0xf5: {  	v59 =	vld.idx.msk [tilespmem:v4+s15+$0x0], $0xffff  }
0xf6: {  	v62 =	vld.idx.msk [tilespmem:v1+s15+$0x0], $0xffff  }
0xf7: {  	v1 =	vld.idx.msk [tilespmem:v8+s15+$0x0], $0xffff  }
0xf8: {  	v16 =	vmov v18;
	v18 =	vmov v6;
	v6 =	vadd.s32 v6, v56;
	v8 =	vld [tilespmem:$0x1FE70]  }
0xf9: {  	v25 =	vmovc v61;
	v34 =	vmovc v21;
	v21 =	vmov v37;
	v37 =	vmov v3;
	v3 =	vadd.s32 v3, v45;
	v61 =	vld.idx.msk [tilespmem:v0+s15+$0x0], $0xffff  }
0xfa: {  	v4 =	vadd.s32 v25, v47;
	v0 =	vld [tilespmem:$0x1FEE0];
	_ =	sdelay $0x1  }
0xfb: {  	v36 =	vmovc v17;
	v14 =	vmovc v10;
	v9 =	vmov v25;
	v10 =	vmov v19;
	v19 =	vmov v38  }
0xfc: {  	v38 =	vmovc v35;
	v17 =	vmovc v24;
	v35 =	vmov v39;
	v39 =	vmov v26;
	v25 =	vmov v7;
	v60 =	vld.idx.msk [tilespmem:v6+s15+$0x0], $0xffff  }
0xfd: {  	v7 =	vadd.s32 v7, v56;
	v6 =	vadd.s32 v26, v51;
	v5 =	vadd.s32 v8, v5;
	v63 =	vld.idx.msk [tilespmem:v3+s15+$0x0], $0xffff  }
0xfe: {  	s2 =	sshll.u32 s9, $0x2;
	s4 =	simm.s32 $0x8;
	v26 =	vmovc v0;
	v3 =	vadd.s32 v0, v54;
	v0 =	vld.idx.msk [tilespmem:v4+s15+$0x0], $0xffff;
	v4 =	vadd.s32 v24, v2;
	v24 =	vmov v8  }
.LBB2_3:
0xff: {  	v8 =	vld [tilespmem:$0x1FDB0];
	_ =	sdelay $0x4  }
0x100: {  	v2 =	vadd.s32 v8, v2;
	v8 =	vld [tilespmem:$0x1FDC0];
	_ =	sdelay $0x4  }
0x101: {  	v45 =	vadd.s32 v8, v45;
	v8 =	vld [tilespmem:$0x1FDD0];
	_ =	sdelay $0x4  }
0x102: {  	v47 =	vadd.s32 v8, v47;
	v8 =	vld [tilespmem:$0x1FDE0];
	_ =	sdelay $0x4  }
0x103: {  	v49 =	vadd.s32 v8, v49;
	v8 =	vld [tilespmem:$0x1FDF0];
	_ =	sdelay $0x4  }
0x104: {  	v51 =	vadd.s32 v8, v51;
	v8 =	vld [tilespmem:$0x1FE00];
	_ =	sdelay $0x2  }
0x105: {  	v6 =	vld.idx.msk [tilespmem:v6+s15+$0x0], $0xffff  }
0x106: {  	v3 =	vld.idx.msk [tilespmem:v3+s15+$0x0], $0xffff  }
0x107: {  	v54 =	vadd.s32 v8, v54;
	v8 =	vld [tilespmem:$0x1FE10]  }
0x108: {  	v7 =	vld.idx.msk [tilespmem:v7+s15+$0x0], $0xffff  }
0x109: {  	v4 =	vld.idx.msk [tilespmem:v4+s15+$0x0], $0xffff  }
0x10a: {  	v5 =	vld.idx.msk [tilespmem:v5+s15+$0x0], $0xffff  }
0x10b: {  	v2 =	vld.idx.msk [tilespmem:v2+s15+$0x0], $0xffff  }
0x10c: {  	v45 =	vld.idx.msk [tilespmem:v45+s15+$0x0], $0xffff;
	v56 =	vadd.s32 v8, v56  }
0x10d: {  	v47 =	vld.idx.msk [tilespmem:v47+s15+$0x0], $0xffff  }
0x10e: {  	v49 =	vld.idx.msk [tilespmem:v49+s15+$0x0], $0xffff  }
0x10f: {  	v51 =	vld.idx.msk [tilespmem:v51+s15+$0x0], $0xffff  }
0x110: {  	s12 =	sadd.s32 $0x200, s12;
	v54 =	vld.idx.msk [tilespmem:v54+s15+$0x0], $0xffff  }
0x111: {  	v56 =	vld.idx.msk [tilespmem:v56+s15+$0x0], $0xffff;
	[tilespmem:s12+$0xF0] =	vst v2  }
0x112: {  	[tilespmem:s12+$0xFFFFFF00] =	vst v40  }
0x113: {  	[tilespmem:s12+$0xFFFFFF10] =	vst v41  }
0x114: {  	[tilespmem:s12+$0xFFFFFF20] =	vst v42  }
0x115: {  	[tilespmem:s12+$0xFFFFFF30] =	vst v43  }
0x116: {  	[tilespmem:s12+$0xFFFFFF40] =	vst v44  }
0x117: {  	[tilespmem:s12+$0xFFFFFF50] =	vst v46  }
0x118: {  	[tilespmem:s12+$0xFFFFFF60] =	vst v48  }
0x119: {  	[tilespmem:s12+$0xFFFFFF70] =	vst v50  }
0x11a: {  	[tilespmem:s12+$0xFFFFFF80] =	vst v52  }
0x11b: {  	[tilespmem:s12+$0xFFFFFF90] =	vst v53  }
0x11c: {  	[tilespmem:s12+$0xFFFFFFA0] =	vst v55  }
0x11d: {  	[tilespmem:s12+$0xFFFFFFB0] =	vst v57  }
0x11e: {  	[tilespmem:s12+$0xFFFFFFC0] =	vst v58  }
0x11f: {  	[tilespmem:s12+$0xFFFFFFD0] =	vst v59  }
0x120: {  	[tilespmem:s12+$0xFFFFFFE0] =	vst v60  }
0x121: {  	[tilespmem:s12+$0xFFFFFFF0] =	vst v61  }
0x122: {  	[tilespmem:s12+$0x0] =	vst v62  }
0x123: {  	[tilespmem:s12+$0x10] =	vst v63  }
0x124: {  	[tilespmem:s12+$0x20] =	vst v0  }
0x125: {  	[tilespmem:s12+$0x30] =	vst v1  }
0x126: {  	[tilespmem:s12+$0x40] =	vst v6  }
0x127: {  	[tilespmem:s12+$0x50] =	vst v3  }
0x128: {  	[tilespmem:s12+$0x60] =	vst v7;
	v0 =	vld [tilespmem:$0x1FF10]  }
0x129: {  	[tilespmem:s12+$0x70] =	vst v4;
	v1 =	vld [tilespmem:$0x1FF20]  }
0x12a: {  	[tilespmem:s12+$0x80] =	vst v5  }
0x12b: {  	[tilespmem:s12+$0xA0] =	vst v47;
	v47 =	vadd.s32 s4, v29  }
0x12c: {  	v5 =	vadd.s32 s4, v20;
	[tilespmem:s12+$0x90] =	vst v45;
	v3 =	vadd.s32 v14, v47  }
0x12d: {  	v45 =	vadd.s32 s4, v22;
	[tilespmem:s12+$0xB0] =	vst v49;
	v0 =	vadd.s32 v0, v5  }
0x12e: {  	v49 =	vadd.s32 s4, v32;
	[tilespmem:s12+$0xC0] =	vst v51;
	v1 =	vadd.s32 v1, v45  }
0x12f: {  	v51 =	vadd.s32 s4, v33;
	[tilespmem:s12+$0xD0] =	vst v54;
	v4 =	vadd.s32 v11, v49  }
0x130: {  	v6 =	vadd.s32 v13, v51;
	[tilespmem:s12+$0xE0] =	vst v56  }
0x131: {  	v54 =	vadd.s32 s4, v31;
	v7 =	vadd.s32 v37, v45;
	v42 =	vld.idx.msk [tilespmem:v3+s15+$0x0], $0xffff  }
0x132: {  	v56 =	vadd.s32 s4, v15;
	v40 =	vld.idx.msk [tilespmem:v0+s15+$0x0], $0xffff;
	v0 =	vadd.s32 v16, v54  }
0x133: {  	v41 =	vld.idx.msk [tilespmem:v1+s15+$0x0], $0xffff;
	v1 =	vadd.s32 v34, v56  }
0x134: {  	v2 =	vadd.s32 s4, v27;
	v43 =	vld.idx.msk [tilespmem:v4+s15+$0x0], $0xffff;
	v4 =	vadd.s32 v28, v5  }
0x135: {  	v3 =	vadd.s32 v21, v2;
	v44 =	vld.idx.msk [tilespmem:v6+s15+$0x0], $0xffff  }
0x136: {  	v6 =	vadd.s32 v30, v45;
	v63 =	vld.idx.msk [tilespmem:v7+s15+$0x0], $0xffff  }
0x137: {  	v46 =	vld.idx.msk [tilespmem:v0+s15+$0x0], $0xffff;
	v0 =	vadd.s32 v12, v47  }
0x138: {  	v48 =	vld.idx.msk [tilespmem:v1+s15+$0x0], $0xffff;
	v1 =	vadd.s32 v10, v49  }
0x139: {  	v52 =	vld.idx.msk [tilespmem:v4+s15+$0x0], $0xffff;
	v4 =	vadd.s32 v19, v54  }
0x13a: {  	v50 =	vld.idx.msk [tilespmem:v3+s15+$0x0], $0xffff;
	v3 =	vadd.s32 v36, v51  }
0x13b: {  	v53 =	vld.idx.msk [tilespmem:v6+s15+$0x0], $0xffff;
	v6 =	vadd.s32 v18, v56  }
0x13c: {  	v55 =	vld.idx.msk [tilespmem:v0+s15+$0x0], $0xffff;
	v0 =	vadd.s32 v23, v2  }
0x13d: {  	v57 =	vld.idx.msk [tilespmem:v1+s15+$0x0], $0xffff;
	v1 =	vadd.s32 v38, v5  }
0x13e: {  	v59 =	vld.idx.msk [tilespmem:v4+s15+$0x0], $0xffff;
	v4 =	vadd.s32 v9, v47  }
0x13f: {  	p1 =	sne.s32 s4, $0x1C;
	v8 =	vadd.s32 v35, v49;
	v58 =	vld.idx.msk [tilespmem:v3+s15+$0x0], $0xffff  }
.Ltmp0:
0x140: {  	v60 =	vld.idx.msk [tilespmem:v6+s15+$0x0], $0xffff;
	(pc) =	sbr.rel @p1 .LBB2_3-.Ltmp0, $4  }
0x141: {  	v61 =	vld.idx.msk [tilespmem:v0+s15+$0x0], $0xffff  }
0x142: {  	v62 =	vld.idx.msk [tilespmem:v1+s15+$0x0], $0xffff  }
0x143: {  	v7 =	vadd.s32 v25, v56;
	v6 =	vadd.s32 v39, v51;
	v0 =	vld.idx.msk [tilespmem:v4+s15+$0x0], $0xffff  }
0x144: {  	s4 =	sadd.s32 $0x4, s4;
	v3 =	vadd.s32 v26, v54;
	v5 =	vadd.s32 v24, v5;
	v4 =	vadd.s32 v17, v2;
	v1 =	vld.idx.msk [tilespmem:v8+s15+$0x0], $0xffff  }
0x145: {  	_ =	sdelay $0x3  }
0x146: {  	v6 =	vld.idx.msk [tilespmem:v6+s15+$0x0], $0xffff  }
0x147: {  	v8 =	vld [tilespmem:$0x1FDB0]  }
0x148: {  	v36 =	vld [tilespmem:$0x1FDC0]  }
0x149: {  	v15 =	vld [tilespmem:$0x1FDF0]  }
0x14a: {  	v12 =	vld [tilespmem:$0x1FDD0]  }
0x14b: {  	v9 =	vld [tilespmem:$0x1FDE0]  }
0x14c: {  	v3 =	vld.idx.msk [tilespmem:v3+s15+$0x0], $0xffff  }
0x14d: {  	v19 =	vmov v16;
	v16 =	vld [tilespmem:$0x1FE10];
	v2 =	vadd.s32 v8, v2  }
0x14e: {  	v8 =	vadd.s32 v36, v45;
	v51 =	vadd.s32 v15, v51;
	v15 =	vld [tilespmem:$0x1FE00]  }
0x14f: {  	v7 =	vld.idx.msk [tilespmem:v7+s15+$0x0], $0xffff;
	v10 =	vadd.s32 v12, v47  }
0x150: {  	v4 =	vld.idx.msk [tilespmem:v4+s15+$0x0], $0xffff;
	v9 =	vadd.s32 v9, v49  }
0x151: {  	v5 =	vld.idx.msk [tilespmem:v5+s15+$0x0], $0xffff  }
0x152: {  	v36 =	vadd.s32 v16, v56;
	v2 =	vld.idx.msk [tilespmem:v2+s15+$0x0], $0xffff  }
0x153: {  	v15 =	vadd.s32 v15, v54;
	v8 =	vld.idx.msk [tilespmem:v8+s15+$0x0], $0xffff  }
0x154: {  	v10 =	vld.idx.msk [tilespmem:v10+s15+$0x0], $0xffff  }
0x155: {  	v9 =	vld.idx.msk [tilespmem:v9+s15+$0x0], $0xffff  }
0x156: {  	v31 =	vmov v34;
	v34 =	vld.idx.msk [tilespmem:v51+s15+$0x0], $0xffff  }
0x157: {  	s4 =	sadd.s32 $0x200, s12;
	v36 =	vld.idx.msk [tilespmem:v36+s15+$0x0], $0xffff  }
0x158: {  	v35 =	vld.idx.msk [tilespmem:v15+s15+$0x0], $0xffff;
	[tilespmem:s4+$0xF0] =	vst v2  }
0x159: {  	[tilespmem:s4+$0xFFFFFF00] =	vst v40  }
0x15a: {  	[tilespmem:s4+$0xFFFFFF10] =	vst v41  }
0x15b: {  	[tilespmem:s4+$0xFFFFFF20] =	vst v42  }
0x15c: {  	[tilespmem:s4+$0xFFFFFF30] =	vst v43  }
0x15d: {  	[tilespmem:s4+$0xFFFFFF40] =	vst v44  }
0x15e: {  	[tilespmem:s4+$0xFFFFFF50] =	vst v46  }
0x15f: {  	[tilespmem:s4+$0xFFFFFF60] =	vst v48  }
0x160: {  	[tilespmem:s4+$0xFFFFFF70] =	vst v50  }
0x161: {  	[tilespmem:s4+$0xFFFFFF80] =	vst v52  }
0x162: {  	[tilespmem:s4+$0xFFFFFF90] =	vst v53  }
0x163: {  	[tilespmem:s4+$0xFFFFFFA0] =	vst v55  }
0x164: {  	[tilespmem:s4+$0xFFFFFFB0] =	vst v57  }
0x165: {  	[tilespmem:s4+$0xFFFFFFC0] =	vst v58  }
0x166: {  	[tilespmem:s4+$0xFFFFFFD0] =	vst v59  }
0x167: {  	[tilespmem:s4+$0xFFFFFFE0] =	vst v60  }
0x168: {  	[tilespmem:s4+$0xFFFFFFF0] =	vst v61  }
0x169: {  	[tilespmem:s4+$0x0] =	vst v62  }
0x16a: {  	[tilespmem:s4+$0x10] =	vst v63  }
0x16b: {  	[tilespmem:s4+$0x20] =	vst v0  }
0x16c: {  	[tilespmem:s4+$0x30] =	vst v1  }
0x16d: {  	[tilespmem:s4+$0x40] =	vst v6  }
0x16e: {  	[tilespmem:s4+$0x50] =	vst v3  }
0x16f: {  	[tilespmem:s4+$0x60] =	vst v7  }
0x170: {  	[tilespmem:s4+$0x70] =	vst v4  }
0x171: {  	[tilespmem:s4+$0x80] =	vst v5  }
0x172: {  	[tilespmem:s4+$0x90] =	vst v8  }
0x173: {  	p1 =	sne.s32 s9, $0x31;
	[tilespmem:s4+$0xA0] =	vst v10  }
.Ltmp1:
0x174: {  	[tilespmem:s4+$0xB0] =	vst v9;
	(pc) =	sbr.rel @p1 .LBB2_6-.Ltmp1, $4  }
0x175: {  	[tilespmem:s4+$0xC0] =	vst v34  }
0x176: {  	s12 =	sshll.u32 s9, $0x10;
	[tilespmem:s4+$0xE0] =	vst v36  }
0x177: {  	v17 =	vld [tilespmem:$0x1FF20];
	[tilespmem:s4+$0xD0] =	vst v35;
	s4 =	sadd.s32 s12, s5  }
0x178: {  	v26 =	vmov v11;
	v22 =	vmov v13;
	v20 =	vmov v14;
	v29 =	vld [tilespmem:$0x1FF10];
	[hbm4b:s4+s23] =	stream.strided.scatter [tilespmem:s24], [sflag:$0x5], $0x1000, s11, s23, $0x38  }
0x179: {  	_ =	swait.ge [sflag:s25], $0x4000  }
.Ltmp2:
0x17a: {  	v11 =	vld [tilespmem:$0x1FF00];
	(pc) =	sbr.rel .LBB2_7-.Ltmp2, $4  }
0x17b: {  	v13 =	vld [tilespmem:$0x1FE70]  }
0x17c: {  	v61 =	vld [tilespmem:$0x1FEB0]  }
0x17d: {  	[sflag:s25] =	ssyncset.done $0x0;
	v58 =	vld [tilespmem:$0x1FEC0]  }
0x17e: {  	v18 =	vmovc v19;
	v27 =	vmov v23;
	v34 =	vmov v37;
	v63 =	vmov v39;
	v30 =	vld [tilespmem:$0x1FEE0];
	[sflag:s25] =	ssyncadd.s32 $0xFFFFC000  }
.LBB2_6:
0x17f: {  	s2 =	sadd.s32 $0x4, s2  }
0x180: {  	s4 =	sshll.u32 s2, $0x7;
	s2 =	sshll.u32 s2, $0x5  }
0x181: {  	s4 =	sand.u32 $0xF000, s4;
	s2 =	sand.u32 $0x380, s2  }
0x182: {  	s2 =	sor.u32 s2, s4  }
0x183: {  	v0 =	vld [tilespmem:s2+$0x0];
	_ =	sdelay $0x4  }
0x184: {  	v1 =	vshra.s32 v0, $0x2;
	v0 =	vshll.u32 v0, $0x5  }
0x185: {  	[tilespmem:$0x7000] =	vst v1;
	v0 =	vand.u32 $0x60, v0  }
0x186: {  	[tilespmem:$0x7200] =	vst v0  }
0x187: {  	v0 =	vld [tilespmem:s2+$0x10];
	_ =	sdelay $0x4  }
0x188: {  	v57 =	vshra.s32 v0, $0x2;
	v0 =	vshll.u32 v0, $0x5  }
0x189: {  	[tilespmem:$0x7010] =	vst v57;
	v0 =	vand.u32 $0x60, v0  }
0x18a: {  	[tilespmem:$0x7210] =	vst v0  }
0x18b: {  	v0 =	vld [tilespmem:s2+$0x20];
	_ =	sdelay $0x4  }
0x18c: {  	v58 =	vshra.s32 v0, $0x2;
	v0 =	vshll.u32 v0, $0x5  }
0x18d: {  	[tilespmem:$0x7020] =	vst v58;
	v0 =	vand.u32 $0x60, v0  }
0x18e: {  	[tilespmem:$0x7220] =	vst v0  }
0x18f: {  	v0 =	vld [tilespmem:s2+$0x30];
	_ =	sdelay $0x4  }
0x190: {  	v59 =	vshra.s32 v0, $0x2;
	v0 =	vshll.u32 v0, $0x5  }
0x191: {  	[tilespmem:$0x7030] =	vst v59;
	v0 =	vand.u32 $0x60, v0  }
0x192: {  	[tilespmem:$0x7230] =	vst v0  }
0x193: {  	v0 =	vld [tilespmem:s2+$0x40];
	_ =	sdelay $0x4  }
0x194: {  	v60 =	vshra.s32 v0, $0x2;
	v0 =	vshll.u32 v0, $0x5  }
0x195: {  	[tilespmem:$0x7040] =	vst v60;
	v0 =	vand.u32 $0x60, v0  }
0x196: {  	[tilespmem:$0x7240] =	vst v0  }
0x197: {  	v0 =	vld [tilespmem:s2+$0x50];
	_ =	sdelay $0x4  }
0x198: {  	v61 =	vshra.s32 v0, $0x2;
	v0 =	vshll.u32 v0, $0x5  }
0x199: {  	[tilespmem:$0x7050] =	vst v61;
	v0 =	vand.u32 $0x60, v0  }
0x19a: {  	[tilespmem:$0x7250] =	vst v0  }
0x19b: {  	v0 =	vld [tilespmem:s2+$0x60];
	_ =	sdelay $0x4  }
0x19c: {  	v62 =	vshra.s32 v0, $0x2;
	v0 =	vshll.u32 v0, $0x5  }
0x19d: {  	[tilespmem:$0x7060] =	vst v62;
	v0 =	vand.u32 $0x60, v0  }
0x19e: {  	[tilespmem:$0x7260] =	vst v0  }
0x19f: {  	v0 =	vld [tilespmem:s2+$0x70];
	_ =	sdelay $0x4  }
0x1a0: {  	v63 =	vshra.s32 v0, $0x2;
	v0 =	vshll.u32 v0, $0x5  }
0x1a1: {  	[tilespmem:$0x7070] =	vst v63;
	v0 =	vand.u32 $0x60, v0  }
0x1a2: {  	[tilespmem:$0x7270] =	vst v0  }
0x1a3: {  	[tilespmem:s15], [sflag:$0x1] =	stream.indirect.gather [hbm4b:s3+s13], $0x80, s14, s13, $0xb8;
	[tilespmem:$0x1B400] =	vst v63  }
0x1a4: {  	_ =	swait.ge [sflag:s25], $0x4000  }
.Ltmp3:
0x1a5: {  	v11 =	vld [tilespmem:$0x1FF00];
	(pc) =	sbr.rel @p0 .LBB2_8-.Ltmp3, $4  }
0x1a6: {  	v13 =	vld [tilespmem:$0x1FE70]  }
0x1a7: {  	v61 =	vld [tilespmem:$0x1FEB0]  }
0x1a8: {  	[sflag:s25] =	ssyncset.done $0x0;
	v58 =	vld [tilespmem:$0x1FEC0]  }
0x1a9: {  	v18 =	vmovc v19;
	v27 =	vmov v23;
	v34 =	vmov v37;
	v63 =	vmov v39;
	v30 =	vld [tilespmem:$0x1FEE0];
	[sflag:s25] =	ssyncadd.s32 $0xFFFFC000  }
.LBB2_7:
0x1aa: {  	_ =	swait.ge [sflag:s26], $0x1000  }
0x1ab: {  	[sflag:s26] =	ssyncset.done $0x0  }
0x1ac: {  	[sflag:s26] =	ssyncadd.s32 $0xFFFFF000  }
.LBB2_8:
0x1ad: {  	v32 =	vld [tilespmem:$0x7280]  }
0x1ae: {  	v33 =	vld [tilespmem:$0x7290]  }
0x1af: {  	v9 =	vld [tilespmem:$0x72A0]  }
0x1b0: {  	v10 =	vld [tilespmem:$0x72B0]  }
0x1b1: {  	v24 =	vld [tilespmem:$0x72C0]  }
0x1b2: {  	v37 =	vld [tilespmem:$0x72D0]  }
0x1b3: {  	v15 =	vld [tilespmem:$0x72E0]  }
0x1b4: {  	v14 =	vld [tilespmem:$0x72F0]  }
0x1b5: {  	v19 =	vld [tilespmem:$0x1FFB0]  }
0x1b6: {  	v16 =	vld [tilespmem:$0x1FFC0]  }
0x1b7: {  	s2 =	simm.s32 $0x0;
	v23 =	vld [tilespmem:$0x1FFF0]  }
0x1b8: {  	v39 =	vld [tilespmem:$0x1FDC0];
	v0 =	vadd.s32 s2, v32;
	v2 =	vadd.s32 s2, v33;
	v8 =	vadd.s32 s2, v24  }
0x1b9: {  	v4 =	vadd.s32 s2, v9;
	v45 =	vadd.s32 s2, v14;
	v40 =	vadd.s32 v22, v8;
	v22 =	vld [tilespmem:$0x1FFA0]  }
0x1ba: {  	v36 =	vmovc v21;
	v6 =	vadd.s32 s2, v10;
	v1 =	vadd.s32 v29, v0;
	v46 =	vadd.s32 v21, v45;
	v21 =	vld [tilespmem:$0x1FFD0]  }
0x1bb: {  	v43 =	vadd.s32 s2, v15;
	v3 =	vadd.s32 v17, v2;
	v7 =	vadd.s32 v26, v6;
	v26 =	vld [tilespmem:$0x1FFE0]  }
0x1bc: {  	v35 =	vmovc v20;
	v5 =	vadd.s32 v20, v4;
	v44 =	vadd.s32 v31, v43;
	v54 =	vadd.s32 v27, v45;
	v29 =	vld [tilespmem:$0x1FDB0]  }
0x1bd: {  	v20 =	vmovc v31;
	v57 =	vadd.s32 v61, v4;
	v27 =	vmovc v61;
	v61 =	vadd.s32 v25, v43;
	v31 =	vmov v25;
	v25 =	vld [tilespmem:$0x1FDE0]  }
0x1be: {  	v41 =	vadd.s32 s2, v37;
	v55 =	vadd.s32 v38, v0;
	v38 =	vmovc v11;
	v62 =	vadd.s32 v11, v45;
	v11 =	vld [tilespmem:$0x1FDF0]  }
0x1bf: {  	v42 =	vadd.s32 v18, v41;
	v1 =	vld.idx.msk [tilespmem:v1+s17+$0x0], $0xffff  }
0x1c0: {  	v3 =	vld.idx.msk [tilespmem:v3+s17+$0x0], $0xffff  }
0x1c1: {  	v5 =	vld.idx.msk [tilespmem:v5+s17+$0x0], $0xffff  }
0x1c2: {  	v47 =	vadd.s32 v28, v0;
	v7 =	vld.idx.msk [tilespmem:v7+s17+$0x0], $0xffff  }
0x1c3: {  	v49 =	vadd.s32 v19, v4;
	v40 =	vld.idx.msk [tilespmem:v40+s17+$0x0], $0xffff  }
0x1c4: {  	v50 =	vadd.s32 v16, v6;
	v42 =	vld.idx.msk [tilespmem:v42+s17+$0x0], $0xffff  }
0x1c5: {  	v53 =	vadd.s32 v23, v43;
	v44 =	vld.idx.msk [tilespmem:v44+s17+$0x0], $0xffff  }
0x1c6: {  	v46 =	vld.idx.msk [tilespmem:v46+s17+$0x0], $0xffff  }
0x1c7: {  	v47 =	vld.idx.msk [tilespmem:v47+s17+$0x0], $0xffff  }
0x1c8: {  	v56 =	vadd.s32 v34, v2;
	v49 =	vld.idx.msk [tilespmem:v49+s17+$0x0], $0xffff  }
0x1c9: {  	v50 =	vld.idx.msk [tilespmem:v50+s17+$0x0], $0xffff  }
0x1ca: {  	v17 =	vmov v28;
	v28 =	vmov v58;
	v58 =	vadd.s32 v58, v6;
	v53 =	vld.idx.msk [tilespmem:v53+s17+$0x0], $0xffff  }
0x1cb: {  	v59 =	vadd.s32 v63, v8;
	v54 =	vld.idx.msk [tilespmem:v54+s17+$0x0], $0xffff  }
0x1cc: {  	v60 =	vadd.s32 v30, v41;
	v55 =	vld.idx.msk [tilespmem:v55+s17+$0x0], $0xffff  }
0x1cd: {  	v56 =	vld.idx.msk [tilespmem:v56+s17+$0x0], $0xffff  }
0x1ce: {  	v57 =	vld.idx.msk [tilespmem:v57+s17+$0x0], $0xffff  }
0x1cf: {  	v0 =	vadd.s32 v13, v0;
	v58 =	vld.idx.msk [tilespmem:v58+s17+$0x0], $0xffff  }
0x1d0: {  	v59 =	vld.idx.msk [tilespmem:v59+s17+$0x0], $0xffff  }
0x1d1: {  	v60 =	vld.idx.msk [tilespmem:v60+s17+$0x0], $0xffff  }
0x1d2: {  	v4 =	vadd.s32 v12, v4;
	v61 =	vld.idx.msk [tilespmem:v61+s17+$0x0], $0xffff  }
0x1d3: {  	v48 =	vadd.s32 v22, v2;
	v62 =	vld.idx.msk [tilespmem:v62+s17+$0x0], $0xffff  }
0x1d4: {  	v51 =	vadd.s32 v21, v8;
	v0 =	vld.idx.msk [tilespmem:v0+s17+$0x0], $0xffff  }
0x1d5: {  	v52 =	vadd.s32 v26, v41;
	v45 =	vadd.s32 v29, v45;
	v29 =	vld [tilespmem:$0x1FE00]  }
0x1d6: {  	v8 =	vadd.s32 v11, v8;
	v11 =	vld [tilespmem:$0x1FE10]  }
0x1d7: {  	v2 =	vadd.s32 v39, v2;
	v4 =	vld.idx.msk [tilespmem:v4+s17+$0x0], $0xffff  }
0x1d8: {  	v6 =	vadd.s32 v25, v6;
	v48 =	vld.idx.msk [tilespmem:v48+s17+$0x0], $0xffff  }
0x1d9: {  	v51 =	vld.idx.msk [tilespmem:v51+s17+$0x0], $0xffff  }
0x1da: {  	v52 =	vld.idx.msk [tilespmem:v52+s17+$0x0], $0xffff;
	v41 =	vadd.s32 v29, v41  }
0x1db: {  	[tilespmem:$0x1FD30] =	vst v32;
	v45 =	vld.idx.msk [tilespmem:v45+s17+$0x0], $0xffff;
	v43 =	vadd.s32 v11, v43  }
0x1dc: {  	[tilespmem:$0x1FD40] =	vst v33;
	v2 =	vld.idx.msk [tilespmem:v2+s17+$0x0], $0xffff  }
0x1dd: {  	[tilespmem:$0x1FD50] =	vst v9;
	v6 =	vld.idx.msk [tilespmem:v6+s17+$0x0], $0xffff  }
0x1de: {  	[tilespmem:$0x1FD60] =	vst v10;
	v29 =	vmov v63;
	v63 =	vld.idx.msk [tilespmem:v8+s17+$0x0], $0xffff  }
0x1df: {  	s2 =	simm.s32 $0x185F0;
	[tilespmem:$0x1FD70] =	vst v24;
	v41 =	vld.idx.msk [tilespmem:v41+s17+$0x0], $0xffff  }
0x1e0: {  	v43 =	vld.idx.msk [tilespmem:v43+s17+$0x0], $0xffff;
	[tilespmem:s2+$0x0] =	vst v45  }
0x1e1: {  	[tilespmem:s2+$0xFFFFFE10] =	vst v1  }
0x1e2: {  	[tilespmem:s2+$0xFFFFFE20] =	vst v3  }
0x1e3: {  	[tilespmem:s2+$0xFFFFFE30] =	vst v5  }
0x1e4: {  	[tilespmem:s2+$0xFFFFFE40] =	vst v7  }
0x1e5: {  	[tilespmem:s2+$0xFFFFFE50] =	vst v40  }
0x1e6: {  	[tilespmem:s2+$0xFFFFFE60] =	vst v42  }
0x1e7: {  	[tilespmem:s2+$0xFFFFFE70] =	vst v44  }
0x1e8: {  	[tilespmem:s2+$0xFFFFFE80] =	vst v46  }
0x1e9: {  	[tilespmem:s2+$0xFFFFFE90] =	vst v47  }
0x1ea: {  	[tilespmem:s2+$0xFFFFFEA0] =	vst v48  }
0x1eb: {  	[tilespmem:s2+$0xFFFFFEB0] =	vst v49  }
0x1ec: {  	[tilespmem:s2+$0xFFFFFEC0] =	vst v50  }
0x1ed: {  	[tilespmem:s2+$0xFFFFFED0] =	vst v51  }
0x1ee: {  	[tilespmem:s2+$0xFFFFFEE0] =	vst v52  }
0x1ef: {  	[tilespmem:s2+$0xFFFFFEF0] =	vst v53  }
0x1f0: {  	[tilespmem:s2+$0xFFFFFF00] =	vst v54  }
0x1f1: {  	[tilespmem:s2+$0xFFFFFF10] =	vst v55  }
0x1f2: {  	[tilespmem:s2+$0xFFFFFF20] =	vst v56  }
0x1f3: {  	[tilespmem:s2+$0xFFFFFF30] =	vst v57  }
0x1f4: {  	[tilespmem:s2+$0xFFFFFF40] =	vst v58  }
0x1f5: {  	[tilespmem:s2+$0xFFFFFF50] =	vst v59  }
0x1f6: {  	v11 =	vld [tilespmem:$0x1FF10];
	[tilespmem:s2+$0xFFFFFF60] =	vst v60  }
0x1f7: {  	s4 =	simm.s32 $0x4;
	[tilespmem:s2+$0xFFFFFF70] =	vst v61  }
0x1f8: {  	v8 =	vadd.s32 s4, v32;
	v32 =	vld [tilespmem:$0x1FF40];
	[tilespmem:s2+$0xFFFFFF80] =	vst v62  }
0x1f9: {  	[tilespmem:s2+$0xFFFFFF90] =	vst v0;
	v45 =	vadd.s32 s4, v33;
	v33 =	vld [tilespmem:$0x1FF20]  }
0x1fa: {  	[tilespmem:s2+$0xFFFFFFA0] =	vst v2;
	v47 =	vadd.s32 s4, v9;
	v9 =	vld [tilespmem:$0x1FF50]  }
0x1fb: {  	v0 =	vadd.s32 v11, v8;
	[tilespmem:s2+$0xFFFFFFB0] =	vst v4  }
0x1fc: {  	[tilespmem:s2+$0xFFFFFFC0] =	vst v6;
	v49 =	vadd.s32 s4, v10;
	v3 =	vadd.s32 v35, v47  }
0x1fd: {  	[tilespmem:s2+$0xFFFFFFD0] =	vst v63;
	v4 =	vadd.s32 v32, v49  }
0x1fe: {  	v51 =	vadd.s32 s4, v24;
	v24 =	vld [tilespmem:$0x1FE80];
	v1 =	vadd.s32 v33, v45;
	[tilespmem:s2+$0xFFFFFFE0] =	vst v41  }
0x1ff: {  	v54 =	vadd.s32 s4, v37;
	v10 =	vld [tilespmem:$0x1FE90];
	v5 =	vadd.s32 v9, v51;
	[tilespmem:s2+$0xFFFFFFF0] =	vst v43  }
0x200: {  	v2 =	vadd.s32 s4, v14;
	v40 =	vld.idx.msk [tilespmem:v0+s17+$0x0], $0xffff;
	v0 =	vadd.s32 v18, v54  }
0x201: {  	v42 =	vld.idx.msk [tilespmem:v3+s17+$0x0], $0xffff;
	v3 =	vadd.s32 v36, v2  }
0x202: {  	v56 =	vadd.s32 s4, v15;
	v43 =	vld.idx.msk [tilespmem:v4+s17+$0x0], $0xffff;
	v4 =	vadd.s32 v17, v8  }
0x203: {  	v41 =	vld.idx.msk [tilespmem:v1+s17+$0x0], $0xffff;
	v1 =	vadd.s32 v20, v56  }
0x204: {  	v44 =	vld.idx.msk [tilespmem:v5+s17+$0x0], $0xffff;
	v5 =	vadd.s32 v22, v45  }
0x205: {  	v46 =	vld.idx.msk [tilespmem:v0+s17+$0x0], $0xffff;
	v0 =	vadd.s32 v19, v47  }
0x206: {  	v50 =	vld.idx.msk [tilespmem:v3+s17+$0x0], $0xffff;
	v3 =	vadd.s32 v21, v51  }
0x207: {  	v52 =	vld.idx.msk [tilespmem:v4+s17+$0x0], $0xffff;
	v4 =	vadd.s32 v26, v54  }
0x208: {  	v48 =	vld.idx.msk [tilespmem:v1+s17+$0x0], $0xffff;
	v1 =	vadd.s32 v16, v49  }
0x209: {  	v53 =	vld.idx.msk [tilespmem:v5+s17+$0x0], $0xffff;
	v5 =	vadd.s32 v23, v56  }
0x20a: {  	v55 =	vld.idx.msk [tilespmem:v0+s17+$0x0], $0xffff;
	v0 =	vadd.s32 v24, v2  }
0x20b: {  	v58 =	vld.idx.msk [tilespmem:v3+s17+$0x0], $0xffff;
	v3 =	vadd.s32 v34, v45  }
0x20c: {  	v59 =	vld.idx.msk [tilespmem:v4+s17+$0x0], $0xffff;
	v4 =	vadd.s32 v27, v47  }
0x20d: {  	v57 =	vld.idx.msk [tilespmem:v1+s17+$0x0], $0xffff;
	v1 =	vadd.s32 v10, v8  }
0x20e: {  	[tilespmem:$0x1FDA0] =	vst v14;
	v14 =	vadd.s32 v28, v49;
	v60 =	vld.idx.msk [tilespmem:v5+s17+$0x0], $0xffff  }
0x20f: {  	[tilespmem:$0x1FD80] =	vst v37;
	v61 =	vld.idx.msk [tilespmem:v0+s17+$0x0], $0xffff  }
0x210: {  	[tilespmem:$0x1FD90] =	vst v15;
	v15 =	vmov v20;
	v7 =	vadd.s32 v29, v51;
	v63 =	vld.idx.msk [tilespmem:v3+s17+$0x0], $0xffff  }
0x211: {  	v37 =	vmovc v13;
	v6 =	vadd.s32 v31, v56;
	v20 =	vmovc v16;
	v16 =	vmov v36;
	v36 =	vmov v38;
	v0 =	vld.idx.msk [tilespmem:v4+s17+$0x0], $0xffff  }
0x212: {  	v5 =	vadd.s32 v30, v54;
	v3 =	vadd.s32 v38, v2;
	v4 =	vadd.s32 v13, v8;
	v62 =	vld.idx.msk [tilespmem:v1+s17+$0x0], $0xffff  }
0x213: {  	s4 =	simm.s32 $0x8;
	v38 =	vmovc v25;
	v25 =	vmovc v10;
	v13 =	vmov v9;
	v1 =	vld.idx.msk [tilespmem:v14+s17+$0x0], $0xffff;
	v14 =	vmov v33;
	v33 =	vmov v11  }
.LBB2_9:
0x214: {  	v8 =	vld [tilespmem:$0x1FDB0]  }
0x215: {  	v9 =	vld [tilespmem:$0x1FDF0];
	_ =	sdelay $0x3  }
0x216: {  	v2 =	vadd.s32 v8, v2;
	v8 =	vadd.s32 v39, v45  }
0x217: {  	v45 =	vadd.s32 v12, v47;
	v47 =	vadd.s32 v38, v49;
	v49 =	vadd.s32 v9, v51;
	v51 =	vld [tilespmem:$0x1FE00];
	_ =	sdelay $0x2  }
0x218: {  	v7 =	vld.idx.msk [tilespmem:v7+s17+$0x0], $0xffff  }
0x219: {  	v5 =	vld.idx.msk [tilespmem:v5+s17+$0x0], $0xffff  }
0x21a: {  	v51 =	vadd.s32 v51, v54;
	v54 =	vld [tilespmem:$0x1FE10]  }
0x21b: {  	v6 =	vld.idx.msk [tilespmem:v6+s17+$0x0], $0xffff  }
0x21c: {  	v3 =	vld.idx.msk [tilespmem:v3+s17+$0x0], $0xffff  }
0x21d: {  	v4 =	vld.idx.msk [tilespmem:v4+s17+$0x0], $0xffff  }
0x21e: {  	v2 =	vld.idx.msk [tilespmem:v2+s17+$0x0], $0xffff  }
0x21f: {  	v8 =	vld.idx.msk [tilespmem:v8+s17+$0x0], $0xffff;
	v54 =	vadd.s32 v54, v56  }
0x220: {  	v9 =	vld.idx.msk [tilespmem:v47+s17+$0x0], $0xffff  }
0x221: {  	v10 =	vld.idx.msk [tilespmem:v49+s17+$0x0], $0xffff  }
0x222: {  	v56 =	vld.idx.msk [tilespmem:v45+s17+$0x0], $0xffff  }
0x223: {  	s2 =	sadd.s32 $0x200, s2;
	v11 =	vld.idx.msk [tilespmem:v51+s17+$0x0], $0xffff  }
0x224: {  	v12 =	vld.idx.msk [tilespmem:v54+s17+$0x0], $0xffff;
	[tilespmem:s2+$0x0] =	vst v2  }
0x225: {  	[tilespmem:s2+$0xFFFFFE10] =	vst v40  }
0x226: {  	[tilespmem:s2+$0xFFFFFE20] =	vst v41  }
0x227: {  	[tilespmem:s2+$0xFFFFFE30] =	vst v42  }
0x228: {  	[tilespmem:s2+$0xFFFFFE40] =	vst v43  }
0x229: {  	[tilespmem:s2+$0xFFFFFE50] =	vst v44;
	v2 =	vld [tilespmem:$0x1FD50]  }
0x22a: {  	[tilespmem:s2+$0xFFFFFE60] =	vst v46  }
0x22b: {  	[tilespmem:s2+$0xFFFFFE70] =	vst v48  }
0x22c: {  	[tilespmem:s2+$0xFFFFFE80] =	vst v50  }
0x22d: {  	[tilespmem:s2+$0xFFFFFE90] =	vst v52  }
0x22e: {  	[tilespmem:s2+$0xFFFFFEA0] =	vst v53;
	v47 =	vadd.s32 s4, v2;
	v2 =	vld [tilespmem:$0x1FD60]  }
0x22f: {  	[tilespmem:s2+$0xFFFFFEB0] =	vst v55  }
0x230: {  	[tilespmem:s2+$0xFFFFFEC0] =	vst v57  }
0x231: {  	[tilespmem:s2+$0xFFFFFED0] =	vst v58  }
0x232: {  	[tilespmem:s2+$0xFFFFFEE0] =	vst v59  }
0x233: {  	[tilespmem:s2+$0xFFFFFEF0] =	vst v60;
	v49 =	vadd.s32 s4, v2;
	v2 =	vld [tilespmem:$0x1FD70]  }
0x234: {  	[tilespmem:s2+$0xFFFFFF00] =	vst v61  }
0x235: {  	[tilespmem:s2+$0xFFFFFF10] =	vst v62  }
0x236: {  	[tilespmem:s2+$0xFFFFFF20] =	vst v63  }
0x237: {  	[tilespmem:s2+$0xFFFFFF30] =	vst v0  }
0x238: {  	[tilespmem:s2+$0xFFFFFF40] =	vst v1;
	v51 =	vadd.s32 s4, v2;
	v2 =	vld [tilespmem:$0x1FD80]  }
0x239: {  	[tilespmem:s2+$0xFFFFFF50] =	vst v7;
	v0 =	vld [tilespmem:$0x1FD30]  }
0x23a: {  	[tilespmem:s2+$0xFFFFFF60] =	vst v5  }
0x23b: {  	[tilespmem:s2+$0xFFFFFF70] =	vst v6;
	v1 =	vld [tilespmem:$0x1FD40]  }
0x23c: {  	[tilespmem:s2+$0xFFFFFF80] =	vst v3  }
0x23d: {  	[tilespmem:s2+$0xFFFFFF90] =	vst v4;
	v54 =	vadd.s32 s4, v2;
	v2 =	vld [tilespmem:$0x1FD90]  }
0x23e: {  	[tilespmem:s2+$0xFFFFFFA0] =	vst v8;
	v4 =	vadd.s32 s4, v0  }
0x23f: {  	[tilespmem:s2+$0xFFFFFFB0] =	vst v56;
	v0 =	vadd.s32 v33, v4  }
0x240: {  	[tilespmem:s2+$0xFFFFFFC0] =	vst v9;
	v45 =	vadd.s32 s4, v1;
	v5 =	vadd.s32 v32, v49  }
0x241: {  	[tilespmem:s2+$0xFFFFFFD0] =	vst v10;
	v1 =	vadd.s32 v14, v45  }
0x242: {  	[tilespmem:s2+$0xFFFFFFE0] =	vst v11;
	v6 =	vadd.s32 v13, v51;
	v56 =	vadd.s32 s4, v2;
	v2 =	vld [tilespmem:$0x1FDA0]  }
0x243: {  	[tilespmem:s2+$0xFFFFFFF0] =	vst v12;
	v12 =	vld [tilespmem:$0x1FDD0];
	v3 =	vadd.s32 v35, v47  }
0x244: {  	v40 =	vld.idx.msk [tilespmem:v0+s17+$0x0], $0xffff;
	v0 =	vadd.s32 v18, v54  }
0x245: {  	v43 =	vld.idx.msk [tilespmem:v5+s17+$0x0], $0xffff;
	v5 =	vadd.s32 v17, v4  }
0x246: {  	v41 =	vld.idx.msk [tilespmem:v1+s17+$0x0], $0xffff;
	v1 =	vadd.s32 v15, v56  }
0x247: {  	v44 =	vld.idx.msk [tilespmem:v6+s17+$0x0], $0xffff;
	v6 =	vadd.s32 v22, v45;
	v2 =	vadd.s32 s4, v2  }
0x248: {  	v42 =	vld.idx.msk [tilespmem:v3+s17+$0x0], $0xffff;
	v3 =	vadd.s32 v16, v2  }
0x249: {  	v46 =	vld.idx.msk [tilespmem:v0+s17+$0x0], $0xffff;
	v0 =	vadd.s32 v19, v47  }
0x24a: {  	v52 =	vld.idx.msk [tilespmem:v5+s17+$0x0], $0xffff;
	v5 =	vadd.s32 v26, v54  }
0x24b: {  	v48 =	vld.idx.msk [tilespmem:v1+s17+$0x0], $0xffff;
	v1 =	vadd.s32 v20, v49  }
0x24c: {  	v53 =	vld.idx.msk [tilespmem:v6+s17+$0x0], $0xffff;
	v6 =	vadd.s32 v23, v56  }
0x24d: {  	v50 =	vld.idx.msk [tilespmem:v3+s17+$0x0], $0xffff;
	v3 =	vadd.s32 v21, v51  }
0x24e: {  	v55 =	vld.idx.msk [tilespmem:v0+s17+$0x0], $0xffff;
	v0 =	vadd.s32 v24, v2  }
0x24f: {  	v8 =	vadd.s32 v27, v47;
	v59 =	vld.idx.msk [tilespmem:v5+s17+$0x0], $0xffff  }
0x250: {  	v57 =	vld.idx.msk [tilespmem:v1+s17+$0x0], $0xffff;
	v1 =	vadd.s32 v25, v4  }
0x251: {  	v9 =	vadd.s32 v28, v49;
	v60 =	vld.idx.msk [tilespmem:v6+s17+$0x0], $0xffff  }
0x252: {  	p2 =	sne.s32 s4, $0x1C;
	v58 =	vld.idx.msk [tilespmem:v3+s17+$0x0], $0xffff;
	v3 =	vadd.s32 v34, v45  }
.Ltmp4:
0x253: {  	v61 =	vld.idx.msk [tilespmem:v0+s17+$0x0], $0xffff;
	(pc) =	sbr.rel @p2 .LBB2_9-.Ltmp4, $4  }
0x254: {  	v0 =	vld.idx.msk [tilespmem:v8+s17+$0x0], $0xffff  }
0x255: {  	v62 =	vld.idx.msk [tilespmem:v1+s17+$0x0], $0xffff  }
0x256: {  	v7 =	vadd.s32 v29, v51;
	v5 =	vadd.s32 v30, v54;
	v1 =	vld.idx.msk [tilespmem:v9+s17+$0x0], $0xffff  }
0x257: {  	s4 =	sadd.s32 $0x4, s4;
	v6 =	vadd.s32 v31, v56;
	v4 =	vadd.s32 v37, v4;
	v63 =	vld.idx.msk [tilespmem:v3+s17+$0x0], $0xffff;
	v3 =	vadd.s32 v36, v2  }
0x258: {  	v8 =	vld [tilespmem:$0x1FDB0]  }
0x259: {  	v13 =	vld [tilespmem:$0x1FDF0]  }
0x25a: {  	v17 =	vld [tilespmem:$0x1FE00];
	_ =	sdelay $0x2  }
0x25b: {  	v7 =	vld.idx.msk [tilespmem:v7+s17+$0x0], $0xffff  }
0x25c: {  	v5 =	vld.idx.msk [tilespmem:v5+s17+$0x0], $0xffff;
	v45 =	vadd.s32 v39, v45  }
0x25d: {  	v2 =	vadd.s32 v8, v2;
	v11 =	vadd.s32 v13, v51;
	v51 =	vadd.s32 v17, v54;
	v54 =	vld [tilespmem:$0x1FE10]  }
0x25e: {  	v6 =	vld.idx.msk [tilespmem:v6+s17+$0x0], $0xffff;
	v9 =	vadd.s32 v12, v47  }
0x25f: {  	v3 =	vld.idx.msk [tilespmem:v3+s17+$0x0], $0xffff;
	v10 =	vadd.s32 v38, v49  }
0x260: {  	v4 =	vld.idx.msk [tilespmem:v4+s17+$0x0], $0xffff  }
0x261: {  	v8 =	vld.idx.msk [tilespmem:v45+s17+$0x0], $0xffff  }
0x262: {  	v2 =	vld.idx.msk [tilespmem:v2+s17+$0x0], $0xffff;
	v32 =	vadd.s32 v54, v56  }
0x263: {  	v9 =	vld.idx.msk [tilespmem:v9+s17+$0x0], $0xffff  }
0x264: {  	v10 =	vld.idx.msk [tilespmem:v10+s17+$0x0], $0xffff  }
0x265: {  	v11 =	vld.idx.msk [tilespmem:v11+s17+$0x0], $0xffff  }
0x266: {  	s2 =	sadd.s32 $0x200, s2;
	v12 =	vld.idx.msk [tilespmem:v51+s17+$0x0], $0xffff  }
0x267: {  	v32 =	vld.idx.msk [tilespmem:v32+s17+$0x0], $0xffff;
	[tilespmem:s2+$0x0] =	vst v2  }
0x268: {  	[tilespmem:s2+$0xFFFFFE10] =	vst v40  }
0x269: {  	[tilespmem:s2+$0xFFFFFE20] =	vst v41  }
0x26a: {  	[tilespmem:s2+$0xFFFFFE30] =	vst v42  }
0x26b: {  	[tilespmem:s2+$0xFFFFFE40] =	vst v43  }
0x26c: {  	[tilespmem:s2+$0xFFFFFE50] =	vst v44  }
0x26d: {  	[tilespmem:s2+$0xFFFFFE60] =	vst v46  }
0x26e: {  	[tilespmem:s2+$0xFFFFFE70] =	vst v48  }
0x26f: {  	[tilespmem:s2+$0xFFFFFE80] =	vst v50  }
0x270: {  	[tilespmem:s2+$0xFFFFFE90] =	vst v52  }
0x271: {  	[tilespmem:s2+$0xFFFFFEA0] =	vst v53  }
0x272: {  	[tilespmem:s2+$0xFFFFFEB0] =	vst v55  }
0x273: {  	[tilespmem:s2+$0xFFFFFEC0] =	vst v57  }
0x274: {  	[tilespmem:s2+$0xFFFFFED0] =	vst v58  }
0x275: {  	[tilespmem:s2+$0xFFFFFEE0] =	vst v59  }
0x276: {  	[tilespmem:s2+$0xFFFFFEF0] =	vst v60  }
0x277: {  	[tilespmem:s2+$0xFFFFFF00] =	vst v61  }
0x278: {  	[tilespmem:s2+$0xFFFFFF10] =	vst v62  }
0x279: {  	[tilespmem:s2+$0xFFFFFF20] =	vst v63  }
0x27a: {  	[tilespmem:s2+$0xFFFFFF30] =	vst v0  }
0x27b: {  	[tilespmem:s2+$0xFFFFFF40] =	vst v1  }
0x27c: {  	[tilespmem:s2+$0xFFFFFF50] =	vst v7  }
0x27d: {  	[tilespmem:s2+$0xFFFFFF60] =	vst v5  }
0x27e: {  	[tilespmem:s2+$0xFFFFFF70] =	vst v6  }
0x27f: {  	[tilespmem:s2+$0xFFFFFF80] =	vst v3  }
0x280: {  	[tilespmem:s2+$0xFFFFFF90] =	vst v4  }
0x281: {  	[tilespmem:s2+$0xFFFFFFA0] =	vst v8  }
0x282: {  	[tilespmem:s2+$0xFFFFFFB0] =	vst v9  }
.Ltmp5:
0x283: {  	[tilespmem:s2+$0xFFFFFFC0] =	vst v10;
	(pc) =	sbr.rel @p1 .LBB2_12-.Ltmp5, $4  }
0x284: {  	[tilespmem:s2+$0xFFFFFFD0] =	vst v11  }
0x285: {  	[tilespmem:s2+$0xFFFFFFE0] =	vst v12  }
0x286: {  	s4 =	sadd.s32 s12, s6;
	[tilespmem:s2+$0xFFFFFFF0] =	vst v32  }
0x287: {  	[hbm4b:s4+s23] =	stream.strided.scatter [tilespmem:s28], [sflag:$0x6], $0x1000, s11, s23, $0x38;
	[tilespmem:$0x1B400] =	vst v63  }
.Ltmp6:
0x288: {  	(pc) =	sbr.rel .LBB2_13-.Ltmp6, $4  }
0x289: {  	_ = 	snop  }
0x28a: {  	_ =	swait.ge [sflag:s29], $0x4000  }
0x28b: {  	[sflag:s29] =	ssyncset.done $0x0  }
0x28c: {  	v13 =	vld [tilespmem:$0x1FF10];
	[sflag:s29] =	ssyncadd.s32 $0xFFFFC000  }
.LBB2_12:
0x28d: {  	s2 =	sadd.s32 $0x1, s9  }
0x28e: {  	s4 =	sshll.u32 s2, $0x9;
	s2 =	sshll.u32 s2, $0x7  }
0x28f: {  	s4 =	sand.u32 $0xF000, s4;
	s2 =	sand.u32 $0x380, s2  }
0x290: {  	s2 =	sor.u32 s2, s4  }
0x291: {  	v0 =	vld [tilespmem:s2+$0x400];
	_ =	sdelay $0x4  }
0x292: {  	v1 =	vshra.s32 v0, $0x2;
	v0 =	vshll.u32 v0, $0x5  }
0x293: {  	[tilespmem:$0x7080] =	vst v1;
	v0 =	vand.u32 $0x60, v0  }
0x294: {  	[tilespmem:$0x7280] =	vst v0  }
0x295: {  	v0 =	vld [tilespmem:s2+$0x410];
	_ =	sdelay $0x4  }
0x296: {  	v57 =	vshra.s32 v0, $0x2;
	v0 =	vshll.u32 v0, $0x5  }
0x297: {  	[tilespmem:$0x7090] =	vst v57;
	v0 =	vand.u32 $0x60, v0  }
0x298: {  	[tilespmem:$0x7290] =	vst v0  }
0x299: {  	v0 =	vld [tilespmem:s2+$0x420];
	_ =	sdelay $0x4  }
0x29a: {  	v58 =	vshra.s32 v0, $0x2;
	v0 =	vshll.u32 v0, $0x5  }
0x29b: {  	[tilespmem:$0x70A0] =	vst v58;
	v0 =	vand.u32 $0x60, v0  }
0x29c: {  	[tilespmem:$0x72A0] =	vst v0  }
0x29d: {  	v0 =	vld [tilespmem:s2+$0x430];
	_ =	sdelay $0x4  }
0x29e: {  	v59 =	vshra.s32 v0, $0x2;
	v0 =	vshll.u32 v0, $0x5  }
0x29f: {  	[tilespmem:$0x70B0] =	vst v59;
	v0 =	vand.u32 $0x60, v0  }
0x2a0: {  	[tilespmem:$0x72B0] =	vst v0  }
0x2a1: {  	v0 =	vld [tilespmem:s2+$0x440];
	_ =	sdelay $0x4  }
0x2a2: {  	v60 =	vshra.s32 v0, $0x2;
	v0 =	vshll.u32 v0, $0x5  }
0x2a3: {  	[tilespmem:$0x70C0] =	vst v60;
	v0 =	vand.u32 $0x60, v0  }
0x2a4: {  	[tilespmem:$0x72C0] =	vst v0  }
0x2a5: {  	v0 =	vld [tilespmem:s2+$0x450];
	_ =	sdelay $0x4  }
0x2a6: {  	v61 =	vshra.s32 v0, $0x2;
	v0 =	vshll.u32 v0, $0x5  }
0x2a7: {  	[tilespmem:$0x70D0] =	vst v61;
	v0 =	vand.u32 $0x60, v0  }
0x2a8: {  	[tilespmem:$0x72D0] =	vst v0  }
0x2a9: {  	v0 =	vld [tilespmem:s2+$0x460];
	_ =	sdelay $0x4  }
0x2aa: {  	v62 =	vshra.s32 v0, $0x2;
	v0 =	vshll.u32 v0, $0x5  }
0x2ab: {  	[tilespmem:$0x70E0] =	vst v62;
	v0 =	vand.u32 $0x60, v0  }
0x2ac: {  	[tilespmem:$0x72E0] =	vst v0  }
0x2ad: {  	v0 =	vld [tilespmem:s2+$0x470];
	_ =	sdelay $0x4  }
0x2ae: {  	v63 =	vshra.s32 v0, $0x2;
	v0 =	vshll.u32 v0, $0x5  }
0x2af: {  	[tilespmem:$0x70F0] =	vst v63;
	v0 =	vand.u32 $0x60, v0  }
.Ltmp7:
0x2b0: {  	[tilespmem:$0x72F0] =	vst v0;
	(pc) =	sbr.rel @p0 .LBB2_14-.Ltmp7, $4  }
0x2b1: {  	[tilespmem:s17], [sflag:$0x2] =	stream.indirect.gather [hbm4b:s3+s13], $0x80, s16, s13, $0xb8;
	[tilespmem:$0x1B400] =	vst v63  }
0x2b2: {  	_ =	swait.ge [sflag:s29], $0x4000  }
0x2b3: {  	[sflag:s29] =	ssyncset.done $0x0  }
0x2b4: {  	v13 =	vld [tilespmem:$0x1FF10];
	[sflag:s29] =	ssyncadd.s32 $0xFFFFC000  }
.LBB2_13:
0x2b5: {  	_ =	swait.ge [sflag:s30], $0x1000  }
0x2b6: {  	[sflag:s30] =	ssyncset.done $0x0  }
0x2b7: {  	[sflag:s30] =	ssyncadd.s32 $0xFFFFF000  }
.LBB2_14:
0x2b8: {  	v28 =	vld [tilespmem:$0x7300];
	_ =	sdelay $0x3  }
0x2b9: {  	s2 =	simm.s32 $0x0  }
0x2ba: {  	v27 =	vld [tilespmem:$0x7310];
	v0 =	vadd.s32 s2, v28  }
0x2bb: {  	v19 =	vmov v13;
	v1 =	vadd.s32 v13, v0;
	v13 =	vld [tilespmem:$0x1FEA0];
	_ =	sdelay $0x3  }
0x2bc: {  	v16 =	vld [tilespmem:$0x7320];
	v2 =	vadd.s32 s2, v27  }
0x2bd: {  	v52 =	vadd.s32 v13, v2;
	v13 =	vld [tilespmem:$0x1FEB0]  }
0x2be: {  	v15 =	vld [tilespmem:$0x7330]  }
0x2bf: {  	v24 =	vld [tilespmem:$0x7340]  }
0x2c0: {  	v33 =	vld [tilespmem:$0x7350]  }
0x2c1: {  	v30 =	vld [tilespmem:$0x7360];
	v4 =	vadd.s32 s2, v16  }
0x2c2: {  	v53 =	vadd.s32 v13, v4;
	v13 =	vld [tilespmem:$0x1FEC0]  }
0x2c3: {  	v32 =	vld [tilespmem:$0x7370]  }
0x2c4: {  	v20 =	vld [tilespmem:$0x1FF20]  }
0x2c5: {  	v21 =	vld [tilespmem:$0x1FF30]  }
0x2c6: {  	v22 =	vld [tilespmem:$0x1FF40];
	v6 =	vadd.s32 s2, v15  }
0x2c7: {  	v54 =	vadd.s32 v13, v6;
	v13 =	vld [tilespmem:$0x1FEE0]  }
0x2c8: {  	v23 =	vld [tilespmem:$0x1FF50]  }
0x2c9: {  	v25 =	vld [tilespmem:$0x1FF60]  }
0x2ca: {  	v26 =	vld [tilespmem:$0x1FF70]  }
0x2cb: {  	v63 =	vld [tilespmem:$0x1FF80];
	v10 =	vadd.s32 s2, v33  }
0x2cc: {  	v56 =	vadd.s32 v13, v10;
	v13 =	vld [tilespmem:$0x1FEF0]  }
0x2cd: {  	v62 =	vld [tilespmem:$0x1FFA0]  }
0x2ce: {  	v61 =	vld [tilespmem:$0x1FFC0]  }
0x2cf: {  	v60 =	vld [tilespmem:$0x1FFD0];
	v7 =	vadd.s32 v22, v6  }
0x2d0: {  	v59 =	vld [tilespmem:$0x1FFE0];
	v12 =	vadd.s32 s2, v30  }
0x2d1: {  	v57 =	vadd.s32 v13, v12;
	v13 =	vld [tilespmem:$0x1FF00]  }
0x2d2: {  	v35 =	vld [tilespmem:$0x1FFF0]  }
0x2d3: {  	v37 =	vld [tilespmem:$0x1FE90]  }
0x2d4: {  	v14 =	vld.idx.msk [tilespmem:v7+s19+$0x0], $0xffff  }
0x2d5: {  	v41 =	vadd.s32 s2, v32;
	v3 =	vadd.s32 v20, v2;
	v7 =	vld [tilespmem:$0x1FF90]  }
0x2d6: {  	v58 =	vadd.s32 v13, v41;
	v13 =	vld [tilespmem:$0x1FE70]  }
0x2d7: {  	v36 =	vld [tilespmem:$0x1FE80];
	v8 =	vadd.s32 s2, v24;
	v5 =	vadd.s32 v21, v4  }
0x2d8: {  	v39 =	vld [tilespmem:$0x1FED0];
	v9 =	vadd.s32 v23, v8  }
0x2d9: {  	v11 =	vadd.s32 v25, v10;
	v1 =	vld.idx.msk [tilespmem:v1+s19+$0x0], $0xffff  }
0x2da: {  	v3 =	vld.idx.msk [tilespmem:v3+s19+$0x0], $0xffff  }
0x2db: {  	v51 =	vadd.s32 v37, v0;
	v43 =	vadd.s32 v7, v0;
	v0 =	vadd.s32 v13, v0;
	v13 =	vld [tilespmem:$0x1FDB0]  }
0x2dc: {  	v40 =	vadd.s32 v26, v12;
	v5 =	vld.idx.msk [tilespmem:v5+s19+$0x0], $0xffff  }
0x2dd: {  	v42 =	vadd.s32 v63, v41;
	v9 =	vld.idx.msk [tilespmem:v9+s19+$0x0], $0xffff  }
0x2de: {  	v44 =	vadd.s32 v62, v2;
	v18 =	vld.idx.msk [tilespmem:v11+s19+$0x0], $0xffff  }
0x2df: {  	v46 =	vadd.s32 v61, v6;
	v11 =	vld [tilespmem:$0x1FFB0]  }
0x2e0: {  	v50 =	vadd.s32 v36, v41;
	v41 =	vadd.s32 v13, v41;
	v13 =	vld [tilespmem:$0x1FDC0]  }
0x2e1: {  	v47 =	vadd.s32 v60, v8;
	v40 =	vld.idx.msk [tilespmem:v40+s19+$0x0], $0xffff  }
0x2e2: {  	v48 =	vadd.s32 v59, v10;
	v42 =	vld.idx.msk [tilespmem:v42+s19+$0x0], $0xffff  }
0x2e3: {  	v49 =	vadd.s32 v35, v12;
	v44 =	vld.idx.msk [tilespmem:v44+s19+$0x0], $0xffff  }
0x2e4: {  	v46 =	vld.idx.msk [tilespmem:v46+s19+$0x0], $0xffff  }
0x2e5: {  	v2 =	vadd.s32 v13, v2;
	v13 =	vld [tilespmem:$0x1FDD0]  }
0x2e6: {  	v47 =	vld.idx.msk [tilespmem:v47+s19+$0x0], $0xffff  }
0x2e7: {  	v55 =	vadd.s32 v39, v8;
	v48 =	vld.idx.msk [tilespmem:v48+s19+$0x0], $0xffff  }
0x2e8: {  	v49 =	vld.idx.msk [tilespmem:v49+s19+$0x0], $0xffff  }
0x2e9: {  	v50 =	vld.idx.msk [tilespmem:v50+s19+$0x0], $0xffff  }
0x2ea: {  	v45 =	vadd.s32 v11, v4;
	v4 =	vadd.s32 v13, v4;
	v13 =	vld [tilespmem:$0x1FDE0]  }
0x2eb: {  	v51 =	vld.idx.msk [tilespmem:v51+s19+$0x0], $0xffff  }
0x2ec: {  	v55 =	vld.idx.msk [tilespmem:v55+s19+$0x0], $0xffff  }
0x2ed: {  	v52 =	vld.idx.msk [tilespmem:v52+s19+$0x0], $0xffff  }
0x2ee: {  	v43 =	vld.idx.msk [tilespmem:v43+s19+$0x0], $0xffff  }
0x2ef: {  	v6 =	vadd.s32 v13, v6;
	v13 =	vld [tilespmem:$0x1FDF0]  }
0x2f0: {  	v45 =	vld.idx.msk [tilespmem:v45+s19+$0x0], $0xffff;
	v10 =	vadd.s32 v17, v10  }
0x2f1: {  	v53 =	vld.idx.msk [tilespmem:v53+s19+$0x0], $0xffff  }
0x2f2: {  	v54 =	vld.idx.msk [tilespmem:v54+s19+$0x0], $0xffff  }
0x2f3: {  	v56 =	vld.idx.msk [tilespmem:v56+s19+$0x0], $0xffff  }
0x2f4: {  	v8 =	vadd.s32 v13, v8;
	v13 =	vld [tilespmem:$0x1FE10]  }
0x2f5: {  	v10 =	vld.idx.msk [tilespmem:v10+s19+$0x0], $0xffff  }
0x2f6: {  	v57 =	vld.idx.msk [tilespmem:v57+s19+$0x0], $0xffff  }
0x2f7: {  	v58 =	vld.idx.msk [tilespmem:v58+s19+$0x0], $0xffff  }
0x2f8: {  	v0 =	vld.idx.msk [tilespmem:v0+s19+$0x0], $0xffff  }
0x2f9: {  	v41 =	vld.idx.msk [tilespmem:v41+s19+$0x0], $0xffff;
	v12 =	vadd.s32 v13, v12  }
0x2fa: {  	v2 =	vld.idx.msk [tilespmem:v2+s19+$0x0], $0xffff  }
0x2fb: {  	v4 =	vld.idx.msk [tilespmem:v4+s19+$0x0], $0xffff  }
0x2fc: {  	v6 =	vld.idx.msk [tilespmem:v6+s19+$0x0], $0xffff  }
0x2fd: {  	s2 =	simm.s32 $0x195F0;
	v8 =	vld.idx.msk [tilespmem:v8+s19+$0x0], $0xffff  }
0x2fe: {  	v12 =	vld.idx.msk [tilespmem:v12+s19+$0x0], $0xffff;
	[tilespmem:s2+$0x0] =	vst v41  }
0x2ff: {  	[tilespmem:s2+$0xFFFFFE10] =	vst v1  }
0x300: {  	[tilespmem:s2+$0xFFFFFE20] =	vst v3  }
0x301: {  	[tilespmem:s2+$0xFFFFFE30] =	vst v5  }
0x302: {  	[tilespmem:s2+$0xFFFFFE40] =	vst v14  }
0x303: {  	[tilespmem:s2+$0xFFFFFE50] =	vst v9  }
0x304: {  	[tilespmem:s2+$0xFFFFFE60] =	vst v18  }
0x305: {  	[tilespmem:s2+$0xFFFFFE70] =	vst v40  }
0x306: {  	[tilespmem:s2+$0xFFFFFE80] =	vst v42  }
0x307: {  	[tilespmem:s2+$0xFFFFFE90] =	vst v43  }
0x308: {  	[tilespmem:s2+$0xFFFFFEA0] =	vst v44  }
0x309: {  	[tilespmem:s2+$0xFFFFFEB0] =	vst v45  }
0x30a: {  	[tilespmem:s2+$0xFFFFFEC0] =	vst v46  }
0x30b: {  	[tilespmem:s2+$0xFFFFFED0] =	vst v47  }
0x30c: {  	[tilespmem:s2+$0xFFFFFEE0] =	vst v48  }
0x30d: {  	[tilespmem:s2+$0xFFFFFEF0] =	vst v49  }
0x30e: {  	[tilespmem:s2+$0xFFFFFF00] =	vst v50  }
0x30f: {  	[tilespmem:s2+$0xFFFFFF10] =	vst v51  }
0x310: {  	[tilespmem:s2+$0xFFFFFF20] =	vst v52  }
0x311: {  	[tilespmem:s2+$0xFFFFFF30] =	vst v53  }
0x312: {  	[tilespmem:s2+$0xFFFFFF40] =	vst v54  }
0x313: {  	[tilespmem:s2+$0xFFFFFF50] =	vst v55  }
0x314: {  	[tilespmem:s2+$0xFFFFFF60] =	vst v56  }
0x315: {  	[tilespmem:s2+$0xFFFFFF70] =	vst v57  }
0x316: {  	[tilespmem:s2+$0xFFFFFF80] =	vst v58  }
0x317: {  	s4 =	simm.s32 $0x4;
	[tilespmem:s2+$0xFFFFFF90] =	vst v0  }
0x318: {  	v9 =	vadd.s32 s4, v28;
	[tilespmem:s2+$0xFFFFFFA0] =	vst v2  }
0x319: {  	v45 =	vadd.s32 s4, v27;
	[tilespmem:s2+$0xFFFFFFB0] =	vst v4;
	v0 =	vadd.s32 v19, v9  }
0x31a: {  	v47 =	vadd.s32 s4, v16;
	[tilespmem:s2+$0xFFFFFFC0] =	vst v6;
	v1 =	vadd.s32 v20, v45  }
0x31b: {  	v49 =	vadd.s32 s4, v15;
	[tilespmem:s2+$0xFFFFFFD0] =	vst v8;
	v3 =	vadd.s32 v21, v47  }
0x31c: {  	v51 =	vadd.s32 s4, v24;
	[tilespmem:s2+$0xFFFFFFE0] =	vst v10;
	v4 =	vadd.s32 v22, v49  }
0x31d: {  	v54 =	vadd.s32 s4, v33;
	v5 =	vadd.s32 v23, v51;
	[tilespmem:s2+$0xFFFFFFF0] =	vst v12  }
0x31e: {  	v56 =	vadd.s32 s4, v30;
	v40 =	vld.idx.msk [tilespmem:v0+s19+$0x0], $0xffff;
	v0 =	vadd.s32 v25, v54  }
0x31f: {  	v2 =	vadd.s32 s4, v32;
	v41 =	vld.idx.msk [tilespmem:v1+s19+$0x0], $0xffff;
	v1 =	vadd.s32 v26, v56  }
0x320: {  	v42 =	vld.idx.msk [tilespmem:v3+s19+$0x0], $0xffff;
	v3 =	vadd.s32 v63, v2  }
0x321: {  	v43 =	vld.idx.msk [tilespmem:v4+s19+$0x0], $0xffff;
	v4 =	vadd.s32 v7, v9  }
0x322: {  	v44 =	vld.idx.msk [tilespmem:v5+s19+$0x0], $0xffff;
	v5 =	vadd.s32 v62, v45  }
0x323: {  	v46 =	vld.idx.msk [tilespmem:v0+s19+$0x0], $0xffff;
	v0 =	vadd.s32 v11, v47  }
0x324: {  	v48 =	vld.idx.msk [tilespmem:v1+s19+$0x0], $0xffff;
	v1 =	vadd.s32 v61, v49  }
0x325: {  	v50 =	vld.idx.msk [tilespmem:v3+s19+$0x0], $0xffff;
	v3 =	vadd.s32 v60, v51  }
0x326: {  	v52 =	vld.idx.msk [tilespmem:v4+s19+$0x0], $0xffff  }
0x327: {  	v4 =	vadd.s32 v59, v54;
	v53 =	vld.idx.msk [tilespmem:v5+s19+$0x0], $0xffff  }
0x328: {  	v55 =	vld.idx.msk [tilespmem:v0+s19+$0x0], $0xffff  }
0x329: {  	v5 =	vadd.s32 v35, v56;
	v57 =	vld.idx.msk [tilespmem:v1+s19+$0x0], $0xffff  }
0x32a: {  	v58 =	vld.idx.msk [tilespmem:v3+s19+$0x0], $0xffff  }
0x32b: {  	v0 =	vadd.s32 v36, v2;
	v3 =	vld [tilespmem:$0x1FEA0]  }
0x32c: {  	v17 =	vmov v59;
	v1 =	vadd.s32 v37, v9;
	v59 =	vld.idx.msk [tilespmem:v4+s19+$0x0], $0xffff  }
0x32d: {  	v4 =	vld [tilespmem:$0x1FEB0]  }
0x32e: {  	v34 =	vmov v60;
	v60 =	vld.idx.msk [tilespmem:v5+s19+$0x0], $0xffff  }
0x32f: {  	v5 =	vld [tilespmem:$0x1FEC0]  }
0x330: {  	[tilespmem:$0x1FD10] =	vst v16;
	v16 =	vmov v61;
	v61 =	vld.idx.msk [tilespmem:v0+s19+$0x0], $0xffff  }
0x331: {  	[tilespmem:$0x1FD20] =	vst v15;
	v15 =	vmov v62;
	v62 =	vld.idx.msk [tilespmem:v1+s19+$0x0], $0xffff  }
0x332: {  	v18 =	vmov v4;
	v4 =	vadd.s32 v4, v47;
	v0 =	vld [tilespmem:$0x1FEE0]  }
0x333: {  	v1 =	vld [tilespmem:$0x1FEF0];
	_ =	sdelay $0x1  }
0x334: {  	v29 =	vmov v22  }
0x335: {  	[tilespmem:$0x1FD00] =	vst v27;
	v13 =	vmovc v35;
	v22 =	vmovc v24;
	v24 =	vmov v25;
	v25 =	vmov v30;
	v35 =	vmov v36  }
0x336: {  	v30 =	vmovc v5;
	v8 =	vadd.s32 v5, v49;
	v27 =	vmov v0;
	v5 =	vadd.s32 v0, v54;
	v0 =	vld.idx.msk [tilespmem:v4+s19+$0x0], $0xffff  }
0x337: {  	v36 =	vmovc v37;
	v37 =	vmovc v3;
	v3 =	vadd.s32 v3, v45;
	v20 =	vmov v1;
	v6 =	vadd.s32 v1, v56;
	v1 =	vld [tilespmem:$0x1FF00]  }
0x338: {  	v4 =	vld [tilespmem:$0x1FE70];
	_ =	sdelay $0x2  }
0x339: {  	[tilespmem:$0x1FCF0] =	vst v28;
	v31 =	vmovc v23;
	v38 =	vmov v26;
	v14 =	vmov v7;
	v23 =	vmov v33  }
0x33a: {  	v33 =	vmovc v11;
	v19 =	vmovc v39;
	v26 =	vmov v32;
	v32 =	vmov v63;
	v7 =	vadd.s32 v39, v51;
	v63 =	vld.idx.msk [tilespmem:v3+s19+$0x0], $0xffff  }
0x33b: {  	s4 =	simm.s32 $0x8;
	v28 =	vmovc v1;
	v3 =	vadd.s32 v1, v2;
	v1 =	vld.idx.msk [tilespmem:v8+s19+$0x0], $0xffff;
	v21 =	vmov v4;
	v4 =	vadd.s32 v4, v9  }
.LBB2_15:
0x33c: {  	_ =	sdelay $0x2  }
0x33d: {  	v7 =	vld.idx.msk [tilespmem:v7+s19+$0x0], $0xffff  }
0x33e: {  	v8 =	vld [tilespmem:$0x1FDB0]  }
0x33f: {  	v9 =	vld [tilespmem:$0x1FDD0]  }
0x340: {  	v12 =	vld [tilespmem:$0x1FE00]  }
0x341: {  	v10 =	vld [tilespmem:$0x1FDE0]  }
0x342: {  	v11 =	vld [tilespmem:$0x1FDF0]  }
0x343: {  	v5 =	vld.idx.msk [tilespmem:v5+s19+$0x0], $0xffff  }
0x344: {  	v2 =	vadd.s32 v8, v2;
	v8 =	vld [tilespmem:$0x1FDC0]  }
0x345: {  	v9 =	vadd.s32 v9, v47;
	v12 =	vadd.s32 v12, v54;
	v54 =	vld [tilespmem:$0x1FE10]  }
0x346: {  	v6 =	vld.idx.msk [tilespmem:v6+s19+$0x0], $0xffff;
	v10 =	vadd.s32 v10, v49  }
0x347: {  	v3 =	vld.idx.msk [tilespmem:v3+s19+$0x0], $0xffff;
	v11 =	vadd.s32 v11, v51  }
0x348: {  	v4 =	vld.idx.msk [tilespmem:v4+s19+$0x0], $0xffff  }
0x349: {  	v8 =	vadd.s32 v8, v45;
	v2 =	vld.idx.msk [tilespmem:v2+s19+$0x0], $0xffff  }
0x34a: {  	v45 =	vadd.s32 v54, v56;
	v9 =	vld.idx.msk [tilespmem:v9+s19+$0x0], $0xffff  }
0x34b: {  	v10 =	vld.idx.msk [tilespmem:v10+s19+$0x0], $0xffff  }
0x34c: {  	v11 =	vld.idx.msk [tilespmem:v11+s19+$0x0], $0xffff  }
0x34d: {  	v12 =	vld.idx.msk [tilespmem:v12+s19+$0x0], $0xffff  }
0x34e: {  	s2 =	sadd.s32 $0x200, s2;
	v8 =	vld.idx.msk [tilespmem:v8+s19+$0x0], $0xffff  }
0x34f: {  	v56 =	vld.idx.msk [tilespmem:v45+s19+$0x0], $0xffff;
	[tilespmem:s2+$0x0] =	vst v2  }
0x350: {  	[tilespmem:s2+$0xFFFFFE10] =	vst v40  }
0x351: {  	[tilespmem:s2+$0xFFFFFE20] =	vst v41  }
0x352: {  	[tilespmem:s2+$0xFFFFFE30] =	vst v42  }
0x353: {  	[tilespmem:s2+$0xFFFFFE40] =	vst v43  }
0x354: {  	[tilespmem:s2+$0xFFFFFE50] =	vst v44  }
0x355: {  	[tilespmem:s2+$0xFFFFFE60] =	vst v46  }
0x356: {  	[tilespmem:s2+$0xFFFFFE70] =	vst v48  }
0x357: {  	[tilespmem:s2+$0xFFFFFE80] =	vst v50  }
0x358: {  	[tilespmem:s2+$0xFFFFFE90] =	vst v52  }
0x359: {  	[tilespmem:s2+$0xFFFFFEA0] =	vst v53  }
0x35a: {  	[tilespmem:s2+$0xFFFFFEB0] =	vst v55  }
0x35b: {  	[tilespmem:s2+$0xFFFFFEC0] =	vst v57  }
0x35c: {  	[tilespmem:s2+$0xFFFFFED0] =	vst v58  }
0x35d: {  	[tilespmem:s2+$0xFFFFFEE0] =	vst v59  }
0x35e: {  	[tilespmem:s2+$0xFFFFFEF0] =	vst v60  }
0x35f: {  	[tilespmem:s2+$0xFFFFFF00] =	vst v61  }
0x360: {  	[tilespmem:s2+$0xFFFFFF30] =	vst v0;
	v0 =	vld [tilespmem:$0x1FCF0]  }
0x361: {  	[tilespmem:s2+$0xFFFFFF40] =	vst v1;
	v1 =	vld [tilespmem:$0x1FD00]  }
0x362: {  	[tilespmem:s2+$0xFFFFFF10] =	vst v62;
	v2 =	vld [tilespmem:$0x1FD10]  }
0x363: {  	[tilespmem:s2+$0xFFFFFF20] =	vst v63  }
0x364: {  	[tilespmem:s2+$0xFFFFFF50] =	vst v7  }
0x365: {  	[tilespmem:s2+$0xFFFFFF90] =	vst v4;
	v4 =	vadd.s32 s4, v0;
	v0 =	vld [tilespmem:$0x1FF10]  }
0x366: {  	[tilespmem:s2+$0xFFFFFF60] =	vst v5;
	v45 =	vadd.s32 s4, v1;
	v1 =	vld [tilespmem:$0x1FF20]  }
0x367: {  	[tilespmem:s2+$0xFFFFFF70] =	vst v6;
	v47 =	vadd.s32 s4, v2;
	v2 =	vld [tilespmem:$0x1FF30]  }
0x368: {  	[tilespmem:s2+$0xFFFFFF80] =	vst v3  }
0x369: {  	[tilespmem:s2+$0xFFFFFFB0] =	vst v9  }
0x36a: {  	[tilespmem:s2+$0xFFFFFFC0] =	vst v10;
	v0 =	vadd.s32 v0, v4  }
0x36b: {  	v51 =	vadd.s32 s4, v22;
	[tilespmem:s2+$0xFFFFFFD0] =	vst v11;
	v1 =	vadd.s32 v1, v45  }
0x36c: {  	[tilespmem:s2+$0xFFFFFFE0] =	vst v12;
	v6 =	vadd.s32 v31, v51;
	v3 =	vadd.s32 v2, v47;
	v2 =	vld [tilespmem:$0x1FD20]  }
0x36d: {  	[tilespmem:s2+$0xFFFFFFA0] =	vst v8  }
0x36e: {  	v54 =	vadd.s32 s4, v23;
	[tilespmem:s2+$0xFFFFFFF0] =	vst v56  }
0x36f: {  	v56 =	vadd.s32 s4, v25;
	v40 =	vld.idx.msk [tilespmem:v0+s19+$0x0], $0xffff;
	v0 =	vadd.s32 v24, v54  }
0x370: {  	v41 =	vld.idx.msk [tilespmem:v1+s19+$0x0], $0xffff;
	v1 =	vadd.s32 v38, v56  }
0x371: {  	v44 =	vld.idx.msk [tilespmem:v6+s19+$0x0], $0xffff;
	v6 =	vadd.s32 v15, v45;
	v49 =	vadd.s32 s4, v2  }
0x372: {  	v2 =	vadd.s32 s4, v26;
	v5 =	vadd.s32 v29, v49  }
0x373: {  	v42 =	vld.idx.msk [tilespmem:v3+s19+$0x0], $0xffff;
	v3 =	vadd.s32 v32, v2  }
0x374: {  	v46 =	vld.idx.msk [tilespmem:v0+s19+$0x0], $0xffff;
	v0 =	vadd.s32 v33, v47  }
0x375: {  	v48 =	vld.idx.msk [tilespmem:v1+s19+$0x0], $0xffff;
	v1 =	vadd.s32 v16, v49  }
0x376: {  	v53 =	vld.idx.msk [tilespmem:v6+s19+$0x0], $0xffff;
	v6 =	vadd.s32 v13, v56  }
0x377: {  	v43 =	vld.idx.msk [tilespmem:v5+s19+$0x0], $0xffff;
	v5 =	vadd.s32 v14, v4  }
0x378: {  	v50 =	vld.idx.msk [tilespmem:v3+s19+$0x0], $0xffff;
	v3 =	vadd.s32 v34, v51  }
0x379: {  	v55 =	vld.idx.msk [tilespmem:v0+s19+$0x0], $0xffff;
	v0 =	vadd.s32 v35, v2  }
0x37a: {  	v57 =	vld.idx.msk [tilespmem:v1+s19+$0x0], $0xffff;
	v1 =	vadd.s32 v36, v4  }
0x37b: {  	v8 =	vadd.s32 v18, v47;
	v60 =	vld.idx.msk [tilespmem:v6+s19+$0x0], $0xffff  }
0x37c: {  	v39 =	vadd.s32 v30, v49;
	v52 =	vld.idx.msk [tilespmem:v5+s19+$0x0], $0xffff  }
0x37d: {  	v5 =	vadd.s32 v17, v54;
	v58 =	vld.idx.msk [tilespmem:v3+s19+$0x0], $0xffff  }
0x37e: {  	p2 =	sne.s32 s4, $0x1C;
	v3 =	vadd.s32 v37, v45;
	v61 =	vld.idx.msk [tilespmem:v0+s19+$0x0], $0xffff  }
.Ltmp8:
0x37f: {  	v62 =	vld.idx.msk [tilespmem:v1+s19+$0x0], $0xffff;
	(pc) =	sbr.rel @p2 .LBB2_15-.Ltmp8, $4  }
0x380: {  	v0 =	vld.idx.msk [tilespmem:v8+s19+$0x0], $0xffff  }
0x381: {  	v1 =	vld.idx.msk [tilespmem:v39+s19+$0x0], $0xffff  }
0x382: {  	v7 =	vadd.s32 v19, v51;
	v6 =	vadd.s32 v20, v56;
	v59 =	vld.idx.msk [tilespmem:v5+s19+$0x0], $0xffff  }
0x383: {  	s4 =	sadd.s32 $0x4, s4;
	v4 =	vadd.s32 v21, v4;
	v5 =	vadd.s32 v27, v54;
	v63 =	vld.idx.msk [tilespmem:v3+s19+$0x0], $0xffff;
	v3 =	vadd.s32 v28, v2  }
0x384: {  	_ =	sdelay $0x3  }
0x385: {  	v7 =	vld.idx.msk [tilespmem:v7+s19+$0x0], $0xffff  }
0x386: {  	v22 =	vld [tilespmem:$0x1FDB0]  }
0x387: {  	v5 =	vld.idx.msk [tilespmem:v5+s19+$0x0], $0xffff  }
0x388: {  	v8 =	vld [tilespmem:$0x1FDC0]  }
0x389: {  	v9 =	vld [tilespmem:$0x1FDD0]  }
0x38a: {  	v10 =	vld [tilespmem:$0x1FDE0]  }
0x38b: {  	v11 =	vld [tilespmem:$0x1FDF0]  }
0x38c: {  	v12 =	vld [tilespmem:$0x1FE00];
	v2 =	vadd.s32 v22, v2  }
0x38d: {  	v13 =	vld [tilespmem:$0x1FE10];
	v8 =	vadd.s32 v8, v45  }
0x38e: {  	v6 =	vld.idx.msk [tilespmem:v6+s19+$0x0], $0xffff;
	v9 =	vadd.s32 v9, v47  }
0x38f: {  	v3 =	vld.idx.msk [tilespmem:v3+s19+$0x0], $0xffff;
	v10 =	vadd.s32 v10, v49  }
0x390: {  	v4 =	vld.idx.msk [tilespmem:v4+s19+$0x0], $0xffff;
	v11 =	vadd.s32 v11, v51  }
0x391: {  	v12 =	vadd.s32 v12, v54;
	v2 =	vld.idx.msk [tilespmem:v2+s19+$0x0], $0xffff  }
0x392: {  	v32 =	vadd.s32 v13, v56;
	v8 =	vld.idx.msk [tilespmem:v8+s19+$0x0], $0xffff  }
0x393: {  	v9 =	vld.idx.msk [tilespmem:v9+s19+$0x0], $0xffff  }
0x394: {  	v10 =	vld.idx.msk [tilespmem:v10+s19+$0x0], $0xffff  }
0x395: {  	v11 =	vld.idx.msk [tilespmem:v11+s19+$0x0], $0xffff  }
0x396: {  	s2 =	sadd.s32 $0x200, s2;
	v12 =	vld.idx.msk [tilespmem:v12+s19+$0x0], $0xffff  }
0x397: {  	v32 =	vld.idx.msk [tilespmem:v32+s19+$0x0], $0xffff;
	[tilespmem:s2+$0xFFFFFE10] =	vst v40  }
0x398: {  	[tilespmem:s2+$0xFFFFFE20] =	vst v41  }
0x399: {  	[tilespmem:s2+$0xFFFFFE30] =	vst v42  }
0x39a: {  	[tilespmem:s2+$0xFFFFFE40] =	vst v43  }
0x39b: {  	[tilespmem:s2+$0xFFFFFE50] =	vst v44  }
0x39c: {  	[tilespmem:s2+$0xFFFFFE60] =	vst v46  }
0x39d: {  	[tilespmem:s2+$0xFFFFFE70] =	vst v48  }
0x39e: {  	[tilespmem:s2+$0xFFFFFE80] =	vst v50  }
0x39f: {  	[tilespmem:s2+$0xFFFFFE90] =	vst v52  }
0x3a0: {  	[tilespmem:s2+$0xFFFFFEA0] =	vst v53  }
0x3a1: {  	[tilespmem:s2+$0xFFFFFEB0] =	vst v55  }
0x3a2: {  	[tilespmem:s2+$0xFFFFFEC0] =	vst v57  }
0x3a3: {  	[tilespmem:s2+$0xFFFFFED0] =	vst v58  }
0x3a4: {  	[tilespmem:s2+$0xFFFFFEE0] =	vst v59  }
0x3a5: {  	[tilespmem:s2+$0xFFFFFEF0] =	vst v60  }
0x3a6: {  	[tilespmem:s2+$0xFFFFFF00] =	vst v61  }
0x3a7: {  	[tilespmem:s2+$0xFFFFFF10] =	vst v62  }
0x3a8: {  	[tilespmem:s2+$0xFFFFFF20] =	vst v63  }
0x3a9: {  	[tilespmem:s2+$0xFFFFFF30] =	vst v0  }
0x3aa: {  	[tilespmem:s2+$0xFFFFFF40] =	vst v1  }
0x3ab: {  	[tilespmem:s2+$0xFFFFFF50] =	vst v7  }
0x3ac: {  	[tilespmem:s2+$0xFFFFFF60] =	vst v5  }
0x3ad: {  	[tilespmem:s2+$0xFFFFFF70] =	vst v6  }
0x3ae: {  	[tilespmem:s2+$0xFFFFFF80] =	vst v3  }
0x3af: {  	[tilespmem:s2+$0xFFFFFF90] =	vst v4  }
0x3b0: {  	[tilespmem:s2+$0x0] =	vst v2  }
0x3b1: {  	[tilespmem:s2+$0xFFFFFFA0] =	vst v8  }
0x3b2: {  	[tilespmem:s2+$0xFFFFFFB0] =	vst v9  }
.Ltmp9:
0x3b3: {  	[tilespmem:s2+$0xFFFFFFC0] =	vst v10;
	(pc) =	sbr.rel @p1 .LBB2_18-.Ltmp9, $4  }
0x3b4: {  	[tilespmem:s2+$0xFFFFFFD0] =	vst v11  }
0x3b5: {  	[tilespmem:s2+$0xFFFFFFE0] =	vst v12  }
0x3b6: {  	s4 =	sadd.s32 s12, s7;
	[tilespmem:s2+$0xFFFFFFF0] =	vst v32  }
0x3b7: {  	[hbm4b:s4+s23] =	stream.strided.scatter [tilespmem:s31], [sflag:$0x7], $0x1000, s11, s23, $0x38;
	[tilespmem:$0x1B400] =	vst v63  }
.Ltmp10:
0x3b8: {  	(pc) =	sbr.rel .LBB2_19-.Ltmp10, $4  }
0x3b9: {  	_ = 	snop  }
0x3ba: {  	_ =	swait.ge [sflag:s0], $0x4000  }
0x3bb: {  	[sflag:s0] =	ssyncset.done $0x0  }
0x3bc: {  	v13 =	vld [tilespmem:$0x1FF10];
	[sflag:s0] =	ssyncadd.s32 $0xFFFFC000  }
.LBB2_18:
0x3bd: {  	s2 =	sadd.s32 $0x1, s9  }
0x3be: {  	s4 =	sshll.u32 s2, $0x9;
	s2 =	sshll.u32 s2, $0x7  }
0x3bf: {  	s4 =	sand.u32 $0xF000, s4;
	s2 =	sand.u32 $0x380, s2  }
0x3c0: {  	s2 =	sor.u32 s2, s4  }
0x3c1: {  	v0 =	vld [tilespmem:s2+$0x800];
	_ =	sdelay $0x4  }
0x3c2: {  	v1 =	vshra.s32 v0, $0x2;
	v0 =	vshll.u32 v0, $0x5  }
0x3c3: {  	[tilespmem:$0x7100] =	vst v1;
	v0 =	vand.u32 $0x60, v0  }
0x3c4: {  	[tilespmem:$0x7300] =	vst v0  }
0x3c5: {  	v0 =	vld [tilespmem:s2+$0x810];
	_ =	sdelay $0x4  }
0x3c6: {  	v57 =	vshra.s32 v0, $0x2;
	v0 =	vshll.u32 v0, $0x5  }
0x3c7: {  	[tilespmem:$0x7110] =	vst v57;
	v0 =	vand.u32 $0x60, v0  }
0x3c8: {  	[tilespmem:$0x7310] =	vst v0  }
0x3c9: {  	v0 =	vld [tilespmem:s2+$0x820];
	_ =	sdelay $0x4  }
0x3ca: {  	v58 =	vshra.s32 v0, $0x2;
	v0 =	vshll.u32 v0, $0x5  }
0x3cb: {  	[tilespmem:$0x7120] =	vst v58;
	v0 =	vand.u32 $0x60, v0  }
0x3cc: {  	[tilespmem:$0x7320] =	vst v0  }
0x3cd: {  	v0 =	vld [tilespmem:s2+$0x830];
	_ =	sdelay $0x4  }
0x3ce: {  	v59 =	vshra.s32 v0, $0x2;
	v0 =	vshll.u32 v0, $0x5  }
0x3cf: {  	[tilespmem:$0x7130] =	vst v59;
	v0 =	vand.u32 $0x60, v0  }
0x3d0: {  	[tilespmem:$0x7330] =	vst v0  }
0x3d1: {  	v0 =	vld [tilespmem:s2+$0x840];
	_ =	sdelay $0x4  }
0x3d2: {  	v60 =	vshra.s32 v0, $0x2;
	v0 =	vshll.u32 v0, $0x5  }
0x3d3: {  	[tilespmem:$0x7140] =	vst v60;
	v0 =	vand.u32 $0x60, v0  }
0x3d4: {  	[tilespmem:$0x7340] =	vst v0  }
0x3d5: {  	v0 =	vld [tilespmem:s2+$0x850];
	_ =	sdelay $0x4  }
0x3d6: {  	v61 =	vshra.s32 v0, $0x2;
	v0 =	vshll.u32 v0, $0x5  }
0x3d7: {  	[tilespmem:$0x7150] =	vst v61;
	v0 =	vand.u32 $0x60, v0  }
0x3d8: {  	[tilespmem:$0x7350] =	vst v0  }
0x3d9: {  	v0 =	vld [tilespmem:s2+$0x860];
	_ =	sdelay $0x4  }
0x3da: {  	v62 =	vshra.s32 v0, $0x2;
	v0 =	vshll.u32 v0, $0x5  }
0x3db: {  	[tilespmem:$0x7160] =	vst v62;
	v0 =	vand.u32 $0x60, v0  }
0x3dc: {  	[tilespmem:$0x7360] =	vst v0  }
0x3dd: {  	v0 =	vld [tilespmem:s2+$0x870];
	_ =	sdelay $0x4  }
0x3de: {  	v63 =	vshra.s32 v0, $0x2;
	v0 =	vshll.u32 v0, $0x5  }
0x3df: {  	[tilespmem:$0x7170] =	vst v63;
	v0 =	vand.u32 $0x60, v0  }
.Ltmp11:
0x3e0: {  	[tilespmem:$0x7370] =	vst v0;
	(pc) =	sbr.rel @p0 .LBB2_20-.Ltmp11, $4  }
0x3e1: {  	[tilespmem:s19], [sflag:$0x3] =	stream.indirect.gather [hbm4b:s3+s13], $0x80, s18, s13, $0xb8;
	[tilespmem:$0x1B400] =	vst v63  }
0x3e2: {  	_ =	swait.ge [sflag:s0], $0x4000  }
0x3e3: {  	[sflag:s0] =	ssyncset.done $0x0  }
0x3e4: {  	v13 =	vld [tilespmem:$0x1FF10];
	[sflag:s0] =	ssyncadd.s32 $0xFFFFC000  }
.LBB2_19:
0x3e5: {  	_ =	swait.ge [sflag:s1], $0x1000  }
0x3e6: {  	[sflag:s1] =	ssyncset.done $0x0  }
0x3e7: {  	[sflag:s1] =	ssyncadd.s32 $0xFFFFF000  }
.LBB2_20:
0x3e8: {  	v27 =	vld [tilespmem:$0x73C0]  }
0x3e9: {  	v14 =	vld [tilespmem:$0x1FFD0];
	_ =	sdelay $0x2  }
0x3ea: {  	s2 =	simm.s32 $0x0  }
0x3eb: {  	v29 =	vld [tilespmem:$0x73D0];
	v8 =	vadd.s32 s2, v27  }
0x3ec: {  	v47 =	vadd.s32 v14, v8;
	v14 =	vld [tilespmem:$0x1FFE0];
	_ =	sdelay $0x3  }
0x3ed: {  	v38 =	vld [tilespmem:$0x73E0];
	v10 =	vadd.s32 s2, v29  }
0x3ee: {  	v48 =	vadd.s32 v14, v10;
	v14 =	vld [tilespmem:$0x1FFF0];
	_ =	sdelay $0x3  }
0x3ef: {  	v16 =	vld [tilespmem:$0x73F0];
	v12 =	vadd.s32 s2, v38  }
0x3f0: {  	v49 =	vadd.s32 v14, v12;
	v14 =	vld [tilespmem:$0x1FE80];
	_ =	sdelay $0x3  }
0x3f1: {  	v19 =	vld [tilespmem:$0x7380];
	v41 =	vadd.s32 s2, v16  }
0x3f2: {  	v50 =	vadd.s32 v14, v41;
	v14 =	vld [tilespmem:$0x1FE90];
	_ =	sdelay $0x3  }
0x3f3: {  	v21 =	vld [tilespmem:$0x7390];
	v0 =	vadd.s32 s2, v19  }
0x3f4: {  	v51 =	vadd.s32 v14, v0;
	v14 =	vld [tilespmem:$0x1FEA0];
	_ =	sdelay $0x2  }
0x3f5: {  	v23 =	vld [tilespmem:$0x73A0]  }
0x3f6: {  	v24 =	vld [tilespmem:$0x73B0];
	v2 =	vadd.s32 s2, v21  }
0x3f7: {  	v52 =	vadd.s32 v14, v2;
	v14 =	vld [tilespmem:$0x1FEB0]  }
0x3f8: {  	v59 =	vld [tilespmem:$0x1FF20]  }
0x3f9: {  	v60 =	vld [tilespmem:$0x1FF30]  }
0x3fa: {  	v61 =	vld [tilespmem:$0x1FF40]  }
0x3fb: {  	v62 =	vld [tilespmem:$0x1FF50];
	v4 =	vadd.s32 s2, v23  }
0x3fc: {  	v53 =	vadd.s32 v14, v4;
	v14 =	vld [tilespmem:$0x1FEC0]  }
0x3fd: {  	v63 =	vld [tilespmem:$0x1FF60]  }
0x3fe: {  	v20 =	vld [tilespmem:$0x1FF70]  }
0x3ff: {  	v30 =	vld [tilespmem:$0x1FF80]  }
0x400: {  	v36 =	vld [tilespmem:$0x1FFA0];
	v6 =	vadd.s32 s2, v24  }
0x401: {  	v54 =	vadd.s32 v14, v6;
	v14 =	vld [tilespmem:$0x1FEF0]  }
0x402: {  	v18 =	vld [tilespmem:$0x1FFC0];
	v1 =	vadd.s32 v13, v0  }
0x403: {  	v32 =	vld [tilespmem:$0x1FED0];
	v3 =	vadd.s32 v59, v2  }
0x404: {  	v35 =	vld [tilespmem:$0x1FEE0];
	v7 =	vadd.s32 v61, v6  }
0x405: {  	v39 =	vld [tilespmem:$0x1FDD0]  }
0x406: {  	v57 =	vadd.s32 v14, v12;
	v14 =	vld [tilespmem:$0x1FF00]  }
0x407: {  	v5 =	vadd.s32 v60, v4;
	v1 =	vld.idx.msk [tilespmem:v1+s21+$0x0], $0xffff  }
0x408: {  	v9 =	vadd.s32 v62, v8;
	v3 =	vld.idx.msk [tilespmem:v3+s21+$0x0], $0xffff  }
0x409: {  	v11 =	vadd.s32 v63, v10;
	v15 =	vld.idx.msk [tilespmem:v7+s21+$0x0], $0xffff  }
0x40a: {  	v7 =	vld [tilespmem:$0x1FF90]  }
0x40b: {  	v58 =	vadd.s32 v14, v41;
	v14 =	vld [tilespmem:$0x1FE70]  }
0x40c: {  	v40 =	vadd.s32 v20, v12;
	v5 =	vld.idx.msk [tilespmem:v5+s21+$0x0], $0xffff  }
0x40d: {  	v42 =	vadd.s32 v30, v41;
	v9 =	vld.idx.msk [tilespmem:v9+s21+$0x0], $0xffff  }
0x40e: {  	v44 =	vadd.s32 v36, v2;
	v17 =	vld.idx.msk [tilespmem:v11+s21+$0x0], $0xffff  }
0x40f: {  	v46 =	vadd.s32 v18, v6;
	v11 =	vld [tilespmem:$0x1FFB0]  }
0x410: {  	v43 =	vadd.s32 v7, v0;
	v0 =	vadd.s32 v14, v0;
	v14 =	vld [tilespmem:$0x1FDC0]  }
0x411: {  	v40 =	vld.idx.msk [tilespmem:v40+s21+$0x0], $0xffff  }
0x412: {  	v55 =	vadd.s32 v32, v8;
	v42 =	vld.idx.msk [tilespmem:v42+s21+$0x0], $0xffff  }
0x413: {  	v56 =	vadd.s32 v35, v10;
	v44 =	vld.idx.msk [tilespmem:v44+s21+$0x0], $0xffff  }
0x414: {  	v46 =	vld.idx.msk [tilespmem:v46+s21+$0x0], $0xffff  }
0x415: {  	v2 =	vadd.s32 v14, v2;
	v14 =	vld [tilespmem:$0x1FDE0]  }
0x416: {  	v47 =	vld.idx.msk [tilespmem:v47+s21+$0x0], $0xffff  }
0x417: {  	v55 =	vld.idx.msk [tilespmem:v55+s21+$0x0], $0xffff;
	v45 =	vadd.s32 v11, v4  }
0x418: {  	v56 =	vld.idx.msk [tilespmem:v56+s21+$0x0], $0xffff  }
0x419: {  	v48 =	vld.idx.msk [tilespmem:v48+s21+$0x0], $0xffff  }
0x41a: {  	v6 =	vadd.s32 v14, v6;
	v14 =	vld [tilespmem:$0x1FDF0]  }
0x41b: {  	v43 =	vld.idx.msk [tilespmem:v43+s21+$0x0], $0xffff  }
0x41c: {  	v45 =	vld.idx.msk [tilespmem:v45+s21+$0x0], $0xffff  }
0x41d: {  	v49 =	vld.idx.msk [tilespmem:v49+s21+$0x0], $0xffff  }
0x41e: {  	v50 =	vld.idx.msk [tilespmem:v50+s21+$0x0], $0xffff;
	v4 =	vadd.s32 v39, v4  }
0x41f: {  	v8 =	vadd.s32 v14, v8;
	v14 =	vld [tilespmem:$0x1FE00]  }
0x420: {  	v51 =	vld.idx.msk [tilespmem:v51+s21+$0x0], $0xffff  }
0x421: {  	v52 =	vld.idx.msk [tilespmem:v52+s21+$0x0], $0xffff  }
0x422: {  	v53 =	vld.idx.msk [tilespmem:v53+s21+$0x0], $0xffff  }
0x423: {  	v4 =	vld.idx.msk [tilespmem:v4+s21+$0x0], $0xffff;
	v41 =	vadd.s32 v22, v41  }
0x424: {  	v10 =	vadd.s32 v14, v10;
	v14 =	vld [tilespmem:$0x1FE10]  }
0x425: {  	v54 =	vld.idx.msk [tilespmem:v54+s21+$0x0], $0xffff  }
0x426: {  	v57 =	vld.idx.msk [tilespmem:v57+s21+$0x0], $0xffff  }
0x427: {  	v58 =	vld.idx.msk [tilespmem:v58+s21+$0x0], $0xffff  }
0x428: {  	v41 =	vld.idx.msk [tilespmem:v41+s21+$0x0], $0xffff  }
0x429: {  	v0 =	vld.idx.msk [tilespmem:v0+s21+$0x0], $0xffff;
	v12 =	vadd.s32 v14, v12  }
0x42a: {  	v2 =	vld.idx.msk [tilespmem:v2+s21+$0x0], $0xffff  }
0x42b: {  	v6 =	vld.idx.msk [tilespmem:v6+s21+$0x0], $0xffff  }
0x42c: {  	v8 =	vld.idx.msk [tilespmem:v8+s21+$0x0], $0xffff  }
0x42d: {  	s2 =	simm.s32 $0x1A5F0;
	v10 =	vld.idx.msk [tilespmem:v10+s21+$0x0], $0xffff  }
0x42e: {  	v12 =	vld.idx.msk [tilespmem:v12+s21+$0x0], $0xffff;
	[tilespmem:s2+$0x0] =	vst v41  }
0x42f: {  	[tilespmem:s2+$0xFFFFFE10] =	vst v1  }
0x430: {  	[tilespmem:s2+$0xFFFFFE20] =	vst v3  }
0x431: {  	[tilespmem:s2+$0xFFFFFE30] =	vst v5  }
0x432: {  	[tilespmem:s2+$0xFFFFFE40] =	vst v15  }
0x433: {  	[tilespmem:s2+$0xFFFFFE50] =	vst v9  }
0x434: {  	[tilespmem:s2+$0xFFFFFE60] =	vst v17  }
0x435: {  	[tilespmem:s2+$0xFFFFFE70] =	vst v40  }
0x436: {  	[tilespmem:s2+$0xFFFFFE80] =	vst v42  }
0x437: {  	[tilespmem:s2+$0xFFFFFE90] =	vst v43  }
0x438: {  	[tilespmem:s2+$0xFFFFFEA0] =	vst v44  }
0x439: {  	[tilespmem:s2+$0xFFFFFEB0] =	vst v45  }
0x43a: {  	[tilespmem:s2+$0xFFFFFEC0] =	vst v46  }
0x43b: {  	[tilespmem:s2+$0xFFFFFED0] =	vst v47  }
0x43c: {  	[tilespmem:s2+$0xFFFFFEE0] =	vst v48  }
0x43d: {  	[tilespmem:s2+$0xFFFFFEF0] =	vst v49  }
0x43e: {  	[tilespmem:s2+$0xFFFFFF00] =	vst v50  }
0x43f: {  	[tilespmem:s2+$0xFFFFFF10] =	vst v51  }
0x440: {  	[tilespmem:s2+$0xFFFFFF20] =	vst v52  }
0x441: {  	[tilespmem:s2+$0xFFFFFF30] =	vst v53  }
0x442: {  	[tilespmem:s2+$0xFFFFFF40] =	vst v54  }
0x443: {  	[tilespmem:s2+$0xFFFFFF50] =	vst v55  }
0x444: {  	[tilespmem:s2+$0xFFFFFF60] =	vst v56  }
0x445: {  	[tilespmem:s2+$0xFFFFFF70] =	vst v57  }
0x446: {  	[tilespmem:s2+$0xFFFFFF80] =	vst v58  }
0x447: {  	s4 =	simm.s32 $0x4;
	[tilespmem:s2+$0xFFFFFF90] =	vst v0  }
0x448: {  	v9 =	vadd.s32 s4, v19;
	[tilespmem:s2+$0xFFFFFFA0] =	vst v2  }
0x449: {  	v45 =	vadd.s32 s4, v21;
	[tilespmem:s2+$0xFFFFFFB0] =	vst v4;
	v0 =	vadd.s32 v13, v9  }
0x44a: {  	[tilespmem:s2+$0xFFFFFFC0] =	vst v6;
	v49 =	vadd.s32 s4, v24;
	v1 =	vadd.s32 v59, v45  }
0x44b: {  	v47 =	vadd.s32 s4, v23;
	[tilespmem:s2+$0xFFFFFFD0] =	vst v8;
	v4 =	vadd.s32 v61, v49  }
0x44c: {  	v51 =	vadd.s32 s4, v27;
	[tilespmem:s2+$0xFFFFFFE0] =	vst v10;
	v3 =	vadd.s32 v60, v47  }
0x44d: {  	v54 =	vadd.s32 s4, v29;
	v5 =	vadd.s32 v62, v51;
	[tilespmem:s2+$0xFFFFFFF0] =	vst v12  }
0x44e: {  	v56 =	vadd.s32 s4, v38;
	v40 =	vld.idx.msk [tilespmem:v0+s21+$0x0], $0xffff;
	v0 =	vadd.s32 v63, v54  }
0x44f: {  	v41 =	vld.idx.msk [tilespmem:v1+s21+$0x0], $0xffff;
	v1 =	vadd.s32 v20, v56  }
0x450: {  	v43 =	vld.idx.msk [tilespmem:v4+s21+$0x0], $0xffff;
	v4 =	vadd.s32 v7, v9  }
0x451: {  	v2 =	vadd.s32 s4, v16;
	v42 =	vld.idx.msk [tilespmem:v3+s21+$0x0], $0xffff  }
0x452: {  	v3 =	vadd.s32 v30, v2;
	v44 =	vld.idx.msk [tilespmem:v5+s21+$0x0], $0xffff  }
0x453: {  	v46 =	vld.idx.msk [tilespmem:v0+s21+$0x0], $0xffff  }
0x454: {  	v5 =	vadd.s32 v36, v45;
	v48 =	vld.idx.msk [tilespmem:v1+s21+$0x0], $0xffff  }
0x455: {  	v52 =	vld.idx.msk [tilespmem:v4+s21+$0x0], $0xffff  }
0x456: {  	v1 =	vadd.s32 v18, v49;
	v4 =	vld [tilespmem:$0x1FFE0]  }
0x457: {  	v50 =	vld.idx.msk [tilespmem:v3+s21+$0x0], $0xffff  }
0x458: {  	v3 =	vld [tilespmem:$0x1FFD0]  }
0x459: {  	v0 =	vadd.s32 v11, v47;
	v53 =	vld.idx.msk [tilespmem:v5+s21+$0x0], $0xffff  }
0x45a: {  	v5 =	vld [tilespmem:$0x1FFF0]  }
0x45b: {  	v25 =	vmov v27;
	v27 =	vmov v4;
	v4 =	vadd.s32 v4, v54;
	v57 =	vld.idx.msk [tilespmem:v1+s21+$0x0], $0xffff  }
0x45c: {  	v1 =	vld [tilespmem:$0x1FE90];
	_ =	sdelay $0x1  }
0x45d: {  	v34 =	vmov v21;
	v21 =	vmov v3;
	v3 =	vadd.s32 v3, v51;
	v55 =	vld.idx.msk [tilespmem:v0+s21+$0x0], $0xffff  }
0x45e: {  	v0 =	vld [tilespmem:$0x1FE80]  }
0x45f: {  	v33 =	vmov v16;
	v16 =	vmov v5;
	v5 =	vadd.s32 v5, v56;
	v59 =	vld.idx.msk [tilespmem:v4+s21+$0x0], $0xffff  }
0x460: {  	v31 =	vmovc v19;
	v19 =	vmov v18;
	v18 =	vmov v1;
	v1 =	vadd.s32 v1, v9;
	v4 =	vld [tilespmem:$0x1FEB0];
	_ =	sdelay $0x1  }
0x461: {  	v58 =	vld.idx.msk [tilespmem:v3+s21+$0x0], $0xffff  }
0x462: {  	v3 =	vld [tilespmem:$0x1FEA0]  }
0x463: {  	v28 =	vmov v23;
	v23 =	vmov v0;
	v0 =	vadd.s32 v0, v2;
	v60 =	vld.idx.msk [tilespmem:v5+s21+$0x0], $0xffff  }
0x464: {  	v17 =	vmov v20;
	v20 =	vmov v4;
	v4 =	vadd.s32 v4, v47;
	v62 =	vld.idx.msk [tilespmem:v1+s21+$0x0], $0xffff  }
0x465: {  	v1 =	vld [tilespmem:$0x1FEF0]  }
0x466: {  	v5 =	vld [tilespmem:$0x1FEC0];
	_ =	sdelay $0x1  }
0x467: {  	v61 =	vld.idx.msk [tilespmem:v0+s21+$0x0], $0xffff  }
0x468: {  	v37 =	vmovc v29;
	v26 =	vmovc v38;
	v38 =	vmov v7;
	v29 =	vmov v36;
	v7 =	vadd.s32 v32, v51;
	v0 =	vld.idx.msk [tilespmem:v4+s21+$0x0], $0xffff  }
0x469: {  	v36 =	vmovc v32;
	v39 =	vmovc v3;
	v3 =	vadd.s32 v3, v45;
	v32 =	vmov v1;
	v6 =	vadd.s32 v1, v56;
	v1 =	vld [tilespmem:$0x1FF00]  }
0x46a: {  	v8 =	vadd.s32 v5, v49;
	v4 =	vld [tilespmem:$0x1FE70];
	_ =	sdelay $0x2  }
0x46b: {  	v22 =	vmov v24  }
0x46c: {  	v14 =	vmovc v35;
	v15 =	vmovc v30;
	v24 =	vmov v11;
	v30 =	vmov v5;
	v5 =	vadd.s32 v35, v54;
	v63 =	vld.idx.msk [tilespmem:v3+s21+$0x0], $0xffff  }
0x46d: {  	s4 =	simm.s32 $0x8;
	v35 =	vmovc v1;
	v3 =	vadd.s32 v1, v2;
	v1 =	vld.idx.msk [tilespmem:v8+s21+$0x0], $0xffff;
	v13 =	vmov v4;
	v4 =	vadd.s32 v4, v9  }
.LBB2_21:
0x46e: {  	_ =	sdelay $0x2  }
0x46f: {  	v7 =	vld.idx.msk [tilespmem:v7+s21+$0x0], $0xffff  }
0x470: {  	v8 =	vld [tilespmem:$0x1FDB0]  }
0x471: {  	v9 =	vld [tilespmem:$0x1FDD0]  }
0x472: {  	v12 =	vld [tilespmem:$0x1FE00]  }
0x473: {  	v10 =	vld [tilespmem:$0x1FDE0]  }
0x474: {  	v11 =	vld [tilespmem:$0x1FDF0]  }
0x475: {  	v5 =	vld.idx.msk [tilespmem:v5+s21+$0x0], $0xffff  }
0x476: {  	v2 =	vadd.s32 v8, v2;
	v8 =	vld [tilespmem:$0x1FDC0]  }
0x477: {  	v9 =	vadd.s32 v9, v47;
	v12 =	vadd.s32 v12, v54;
	v54 =	vld [tilespmem:$0x1FE10]  }
0x478: {  	v6 =	vld.idx.msk [tilespmem:v6+s21+$0x0], $0xffff;
	v10 =	vadd.s32 v10, v49  }
0x479: {  	v3 =	vld.idx.msk [tilespmem:v3+s21+$0x0], $0xffff;
	v11 =	vadd.s32 v11, v51  }
0x47a: {  	v4 =	vld.idx.msk [tilespmem:v4+s21+$0x0], $0xffff  }
0x47b: {  	v8 =	vadd.s32 v8, v45;
	v2 =	vld.idx.msk [tilespmem:v2+s21+$0x0], $0xffff  }
0x47c: {  	v45 =	vadd.s32 v54, v56;
	v9 =	vld.idx.msk [tilespmem:v9+s21+$0x0], $0xffff  }
0x47d: {  	v10 =	vld.idx.msk [tilespmem:v10+s21+$0x0], $0xffff  }
0x47e: {  	v11 =	vld.idx.msk [tilespmem:v11+s21+$0x0], $0xffff  }
0x47f: {  	v12 =	vld.idx.msk [tilespmem:v12+s21+$0x0], $0xffff  }
0x480: {  	s2 =	sadd.s32 $0x200, s2;
	v8 =	vld.idx.msk [tilespmem:v8+s21+$0x0], $0xffff  }
0x481: {  	v56 =	vld.idx.msk [tilespmem:v45+s21+$0x0], $0xffff;
	[tilespmem:s2+$0x0] =	vst v2  }
0x482: {  	[tilespmem:s2+$0xFFFFFE10] =	vst v40  }
0x483: {  	[tilespmem:s2+$0xFFFFFE20] =	vst v41  }
0x484: {  	[tilespmem:s2+$0xFFFFFE30] =	vst v42  }
0x485: {  	[tilespmem:s2+$0xFFFFFE40] =	vst v43  }
0x486: {  	[tilespmem:s2+$0xFFFFFE50] =	vst v44  }
0x487: {  	[tilespmem:s2+$0xFFFFFE60] =	vst v46  }
0x488: {  	[tilespmem:s2+$0xFFFFFE70] =	vst v48  }
0x489: {  	[tilespmem:s2+$0xFFFFFE80] =	vst v50  }
0x48a: {  	[tilespmem:s2+$0xFFFFFE90] =	vst v52  }
0x48b: {  	[tilespmem:s2+$0xFFFFFEA0] =	vst v53  }
0x48c: {  	[tilespmem:s2+$0xFFFFFEB0] =	vst v55  }
0x48d: {  	[tilespmem:s2+$0xFFFFFEC0] =	vst v57  }
0x48e: {  	[tilespmem:s2+$0xFFFFFED0] =	vst v58  }
0x48f: {  	[tilespmem:s2+$0xFFFFFEE0] =	vst v59  }
0x490: {  	[tilespmem:s2+$0xFFFFFEF0] =	vst v60  }
0x491: {  	[tilespmem:s2+$0xFFFFFF00] =	vst v61  }
0x492: {  	[tilespmem:s2+$0xFFFFFF10] =	vst v62  }
0x493: {  	[tilespmem:s2+$0xFFFFFF20] =	vst v63  }
0x494: {  	[tilespmem:s2+$0xFFFFFF30] =	vst v0  }
0x495: {  	[tilespmem:s2+$0xFFFFFF40] =	vst v1  }
0x496: {  	[tilespmem:s2+$0xFFFFFF50] =	vst v7;
	v2 =	vld [tilespmem:$0x1FF30]  }
0x497: {  	[tilespmem:s2+$0xFFFFFF60] =	vst v5;
	v0 =	vld [tilespmem:$0x1FF10]  }
0x498: {  	[tilespmem:s2+$0xFFFFFF70] =	vst v6  }
0x499: {  	[tilespmem:s2+$0xFFFFFF80] =	vst v3  }
0x49a: {  	v47 =	vadd.s32 s4, v28;
	[tilespmem:s2+$0xFFFFFF90] =	vst v4;
	v1 =	vld [tilespmem:$0x1FF20]  }
0x49b: {  	v4 =	vadd.s32 s4, v31;
	[tilespmem:s2+$0xFFFFFFB0] =	vst v9;
	v3 =	vadd.s32 v2, v47;
	v2 =	vld [tilespmem:$0x1FF40]  }
0x49c: {  	[tilespmem:s2+$0xFFFFFFC0] =	vst v10;
	v0 =	vadd.s32 v0, v4  }
0x49d: {  	[tilespmem:s2+$0xFFFFFFD0] =	vst v11  }
0x49e: {  	v45 =	vadd.s32 s4, v34;
	[tilespmem:s2+$0xFFFFFFE0] =	vst v12  }
0x49f: {  	v49 =	vadd.s32 s4, v22;
	[tilespmem:s2+$0xFFFFFFA0] =	vst v8;
	v1 =	vadd.s32 v1, v45  }
0x4a0: {  	[tilespmem:s2+$0xFFFFFFF0] =	vst v56;
	v5 =	vadd.s32 v2, v49;
	v2 =	vld [tilespmem:$0x1FF50]  }
0x4a1: {  	v40 =	vld.idx.msk [tilespmem:v0+s21+$0x0], $0xffff  }
0x4a2: {  	v0 =	vld [tilespmem:$0x1FF60]  }
0x4a3: {  	v56 =	vadd.s32 s4, v26  }
0x4a4: {  	v41 =	vld.idx.msk [tilespmem:v1+s21+$0x0], $0xffff;
	v1 =	vadd.s32 v17, v56  }
0x4a5: {  	v51 =	vadd.s32 s4, v25  }
0x4a6: {  	v54 =	vadd.s32 s4, v37;
	v6 =	vadd.s32 v2, v51  }
0x4a7: {  	v0 =	vadd.s32 v0, v54  }
0x4a8: {  	v43 =	vld.idx.msk [tilespmem:v5+s21+$0x0], $0xffff;
	v5 =	vadd.s32 v38, v4  }
0x4a9: {  	v2 =	vadd.s32 s4, v33;
	v48 =	vld.idx.msk [tilespmem:v1+s21+$0x0], $0xffff;
	v1 =	vadd.s32 v19, v49  }
0x4aa: {  	v42 =	vld.idx.msk [tilespmem:v3+s21+$0x0], $0xffff;
	v3 =	vadd.s32 v15, v2  }
0x4ab: {  	v44 =	vld.idx.msk [tilespmem:v6+s21+$0x0], $0xffff;
	v6 =	vadd.s32 v29, v45  }
0x4ac: {  	v46 =	vld.idx.msk [tilespmem:v0+s21+$0x0], $0xffff;
	v0 =	vadd.s32 v24, v47  }
0x4ad: {  	v52 =	vld.idx.msk [tilespmem:v5+s21+$0x0], $0xffff;
	v5 =	vadd.s32 v27, v54  }
0x4ae: {  	v57 =	vld.idx.msk [tilespmem:v1+s21+$0x0], $0xffff;
	v1 =	vadd.s32 v18, v4  }
0x4af: {  	v50 =	vld.idx.msk [tilespmem:v3+s21+$0x0], $0xffff;
	v3 =	vadd.s32 v21, v51  }
0x4b0: {  	v9 =	vadd.s32 v30, v49;
	v53 =	vld.idx.msk [tilespmem:v6+s21+$0x0], $0xffff  }
0x4b1: {  	v6 =	vadd.s32 v16, v56;
	v55 =	vld.idx.msk [tilespmem:v0+s21+$0x0], $0xffff  }
0x4b2: {  	v0 =	vadd.s32 v23, v2;
	v59 =	vld.idx.msk [tilespmem:v5+s21+$0x0], $0xffff  }
0x4b3: {  	v8 =	vadd.s32 v20, v47;
	v62 =	vld.idx.msk [tilespmem:v1+s21+$0x0], $0xffff  }
0x4b4: {  	p0 =	sne.s32 s4, $0x1C;
	v58 =	vld.idx.msk [tilespmem:v3+s21+$0x0], $0xffff;
	v3 =	vadd.s32 v39, v45  }
.Ltmp12:
0x4b5: {  	v1 =	vld.idx.msk [tilespmem:v9+s21+$0x0], $0xffff;
	(pc) =	sbr.rel @p0 .LBB2_21-.Ltmp12, $4  }
0x4b6: {  	v60 =	vld.idx.msk [tilespmem:v6+s21+$0x0], $0xffff  }
0x4b7: {  	v61 =	vld.idx.msk [tilespmem:v0+s21+$0x0], $0xffff  }
0x4b8: {  	v7 =	vadd.s32 v36, v51;
	v4 =	vadd.s32 v13, v4;
	v0 =	vld.idx.msk [tilespmem:v8+s21+$0x0], $0xffff  }
0x4b9: {  	s4 =	sadd.s32 $0x4, s4;
	v5 =	vadd.s32 v14, v54;
	v6 =	vadd.s32 v32, v56;
	v63 =	vld.idx.msk [tilespmem:v3+s21+$0x0], $0xffff;
	v3 =	vadd.s32 v35, v2  }
0x4ba: {  	_ =	sdelay $0x3  }
0x4bb: {  	v7 =	vld.idx.msk [tilespmem:v7+s21+$0x0], $0xffff  }
0x4bc: {  	v8 =	vld [tilespmem:$0x1FDB0]  }
0x4bd: {  	v5 =	vld.idx.msk [tilespmem:v5+s21+$0x0], $0xffff  }
0x4be: {  	v9 =	vld [tilespmem:$0x1FDD0]  }
0x4bf: {  	v10 =	vld [tilespmem:$0x1FDE0]  }
0x4c0: {  	v11 =	vld [tilespmem:$0x1FDF0]  }
0x4c1: {  	v12 =	vld [tilespmem:$0x1FE00]  }
0x4c2: {  	v14 =	vld [tilespmem:$0x1FE10];
	v2 =	vadd.s32 v8, v2  }
0x4c3: {  	v8 =	vld [tilespmem:$0x1FDC0];
	v9 =	vadd.s32 v9, v47  }
0x4c4: {  	v6 =	vld.idx.msk [tilespmem:v6+s21+$0x0], $0xffff;
	v10 =	vadd.s32 v10, v49  }
0x4c5: {  	v3 =	vld.idx.msk [tilespmem:v3+s21+$0x0], $0xffff;
	v11 =	vadd.s32 v11, v51  }
0x4c6: {  	v4 =	vld.idx.msk [tilespmem:v4+s21+$0x0], $0xffff;
	v12 =	vadd.s32 v12, v54  }
0x4c7: {  	v28 =	vadd.s32 v14, v56;
	v2 =	vld.idx.msk [tilespmem:v2+s21+$0x0], $0xffff  }
0x4c8: {  	v8 =	vadd.s32 v8, v45;
	v9 =	vld.idx.msk [tilespmem:v9+s21+$0x0], $0xffff  }
0x4c9: {  	v10 =	vld.idx.msk [tilespmem:v10+s21+$0x0], $0xffff  }
0x4ca: {  	v11 =	vld.idx.msk [tilespmem:v11+s21+$0x0], $0xffff  }
0x4cb: {  	v12 =	vld.idx.msk [tilespmem:v12+s21+$0x0], $0xffff  }
0x4cc: {  	s2 =	sadd.s32 $0x200, s2;
	v28 =	vld.idx.msk [tilespmem:v28+s21+$0x0], $0xffff  }
0x4cd: {  	v8 =	vld.idx.msk [tilespmem:v8+s21+$0x0], $0xffff;
	[tilespmem:s2+$0x0] =	vst v2  }
0x4ce: {  	[tilespmem:s2+$0xFFFFFE10] =	vst v40  }
0x4cf: {  	[tilespmem:s2+$0xFFFFFE20] =	vst v41  }
0x4d0: {  	[tilespmem:s2+$0xFFFFFE30] =	vst v42  }
0x4d1: {  	[tilespmem:s2+$0xFFFFFE40] =	vst v43  }
0x4d2: {  	[tilespmem:s2+$0xFFFFFE50] =	vst v44  }
0x4d3: {  	[tilespmem:s2+$0xFFFFFE60] =	vst v46  }
0x4d4: {  	[tilespmem:s2+$0xFFFFFE70] =	vst v48  }
0x4d5: {  	[tilespmem:s2+$0xFFFFFE80] =	vst v50  }
0x4d6: {  	[tilespmem:s2+$0xFFFFFE90] =	vst v52  }
0x4d7: {  	[tilespmem:s2+$0xFFFFFEA0] =	vst v53  }
0x4d8: {  	[tilespmem:s2+$0xFFFFFEB0] =	vst v55  }
0x4d9: {  	[tilespmem:s2+$0xFFFFFEC0] =	vst v57  }
0x4da: {  	[tilespmem:s2+$0xFFFFFED0] =	vst v58  }
0x4db: {  	[tilespmem:s2+$0xFFFFFEE0] =	vst v59  }
0x4dc: {  	[tilespmem:s2+$0xFFFFFEF0] =	vst v60  }
0x4dd: {  	[tilespmem:s2+$0xFFFFFF00] =	vst v61  }
0x4de: {  	[tilespmem:s2+$0xFFFFFF10] =	vst v62  }
0x4df: {  	[tilespmem:s2+$0xFFFFFF20] =	vst v63  }
0x4e0: {  	[tilespmem:s2+$0xFFFFFF30] =	vst v0  }
0x4e1: {  	[tilespmem:s2+$0xFFFFFF40] =	vst v1  }
0x4e2: {  	[tilespmem:s2+$0xFFFFFF50] =	vst v7  }
0x4e3: {  	[tilespmem:s2+$0xFFFFFF60] =	vst v5  }
0x4e4: {  	[tilespmem:s2+$0xFFFFFF70] =	vst v6  }
0x4e5: {  	[tilespmem:s2+$0xFFFFFF80] =	vst v3  }
0x4e6: {  	[tilespmem:s2+$0xFFFFFF90] =	vst v4  }
0x4e7: {  	s9 =	sadd.s32 $0x1, s9;
	[tilespmem:s2+$0xFFFFFFB0] =	vst v9  }
0x4e8: {  	v13 =	vld [tilespmem:$0x1FF50];
	p0 =	sne.s32 s9, $0x32;
	[tilespmem:s2+$0xFFFFFFC0] =	vst v10  }
.Ltmp13:
0x4e9: {  	v14 =	vld [tilespmem:$0x1FF20];
	[tilespmem:s2+$0xFFFFFFD0] =	vst v11;
	(pc) =	sbr.rel @p0 .LBB2_2-.Ltmp13, $4  }
0x4ea: {  	[tilespmem:s2+$0xFFFFFFE0] =	vst v12;
	v9 =	vld [tilespmem:$0x1FF10]  }
0x4eb: {  	[tilespmem:s2+$0xFFFFFFF0] =	vst v28;
	v10 =	vld [tilespmem:$0x1FF30]  }
0x4ec: {  	s12 =	sadd.s32 s12, s8;
	v11 =	vld [tilespmem:$0x1FF40];
	[tilespmem:s2+$0xFFFFFFA0] =	vst v8  }
0x4ed: {  	v12 =	vld [tilespmem:$0x1FF60];
	v57 =	vmov v24;
	v62 =	vmov v21;
	[hbm4b:s12+s23] =	stream.strided.scatter [tilespmem:s10], [sflag:$0x8], $0x1000, s11, s23, $0x38  }
0x4ee: {  	s2 =	simm.s32 $0x5  }
0x4ef: {  	_ =	swait.ge [sflag:s2], $0x1000  }
0x4f0: {  	[sflag:s2] =	ssyncset.done $0x0  }
0x4f1: {  	[sflag:s2] =	ssyncadd.s32 $0xFFFFF000  }
0x4f2: {  	_ =	swait.ge [sflag:s26], $0x1000  }
0x4f3: {  	[sflag:s26] =	ssyncset.done $0x0  }
0x4f4: {  	[sflag:s26] =	ssyncadd.s32 $0xFFFFF000  }
0x4f5: {  	_ =	swait.ge [sflag:s30], $0x1000  }
0x4f6: {  	[sflag:s30] =	ssyncset.done $0x0  }
0x4f7: {  	[sflag:s30] =	ssyncadd.s32 $0xFFFFF000  }
0x4f8: {  	_ =	swait.ge [sflag:s1], $0x1000  }
0x4f9: {  	s4 =	rddreg [dreg:$0x5]  }
0x4fa: {  	s12 =	rddreg [dreg:$0x4];
	s4 =	sadd.s32 $0x1, s4  }
0x4fb: {  	p0 =	sne.s32 s4, s12  }
.Ltmp14:
0x4fc: {  	_ = 	snop;
	(pc) =	sbr.rel @p0 .LBB2_1-.Ltmp14, $3  }
0x4fd: {  	_ =	sdelay $0x1  }
0x4fe: {  	[sflag:s1] =	ssyncset.done $0x0  }
0x4ff: {  	[sflag:s1] =	ssyncadd.s32 $0xFFFFF000  }
0x500: {  	_ =	sfence.sel $0x180000  }
0x501: {  	[bflag:$0x0] =	sbarrier.arrive $0xFFFF  }
0x502: {  	_ =	strace $0x90000047  }
0x503: {  	s0 =	stileid.u32;
	[bflag:$0x2] =	sbarrier.arrive $0xFFFF  }
0x504: {  	p0 =	sne.s32 s0, $0x0;
	s0 =	rddreg [dreg:$0x2]  }
0x505: {  	s0 =	sadd.s32 @!p0 $0x100000, s0  }
0x506: {  	[sflag:s0] =	ssyncadd.tile.s32 @!p0 $0x1;
	_ =	shalt  }
.Lfunc_end2:
_tile_overlayer_lowered:
.L_overlay_start_2:
0x507: {  	(tag) =	ssettag $0x2  }
0x508: {  	s0 =	rddreg [dreg:$0x0];
	s2 =	stileid.u32  }
0x509: {  	s1 =	rddreg [dreg:$0x1];
	p0 =	sne.s32 s2, $0x0  }
0x50a: {  	s3 =	rddreg [dreg:$0x2];
	[bflag:$0x3] =	sbarrier.arrive $0xFFFF;
	s2 =	simm.s32 @!p0 $0x1C09  }
0x50b: {  	[timem:s3], [sflag:s2] =	dma.local @!p0 [hbm:s0], s1  }
0x50c: {  	s0 =	simm.s32 @!p0 $0x9  }
0x50d: {  	_ =	swait.ge @!p0 [sflag:s0], s1  }
0x50e: {  	s1 =	ssub.s32 @!p0 $0x0, s1;
	[sflag:s0] =	ssyncset.done @!p0 $0x0  }
0x50f: {  	[sflag:s0] =	ssyncadd.s32 @!p0 s1  }
0x510: {  	[bflag:$0x3] =	sbarrier.arrive $0xFFFF  }
0x511: {  	_ =	shalt  }

</sc_bundles>
